<compile_context>
chip_gen: v7x
topology: tpu7x:2x2x1
jax: 0.10.2.dev20260603
libtpu: 0.0.44.dev20260713+nightly
codegen_flags: <defaults>
</compile_context>

<pallas_src>
import functools
import math

import jax
import jax.numpy as jnp
import numpy as np
from jax import lax
from jax.experimental import pallas as pl
from jax.experimental.pallas import tpu as pltpu
from jax.experimental.pallas import tpu_sc as plsc

N_HEADS = 16
SEQ = 2048
NUM_BUCKETS = 32
WPAD = 4128
NSHIFT = 16
NC, NS = 2, 16
BLOCKS_PER_W = (N_HEADS * SEQ) // (NC * NS * 8)


def _bucket_indices():
    num_buckets = NUM_BUCKETS
    max_distance = max(SEQ, 2)
    p = np.arange(WPAD)
    n = np.abs(p - (SEQ - 1))
    max_exact = max(1, num_buckets // 2)
    is_small = n < max_exact
    n_float = np.maximum(n.astype(np.float32), np.float32(1.0))
    log_scale = math.log(max_distance / max_exact) if max_distance > max_exact else 1.0
    log_scale = max(log_scale, 1e-06)
    val_if_large = max_exact + (
        np.log(n_float / np.float32(max_exact)) / np.float32(log_scale)
        * np.float32(num_buckets - max_exact)
    ).astype(np.int32)
    val_if_large = np.clip(val_if_large, max_exact, num_buckets - 1)
    return jnp.asarray(np.where(is_small, n, val_if_large).astype(np.int32))


def _sc_body(widx_hbm, table_hbm, out_hbm, widx_v, table_v, w_v, wsh_v,
             buf_v, sem0, sem1):
    wid = lax.axis_index("c") * NS + lax.axis_index("s")
    head = wid // 2
    half = wid % 2
    row0 = half * (BLOCKS_PER_W * 8)

    pltpu.sync_copy(widx_hbm, widx_v)
    pltpu.sync_copy(table_hbm, table_v)

    iota = lax.iota(jnp.int32, 16)
    hvec = jnp.full((16,), head, dtype=jnp.int32)

    @plsc.parallel_loop(0, WPAD // 16, unroll=8)
    def _build_w(k):
        base = k * 16
        idx = widx_v[pl.ds(base, 16)]
        w_v[pl.ds(base, 16)] = plsc.load_gather(table_v, [idx, hvec])

    def build_shift(s):
        @plsc.parallel_loop(0, WPAD // 16, unroll=8)
        def _build_shift(k, s=s):
            base = k * 16
            idx = jnp.minimum(iota + (base + s), WPAD - 1)
            wsh_v[pl.ds(s * WPAD + base, 16)] = plsc.load_gather(w_v, [idx])

    for s in range(8, NSHIFT):
        build_shift(s)

    def stage(b, p):
        o0 = (SEQ - 1) - (row0 + b * 8)
        for r in range(8):
            o = o0 - r
            s = jnp.bitwise_and(o, NSHIFT - 1)
            f0 = pl.multiple_of(s * WPAD + (o - s), 16)

            @plsc.parallel_loop(0, SEQ // 16, unroll=16)
            def _seg(k, r=r, f0=f0):
                col = k * 16
                buf_v[p, r, pl.ds(col, 16)] = wsh_v[pl.ds(f0 + col, 16)]

    def mk_copy(b, p, sem):
        i0 = pl.multiple_of(row0 + b * 8, 8)
        return pltpu.make_async_copy(
            buf_v.at[p], out_hbm.at[head, pl.ds(i0, 8), :], sem)

    stage(0, 0)
    mk_copy(0, 0, sem0).start()
    for s in range(8):
        build_shift(s)

    def pair(g2, carry):
        g = g2 * 2

        @pl.when(g2 > 0)
        def _wait_prev_odd():
            mk_copy(g - 1, 1, sem1).wait()

        stage(g + 1, 1)
        mk_copy(g + 1, 1, sem1).start()
        mk_copy(g, 0, sem0).wait()
        stage(g + 2, 0)

        @pl.when(g2 < BLOCKS_PER_W // 2 - 1)
        def _ship_even():
            mk_copy(g + 2, 0, sem0).start()

        return carry

    lax.fori_loop(0, BLOCKS_PER_W // 2, pair, None)
    mk_copy(BLOCKS_PER_W - 1, 1, sem1).wait()


def kernel(seq_len, rel_pos_bias_table):
    del seq_len
    widx = _bucket_indices()
    mesh = plsc.VectorSubcoreMesh(core_axis_name="c", subcore_axis_name="s")
    run = functools.partial(
        pl.kernel,
        out_type=jax.ShapeDtypeStruct((N_HEADS, SEQ, SEQ), jnp.float32),
        mesh=mesh,
        compiler_params=pltpu.CompilerParams(needs_layout_passes=False),
        scratch_types=[
            pltpu.VMEM((WPAD,), jnp.int32),
            pltpu.VMEM((NUM_BUCKETS, N_HEADS), jnp.float32),
            pltpu.VMEM((WPAD,), jnp.float32),
            pltpu.VMEM((NSHIFT * WPAD,), jnp.float32),
            pltpu.VMEM((2, 8, SEQ), jnp.float32),
            pltpu.SemaphoreType.DMA,
            pltpu.SemaphoreType.DMA,
        ],
    )(_sc_body)
    out = run(widx, rel_pos_bias_table)
    return out[None]

# --- scband reference (transcript-rebuilt; emitter-appended) ---
"""Pipeline reference for scband-rel-pos-bias-29789893165120 (READ-ONLY COPY).

The authoritative reference and input builder live on the scoring server;
editing this copy changes nothing except your own understanding.
"""

import math
import jax, jax.numpy as jnp
import numpy as np

N_HEADS = 16
MAX_SEQ_LEN = 2048
NUM_BUCKETS = 32


def setup_inputs(seed: int = 0) -> dict:
    key = jax.random.key(seed)
    table = jax.random.normal(key, (NUM_BUCKETS, N_HEADS), dtype=jnp.float32) * 0.02
    return {"seq_len": 2048, "rel_pos_bias_table": table}


def _relative_position_bucket(relative_position):
    num_buckets = NUM_BUCKETS
    max_distance = max(MAX_SEQ_LEN, 2)
    n = jnp.abs(relative_position)
    max_exact = max(1, num_buckets // 2)
    is_small = n < max_exact
    n_float = jnp.maximum(n.astype(jnp.float32), 1.0)
    log_scale = math.log(max_distance / max_exact) if max_distance > max_exact else 1.0
    log_scale = max(log_scale, 1e-06)
    # torch .long() truncates toward zero; astype(int32) in jax also truncates toward zero
    val_if_large = max_exact + (jnp.log(n_float / max_exact) / log_scale * (num_buckets - max_exact)).astype(jnp.int32)
    val_if_large = jnp.clip(val_if_large, max_exact, num_buckets - 1)
    return jnp.where(is_small, n.astype(jnp.int32), val_if_large)


def reference(seq_len, rel_pos_bias_table):
    zero = jnp.asarray(seq_len, dtype=jnp.int32) * 0
    positions = jnp.arange(MAX_SEQ_LEN, dtype=jnp.int32) + zero
    relative_positions = positions[None, :] - positions[:, None]
    buckets = _relative_position_bucket(relative_positions)
    bias = jnp.take(rel_pos_bias_table, buckets, axis=0)  # [S, S, H] gather
    return jnp.transpose(bias, (2, 0, 1))[None]  # [1, H, S, S]

if __name__ == "__main__":
    import jax
    _d = setup_inputs()
    print(jax.jit(kernel)(*tuple(_d.values())))

</pallas_src>

<mosaic_0001>
#map = affine_map<(d0, d1) -> (0)>
#map1 = affine_map<(d0, d1) -> (0, 0)>
#map2 = affine_map<(d0, d1) -> (0, 0, 0)>
module attributes {stable_mosaic.version = 14 : i64} {
  func.func @_sc_body(%arg0: i32, %arg1: i32, %arg2: memref<4128xi32, #tpu.memory_space<hbm>>, %arg3: memref<32x16xf32, #tpu.memory_space<hbm>>, %arg4: memref<16x2048x2048xf32, #tpu.memory_space<hbm>>, %arg5: memref<4128xi32, #tpu.memory_space<vmem>>, %arg6: memref<32x16xf32, #tpu.memory_space<vmem>>, %arg7: memref<4128xf32, #tpu.memory_space<vmem>>, %arg8: memref<66048xf32, #tpu.memory_space<vmem>>, %arg9: memref<2x8x2048xf32, #tpu.memory_space<vmem>>, %arg10: memref<!tpu.dma_semaphore, #tpu.memory_space<semaphore_mem>>, %arg11: memref<!tpu.dma_semaphore, #tpu.memory_space<semaphore_mem>>) attributes {dimension_semantics = [#tpu.dimension_semantics<core_parallel>, #tpu.dimension_semantics<subcore_parallel>], iteration_bounds = array<i64: 2, 16>, scalar_prefetch = 0 : i64, scratch_operands = 7 : i64, tpu.core_type = #tpu.core_type<sc_vector_subcore>, window_params = [{transform_indices = #map}, {transform_indices = #map1}, {transform_indices = #map2}]} {
    %mul3A = arith.constant 16 : i32
    %mul3A_0 = arith.muli %arg0, %mul3A : i32
    %add3A = arith.addi %mul3A_0, %arg1 : i32
    %jit3A = arith.constant 2 : i32
    %div3A = arith.divsi %add3A, %jit3A : i32
    %sign3A = arith.constant 0 : i32
    %sign3A_1 = arith.cmpi sgt, %add3A, %sign3A : i32
    %sign3A_2 = arith.extui %sign3A_1 : i1 to i32
    %sign3A_3 = arith.constant 0 : i32
    %sign3A_4 = arith.cmpi slt, %add3A, %sign3A_3 : i32
    %sign3A_5 = arith.extui %sign3A_4 : i1 to i32
    %sign3A_6 = arith.subi %sign3A_2, %sign3A_5 : i32
    %sign3A_7 = arith.constant 0 : i32
    %sign3A_8 = arith.cmpi sgt, %jit3A, %sign3A_7 : i32
    %sign3A_9 = arith.extui %sign3A_8 : i1 to i32
    %sign3A_10 = arith.constant 0 : i32
    %sign3A_11 = arith.cmpi slt, %jit3A, %sign3A_10 : i32
    %sign3A_12 = arith.extui %sign3A_11 : i1 to i32
    %sign3A_13 = arith.subi %sign3A_9, %sign3A_12 : i32
    %ne3A = arith.cmpi ne, %sign3A_6, %sign3A_13 : i32
    %rem3A = arith.remsi %add3A, %jit3A : i32
    %ne3A_14 = arith.constant 0 : i32
    %ne3A_15 = arith.cmpi ne, %rem3A, %ne3A_14 : i32
    %and3A = arith.andi %ne3A, %ne3A_15 : i1
    %sub3A = arith.constant 1 : i32
    %sub3A_16 = arith.subi %div3A, %sub3A : i32
    %select_n3A = arith.select %and3A, %sub3A_16, %div3A : i32
    %jit3A_17 = arith.constant 2 : i32
    %eq3A = arith.constant 0 : i32
    %eq3A_18 = arith.cmpi eq, %jit3A_17, %eq3A : i32
    %jit3A_19 = arith.constant 1 : i32
    %select_n3A_20 = arith.select %eq3A_18, %jit3A_19, %jit3A_17 : i32
    %rem3A_21 = arith.remsi %add3A, %select_n3A_20 : i32
    %ne3A_22 = arith.constant 0 : i32
    %ne3A_23 = arith.cmpi ne, %rem3A_21, %ne3A_22 : i32
    %lt3A = arith.constant 0 : i32
    %lt3A_24 = arith.cmpi slt, %rem3A_21, %lt3A : i32
    %lt3A_25 = arith.constant 0 : i32
    %lt3A_26 = arith.cmpi slt, %select_n3A_20, %lt3A_25 : i32
    %ne3A_27 = arith.xori %lt3A_24, %lt3A_26 : i1
    %and3A_28 = arith.andi %ne3A_27, %ne3A_23 : i1
    %add3A_29 = arith.addi %rem3A_21, %select_n3A_20 : i32
    %select_n3A_30 = arith.select %and3A_28, %add3A_29, %rem3A_21 : i32
    %mul3A_31 = arith.constant 1024 : i32
    %mul3A_32 = arith.muli %select_n3A_30, %mul3A_31 : i32
    "tpu.region"() ({
      %run_scoped3A = tpu.sem_alloc : memref<!tpu.dma_semaphore, #tpu.memory_space<semaphore_mem>>
      tpu.enqueue_dma source(%arg2 : memref<4128xi32, #tpu.memory_space<hbm>>) target(%arg5 : memref<4128xi32, #tpu.memory_space<vmem>>) target_semaphore(%run_scoped3A : memref<!tpu.dma_semaphore, #tpu.memory_space<semaphore_mem>>)
      tpu.wait_dma2 semaphore(%run_scoped3A : memref<!tpu.dma_semaphore, #tpu.memory_space<semaphore_mem>>) src(%arg2 : memref<4128xi32, #tpu.memory_space<hbm>>) dst(%arg5 : memref<4128xi32, #tpu.memory_space<vmem>>)
      tpu.yield
    }) : () -> ()
    "tpu.region"() ({
      %run_scoped3A = tpu.sem_alloc : memref<!tpu.dma_semaphore, #tpu.memory_space<semaphore_mem>>
      tpu.enqueue_dma source(%arg3 : memref<32x16xf32, #tpu.memory_space<hbm>>) target(%arg6 : memref<32x16xf32, #tpu.memory_space<vmem>>) target_semaphore(%run_scoped3A : memref<!tpu.dma_semaphore, #tpu.memory_space<semaphore_mem>>)
      tpu.wait_dma2 semaphore(%run_scoped3A : memref<!tpu.dma_semaphore, #tpu.memory_space<semaphore_mem>>) src(%arg3 : memref<32x16xf32, #tpu.memory_space<hbm>>) dst(%arg6 : memref<32x16xf32, #tpu.memory_space<vmem>>)
      tpu.yield
    }) : () -> ()
    %iota3A = tpu.iota {dimensions = array<i32: 0>} : vector<16xi32>
    %broadcast_in_dim3A = vector.broadcast %select_n3A : i32 to vector<16xi32>
    %parallel_loop3A = arith.constant 0 : i32
    %parallel_loop3A_33 = arith.constant 258 : i32
    %parallel_loop3A_34 = arith.constant 1 : i32
    scf.for %parallel_loop3A_220 = %parallel_loop3A to %parallel_loop3A_33 step %parallel_loop3A_34  : i32 {
      %parallel_loop3A_221 = arith.constant 16 : i32
      %parallel_loop3A_222 = arith.muli %parallel_loop3A_220, %parallel_loop3A_221 : i32
      %parallel_loop3A_223 = arith.index_cast %parallel_loop3A_222 : i32 to index
      %parallel_loop3A_224 = tpu.vector_load %arg5[%parallel_loop3A_223] {strides = array<i32>} : memref<4128xi32, #tpu.memory_space<vmem>>, vector<16xi32>,
      %parallel_loop3A_225 = tpu.vector_load_idx %arg6[%parallel_loop3A_224, %broadcast_in_dim3A] : memref<32x16xf32, #tpu.memory_space<vmem>>[vector<16xi32>, vector<16xi32>], vector<16xf32>,
      %parallel_loop3A_226 = arith.index_cast %parallel_loop3A_222 : i32 to index
      %parallel_loop3A_227 = tpu.vector_load %arg7[%parallel_loop3A_226] {strides = array<i32>} : memref<4128xf32, #tpu.memory_space<vmem>>, vector<16xf32>,
      tpu.vector_store %arg7[%parallel_loop3A_226], %parallel_loop3A_225 {strides = array<i32>} : memref<4128xf32, #tpu.memory_space<vmem>>, vector<16xf32>,
    } {sc.loop_unroll_factor = 8 : i64, sc.parallel_access}
    %parallel_loop3A_35 = arith.constant 0 : i32
    %parallel_loop3A_36 = arith.constant 258 : i32
    %parallel_loop3A_37 = arith.constant 1 : i32
    scf.for %parallel_loop3A_220 = %parallel_loop3A_35 to %parallel_loop3A_36 step %parallel_loop3A_37  : i32 {
      %parallel_loop3A_221 = arith.constant 16 : i32
      %parallel_loop3A_222 = arith.muli %parallel_loop3A_220, %parallel_loop3A_221 : i32
      %parallel_loop3A_223 = arith.constant 8 : i32
      %parallel_loop3A_224 = arith.addi %parallel_loop3A_222, %parallel_loop3A_223 : i32
      %parallel_loop3A_225 = vector.broadcast %parallel_loop3A_224 : i32 to vector<16xi32>
      %parallel_loop3A_226 = arith.addi %iota3A, %parallel_loop3A_225 : vector<16xi32>
      %parallel_loop3A_227 = arith.constant 4127 : i32
      %parallel_loop3A_228 = vector.broadcast %parallel_loop3A_227 : i32 to vector<16xi32>
      %parallel_loop3A_229 = arith.minsi %parallel_loop3A_226, %parallel_loop3A_228 : vector<16xi32>
      %parallel_loop3A_230 = tpu.vector_load_idx %arg7[%parallel_loop3A_229] : memref<4128xf32, #tpu.memory_space<vmem>>[vector<16xi32>], vector<16xf32>,
      %parallel_loop3A_231 = arith.constant 33024 : i32
      %parallel_loop3A_232 = arith.addi %parallel_loop3A_231, %parallel_loop3A_222 : i32
      %parallel_loop3A_233 = arith.index_cast %parallel_loop3A_232 : i32 to index
      %parallel_loop3A_234 = tpu.vector_load %arg8[%parallel_loop3A_233] {strides = array<i32>} : memref<66048xf32, #tpu.memory_space<vmem>>, vector<16xf32>,
      tpu.vector_store %arg8[%parallel_loop3A_233], %parallel_loop3A_230 {strides = array<i32>} : memref<66048xf32, #tpu.memory_space<vmem>>, vector<16xf32>,
    } {sc.loop_unroll_factor = 8 : i64, sc.parallel_access}
    %parallel_loop3A_38 = arith.constant 0 : i32
    %parallel_loop3A_39 = arith.constant 258 : i32
    %parallel_loop3A_40 = arith.constant 1 : i32
    scf.for %parallel_loop3A_220 = %parallel_loop3A_38 to %parallel_loop3A_39 step %parallel_loop3A_40  : i32 {
      %parallel_loop3A_221 = arith.constant 16 : i32
      %parallel_loop3A_222 = arith.muli %parallel_loop3A_220, %parallel_loop3A_221 : i32
      %parallel_loop3A_223 = arith.constant 9 : i32
      %parallel_loop3A_224 = arith.addi %parallel_loop3A_222, %parallel_loop3A_223 : i32
      %parallel_loop3A_225 = vector.broadcast %parallel_loop3A_224 : i32 to vector<16xi32>
      %parallel_loop3A_226 = arith.addi %iota3A, %parallel_loop3A_225 : vector<16xi32>
      %parallel_loop3A_227 = arith.constant 4127 : i32
      %parallel_loop3A_228 = vector.broadcast %parallel_loop3A_227 : i32 to vector<16xi32>
      %parallel_loop3A_229 = arith.minsi %parallel_loop3A_226, %parallel_loop3A_228 : vector<16xi32>
      %parallel_loop3A_230 = tpu.vector_load_idx %arg7[%parallel_loop3A_229] : memref<4128xf32, #tpu.memory_space<vmem>>[vector<16xi32>], vector<16xf32>,
      %parallel_loop3A_231 = arith.constant 37152 : i32
      %parallel_loop3A_232 = arith.addi %parallel_loop3A_231, %parallel_loop3A_222 : i32
      %parallel_loop3A_233 = arith.index_cast %parallel_loop3A_232 : i32 to index
      %parallel_loop3A_234 = tpu.vector_load %arg8[%parallel_loop3A_233] {strides = array<i32>} : memref<66048xf32, #tpu.memory_space<vmem>>, vector<16xf32>,
      tpu.vector_store %arg8[%parallel_loop3A_233], %parallel_loop3A_230 {strides = array<i32>} : memref<66048xf32, #tpu.memory_space<vmem>>, vector<16xf32>,
    } {sc.loop_unroll_factor = 8 : i64, sc.parallel_access}
    %parallel_loop3A_41 = arith.constant 0 : i32
    %parallel_loop3A_42 = arith.constant 258 : i32
    %parallel_loop3A_43 = arith.constant 1 : i32
    scf.for %parallel_loop3A_220 = %parallel_loop3A_41 to %parallel_loop3A_42 step %parallel_loop3A_43  : i32 {
      %parallel_loop3A_221 = arith.constant 16 : i32
      %parallel_loop3A_222 = arith.muli %parallel_loop3A_220, %parallel_loop3A_221 : i32
      %parallel_loop3A_223 = arith.constant 10 : i32
      %parallel_loop3A_224 = arith.addi %parallel_loop3A_222, %parallel_loop3A_223 : i32
      %parallel_loop3A_225 = vector.broadcast %parallel_loop3A_224 : i32 to vector<16xi32>
      %parallel_loop3A_226 = arith.addi %iota3A, %parallel_loop3A_225 : vector<16xi32>
      %parallel_loop3A_227 = arith.constant 4127 : i32
      %parallel_loop3A_228 = vector.broadcast %parallel_loop3A_227 : i32 to vector<16xi32>
      %parallel_loop3A_229 = arith.minsi %parallel_loop3A_226, %parallel_loop3A_228 : vector<16xi32>
      %parallel_loop3A_230 = tpu.vector_load_idx %arg7[%parallel_loop3A_229] : memref<4128xf32, #tpu.memory_space<vmem>>[vector<16xi32>], vector<16xf32>,
      %parallel_loop3A_231 = arith.constant 41280 : i32
      %parallel_loop3A_232 = arith.addi %parallel_loop3A_231, %parallel_loop3A_222 : i32
      %parallel_loop3A_233 = arith.index_cast %parallel_loop3A_232 : i32 to index
      %parallel_loop3A_234 = tpu.vector_load %arg8[%parallel_loop3A_233] {strides = array<i32>} : memref<66048xf32, #tpu.memory_space<vmem>>, vector<16xf32>,
      tpu.vector_store %arg8[%parallel_loop3A_233], %parallel_loop3A_230 {strides = array<i32>} : memref<66048xf32, #tpu.memory_space<vmem>>, vector<16xf32>,
    } {sc.loop_unroll_factor = 8 : i64, sc.parallel_access}
    %parallel_loop3A_44 = arith.constant 0 : i32
    %parallel_loop3A_45 = arith.constant 258 : i32
    %parallel_loop3A_46 = arith.constant 1 : i32
    scf.for %parallel_loop3A_220 = %parallel_loop3A_44 to %parallel_loop3A_45 step %parallel_loop3A_46  : i32 {
      %parallel_loop3A_221 = arith.constant 16 : i32
      %parallel_loop3A_222 = arith.muli %parallel_loop3A_220, %parallel_loop3A_221 : i32
      %parallel_loop3A_223 = arith.constant 11 : i32
      %parallel_loop3A_224 = arith.addi %parallel_loop3A_222, %parallel_loop3A_223 : i32
      %parallel_loop3A_225 = vector.broadcast %parallel_loop3A_224 : i32 to vector<16xi32>
      %parallel_loop3A_226 = arith.addi %iota3A, %parallel_loop3A_225 : vector<16xi32>
      %parallel_loop3A_227 = arith.constant 4127 : i32
      %parallel_loop3A_228 = vector.broadcast %parallel_loop3A_227 : i32 to vector<16xi32>
      %parallel_loop3A_229 = arith.minsi %parallel_loop3A_226, %parallel_loop3A_228 : vector<16xi32>
      %parallel_loop3A_230 = tpu.vector_load_idx %arg7[%parallel_loop3A_229] : memref<4128xf32, #tpu.memory_space<vmem>>[vector<16xi32>], vector<16xf32>,
      %parallel_loop3A_231 = arith.constant 45408 : i32
      %parallel_loop3A_232 = arith.addi %parallel_loop3A_231, %parallel_loop3A_222 : i32
      %parallel_loop3A_233 = arith.index_cast %parallel_loop3A_232 : i32 to index
      %parallel_loop3A_234 = tpu.vector_load %arg8[%parallel_loop3A_233] {strides = array<i32>} : memref<66048xf32, #tpu.memory_space<vmem>>, vector<16xf32>,
      tpu.vector_store %arg8[%parallel_loop3A_233], %parallel_loop3A_230 {strides = array<i32>} : memref<66048xf32, #tpu.memory_space<vmem>>, vector<16xf32>,
    } {sc.loop_unroll_factor = 8 : i64, sc.parallel_access}
    %parallel_loop3A_47 = arith.constant 0 : i32
    %parallel_loop3A_48 = arith.constant 258 : i32
    %parallel_loop3A_49 = arith.constant 1 : i32
    scf.for %parallel_loop3A_220 = %parallel_loop3A_47 to %parallel_loop3A_48 step %parallel_loop3A_49  : i32 {
      %parallel_loop3A_221 = arith.constant 16 : i32
      %parallel_loop3A_222 = arith.muli %parallel_loop3A_220, %parallel_loop3A_221 : i32
      %parallel_loop3A_223 = arith.constant 12 : i32
      %parallel_loop3A_224 = arith.addi %parallel_loop3A_222, %parallel_loop3A_223 : i32
      %parallel_loop3A_225 = vector.broadcast %parallel_loop3A_224 : i32 to vector<16xi32>
      %parallel_loop3A_226 = arith.addi %iota3A, %parallel_loop3A_225 : vector<16xi32>
      %parallel_loop3A_227 = arith.constant 4127 : i32
      %parallel_loop3A_228 = vector.broadcast %parallel_loop3A_227 : i32 to vector<16xi32>
      %parallel_loop3A_229 = arith.minsi %parallel_loop3A_226, %parallel_loop3A_228 : vector<16xi32>
      %parallel_loop3A_230 = tpu.vector_load_idx %arg7[%parallel_loop3A_229] : memref<4128xf32, #tpu.memory_space<vmem>>[vector<16xi32>], vector<16xf32>,
      %parallel_loop3A_231 = arith.constant 49536 : i32
      %parallel_loop3A_232 = arith.addi %parallel_loop3A_231, %parallel_loop3A_222 : i32
      %parallel_loop3A_233 = arith.index_cast %parallel_loop3A_232 : i32 to index
      %parallel_loop3A_234 = tpu.vector_load %arg8[%parallel_loop3A_233] {strides = array<i32>} : memref<66048xf32, #tpu.memory_space<vmem>>, vector<16xf32>,
      tpu.vector_store %arg8[%parallel_loop3A_233], %parallel_loop3A_230 {strides = array<i32>} : memref<66048xf32, #tpu.memory_space<vmem>>, vector<16xf32>,
    } {sc.loop_unroll_factor = 8 : i64, sc.parallel_access}
    %parallel_loop3A_50 = arith.constant 0 : i32
    %parallel_loop3A_51 = arith.constant 258 : i32
    %parallel_loop3A_52 = arith.constant 1 : i32
    scf.for %parallel_loop3A_220 = %parallel_loop3A_50 to %parallel_loop3A_51 step %parallel_loop3A_52  : i32 {
      %parallel_loop3A_221 = arith.constant 16 : i32
      %parallel_loop3A_222 = arith.muli %parallel_loop3A_220, %parallel_loop3A_221 : i32
      %parallel_loop3A_223 = arith.constant 13 : i32
      %parallel_loop3A_224 = arith.addi %parallel_loop3A_222, %parallel_loop3A_223 : i32
      %parallel_loop3A_225 = vector.broadcast %parallel_loop3A_224 : i32 to vector<16xi32>
      %parallel_loop3A_226 = arith.addi %iota3A, %parallel_loop3A_225 : vector<16xi32>
      %parallel_loop3A_227 = arith.constant 4127 : i32
      %parallel_loop3A_228 = vector.broadcast %parallel_loop3A_227 : i32 to vector<16xi32>
      %parallel_loop3A_229 = arith.minsi %parallel_loop3A_226, %parallel_loop3A_228 : vector<16xi32>
      %parallel_loop3A_230 = tpu.vector_load_idx %arg7[%parallel_loop3A_229] : memref<4128xf32, #tpu.memory_space<vmem>>[vector<16xi32>], vector<16xf32>,
      %parallel_loop3A_231 = arith.constant 53664 : i32
      %parallel_loop3A_232 = arith.addi %parallel_loop3A_231, %parallel_loop3A_222 : i32
      %parallel_loop3A_233 = arith.index_cast %parallel_loop3A_232 : i32 to index
      %parallel_loop3A_234 = tpu.vector_load %arg8[%parallel_loop3A_233] {strides = array<i32>} : memref<66048xf32, #tpu.memory_space<vmem>>, vector<16xf32>,
      tpu.vector_store %arg8[%parallel_loop3A_233], %parallel_loop3A_230 {strides = array<i32>} : memref<66048xf32, #tpu.memory_space<vmem>>, vector<16xf32>,
    } {sc.loop_unroll_factor = 8 : i64, sc.parallel_access}
    %parallel_loop3A_53 = arith.constant 0 : i32
    %parallel_loop3A_54 = arith.constant 258 : i32
    %parallel_loop3A_55 = arith.constant 1 : i32
    scf.for %parallel_loop3A_220 = %parallel_loop3A_53 to %parallel_loop3A_54 step %parallel_loop3A_55  : i32 {
      %parallel_loop3A_221 = arith.constant 16 : i32
      %parallel_loop3A_222 = arith.muli %parallel_loop3A_220, %parallel_loop3A_221 : i32
      %parallel_loop3A_223 = arith.constant 14 : i32
      %parallel_loop3A_224 = arith.addi %parallel_loop3A_222, %parallel_loop3A_223 : i32
      %parallel_loop3A_225 = vector.broadcast %parallel_loop3A_224 : i32 to vector<16xi32>
      %parallel_loop3A_226 = arith.addi %iota3A, %parallel_loop3A_225 : vector<16xi32>
      %parallel_loop3A_227 = arith.constant 4127 : i32
      %parallel_loop3A_228 = vector.broadcast %parallel_loop3A_227 : i32 to vector<16xi32>
      %parallel_loop3A_229 = arith.minsi %parallel_loop3A_226, %parallel_loop3A_228 : vector<16xi32>
      %parallel_loop3A_230 = tpu.vector_load_idx %arg7[%parallel_loop3A_229] : memref<4128xf32, #tpu.memory_space<vmem>>[vector<16xi32>], vector<16xf32>,
      %parallel_loop3A_231 = arith.constant 57792 : i32
      %parallel_loop3A_232 = arith.addi %parallel_loop3A_231, %parallel_loop3A_222 : i32
      %parallel_loop3A_233 = arith.index_cast %parallel_loop3A_232 : i32 to index
      %parallel_loop3A_234 = tpu.vector_load %arg8[%parallel_loop3A_233] {strides = array<i32>} : memref<66048xf32, #tpu.memory_space<vmem>>, vector<16xf32>,
      tpu.vector_store %arg8[%parallel_loop3A_233], %parallel_loop3A_230 {strides = array<i32>} : memref<66048xf32, #tpu.memory_space<vmem>>, vector<16xf32>,
    } {sc.loop_unroll_factor = 8 : i64, sc.parallel_access}
    %parallel_loop3A_56 = arith.constant 0 : i32
    %parallel_loop3A_57 = arith.constant 258 : i32
    %parallel_loop3A_58 = arith.constant 1 : i32
    scf.for %parallel_loop3A_220 = %parallel_loop3A_56 to %parallel_loop3A_57 step %parallel_loop3A_58  : i32 {
      %parallel_loop3A_221 = arith.constant 16 : i32
      %parallel_loop3A_222 = arith.muli %parallel_loop3A_220, %parallel_loop3A_221 : i32
      %parallel_loop3A_223 = arith.constant 15 : i32
      %parallel_loop3A_224 = arith.addi %parallel_loop3A_222, %parallel_loop3A_223 : i32
      %parallel_loop3A_225 = vector.broadcast %parallel_loop3A_224 : i32 to vector<16xi32>
      %parallel_loop3A_226 = arith.addi %iota3A, %parallel_loop3A_225 : vector<16xi32>
      %parallel_loop3A_227 = arith.constant 4127 : i32
      %parallel_loop3A_228 = vector.broadcast %parallel_loop3A_227 : i32 to vector<16xi32>
      %parallel_loop3A_229 = arith.minsi %parallel_loop3A_226, %parallel_loop3A_228 : vector<16xi32>
      %parallel_loop3A_230 = tpu.vector_load_idx %arg7[%parallel_loop3A_229] : memref<4128xf32, #tpu.memory_space<vmem>>[vector<16xi32>], vector<16xf32>,
      %parallel_loop3A_231 = arith.constant 61920 : i32
      %parallel_loop3A_232 = arith.addi %parallel_loop3A_231, %parallel_loop3A_222 : i32
      %parallel_loop3A_233 = arith.index_cast %parallel_loop3A_232 : i32 to index
      %parallel_loop3A_234 = tpu.vector_load %arg8[%parallel_loop3A_233] {strides = array<i32>} : memref<66048xf32, #tpu.memory_space<vmem>>, vector<16xf32>,
      tpu.vector_store %arg8[%parallel_loop3A_233], %parallel_loop3A_230 {strides = array<i32>} : memref<66048xf32, #tpu.memory_space<vmem>>, vector<16xf32>,
    } {sc.loop_unroll_factor = 8 : i64, sc.parallel_access}
    %add3A_59 = arith.constant 0 : i32
    %add3A_60 = arith.addi %mul3A_32, %add3A_59 : i32
    %sub3A_61 = arith.constant 2047 : i32
    %sub3A_62 = arith.subi %sub3A_61, %add3A_60 : i32
    %sub3A_63 = arith.constant 0 : i32
    %sub3A_64 = arith.subi %sub3A_62, %sub3A_63 : i32
    %and3A_65 = arith.constant 15 : i32
    %and3A_66 = arith.andi %sub3A_64, %and3A_65 : i32
    %mul3A_67 = arith.constant 4128 : i32
    %mul3A_68 = arith.muli %and3A_66, %mul3A_67 : i32
    %sub3A_69 = arith.subi %sub3A_64, %and3A_66 : i32
    %add3A_70 = arith.addi %mul3A_68, %sub3A_69 : i32
    %multiple_of3A = tpu.assume_multiple %add3A_70, 16 : i32
    %parallel_loop3A_71 = arith.constant 0 : i32
    %parallel_loop3A_72 = arith.constant 128 : i32
    %parallel_loop3A_73 = arith.constant 1 : i32
    scf.for %parallel_loop3A_220 = %parallel_loop3A_71 to %parallel_loop3A_72 step %parallel_loop3A_73  : i32 {
      %parallel_loop3A_221 = arith.constant 16 : i32
      %parallel_loop3A_222 = arith.muli %parallel_loop3A_220, %parallel_loop3A_221 : i32
      %parallel_loop3A_223 = arith.addi %multiple_of3A, %parallel_loop3A_222 : i32
      %parallel_loop3A_224 = arith.index_cast %parallel_loop3A_223 : i32 to index
      %parallel_loop3A_225 = tpu.vector_load %arg8[%parallel_loop3A_224] {strides = array<i32>} : memref<66048xf32, #tpu.memory_space<vmem>>, vector<16xf32>,
      %parallel_loop3A_226 = arith.constant 0 : i32
      %parallel_loop3A_227 = arith.constant 0 : i32
      %parallel_loop3A_228 = arith.index_cast %parallel_loop3A_226 : i32 to index
      %parallel_loop3A_229 = arith.index_cast %parallel_loop3A_227 : i32 to index
      %parallel_loop3A_230 = arith.index_cast %parallel_loop3A_222 : i32 to index
      %parallel_loop3A_231 = tpu.vector_load %arg9[%parallel_loop3A_228, %parallel_loop3A_229, %parallel_loop3A_230] {strides = array<i32>} : memref<2x8x2048xf32, #tpu.memory_space<vmem>>, vector<16xf32>,
      tpu.vector_store %arg9[%parallel_loop3A_228, %parallel_loop3A_229, %parallel_loop3A_230], %parallel_loop3A_225 {strides = array<i32>} : memref<2x8x2048xf32, #tpu.memory_space<vmem>>, vector<16xf32>,
    } {sc.loop_unroll_factor = 16 : i64, sc.parallel_access}
    %sub3A_74 = arith.constant 1 : i32
    %sub3A_75 = arith.subi %sub3A_62, %sub3A_74 : i32
    %and3A_76 = arith.constant 15 : i32
    %and3A_77 = arith.andi %sub3A_75, %and3A_76 : i32
    %mul3A_78 = arith.constant 4128 : i32
    %mul3A_79 = arith.muli %and3A_77, %mul3A_78 : i32
    %sub3A_80 = arith.subi %sub3A_75, %and3A_77 : i32
    %add3A_81 = arith.addi %mul3A_79, %sub3A_80 : i32
    %multiple_of3A_82 = tpu.assume_multiple %add3A_81, 16 : i32
    %parallel_loop3A_83 = arith.constant 0 : i32
    %parallel_loop3A_84 = arith.constant 128 : i32
    %parallel_loop3A_85 = arith.constant 1 : i32
    scf.for %parallel_loop3A_220 = %parallel_loop3A_83 to %parallel_loop3A_84 step %parallel_loop3A_85  : i32 {
      %parallel_loop3A_221 = arith.constant 16 : i32
      %parallel_loop3A_222 = arith.muli %parallel_loop3A_220, %parallel_loop3A_221 : i32
      %parallel_loop3A_223 = arith.addi %multiple_of3A_82, %parallel_loop3A_222 : i32
      %parallel_loop3A_224 = arith.index_cast %parallel_loop3A_223 : i32 to index
      %parallel_loop3A_225 = tpu.vector_load %arg8[%parallel_loop3A_224] {strides = array<i32>} : memref<66048xf32, #tpu.memory_space<vmem>>, vector<16xf32>,
      %parallel_loop3A_226 = arith.constant 0 : i32
      %parallel_loop3A_227 = arith.constant 1 : i32
      %parallel_loop3A_228 = arith.index_cast %parallel_loop3A_226 : i32 to index
      %parallel_loop3A_229 = arith.index_cast %parallel_loop3A_227 : i32 to index
      %parallel_loop3A_230 = arith.index_cast %parallel_loop3A_222 : i32 to index
      %parallel_loop3A_231 = tpu.vector_load %arg9[%parallel_loop3A_228, %parallel_loop3A_229, %parallel_loop3A_230] {strides = array<i32>} : memref<2x8x2048xf32, #tpu.memory_space<vmem>>, vector<16xf32>,
      tpu.vector_store %arg9[%parallel_loop3A_228, %parallel_loop3A_229, %parallel_loop3A_230], %parallel_loop3A_225 {strides = array<i32>} : memref<2x8x2048xf32, #tpu.memory_space<vmem>>, vector<16xf32>,
    } {sc.loop_unroll_factor = 16 : i64, sc.parallel_access}
    %sub3A_86 = arith.constant 2 : i32
    %sub3A_87 = arith.subi %sub3A_62, %sub3A_86 : i32
    %and3A_88 = arith.constant 15 : i32
    %and3A_89 = arith.andi %sub3A_87, %and3A_88 : i32
    %mul3A_90 = arith.constant 4128 : i32
    %mul3A_91 = arith.muli %and3A_89, %mul3A_90 : i32
    %sub3A_92 = arith.subi %sub3A_87, %and3A_89 : i32
    %add3A_93 = arith.addi %mul3A_91, %sub3A_92 : i32
    %multiple_of3A_94 = tpu.assume_multiple %add3A_93, 16 : i32
    %parallel_loop3A_95 = arith.constant 0 : i32
    %parallel_loop3A_96 = arith.constant 128 : i32
    %parallel_loop3A_97 = arith.constant 1 : i32
    scf.for %parallel_loop3A_220 = %parallel_loop3A_95 to %parallel_loop3A_96 step %parallel_loop3A_97  : i32 {
      %parallel_loop3A_221 = arith.constant 16 : i32
      %parallel_loop3A_222 = arith.muli %parallel_loop3A_220, %parallel_loop3A_221 : i32
      %parallel_loop3A_223 = arith.addi %multiple_of3A_94, %parallel_loop3A_222 : i32
      %parallel_loop3A_224 = arith.index_cast %parallel_loop3A_223 : i32 to index
      %parallel_loop3A_225 = tpu.vector_load %arg8[%parallel_loop3A_224] {strides = array<i32>} : memref<66048xf32, #tpu.memory_space<vmem>>, vector<16xf32>,
      %parallel_loop3A_226 = arith.constant 0 : i32
      %parallel_loop3A_227 = arith.constant 2 : i32
      %parallel_loop3A_228 = arith.index_cast %parallel_loop3A_226 : i32 to index
      %parallel_loop3A_229 = arith.index_cast %parallel_loop3A_227 : i32 to index
      %parallel_loop3A_230 = arith.index_cast %parallel_loop3A_222 : i32 to index
      %parallel_loop3A_231 = tpu.vector_load %arg9[%parallel_loop3A_228, %parallel_loop3A_229, %parallel_loop3A_230] {strides = array<i32>} : memref<2x8x2048xf32, #tpu.memory_space<vmem>>, vector<16xf32>,
      tpu.vector_store %arg9[%parallel_loop3A_228, %parallel_loop3A_229, %parallel_loop3A_230], %parallel_loop3A_225 {strides = array<i32>} : memref<2x8x2048xf32, #tpu.memory_space<vmem>>, vector<16xf32>,
    } {sc.loop_unroll_factor = 16 : i64, sc.parallel_access}
    %sub3A_98 = arith.constant 3 : i32
    %sub3A_99 = arith.subi %sub3A_62, %sub3A_98 : i32
    %and3A_100 = arith.constant 15 : i32
    %and3A_101 = arith.andi %sub3A_99, %and3A_100 : i32
    %mul3A_102 = arith.constant 4128 : i32
    %mul3A_103 = arith.muli %and3A_101, %mul3A_102 : i32
    %sub3A_104 = arith.subi %sub3A_99, %and3A_101 : i32
    %add3A_105 = arith.addi %mul3A_103, %sub3A_104 : i32
    %multiple_of3A_106 = tpu.assume_multiple %add3A_105, 16 : i32
    %parallel_loop3A_107 = arith.constant 0 : i32
    %parallel_loop3A_108 = arith.constant 128 : i32
    %parallel_loop3A_109 = arith.constant 1 : i32
    scf.for %parallel_loop3A_220 = %parallel_loop3A_107 to %parallel_loop3A_108 step %parallel_loop3A_109  : i32 {
      %parallel_loop3A_221 = arith.constant 16 : i32
      %parallel_loop3A_222 = arith.muli %parallel_loop3A_220, %parallel_loop3A_221 : i32
      %parallel_loop3A_223 = arith.addi %multiple_of3A_106, %parallel_loop3A_222 : i32
      %parallel_loop3A_224 = arith.index_cast %parallel_loop3A_223 : i32 to index
      %parallel_loop3A_225 = tpu.vector_load %arg8[%parallel_loop3A_224] {strides = array<i32>} : memref<66048xf32, #tpu.memory_space<vmem>>, vector<16xf32>,
      %parallel_loop3A_226 = arith.constant 0 : i32
      %parallel_loop3A_227 = arith.constant 3 : i32
      %parallel_loop3A_228 = arith.index_cast %parallel_loop3A_226 : i32 to index
      %parallel_loop3A_229 = arith.index_cast %parallel_loop3A_227 : i32 to index
      %parallel_loop3A_230 = arith.index_cast %parallel_loop3A_222 : i32 to index
      %parallel_loop3A_231 = tpu.vector_load %arg9[%parallel_loop3A_228, %parallel_loop3A_229, %parallel_loop3A_230] {strides = array<i32>} : memref<2x8x2048xf32, #tpu.memory_space<vmem>>, vector<16xf32>,
      tpu.vector_store %arg9[%parallel_loop3A_228, %parallel_loop3A_229, %parallel_loop3A_230], %parallel_loop3A_225 {strides = array<i32>} : memref<2x8x2048xf32, #tpu.memory_space<vmem>>, vector<16xf32>,
    } {sc.loop_unroll_factor = 16 : i64, sc.parallel_access}
    %sub3A_110 = arith.constant 4 : i32
    %sub3A_111 = arith.subi %sub3A_62, %sub3A_110 : i32
    %and3A_112 = arith.constant 15 : i32
    %and3A_113 = arith.andi %sub3A_111, %and3A_112 : i32
    %mul3A_114 = arith.constant 4128 : i32
    %mul3A_115 = arith.muli %and3A_113, %mul3A_114 : i32
    %sub3A_116 = arith.subi %sub3A_111, %and3A_113 : i32
    %add3A_117 = arith.addi %mul3A_115, %sub3A_116 : i32
    %multiple_of3A_118 = tpu.assume_multiple %add3A_117, 16 : i32
    %parallel_loop3A_119 = arith.constant 0 : i32
    %parallel_loop3A_120 = arith.constant 128 : i32
    %parallel_loop3A_121 = arith.constant 1 : i32
    scf.for %parallel_loop3A_220 = %parallel_loop3A_119 to %parallel_loop3A_120 step %parallel_loop3A_121  : i32 {
      %parallel_loop3A_221 = arith.constant 16 : i32
      %parallel_loop3A_222 = arith.muli %parallel_loop3A_220, %parallel_loop3A_221 : i32
      %parallel_loop3A_223 = arith.addi %multiple_of3A_118, %parallel_loop3A_222 : i32
      %parallel_loop3A_224 = arith.index_cast %parallel_loop3A_223 : i32 to index
      %parallel_loop3A_225 = tpu.vector_load %arg8[%parallel_loop3A_224] {strides = array<i32>} : memref<66048xf32, #tpu.memory_space<vmem>>, vector<16xf32>,
      %parallel_loop3A_226 = arith.constant 0 : i32
      %parallel_loop3A_227 = arith.constant 4 : i32
      %parallel_loop3A_228 = arith.index_cast %parallel_loop3A_226 : i32 to index
      %parallel_loop3A_229 = arith.index_cast %parallel_loop3A_227 : i32 to index
      %parallel_loop3A_230 = arith.index_cast %parallel_loop3A_222 : i32 to index
      %parallel_loop3A_231 = tpu.vector_load %arg9[%parallel_loop3A_228, %parallel_loop3A_229, %parallel_loop3A_230] {strides = array<i32>} : memref<2x8x2048xf32, #tpu.memory_space<vmem>>, vector<16xf32>,
      tpu.vector_store %arg9[%parallel_loop3A_228, %parallel_loop3A_229, %parallel_loop3A_230], %parallel_loop3A_225 {strides = array<i32>} : memref<2x8x2048xf32, #tpu.memory_space<vmem>>, vector<16xf32>,
    } {sc.loop_unroll_factor = 16 : i64, sc.parallel_access}
    %sub3A_122 = arith.constant 5 : i32
    %sub3A_123 = arith.subi %sub3A_62, %sub3A_122 : i32
    %and3A_124 = arith.constant 15 : i32
    %and3A_125 = arith.andi %sub3A_123, %and3A_124 : i32
    %mul3A_126 = arith.constant 4128 : i32
    %mul3A_127 = arith.muli %and3A_125, %mul3A_126 : i32
    %sub3A_128 = arith.subi %sub3A_123, %and3A_125 : i32
    %add3A_129 = arith.addi %mul3A_127, %sub3A_128 : i32
    %multiple_of3A_130 = tpu.assume_multiple %add3A_129, 16 : i32
    %parallel_loop3A_131 = arith.constant 0 : i32
    %parallel_loop3A_132 = arith.constant 128 : i32
    %parallel_loop3A_133 = arith.constant 1 : i32
    scf.for %parallel_loop3A_220 = %parallel_loop3A_131 to %parallel_loop3A_132 step %parallel_loop3A_133  : i32 {
      %parallel_loop3A_221 = arith.constant 16 : i32
      %parallel_loop3A_222 = arith.muli %parallel_loop3A_220, %parallel_loop3A_221 : i32
      %parallel_loop3A_223 = arith.addi %multiple_of3A_130, %parallel_loop3A_222 : i32
      %parallel_loop3A_224 = arith.index_cast %parallel_loop3A_223 : i32 to index
      %parallel_loop3A_225 = tpu.vector_load %arg8[%parallel_loop3A_224] {strides = array<i32>} : memref<66048xf32, #tpu.memory_space<vmem>>, vector<16xf32>,
      %parallel_loop3A_226 = arith.constant 0 : i32
      %parallel_loop3A_227 = arith.constant 5 : i32
      %parallel_loop3A_228 = arith.index_cast %parallel_loop3A_226 : i32 to index
      %parallel_loop3A_229 = arith.index_cast %parallel_loop3A_227 : i32 to index
      %parallel_loop3A_230 = arith.index_cast %parallel_loop3A_222 : i32 to index
      %parallel_loop3A_231 = tpu.vector_load %arg9[%parallel_loop3A_228, %parallel_loop3A_229, %parallel_loop3A_230] {strides = array<i32>} : memref<2x8x2048xf32, #tpu.memory_space<vmem>>, vector<16xf32>,
      tpu.vector_store %arg9[%parallel_loop3A_228, %parallel_loop3A_229, %parallel_loop3A_230], %parallel_loop3A_225 {strides = array<i32>} : memref<2x8x2048xf32, #tpu.memory_space<vmem>>, vector<16xf32>,
    } {sc.loop_unroll_factor = 16 : i64, sc.parallel_access}
    %sub3A_134 = arith.constant 6 : i32
    %sub3A_135 = arith.subi %sub3A_62, %sub3A_134 : i32
    %and3A_136 = arith.constant 15 : i32
    %and3A_137 = arith.andi %sub3A_135, %and3A_136 : i32
    %mul3A_138 = arith.constant 4128 : i32
    %mul3A_139 = arith.muli %and3A_137, %mul3A_138 : i32
    %sub3A_140 = arith.subi %sub3A_135, %and3A_137 : i32
    %add3A_141 = arith.addi %mul3A_139, %sub3A_140 : i32
    %multiple_of3A_142 = tpu.assume_multiple %add3A_141, 16 : i32
    %parallel_loop3A_143 = arith.constant 0 : i32
    %parallel_loop3A_144 = arith.constant 128 : i32
    %parallel_loop3A_145 = arith.constant 1 : i32
    scf.for %parallel_loop3A_220 = %parallel_loop3A_143 to %parallel_loop3A_144 step %parallel_loop3A_145  : i32 {
      %parallel_loop3A_221 = arith.constant 16 : i32
      %parallel_loop3A_222 = arith.muli %parallel_loop3A_220, %parallel_loop3A_221 : i32
      %parallel_loop3A_223 = arith.addi %multiple_of3A_142, %parallel_loop3A_222 : i32
      %parallel_loop3A_224 = arith.index_cast %parallel_loop3A_223 : i32 to index
      %parallel_loop3A_225 = tpu.vector_load %arg8[%parallel_loop3A_224] {strides = array<i32>} : memref<66048xf32, #tpu.memory_space<vmem>>, vector<16xf32>,
      %parallel_loop3A_226 = arith.constant 0 : i32
      %parallel_loop3A_227 = arith.constant 6 : i32
      %parallel_loop3A_228 = arith.index_cast %parallel_loop3A_226 : i32 to index
      %parallel_loop3A_229 = arith.index_cast %parallel_loop3A_227 : i32 to index
      %parallel_loop3A_230 = arith.index_cast %parallel_loop3A_222 : i32 to index
      %parallel_loop3A_231 = tpu.vector_load %arg9[%parallel_loop3A_228, %parallel_loop3A_229, %parallel_loop3A_230] {strides = array<i32>} : memref<2x8x2048xf32, #tpu.memory_space<vmem>>, vector<16xf32>,
      tpu.vector_store %arg9[%parallel_loop3A_228, %parallel_loop3A_229, %parallel_loop3A_230], %parallel_loop3A_225 {strides = array<i32>} : memref<2x8x2048xf32, #tpu.memory_space<vmem>>, vector<16xf32>,
    } {sc.loop_unroll_factor = 16 : i64, sc.parallel_access}
    %sub3A_146 = arith.constant 7 : i32
    %sub3A_147 = arith.subi %sub3A_62, %sub3A_146 : i32
    %and3A_148 = arith.constant 15 : i32
    %and3A_149 = arith.andi %sub3A_147, %and3A_148 : i32
    %mul3A_150 = arith.constant 4128 : i32
    %mul3A_151 = arith.muli %and3A_149, %mul3A_150 : i32
    %sub3A_152 = arith.subi %sub3A_147, %and3A_149 : i32
    %add3A_153 = arith.addi %mul3A_151, %sub3A_152 : i32
    %multiple_of3A_154 = tpu.assume_multiple %add3A_153, 16 : i32
    %parallel_loop3A_155 = arith.constant 0 : i32
    %parallel_loop3A_156 = arith.constant 128 : i32
    %parallel_loop3A_157 = arith.constant 1 : i32
    scf.for %parallel_loop3A_220 = %parallel_loop3A_155 to %parallel_loop3A_156 step %parallel_loop3A_157  : i32 {
      %parallel_loop3A_221 = arith.constant 16 : i32
      %parallel_loop3A_222 = arith.muli %parallel_loop3A_220, %parallel_loop3A_221 : i32
      %parallel_loop3A_223 = arith.addi %multiple_of3A_154, %parallel_loop3A_222 : i32
      %parallel_loop3A_224 = arith.index_cast %parallel_loop3A_223 : i32 to index
      %parallel_loop3A_225 = tpu.vector_load %arg8[%parallel_loop3A_224] {strides = array<i32>} : memref<66048xf32, #tpu.memory_space<vmem>>, vector<16xf32>,
      %parallel_loop3A_226 = arith.constant 0 : i32
      %parallel_loop3A_227 = arith.constant 7 : i32
      %parallel_loop3A_228 = arith.index_cast %parallel_loop3A_226 : i32 to index
      %parallel_loop3A_229 = arith.index_cast %parallel_loop3A_227 : i32 to index
      %parallel_loop3A_230 = arith.index_cast %parallel_loop3A_222 : i32 to index
      %parallel_loop3A_231 = tpu.vector_load %arg9[%parallel_loop3A_228, %parallel_loop3A_229, %parallel_loop3A_230] {strides = array<i32>} : memref<2x8x2048xf32, #tpu.memory_space<vmem>>, vector<16xf32>,
      tpu.vector_store %arg9[%parallel_loop3A_228, %parallel_loop3A_229, %parallel_loop3A_230], %parallel_loop3A_225 {strides = array<i32>} : memref<2x8x2048xf32, #tpu.memory_space<vmem>>, vector<16xf32>,
    } {sc.loop_unroll_factor = 16 : i64, sc.parallel_access}
    %add3A_158 = arith.constant 0 : i32
    %add3A_159 = arith.addi %mul3A_32, %add3A_158 : i32
    %multiple_of3A_160 = tpu.assume_multiple %add3A_159, 8 : i32
    %dma_start3A = arith.constant 0 : i32
    %dma_start3A_161 = arith.constant 0 : i32
    %dma_start3A_162 = arith.constant 0 : i32
    %dma_start3A_163 = tpu.memref_slice %arg9[%dma_start3A, %dma_start3A_161, %dma_start3A_162] : memref<2x8x2048xf32, #tpu.memory_space<vmem>> -> memref<1x8x2048xf32, #tpu.memory_space<vmem>>
    %dma_start3A_164 = tpu.memref_squeeze %dma_start3A_163 : memref<1x8x2048xf32, #tpu.memory_space<vmem>> -> memref<8x2048xf32, #tpu.memory_space<vmem>>
    %dma_start3A_165 = arith.constant 0 : i32
    %dma_start3A_166 = tpu.memref_slice %arg4[%select_n3A, %multiple_of3A_160, %dma_start3A_165] : memref<16x2048x2048xf32, #tpu.memory_space<hbm>> -> memref<1x8x2048xf32, #tpu.memory_space<hbm>>
    %dma_start3A_167 = tpu.memref_squeeze %dma_start3A_166 : memref<1x8x2048xf32, #tpu.memory_space<hbm>> -> memref<8x2048xf32, #tpu.memory_space<hbm>>
    %dma_start3A_168 = arith.constant 0 : i32
    %dma_start3A_169 = tpu.memref_slice %arg4[%select_n3A, %multiple_of3A_160, %dma_start3A_168] : memref<16x2048x2048xf32, #tpu.memory_space<hbm>> -> memref<1x8x2048xf32, #tpu.memory_space<hbm>>
    %dma_start3A_170 = tpu.memref_squeeze %dma_start3A_169 : memref<1x8x2048xf32, #tpu.memory_space<hbm>> -> memref<8x2048xf32, #tpu.memory_space<hbm>>
    %dma_start3A_171 = arith.constant 0 : i32
    %dma_start3A_172 = arith.constant 0 : i32
    %dma_start3A_173 = tpu.memref_slice %arg9[%dma_start3A, %dma_start3A_171, %dma_start3A_172] : memref<2x8x2048xf32, #tpu.memory_space<vmem>> -> memref<1x8x2048xf32, #tpu.memory_space<vmem>>
    %dma_start3A_174 = tpu.memref_squeeze %dma_start3A_173 : memref<1x8x2048xf32, #tpu.memory_space<vmem>> -> memref<8x2048xf32, #tpu.memory_space<vmem>>
    tpu.enqueue_dma source(%dma_start3A_174 : memref<8x2048xf32, #tpu.memory_space<vmem>>) target(%dma_start3A_170 : memref<8x2048xf32, #tpu.memory_space<hbm>>) target_semaphore(%arg10 : memref<!tpu.dma_semaphore, #tpu.memory_space<semaphore_mem>>)
    %parallel_loop3A_175 = arith.constant 0 : i32
    %parallel_loop3A_176 = arith.constant 258 : i32
    %parallel_loop3A_177 = arith.constant 1 : i32
    scf.for %parallel_loop3A_220 = %parallel_loop3A_175 to %parallel_loop3A_176 step %parallel_loop3A_177  : i32 {
      %parallel_loop3A_221 = arith.constant 16 : i32
      %parallel_loop3A_222 = arith.muli %parallel_loop3A_220, %parallel_loop3A_221 : i32
      %parallel_loop3A_223 = arith.constant 0 : i32
      %parallel_loop3A_224 = arith.addi %parallel_loop3A_222, %parallel_loop3A_223 : i32
      %parallel_loop3A_225 = vector.broadcast %parallel_loop3A_224 : i32 to vector<16xi32>
      %parallel_loop3A_226 = arith.addi %iota3A, %parallel_loop3A_225 : vector<16xi32>
      %parallel_loop3A_227 = arith.constant 4127 : i32
      %parallel_loop3A_228 = vector.broadcast %parallel_loop3A_227 : i32 to vector<16xi32>
      %parallel_loop3A_229 = arith.minsi %parallel_loop3A_226, %parallel_loop3A_228 : vector<16xi32>
      %parallel_loop3A_230 = tpu.vector_load_idx %arg7[%parallel_loop3A_229] : memref<4128xf32, #tpu.memory_space<vmem>>[vector<16xi32>], vector<16xf32>,
      %parallel_loop3A_231 = arith.constant 0 : i32
      %parallel_loop3A_232 = arith.addi %parallel_loop3A_231, %parallel_loop3A_222 : i32
      %parallel_loop3A_233 = arith.index_cast %parallel_loop3A_232 : i32 to index
      %parallel_loop3A_234 = tpu.vector_load %arg8[%parallel_loop3A_233] {strides = array<i32>} : memref<66048xf32, #tpu.memory_space<vmem>>, vector<16xf32>,
      tpu.vector_store %arg8[%parallel_loop3A_233], %parallel_loop3A_230 {strides = array<i32>} : memref<66048xf32, #tpu.memory_space<vmem>>, vector<16xf32>,
    } {sc.loop_unroll_factor = 8 : i64, sc.parallel_access}
    %parallel_loop3A_178 = arith.constant 0 : i32
    %parallel_loop3A_179 = arith.constant 258 : i32
    %parallel_loop3A_180 = arith.constant 1 : i32
    scf.for %parallel_loop3A_220 = %parallel_loop3A_178 to %parallel_loop3A_179 step %parallel_loop3A_180  : i32 {
      %parallel_loop3A_221 = arith.constant 16 : i32
      %parallel_loop3A_222 = arith.muli %parallel_loop3A_220, %parallel_loop3A_221 : i32
      %parallel_loop3A_223 = arith.constant 1 : i32
      %parallel_loop3A_224 = arith.addi %parallel_loop3A_222, %parallel_loop3A_223 : i32
      %parallel_loop3A_225 = vector.broadcast %parallel_loop3A_224 : i32 to vector<16xi32>
      %parallel_loop3A_226 = arith.addi %iota3A, %parallel_loop3A_225 : vector<16xi32>
      %parallel_loop3A_227 = arith.constant 4127 : i32
      %parallel_loop3A_228 = vector.broadcast %parallel_loop3A_227 : i32 to vector<16xi32>
      %parallel_loop3A_229 = arith.minsi %parallel_loop3A_226, %parallel_loop3A_228 : vector<16xi32>
      %parallel_loop3A_230 = tpu.vector_load_idx %arg7[%parallel_loop3A_229] : memref<4128xf32, #tpu.memory_space<vmem>>[vector<16xi32>], vector<16xf32>,
      %parallel_loop3A_231 = arith.constant 4128 : i32
      %parallel_loop3A_232 = arith.addi %parallel_loop3A_231, %parallel_loop3A_222 : i32
      %parallel_loop3A_233 = arith.index_cast %parallel_loop3A_232 : i32 to index
      %parallel_loop3A_234 = tpu.vector_load %arg8[%parallel_loop3A_233] {strides = array<i32>} : memref<66048xf32, #tpu.memory_space<vmem>>, vector<16xf32>,
      tpu.vector_store %arg8[%parallel_loop3A_233], %parallel_loop3A_230 {strides = array<i32>} : memref<66048xf32, #tpu.memory_space<vmem>>, vector<16xf32>,
    } {sc.loop_unroll_factor = 8 : i64, sc.parallel_access}
    %parallel_loop3A_181 = arith.constant 0 : i32
    %parallel_loop3A_182 = arith.constant 258 : i32
    %parallel_loop3A_183 = arith.constant 1 : i32
    scf.for %parallel_loop3A_220 = %parallel_loop3A_181 to %parallel_loop3A_182 step %parallel_loop3A_183  : i32 {
      %parallel_loop3A_221 = arith.constant 16 : i32
      %parallel_loop3A_222 = arith.muli %parallel_loop3A_220, %parallel_loop3A_221 : i32
      %parallel_loop3A_223 = arith.constant 2 : i32
      %parallel_loop3A_224 = arith.addi %parallel_loop3A_222, %parallel_loop3A_223 : i32
      %parallel_loop3A_225 = vector.broadcast %parallel_loop3A_224 : i32 to vector<16xi32>
      %parallel_loop3A_226 = arith.addi %iota3A, %parallel_loop3A_225 : vector<16xi32>
      %parallel_loop3A_227 = arith.constant 4127 : i32
      %parallel_loop3A_228 = vector.broadcast %parallel_loop3A_227 : i32 to vector<16xi32>
      %parallel_loop3A_229 = arith.minsi %parallel_loop3A_226, %parallel_loop3A_228 : vector<16xi32>
      %parallel_loop3A_230 = tpu.vector_load_idx %arg7[%parallel_loop3A_229] : memref<4128xf32, #tpu.memory_space<vmem>>[vector<16xi32>], vector<16xf32>,
      %parallel_loop3A_231 = arith.constant 8256 : i32
      %parallel_loop3A_232 = arith.addi %parallel_loop3A_231, %parallel_loop3A_222 : i32
      %parallel_loop3A_233 = arith.index_cast %parallel_loop3A_232 : i32 to index
      %parallel_loop3A_234 = tpu.vector_load %arg8[%parallel_loop3A_233] {strides = array<i32>} : memref<66048xf32, #tpu.memory_space<vmem>>, vector<16xf32>,
      tpu.vector_store %arg8[%parallel_loop3A_233], %parallel_loop3A_230 {strides = array<i32>} : memref<66048xf32, #tpu.memory_space<vmem>>, vector<16xf32>,
    } {sc.loop_unroll_factor = 8 : i64, sc.parallel_access}
    %parallel_loop3A_184 = arith.constant 0 : i32
    %parallel_loop3A_185 = arith.constant 258 : i32
    %parallel_loop3A_186 = arith.constant 1 : i32
    scf.for %parallel_loop3A_220 = %parallel_loop3A_184 to %parallel_loop3A_185 step %parallel_loop3A_186  : i32 {
      %parallel_loop3A_221 = arith.constant 16 : i32
      %parallel_loop3A_222 = arith.muli %parallel_loop3A_220, %parallel_loop3A_221 : i32
      %parallel_loop3A_223 = arith.constant 3 : i32
      %parallel_loop3A_224 = arith.addi %parallel_loop3A_222, %parallel_loop3A_223 : i32
      %parallel_loop3A_225 = vector.broadcast %parallel_loop3A_224 : i32 to vector<16xi32>
      %parallel_loop3A_226 = arith.addi %iota3A, %parallel_loop3A_225 : vector<16xi32>
      %parallel_loop3A_227 = arith.constant 4127 : i32
      %parallel_loop3A_228 = vector.broadcast %parallel_loop3A_227 : i32 to vector<16xi32>
      %parallel_loop3A_229 = arith.minsi %parallel_loop3A_226, %parallel_loop3A_228 : vector<16xi32>
      %parallel_loop3A_230 = tpu.vector_load_idx %arg7[%parallel_loop3A_229] : memref<4128xf32, #tpu.memory_space<vmem>>[vector<16xi32>], vector<16xf32>,
      %parallel_loop3A_231 = arith.constant 12384 : i32
      %parallel_loop3A_232 = arith.addi %parallel_loop3A_231, %parallel_loop3A_222 : i32
      %parallel_loop3A_233 = arith.index_cast %parallel_loop3A_232 : i32 to index
      %parallel_loop3A_234 = tpu.vector_load %arg8[%parallel_loop3A_233] {strides = array<i32>} : memref<66048xf32, #tpu.memory_space<vmem>>, vector<16xf32>,
      tpu.vector_store %arg8[%parallel_loop3A_233], %parallel_loop3A_230 {strides = array<i32>} : memref<66048xf32, #tpu.memory_space<vmem>>, vector<16xf32>,
    } {sc.loop_unroll_factor = 8 : i64, sc.parallel_access}
    %parallel_loop3A_187 = arith.constant 0 : i32
    %parallel_loop3A_188 = arith.constant 258 : i32
    %parallel_loop3A_189 = arith.constant 1 : i32
    scf.for %parallel_loop3A_220 = %parallel_loop3A_187 to %parallel_loop3A_188 step %parallel_loop3A_189  : i32 {
      %parallel_loop3A_221 = arith.constant 16 : i32
      %parallel_loop3A_222 = arith.muli %parallel_loop3A_220, %parallel_loop3A_221 : i32
      %parallel_loop3A_223 = arith.constant 4 : i32
      %parallel_loop3A_224 = arith.addi %parallel_loop3A_222, %parallel_loop3A_223 : i32
      %parallel_loop3A_225 = vector.broadcast %parallel_loop3A_224 : i32 to vector<16xi32>
      %parallel_loop3A_226 = arith.addi %iota3A, %parallel_loop3A_225 : vector<16xi32>
      %parallel_loop3A_227 = arith.constant 4127 : i32
      %parallel_loop3A_228 = vector.broadcast %parallel_loop3A_227 : i32 to vector<16xi32>
      %parallel_loop3A_229 = arith.minsi %parallel_loop3A_226, %parallel_loop3A_228 : vector<16xi32>
      %parallel_loop3A_230 = tpu.vector_load_idx %arg7[%parallel_loop3A_229] : memref<4128xf32, #tpu.memory_space<vmem>>[vector<16xi32>], vector<16xf32>,
      %parallel_loop3A_231 = arith.constant 16512 : i32
      %parallel_loop3A_232 = arith.addi %parallel_loop3A_231, %parallel_loop3A_222 : i32
      %parallel_loop3A_233 = arith.index_cast %parallel_loop3A_232 : i32 to index
      %parallel_loop3A_234 = tpu.vector_load %arg8[%parallel_loop3A_233] {strides = array<i32>} : memref<66048xf32, #tpu.memory_space<vmem>>, vector<16xf32>,
      tpu.vector_store %arg8[%parallel_loop3A_233], %parallel_loop3A_230 {strides = array<i32>} : memref<66048xf32, #tpu.memory_space<vmem>>, vector<16xf32>,
    } {sc.loop_unroll_factor = 8 : i64, sc.parallel_access}
    %parallel_loop3A_190 = arith.constant 0 : i32
    %parallel_loop3A_191 = arith.constant 258 : i32
    %parallel_loop3A_192 = arith.constant 1 : i32
    scf.for %parallel_loop3A_220 = %parallel_loop3A_190 to %parallel_loop3A_191 step %parallel_loop3A_192  : i32 {
      %parallel_loop3A_221 = arith.constant 16 : i32
      %parallel_loop3A_222 = arith.muli %parallel_loop3A_220, %parallel_loop3A_221 : i32
      %parallel_loop3A_223 = arith.constant 5 : i32
      %parallel_loop3A_224 = arith.addi %parallel_loop3A_222, %parallel_loop3A_223 : i32
      %parallel_loop3A_225 = vector.broadcast %parallel_loop3A_224 : i32 to vector<16xi32>
      %parallel_loop3A_226 = arith.addi %iota3A, %parallel_loop3A_225 : vector<16xi32>
      %parallel_loop3A_227 = arith.constant 4127 : i32
      %parallel_loop3A_228 = vector.broadcast %parallel_loop3A_227 : i32 to vector<16xi32>
      %parallel_loop3A_229 = arith.minsi %parallel_loop3A_226, %parallel_loop3A_228 : vector<16xi32>
      %parallel_loop3A_230 = tpu.vector_load_idx %arg7[%parallel_loop3A_229] : memref<4128xf32, #tpu.memory_space<vmem>>[vector<16xi32>], vector<16xf32>,
      %parallel_loop3A_231 = arith.constant 20640 : i32
      %parallel_loop3A_232 = arith.addi %parallel_loop3A_231, %parallel_loop3A_222 : i32
      %parallel_loop3A_233 = arith.index_cast %parallel_loop3A_232 : i32 to index
      %parallel_loop3A_234 = tpu.vector_load %arg8[%parallel_loop3A_233] {strides = array<i32>} : memref<66048xf32, #tpu.memory_space<vmem>>, vector<16xf32>,
      tpu.vector_store %arg8[%parallel_loop3A_233], %parallel_loop3A_230 {strides = array<i32>} : memref<66048xf32, #tpu.memory_space<vmem>>, vector<16xf32>,
    } {sc.loop_unroll_factor = 8 : i64, sc.parallel_access}
    %parallel_loop3A_193 = arith.constant 0 : i32
    %parallel_loop3A_194 = arith.constant 258 : i32
    %parallel_loop3A_195 = arith.constant 1 : i32
    scf.for %parallel_loop3A_220 = %parallel_loop3A_193 to %parallel_loop3A_194 step %parallel_loop3A_195  : i32 {
      %parallel_loop3A_221 = arith.constant 16 : i32
      %parallel_loop3A_222 = arith.muli %parallel_loop3A_220, %parallel_loop3A_221 : i32
      %parallel_loop3A_223 = arith.constant 6 : i32
      %parallel_loop3A_224 = arith.addi %parallel_loop3A_222, %parallel_loop3A_223 : i32
      %parallel_loop3A_225 = vector.broadcast %parallel_loop3A_224 : i32 to vector<16xi32>
      %parallel_loop3A_226 = arith.addi %iota3A, %parallel_loop3A_225 : vector<16xi32>
      %parallel_loop3A_227 = arith.constant 4127 : i32
      %parallel_loop3A_228 = vector.broadcast %parallel_loop3A_227 : i32 to vector<16xi32>
      %parallel_loop3A_229 = arith.minsi %parallel_loop3A_226, %parallel_loop3A_228 : vector<16xi32>
      %parallel_loop3A_230 = tpu.vector_load_idx %arg7[%parallel_loop3A_229] : memref<4128xf32, #tpu.memory_space<vmem>>[vector<16xi32>], vector<16xf32>,
      %parallel_loop3A_231 = arith.constant 24768 : i32
      %parallel_loop3A_232 = arith.addi %parallel_loop3A_231, %parallel_loop3A_222 : i32
      %parallel_loop3A_233 = arith.index_cast %parallel_loop3A_232 : i32 to index
      %parallel_loop3A_234 = tpu.vector_load %arg8[%parallel_loop3A_233] {strides = array<i32>} : memref<66048xf32, #tpu.memory_space<vmem>>, vector<16xf32>,
      tpu.vector_store %arg8[%parallel_loop3A_233], %parallel_loop3A_230 {strides = array<i32>} : memref<66048xf32, #tpu.memory_space<vmem>>, vector<16xf32>,
    } {sc.loop_unroll_factor = 8 : i64, sc.parallel_access}
    %parallel_loop3A_196 = arith.constant 0 : i32
    %parallel_loop3A_197 = arith.constant 258 : i32
    %parallel_loop3A_198 = arith.constant 1 : i32
    scf.for %parallel_loop3A_220 = %parallel_loop3A_196 to %parallel_loop3A_197 step %parallel_loop3A_198  : i32 {
      %parallel_loop3A_221 = arith.constant 16 : i32
      %parallel_loop3A_222 = arith.muli %parallel_loop3A_220, %parallel_loop3A_221 : i32
      %parallel_loop3A_223 = arith.constant 7 : i32
      %parallel_loop3A_224 = arith.addi %parallel_loop3A_222, %parallel_loop3A_223 : i32
      %parallel_loop3A_225 = vector.broadcast %parallel_loop3A_224 : i32 to vector<16xi32>
      %parallel_loop3A_226 = arith.addi %iota3A, %parallel_loop3A_225 : vector<16xi32>
      %parallel_loop3A_227 = arith.constant 4127 : i32
      %parallel_loop3A_228 = vector.broadcast %parallel_loop3A_227 : i32 to vector<16xi32>
      %parallel_loop3A_229 = arith.minsi %parallel_loop3A_226, %parallel_loop3A_228 : vector<16xi32>
      %parallel_loop3A_230 = tpu.vector_load_idx %arg7[%parallel_loop3A_229] : memref<4128xf32, #tpu.memory_space<vmem>>[vector<16xi32>], vector<16xf32>,
      %parallel_loop3A_231 = arith.constant 28896 : i32
      %parallel_loop3A_232 = arith.addi %parallel_loop3A_231, %parallel_loop3A_222 : i32
      %parallel_loop3A_233 = arith.index_cast %parallel_loop3A_232 : i32 to index
      %parallel_loop3A_234 = tpu.vector_load %arg8[%parallel_loop3A_233] {strides = array<i32>} : memref<66048xf32, #tpu.memory_space<vmem>>, vector<16xf32>,
      tpu.vector_store %arg8[%parallel_loop3A_233], %parallel_loop3A_230 {strides = array<i32>} : memref<66048xf32, #tpu.memory_space<vmem>>, vector<16xf32>,
    } {sc.loop_unroll_factor = 8 : i64, sc.parallel_access}
    %scan3A = arith.constant 0 : i32
    %scan3A_199 = arith.constant 64 : i32
    %scan3A_200 = arith.addi %scan3A, %scan3A_199 : i32
    %scan3A_201 = arith.constant 1 : i32
    scf.for %scan3A_220 = %scan3A to %scan3A_200 step %scan3A_201  : i32 {
      %mul3A_221 = arith.constant 2 : i32
      %mul3A_222 = arith.muli %scan3A_220, %mul3A_221 : i32
      %gt3A = arith.constant 0 : i32
      %gt3A_223 = arith.cmpi sgt, %scan3A_220, %gt3A : i32
      %convert_element_type3A = arith.extui %gt3A_223 : i1 to i32
      %cond3A = arith.constant 0 : i32
      %cond3A_224 = arith.cmpi ne, %convert_element_type3A, %cond3A : i32
      scf.if %cond3A_224 {
        %sub3A_476 = arith.constant 1 : i32
        %sub3A_477 = arith.subi %mul3A_222, %sub3A_476 : i32
        %mul3A_478 = arith.constant 8 : i32
        %mul3A_479 = arith.muli %sub3A_477, %mul3A_478 : i32
        %add3A_480 = arith.addi %mul3A_32, %mul3A_479 : i32
        %multiple_of3A_481 = tpu.assume_multiple %add3A_480, 8 : i32
        %dma_wait3A_482 = arith.constant 1 : i32
        %dma_wait3A_483 = arith.constant 0 : i32
        %dma_wait3A_484 = arith.constant 0 : i32
        %dma_wait3A_485 = tpu.memref_slice %arg9[%dma_wait3A_482, %dma_wait3A_483, %dma_wait3A_484] : memref<2x8x2048xf32, #tpu.memory_space<vmem>> -> memref<1x8x2048xf32, #tpu.memory_space<vmem>>
        %dma_wait3A_486 = tpu.memref_squeeze %dma_wait3A_485 : memref<1x8x2048xf32, #tpu.memory_space<vmem>> -> memref<8x2048xf32, #tpu.memory_space<vmem>>
        %dma_wait3A_487 = arith.constant 0 : i32
        %dma_wait3A_488 = tpu.memref_slice %arg4[%select_n3A, %multiple_of3A_481, %dma_wait3A_487] : memref<16x2048x2048xf32, #tpu.memory_space<hbm>> -> memref<1x8x2048xf32, #tpu.memory_space<hbm>>
        %dma_wait3A_489 = tpu.memref_squeeze %dma_wait3A_488 : memref<1x8x2048xf32, #tpu.memory_space<hbm>> -> memref<8x2048xf32, #tpu.memory_space<hbm>>
        %dma_wait3A_490 = arith.constant 0 : i32
        %dma_wait3A_491 = tpu.memref_slice %arg4[%select_n3A, %multiple_of3A_481, %dma_wait3A_490] : memref<16x2048x2048xf32, #tpu.memory_space<hbm>> -> memref<1x8x2048xf32, #tpu.memory_space<hbm>>
        %dma_wait3A_492 = tpu.memref_squeeze %dma_wait3A_491 : memref<1x8x2048xf32, #tpu.memory_space<hbm>> -> memref<8x2048xf32, #tpu.memory_space<hbm>>
        %dma_wait3A_493 = arith.constant 0 : i32
        %dma_wait3A_494 = arith.constant 0 : i32
        %dma_wait3A_495 = tpu.memref_slice %arg9[%dma_wait3A_482, %dma_wait3A_493, %dma_wait3A_494] : memref<2x8x2048xf32, #tpu.memory_space<vmem>> -> memref<1x8x2048xf32, #tpu.memory_space<vmem>>
        %dma_wait3A_496 = tpu.memref_squeeze %dma_wait3A_495 : memref<1x8x2048xf32, #tpu.memory_space<vmem>> -> memref<8x2048xf32, #tpu.memory_space<vmem>>
        tpu.wait_dma2 semaphore(%arg11 : memref<!tpu.dma_semaphore, #tpu.memory_space<semaphore_mem>>) src(%dma_wait3A_496 : memref<8x2048xf32, #tpu.memory_space<vmem>>) dst(%dma_wait3A_492 : memref<8x2048xf32, #tpu.memory_space<hbm>>)
      } else {
      }
      %add3A_225 = arith.constant 1 : i32
      %add3A_226 = arith.addi %mul3A_222, %add3A_225 : i32
      %mul3A_227 = arith.constant 8 : i32
      %mul3A_228 = arith.muli %add3A_226, %mul3A_227 : i32
      %add3A_229 = arith.addi %mul3A_32, %mul3A_228 : i32
      %sub3A_230 = arith.constant 2047 : i32
      %sub3A_231 = arith.subi %sub3A_230, %add3A_229 : i32
      %sub3A_232 = arith.constant 0 : i32
      %sub3A_233 = arith.subi %sub3A_231, %sub3A_232 : i32
      %and3A_234 = arith.constant 15 : i32
      %and3A_235 = arith.andi %sub3A_233, %and3A_234 : i32
      %mul3A_236 = arith.constant 4128 : i32
      %mul3A_237 = arith.muli %and3A_235, %mul3A_236 : i32
      %sub3A_238 = arith.subi %sub3A_233, %and3A_235 : i32
      %add3A_239 = arith.addi %mul3A_237, %sub3A_238 : i32
      %multiple_of3A_240 = tpu.assume_multiple %add3A_239, 16 : i32
      %parallel_loop3A_241 = arith.constant 0 : i32
      %parallel_loop3A_242 = arith.constant 128 : i32
      %parallel_loop3A_243 = arith.constant 1 : i32
      scf.for %parallel_loop3A_476 = %parallel_loop3A_241 to %parallel_loop3A_242 step %parallel_loop3A_243  : i32 {
        %parallel_loop3A_477 = arith.constant 16 : i32
        %parallel_loop3A_478 = arith.muli %parallel_loop3A_476, %parallel_loop3A_477 : i32
        %parallel_loop3A_479 = arith.addi %multiple_of3A_240, %parallel_loop3A_478 : i32
        %parallel_loop3A_480 = arith.index_cast %parallel_loop3A_479 : i32 to index
        %parallel_loop3A_481 = tpu.vector_load %arg8[%parallel_loop3A_480] {strides = array<i32>} : memref<66048xf32, #tpu.memory_space<vmem>>, vector<16xf32>,
        %parallel_loop3A_482 = arith.constant 1 : i32
        %parallel_loop3A_483 = arith.constant 0 : i32
        %parallel_loop3A_484 = arith.index_cast %parallel_loop3A_482 : i32 to index
        %parallel_loop3A_485 = arith.index_cast %parallel_loop3A_483 : i32 to index
        %parallel_loop3A_486 = arith.index_cast %parallel_loop3A_478 : i32 to index
        %parallel_loop3A_487 = tpu.vector_load %arg9[%parallel_loop3A_484, %parallel_loop3A_485, %parallel_loop3A_486] {strides = array<i32>} : memref<2x8x2048xf32, #tpu.memory_space<vmem>>, vector<16xf32>,
        tpu.vector_store %arg9[%parallel_loop3A_484, %parallel_loop3A_485, %parallel_loop3A_486], %parallel_loop3A_481 {strides = array<i32>} : memref<2x8x2048xf32, #tpu.memory_space<vmem>>, vector<16xf32>,
      } {sc.loop_unroll_factor = 16 : i64, sc.parallel_access}
      %sub3A_244 = arith.constant 1 : i32
      %sub3A_245 = arith.subi %sub3A_231, %sub3A_244 : i32
      %and3A_246 = arith.constant 15 : i32
      %and3A_247 = arith.andi %sub3A_245, %and3A_246 : i32
      %mul3A_248 = arith.constant 4128 : i32
      %mul3A_249 = arith.muli %and3A_247, %mul3A_248 : i32
      %sub3A_250 = arith.subi %sub3A_245, %and3A_247 : i32
      %add3A_251 = arith.addi %mul3A_249, %sub3A_250 : i32
      %multiple_of3A_252 = tpu.assume_multiple %add3A_251, 16 : i32
      %parallel_loop3A_253 = arith.constant 0 : i32
      %parallel_loop3A_254 = arith.constant 128 : i32
      %parallel_loop3A_255 = arith.constant 1 : i32
      scf.for %parallel_loop3A_476 = %parallel_loop3A_253 to %parallel_loop3A_254 step %parallel_loop3A_255  : i32 {
        %parallel_loop3A_477 = arith.constant 16 : i32
        %parallel_loop3A_478 = arith.muli %parallel_loop3A_476, %parallel_loop3A_477 : i32
        %parallel_loop3A_479 = arith.addi %multiple_of3A_252, %parallel_loop3A_478 : i32
        %parallel_loop3A_480 = arith.index_cast %parallel_loop3A_479 : i32 to index
        %parallel_loop3A_481 = tpu.vector_load %arg8[%parallel_loop3A_480] {strides = array<i32>} : memref<66048xf32, #tpu.memory_space<vmem>>, vector<16xf32>,
        %parallel_loop3A_482 = arith.constant 1 : i32
        %parallel_loop3A_483 = arith.constant 1 : i32
        %parallel_loop3A_484 = arith.index_cast %parallel_loop3A_482 : i32 to index
        %parallel_loop3A_485 = arith.index_cast %parallel_loop3A_483 : i32 to index
        %parallel_loop3A_486 = arith.index_cast %parallel_loop3A_478 : i32 to index
        %parallel_loop3A_487 = tpu.vector_load %arg9[%parallel_loop3A_484, %parallel_loop3A_485, %parallel_loop3A_486] {strides = array<i32>} : memref<2x8x2048xf32, #tpu.memory_space<vmem>>, vector<16xf32>,
        tpu.vector_store %arg9[%parallel_loop3A_484, %parallel_loop3A_485, %parallel_loop3A_486], %parallel_loop3A_481 {strides = array<i32>} : memref<2x8x2048xf32, #tpu.memory_space<vmem>>, vector<16xf32>,
      } {sc.loop_unroll_factor = 16 : i64, sc.parallel_access}
      %sub3A_256 = arith.constant 2 : i32
      %sub3A_257 = arith.subi %sub3A_231, %sub3A_256 : i32
      %and3A_258 = arith.constant 15 : i32
      %and3A_259 = arith.andi %sub3A_257, %and3A_258 : i32
      %mul3A_260 = arith.constant 4128 : i32
      %mul3A_261 = arith.muli %and3A_259, %mul3A_260 : i32
      %sub3A_262 = arith.subi %sub3A_257, %and3A_259 : i32
      %add3A_263 = arith.addi %mul3A_261, %sub3A_262 : i32
      %multiple_of3A_264 = tpu.assume_multiple %add3A_263, 16 : i32
      %parallel_loop3A_265 = arith.constant 0 : i32
      %parallel_loop3A_266 = arith.constant 128 : i32
      %parallel_loop3A_267 = arith.constant 1 : i32
      scf.for %parallel_loop3A_476 = %parallel_loop3A_265 to %parallel_loop3A_266 step %parallel_loop3A_267  : i32 {
        %parallel_loop3A_477 = arith.constant 16 : i32
        %parallel_loop3A_478 = arith.muli %parallel_loop3A_476, %parallel_loop3A_477 : i32
        %parallel_loop3A_479 = arith.addi %multiple_of3A_264, %parallel_loop3A_478 : i32
        %parallel_loop3A_480 = arith.index_cast %parallel_loop3A_479 : i32 to index
        %parallel_loop3A_481 = tpu.vector_load %arg8[%parallel_loop3A_480] {strides = array<i32>} : memref<66048xf32, #tpu.memory_space<vmem>>, vector<16xf32>,
        %parallel_loop3A_482 = arith.constant 1 : i32
        %parallel_loop3A_483 = arith.constant 2 : i32
        %parallel_loop3A_484 = arith.index_cast %parallel_loop3A_482 : i32 to index
        %parallel_loop3A_485 = arith.index_cast %parallel_loop3A_483 : i32 to index
        %parallel_loop3A_486 = arith.index_cast %parallel_loop3A_478 : i32 to index
        %parallel_loop3A_487 = tpu.vector_load %arg9[%parallel_loop3A_484, %parallel_loop3A_485, %parallel_loop3A_486] {strides = array<i32>} : memref<2x8x2048xf32, #tpu.memory_space<vmem>>, vector<16xf32>,
        tpu.vector_store %arg9[%parallel_loop3A_484, %parallel_loop3A_485, %parallel_loop3A_486], %parallel_loop3A_481 {strides = array<i32>} : memref<2x8x2048xf32, #tpu.memory_space<vmem>>, vector<16xf32>,
      } {sc.loop_unroll_factor = 16 : i64, sc.parallel_access}
      %sub3A_268 = arith.constant 3 : i32
      %sub3A_269 = arith.subi %sub3A_231, %sub3A_268 : i32
      %and3A_270 = arith.constant 15 : i32
      %and3A_271 = arith.andi %sub3A_269, %and3A_270 : i32
      %mul3A_272 = arith.constant 4128 : i32
      %mul3A_273 = arith.muli %and3A_271, %mul3A_272 : i32
      %sub3A_274 = arith.subi %sub3A_269, %and3A_271 : i32
      %add3A_275 = arith.addi %mul3A_273, %sub3A_274 : i32
      %multiple_of3A_276 = tpu.assume_multiple %add3A_275, 16 : i32
      %parallel_loop3A_277 = arith.constant 0 : i32
      %parallel_loop3A_278 = arith.constant 128 : i32
      %parallel_loop3A_279 = arith.constant 1 : i32
      scf.for %parallel_loop3A_476 = %parallel_loop3A_277 to %parallel_loop3A_278 step %parallel_loop3A_279  : i32 {
        %parallel_loop3A_477 = arith.constant 16 : i32
        %parallel_loop3A_478 = arith.muli %parallel_loop3A_476, %parallel_loop3A_477 : i32
        %parallel_loop3A_479 = arith.addi %multiple_of3A_276, %parallel_loop3A_478 : i32
        %parallel_loop3A_480 = arith.index_cast %parallel_loop3A_479 : i32 to index
        %parallel_loop3A_481 = tpu.vector_load %arg8[%parallel_loop3A_480] {strides = array<i32>} : memref<66048xf32, #tpu.memory_space<vmem>>, vector<16xf32>,
        %parallel_loop3A_482 = arith.constant 1 : i32
        %parallel_loop3A_483 = arith.constant 3 : i32
        %parallel_loop3A_484 = arith.index_cast %parallel_loop3A_482 : i32 to index
        %parallel_loop3A_485 = arith.index_cast %parallel_loop3A_483 : i32 to index
        %parallel_loop3A_486 = arith.index_cast %parallel_loop3A_478 : i32 to index
        %parallel_loop3A_487 = tpu.vector_load %arg9[%parallel_loop3A_484, %parallel_loop3A_485, %parallel_loop3A_486] {strides = array<i32>} : memref<2x8x2048xf32, #tpu.memory_space<vmem>>, vector<16xf32>,
        tpu.vector_store %arg9[%parallel_loop3A_484, %parallel_loop3A_485, %parallel_loop3A_486], %parallel_loop3A_481 {strides = array<i32>} : memref<2x8x2048xf32, #tpu.memory_space<vmem>>, vector<16xf32>,
      } {sc.loop_unroll_factor = 16 : i64, sc.parallel_access}
      %sub3A_280 = arith.constant 4 : i32
      %sub3A_281 = arith.subi %sub3A_231, %sub3A_280 : i32
      %and3A_282 = arith.constant 15 : i32
      %and3A_283 = arith.andi %sub3A_281, %and3A_282 : i32
      %mul3A_284 = arith.constant 4128 : i32
      %mul3A_285 = arith.muli %and3A_283, %mul3A_284 : i32
      %sub3A_286 = arith.subi %sub3A_281, %and3A_283 : i32
      %add3A_287 = arith.addi %mul3A_285, %sub3A_286 : i32
      %multiple_of3A_288 = tpu.assume_multiple %add3A_287, 16 : i32
      %parallel_loop3A_289 = arith.constant 0 : i32
      %parallel_loop3A_290 = arith.constant 128 : i32
      %parallel_loop3A_291 = arith.constant 1 : i32
      scf.for %parallel_loop3A_476 = %parallel_loop3A_289 to %parallel_loop3A_290 step %parallel_loop3A_291  : i32 {
        %parallel_loop3A_477 = arith.constant 16 : i32
        %parallel_loop3A_478 = arith.muli %parallel_loop3A_476, %parallel_loop3A_477 : i32
        %parallel_loop3A_479 = arith.addi %multiple_of3A_288, %parallel_loop3A_478 : i32
        %parallel_loop3A_480 = arith.index_cast %parallel_loop3A_479 : i32 to index
        %parallel_loop3A_481 = tpu.vector_load %arg8[%parallel_loop3A_480] {strides = array<i32>} : memref<66048xf32, #tpu.memory_space<vmem>>, vector<16xf32>,
        %parallel_loop3A_482 = arith.constant 1 : i32
        %parallel_loop3A_483 = arith.constant 4 : i32
        %parallel_loop3A_484 = arith.index_cast %parallel_loop3A_482 : i32 to index
        %parallel_loop3A_485 = arith.index_cast %parallel_loop3A_483 : i32 to index
        %parallel_loop3A_486 = arith.index_cast %parallel_loop3A_478 : i32 to index
        %parallel_loop3A_487 = tpu.vector_load %arg9[%parallel_loop3A_484, %parallel_loop3A_485, %parallel_loop3A_486] {strides = array<i32>} : memref<2x8x2048xf32, #tpu.memory_space<vmem>>, vector<16xf32>,
        tpu.vector_store %arg9[%parallel_loop3A_484, %parallel_loop3A_485, %parallel_loop3A_486], %parallel_loop3A_481 {strides = array<i32>} : memref<2x8x2048xf32, #tpu.memory_space<vmem>>, vector<16xf32>,
      } {sc.loop_unroll_factor = 16 : i64, sc.parallel_access}
      %sub3A_292 = arith.constant 5 : i32
      %sub3A_293 = arith.subi %sub3A_231, %sub3A_292 : i32
      %and3A_294 = arith.constant 15 : i32
      %and3A_295 = arith.andi %sub3A_293, %and3A_294 : i32
      %mul3A_296 = arith.constant 4128 : i32
      %mul3A_297 = arith.muli %and3A_295, %mul3A_296 : i32
      %sub3A_298 = arith.subi %sub3A_293, %and3A_295 : i32
      %add3A_299 = arith.addi %mul3A_297, %sub3A_298 : i32
      %multiple_of3A_300 = tpu.assume_multiple %add3A_299, 16 : i32
      %parallel_loop3A_301 = arith.constant 0 : i32
      %parallel_loop3A_302 = arith.constant 128 : i32
      %parallel_loop3A_303 = arith.constant 1 : i32
      scf.for %parallel_loop3A_476 = %parallel_loop3A_301 to %parallel_loop3A_302 step %parallel_loop3A_303  : i32 {
        %parallel_loop3A_477 = arith.constant 16 : i32
        %parallel_loop3A_478 = arith.muli %parallel_loop3A_476, %parallel_loop3A_477 : i32
        %parallel_loop3A_479 = arith.addi %multiple_of3A_300, %parallel_loop3A_478 : i32
        %parallel_loop3A_480 = arith.index_cast %parallel_loop3A_479 : i32 to index
        %parallel_loop3A_481 = tpu.vector_load %arg8[%parallel_loop3A_480] {strides = array<i32>} : memref<66048xf32, #tpu.memory_space<vmem>>, vector<16xf32>,
        %parallel_loop3A_482 = arith.constant 1 : i32
        %parallel_loop3A_483 = arith.constant 5 : i32
        %parallel_loop3A_484 = arith.index_cast %parallel_loop3A_482 : i32 to index
        %parallel_loop3A_485 = arith.index_cast %parallel_loop3A_483 : i32 to index
        %parallel_loop3A_486 = arith.index_cast %parallel_loop3A_478 : i32 to index
        %parallel_loop3A_487 = tpu.vector_load %arg9[%parallel_loop3A_484, %parallel_loop3A_485, %parallel_loop3A_486] {strides = array<i32>} : memref<2x8x2048xf32, #tpu.memory_space<vmem>>, vector<16xf32>,
        tpu.vector_store %arg9[%parallel_loop3A_484, %parallel_loop3A_485, %parallel_loop3A_486], %parallel_loop3A_481 {strides = array<i32>} : memref<2x8x2048xf32, #tpu.memory_space<vmem>>, vector<16xf32>,
      } {sc.loop_unroll_factor = 16 : i64, sc.parallel_access}
      %sub3A_304 = arith.constant 6 : i32
      %sub3A_305 = arith.subi %sub3A_231, %sub3A_304 : i32
      %and3A_306 = arith.constant 15 : i32
      %and3A_307 = arith.andi %sub3A_305, %and3A_306 : i32
      %mul3A_308 = arith.constant 4128 : i32
      %mul3A_309 = arith.muli %and3A_307, %mul3A_308 : i32
      %sub3A_310 = arith.subi %sub3A_305, %and3A_307 : i32
      %add3A_311 = arith.addi %mul3A_309, %sub3A_310 : i32
      %multiple_of3A_312 = tpu.assume_multiple %add3A_311, 16 : i32
      %parallel_loop3A_313 = arith.constant 0 : i32
      %parallel_loop3A_314 = arith.constant 128 : i32
      %parallel_loop3A_315 = arith.constant 1 : i32
      scf.for %parallel_loop3A_476 = %parallel_loop3A_313 to %parallel_loop3A_314 step %parallel_loop3A_315  : i32 {
        %parallel_loop3A_477 = arith.constant 16 : i32
        %parallel_loop3A_478 = arith.muli %parallel_loop3A_476, %parallel_loop3A_477 : i32
        %parallel_loop3A_479 = arith.addi %multiple_of3A_312, %parallel_loop3A_478 : i32
        %parallel_loop3A_480 = arith.index_cast %parallel_loop3A_479 : i32 to index
        %parallel_loop3A_481 = tpu.vector_load %arg8[%parallel_loop3A_480] {strides = array<i32>} : memref<66048xf32, #tpu.memory_space<vmem>>, vector<16xf32>,
        %parallel_loop3A_482 = arith.constant 1 : i32
        %parallel_loop3A_483 = arith.constant 6 : i32
        %parallel_loop3A_484 = arith.index_cast %parallel_loop3A_482 : i32 to index
        %parallel_loop3A_485 = arith.index_cast %parallel_loop3A_483 : i32 to index
        %parallel_loop3A_486 = arith.index_cast %parallel_loop3A_478 : i32 to index
        %parallel_loop3A_487 = tpu.vector_load %arg9[%parallel_loop3A_484, %parallel_loop3A_485, %parallel_loop3A_486] {strides = array<i32>} : memref<2x8x2048xf32, #tpu.memory_space<vmem>>, vector<16xf32>,
        tpu.vector_store %arg9[%parallel_loop3A_484, %parallel_loop3A_485, %parallel_loop3A_486], %parallel_loop3A_481 {strides = array<i32>} : memref<2x8x2048xf32, #tpu.memory_space<vmem>>, vector<16xf32>,
      } {sc.loop_unroll_factor = 16 : i64, sc.parallel_access}
      %sub3A_316 = arith.constant 7 : i32
      %sub3A_317 = arith.subi %sub3A_231, %sub3A_316 : i32
      %and3A_318 = arith.constant 15 : i32
      %and3A_319 = arith.andi %sub3A_317, %and3A_318 : i32
      %mul3A_320 = arith.constant 4128 : i32
      %mul3A_321 = arith.muli %and3A_319, %mul3A_320 : i32
      %sub3A_322 = arith.subi %sub3A_317, %and3A_319 : i32
      %add3A_323 = arith.addi %mul3A_321, %sub3A_322 : i32
      %multiple_of3A_324 = tpu.assume_multiple %add3A_323, 16 : i32
      %parallel_loop3A_325 = arith.constant 0 : i32
      %parallel_loop3A_326 = arith.constant 128 : i32
      %parallel_loop3A_327 = arith.constant 1 : i32
      scf.for %parallel_loop3A_476 = %parallel_loop3A_325 to %parallel_loop3A_326 step %parallel_loop3A_327  : i32 {
        %parallel_loop3A_477 = arith.constant 16 : i32
        %parallel_loop3A_478 = arith.muli %parallel_loop3A_476, %parallel_loop3A_477 : i32
        %parallel_loop3A_479 = arith.addi %multiple_of3A_324, %parallel_loop3A_478 : i32
        %parallel_loop3A_480 = arith.index_cast %parallel_loop3A_479 : i32 to index
        %parallel_loop3A_481 = tpu.vector_load %arg8[%parallel_loop3A_480] {strides = array<i32>} : memref<66048xf32, #tpu.memory_space<vmem>>, vector<16xf32>,
        %parallel_loop3A_482 = arith.constant 1 : i32
        %parallel_loop3A_483 = arith.constant 7 : i32
        %parallel_loop3A_484 = arith.index_cast %parallel_loop3A_482 : i32 to index
        %parallel_loop3A_485 = arith.index_cast %parallel_loop3A_483 : i32 to index
        %parallel_loop3A_486 = arith.index_cast %parallel_loop3A_478 : i32 to index
        %parallel_loop3A_487 = tpu.vector_load %arg9[%parallel_loop3A_484, %parallel_loop3A_485, %parallel_loop3A_486] {strides = array<i32>} : memref<2x8x2048xf32, #tpu.memory_space<vmem>>, vector<16xf32>,
        tpu.vector_store %arg9[%parallel_loop3A_484, %parallel_loop3A_485, %parallel_loop3A_486], %parallel_loop3A_481 {strides = array<i32>} : memref<2x8x2048xf32, #tpu.memory_space<vmem>>, vector<16xf32>,
      } {sc.loop_unroll_factor = 16 : i64, sc.parallel_access}
      %add3A_328 = arith.constant 1 : i32
      %add3A_329 = arith.addi %mul3A_222, %add3A_328 : i32
      %mul3A_330 = arith.constant 8 : i32
      %mul3A_331 = arith.muli %add3A_329, %mul3A_330 : i32
      %add3A_332 = arith.addi %mul3A_32, %mul3A_331 : i32
      %multiple_of3A_333 = tpu.assume_multiple %add3A_332, 8 : i32
      %dma_start3A_334 = arith.constant 1 : i32
      %dma_start3A_335 = arith.constant 0 : i32
      %dma_start3A_336 = arith.constant 0 : i32
      %dma_start3A_337 = tpu.memref_slice %arg9[%dma_start3A_334, %dma_start3A_335, %dma_start3A_336] : memref<2x8x2048xf32, #tpu.memory_space<vmem>> -> memref<1x8x2048xf32, #tpu.memory_space<vmem>>
      %dma_start3A_338 = tpu.memref_squeeze %dma_start3A_337 : memref<1x8x2048xf32, #tpu.memory_space<vmem>> -> memref<8x2048xf32, #tpu.memory_space<vmem>>
      %dma_start3A_339 = arith.constant 0 : i32
      %dma_start3A_340 = tpu.memref_slice %arg4[%select_n3A, %multiple_of3A_333, %dma_start3A_339] : memref<16x2048x2048xf32, #tpu.memory_space<hbm>> -> memref<1x8x2048xf32, #tpu.memory_space<hbm>>
      %dma_start3A_341 = tpu.memref_squeeze %dma_start3A_340 : memref<1x8x2048xf32, #tpu.memory_space<hbm>> -> memref<8x2048xf32, #tpu.memory_space<hbm>>
      %dma_start3A_342 = arith.constant 0 : i32
      %dma_start3A_343 = tpu.memref_slice %arg4[%select_n3A, %multiple_of3A_333, %dma_start3A_342] : memref<16x2048x2048xf32, #tpu.memory_space<hbm>> -> memref<1x8x2048xf32, #tpu.memory_space<hbm>>
      %dma_start3A_344 = tpu.memref_squeeze %dma_start3A_343 : memref<1x8x2048xf32, #tpu.memory_space<hbm>> -> memref<8x2048xf32, #tpu.memory_space<hbm>>
      %dma_start3A_345 = arith.constant 0 : i32
      %dma_start3A_346 = arith.constant 0 : i32
      %dma_start3A_347 = tpu.memref_slice %arg9[%dma_start3A_334, %dma_start3A_345, %dma_start3A_346] : memref<2x8x2048xf32, #tpu.memory_space<vmem>> -> memref<1x8x2048xf32, #tpu.memory_space<vmem>>
      %dma_start3A_348 = tpu.memref_squeeze %dma_start3A_347 : memref<1x8x2048xf32, #tpu.memory_space<vmem>> -> memref<8x2048xf32, #tpu.memory_space<vmem>>
      tpu.enqueue_dma source(%dma_start3A_348 : memref<8x2048xf32, #tpu.memory_space<vmem>>) target(%dma_start3A_344 : memref<8x2048xf32, #tpu.memory_space<hbm>>) target_semaphore(%arg11 : memref<!tpu.dma_semaphore, #tpu.memory_space<semaphore_mem>>)
      %mul3A_349 = arith.constant 8 : i32
      %mul3A_350 = arith.muli %mul3A_222, %mul3A_349 : i32
      %add3A_351 = arith.addi %mul3A_32, %mul3A_350 : i32
      %multiple_of3A_352 = tpu.assume_multiple %add3A_351, 8 : i32
      %dma_wait3A_353 = arith.constant 0 : i32
      %dma_wait3A_354 = arith.constant 0 : i32
      %dma_wait3A_355 = arith.constant 0 : i32
      %dma_wait3A_356 = tpu.memref_slice %arg9[%dma_wait3A_353, %dma_wait3A_354, %dma_wait3A_355] : memref<2x8x2048xf32, #tpu.memory_space<vmem>> -> memref<1x8x2048xf32, #tpu.memory_space<vmem>>
      %dma_wait3A_357 = tpu.memref_squeeze %dma_wait3A_356 : memref<1x8x2048xf32, #tpu.memory_space<vmem>> -> memref<8x2048xf32, #tpu.memory_space<vmem>>
      %dma_wait3A_358 = arith.constant 0 : i32
      %dma_wait3A_359 = tpu.memref_slice %arg4[%select_n3A, %multiple_of3A_352, %dma_wait3A_358] : memref<16x2048x2048xf32, #tpu.memory_space<hbm>> -> memref<1x8x2048xf32, #tpu.memory_space<hbm>>
      %dma_wait3A_360 = tpu.memref_squeeze %dma_wait3A_359 : memref<1x8x2048xf32, #tpu.memory_space<hbm>> -> memref<8x2048xf32, #tpu.memory_space<hbm>>
      %dma_wait3A_361 = arith.constant 0 : i32
      %dma_wait3A_362 = tpu.memref_slice %arg4[%select_n3A, %multiple_of3A_352, %dma_wait3A_361] : memref<16x2048x2048xf32, #tpu.memory_space<hbm>> -> memref<1x8x2048xf32, #tpu.memory_space<hbm>>
      %dma_wait3A_363 = tpu.memref_squeeze %dma_wait3A_362 : memref<1x8x2048xf32, #tpu.memory_space<hbm>> -> memref<8x2048xf32, #tpu.memory_space<hbm>>
      %dma_wait3A_364 = arith.constant 0 : i32
      %dma_wait3A_365 = arith.constant 0 : i32
      %dma_wait3A_366 = tpu.memref_slice %arg9[%dma_wait3A_353, %dma_wait3A_364, %dma_wait3A_365] : memref<2x8x2048xf32, #tpu.memory_space<vmem>> -> memref<1x8x2048xf32, #tpu.memory_space<vmem>>
      %dma_wait3A_367 = tpu.memref_squeeze %dma_wait3A_366 : memref<1x8x2048xf32, #tpu.memory_space<vmem>> -> memref<8x2048xf32, #tpu.memory_space<vmem>>
      tpu.wait_dma2 semaphore(%arg10 : memref<!tpu.dma_semaphore, #tpu.memory_space<semaphore_mem>>) src(%dma_wait3A_367 : memref<8x2048xf32, #tpu.memory_space<vmem>>) dst(%dma_wait3A_363 : memref<8x2048xf32, #tpu.memory_space<hbm>>)
      %add3A_368 = arith.constant 2 : i32
      %add3A_369 = arith.addi %mul3A_222, %add3A_368 : i32
      %mul3A_370 = arith.constant 8 : i32
      %mul3A_371 = arith.muli %add3A_369, %mul3A_370 : i32
      %add3A_372 = arith.addi %mul3A_32, %mul3A_371 : i32
      %sub3A_373 = arith.constant 2047 : i32
      %sub3A_374 = arith.subi %sub3A_373, %add3A_372 : i32
      %sub3A_375 = arith.constant 0 : i32
      %sub3A_376 = arith.subi %sub3A_374, %sub3A_375 : i32
      %and3A_377 = arith.constant 15 : i32
      %and3A_378 = arith.andi %sub3A_376, %and3A_377 : i32
      %mul3A_379 = arith.constant 4128 : i32
      %mul3A_380 = arith.muli %and3A_378, %mul3A_379 : i32
      %sub3A_381 = arith.subi %sub3A_376, %and3A_378 : i32
      %add3A_382 = arith.addi %mul3A_380, %sub3A_381 : i32
      %multiple_of3A_383 = tpu.assume_multiple %add3A_382, 16 : i32
      %parallel_loop3A_384 = arith.constant 0 : i32
      %parallel_loop3A_385 = arith.constant 128 : i32
      %parallel_loop3A_386 = arith.constant 1 : i32
      scf.for %parallel_loop3A_476 = %parallel_loop3A_384 to %parallel_loop3A_385 step %parallel_loop3A_386  : i32 {
        %parallel_loop3A_477 = arith.constant 16 : i32
        %parallel_loop3A_478 = arith.muli %parallel_loop3A_476, %parallel_loop3A_477 : i32
        %parallel_loop3A_479 = arith.addi %multiple_of3A_383, %parallel_loop3A_478 : i32
        %parallel_loop3A_480 = arith.index_cast %parallel_loop3A_479 : i32 to index
        %parallel_loop3A_481 = tpu.vector_load %arg8[%parallel_loop3A_480] {strides = array<i32>} : memref<66048xf32, #tpu.memory_space<vmem>>, vector<16xf32>,
        %parallel_loop3A_482 = arith.constant 0 : i32
        %parallel_loop3A_483 = arith.constant 0 : i32
        %parallel_loop3A_484 = arith.index_cast %parallel_loop3A_482 : i32 to index
        %parallel_loop3A_485 = arith.index_cast %parallel_loop3A_483 : i32 to index
        %parallel_loop3A_486 = arith.index_cast %parallel_loop3A_478 : i32 to index
        %parallel_loop3A_487 = tpu.vector_load %arg9[%parallel_loop3A_484, %parallel_loop3A_485, %parallel_loop3A_486] {strides = array<i32>} : memref<2x8x2048xf32, #tpu.memory_space<vmem>>, vector<16xf32>,
        tpu.vector_store %arg9[%parallel_loop3A_484, %parallel_loop3A_485, %parallel_loop3A_486], %parallel_loop3A_481 {strides = array<i32>} : memref<2x8x2048xf32, #tpu.memory_space<vmem>>, vector<16xf32>,
      } {sc.loop_unroll_factor = 16 : i64, sc.parallel_access}
      %sub3A_387 = arith.constant 1 : i32
      %sub3A_388 = arith.subi %sub3A_374, %sub3A_387 : i32
      %and3A_389 = arith.constant 15 : i32
      %and3A_390 = arith.andi %sub3A_388, %and3A_389 : i32
      %mul3A_391 = arith.constant 4128 : i32
      %mul3A_392 = arith.muli %and3A_390, %mul3A_391 : i32
      %sub3A_393 = arith.subi %sub3A_388, %and3A_390 : i32
      %add3A_394 = arith.addi %mul3A_392, %sub3A_393 : i32
      %multiple_of3A_395 = tpu.assume_multiple %add3A_394, 16 : i32
      %parallel_loop3A_396 = arith.constant 0 : i32
      %parallel_loop3A_397 = arith.constant 128 : i32
      %parallel_loop3A_398 = arith.constant 1 : i32
      scf.for %parallel_loop3A_476 = %parallel_loop3A_396 to %parallel_loop3A_397 step %parallel_loop3A_398  : i32 {
        %parallel_loop3A_477 = arith.constant 16 : i32
        %parallel_loop3A_478 = arith.muli %parallel_loop3A_476, %parallel_loop3A_477 : i32
        %parallel_loop3A_479 = arith.addi %multiple_of3A_395, %parallel_loop3A_478 : i32
        %parallel_loop3A_480 = arith.index_cast %parallel_loop3A_479 : i32 to index
        %parallel_loop3A_481 = tpu.vector_load %arg8[%parallel_loop3A_480] {strides = array<i32>} : memref<66048xf32, #tpu.memory_space<vmem>>, vector<16xf32>,
        %parallel_loop3A_482 = arith.constant 0 : i32
        %parallel_loop3A_483 = arith.constant 1 : i32
        %parallel_loop3A_484 = arith.index_cast %parallel_loop3A_482 : i32 to index
        %parallel_loop3A_485 = arith.index_cast %parallel_loop3A_483 : i32 to index
        %parallel_loop3A_486 = arith.index_cast %parallel_loop3A_478 : i32 to index
        %parallel_loop3A_487 = tpu.vector_load %arg9[%parallel_loop3A_484, %parallel_loop3A_485, %parallel_loop3A_486] {strides = array<i32>} : memref<2x8x2048xf32, #tpu.memory_space<vmem>>, vector<16xf32>,
        tpu.vector_store %arg9[%parallel_loop3A_484, %parallel_loop3A_485, %parallel_loop3A_486], %parallel_loop3A_481 {strides = array<i32>} : memref<2x8x2048xf32, #tpu.memory_space<vmem>>, vector<16xf32>,
      } {sc.loop_unroll_factor = 16 : i64, sc.parallel_access}
      %sub3A_399 = arith.constant 2 : i32
      %sub3A_400 = arith.subi %sub3A_374, %sub3A_399 : i32
      %and3A_401 = arith.constant 15 : i32
      %and3A_402 = arith.andi %sub3A_400, %and3A_401 : i32
      %mul3A_403 = arith.constant 4128 : i32
      %mul3A_404 = arith.muli %and3A_402, %mul3A_403 : i32
      %sub3A_405 = arith.subi %sub3A_400, %and3A_402 : i32
      %add3A_406 = arith.addi %mul3A_404, %sub3A_405 : i32
      %multiple_of3A_407 = tpu.assume_multiple %add3A_406, 16 : i32
      %parallel_loop3A_408 = arith.constant 0 : i32
      %parallel_loop3A_409 = arith.constant 128 : i32
      %parallel_loop3A_410 = arith.constant 1 : i32
      scf.for %parallel_loop3A_476 = %parallel_loop3A_408 to %parallel_loop3A_409 step %parallel_loop3A_410  : i32 {
        %parallel_loop3A_477 = arith.constant 16 : i32
        %parallel_loop3A_478 = arith.muli %parallel_loop3A_476, %parallel_loop3A_477 : i32
        %parallel_loop3A_479 = arith.addi %multiple_of3A_407, %parallel_loop3A_478 : i32
        %parallel_loop3A_480 = arith.index_cast %parallel_loop3A_479 : i32 to index
        %parallel_loop3A_481 = tpu.vector_load %arg8[%parallel_loop3A_480] {strides = array<i32>} : memref<66048xf32, #tpu.memory_space<vmem>>, vector<16xf32>,
        %parallel_loop3A_482 = arith.constant 0 : i32
        %parallel_loop3A_483 = arith.constant 2 : i32
        %parallel_loop3A_484 = arith.index_cast %parallel_loop3A_482 : i32 to index
        %parallel_loop3A_485 = arith.index_cast %parallel_loop3A_483 : i32 to index
        %parallel_loop3A_486 = arith.index_cast %parallel_loop3A_478 : i32 to index
        %parallel_loop3A_487 = tpu.vector_load %arg9[%parallel_loop3A_484, %parallel_loop3A_485, %parallel_loop3A_486] {strides = array<i32>} : memref<2x8x2048xf32, #tpu.memory_space<vmem>>, vector<16xf32>,
        tpu.vector_store %arg9[%parallel_loop3A_484, %parallel_loop3A_485, %parallel_loop3A_486], %parallel_loop3A_481 {strides = array<i32>} : memref<2x8x2048xf32, #tpu.memory_space<vmem>>, vector<16xf32>,
      } {sc.loop_unroll_factor = 16 : i64, sc.parallel_access}
      %sub3A_411 = arith.constant 3 : i32
      %sub3A_412 = arith.subi %sub3A_374, %sub3A_411 : i32
      %and3A_413 = arith.constant 15 : i32
      %and3A_414 = arith.andi %sub3A_412, %and3A_413 : i32
      %mul3A_415 = arith.constant 4128 : i32
      %mul3A_416 = arith.muli %and3A_414, %mul3A_415 : i32
      %sub3A_417 = arith.subi %sub3A_412, %and3A_414 : i32
      %add3A_418 = arith.addi %mul3A_416, %sub3A_417 : i32
      %multiple_of3A_419 = tpu.assume_multiple %add3A_418, 16 : i32
      %parallel_loop3A_420 = arith.constant 0 : i32
      %parallel_loop3A_421 = arith.constant 128 : i32
      %parallel_loop3A_422 = arith.constant 1 : i32
      scf.for %parallel_loop3A_476 = %parallel_loop3A_420 to %parallel_loop3A_421 step %parallel_loop3A_422  : i32 {
        %parallel_loop3A_477 = arith.constant 16 : i32
        %parallel_loop3A_478 = arith.muli %parallel_loop3A_476, %parallel_loop3A_477 : i32
        %parallel_loop3A_479 = arith.addi %multiple_of3A_419, %parallel_loop3A_478 : i32
        %parallel_loop3A_480 = arith.index_cast %parallel_loop3A_479 : i32 to index
        %parallel_loop3A_481 = tpu.vector_load %arg8[%parallel_loop3A_480] {strides = array<i32>} : memref<66048xf32, #tpu.memory_space<vmem>>, vector<16xf32>,
        %parallel_loop3A_482 = arith.constant 0 : i32
        %parallel_loop3A_483 = arith.constant 3 : i32
        %parallel_loop3A_484 = arith.index_cast %parallel_loop3A_482 : i32 to index
        %parallel_loop3A_485 = arith.index_cast %parallel_loop3A_483 : i32 to index
        %parallel_loop3A_486 = arith.index_cast %parallel_loop3A_478 : i32 to index
        %parallel_loop3A_487 = tpu.vector_load %arg9[%parallel_loop3A_484, %parallel_loop3A_485, %parallel_loop3A_486] {strides = array<i32>} : memref<2x8x2048xf32, #tpu.memory_space<vmem>>, vector<16xf32>,
        tpu.vector_store %arg9[%parallel_loop3A_484, %parallel_loop3A_485, %parallel_loop3A_486], %parallel_loop3A_481 {strides = array<i32>} : memref<2x8x2048xf32, #tpu.memory_space<vmem>>, vector<16xf32>,
      } {sc.loop_unroll_factor = 16 : i64, sc.parallel_access}
      %sub3A_423 = arith.constant 4 : i32
      %sub3A_424 = arith.subi %sub3A_374, %sub3A_423 : i32
      %and3A_425 = arith.constant 15 : i32
      %and3A_426 = arith.andi %sub3A_424, %and3A_425 : i32
      %mul3A_427 = arith.constant 4128 : i32
      %mul3A_428 = arith.muli %and3A_426, %mul3A_427 : i32
      %sub3A_429 = arith.subi %sub3A_424, %and3A_426 : i32
      %add3A_430 = arith.addi %mul3A_428, %sub3A_429 : i32
      %multiple_of3A_431 = tpu.assume_multiple %add3A_430, 16 : i32
      %parallel_loop3A_432 = arith.constant 0 : i32
      %parallel_loop3A_433 = arith.constant 128 : i32
      %parallel_loop3A_434 = arith.constant 1 : i32
      scf.for %parallel_loop3A_476 = %parallel_loop3A_432 to %parallel_loop3A_433 step %parallel_loop3A_434  : i32 {
        %parallel_loop3A_477 = arith.constant 16 : i32
        %parallel_loop3A_478 = arith.muli %parallel_loop3A_476, %parallel_loop3A_477 : i32
        %parallel_loop3A_479 = arith.addi %multiple_of3A_431, %parallel_loop3A_478 : i32
        %parallel_loop3A_480 = arith.index_cast %parallel_loop3A_479 : i32 to index
        %parallel_loop3A_481 = tpu.vector_load %arg8[%parallel_loop3A_480] {strides = array<i32>} : memref<66048xf32, #tpu.memory_space<vmem>>, vector<16xf32>,
        %parallel_loop3A_482 = arith.constant 0 : i32
        %parallel_loop3A_483 = arith.constant 4 : i32
        %parallel_loop3A_484 = arith.index_cast %parallel_loop3A_482 : i32 to index
        %parallel_loop3A_485 = arith.index_cast %parallel_loop3A_483 : i32 to index
        %parallel_loop3A_486 = arith.index_cast %parallel_loop3A_478 : i32 to index
        %parallel_loop3A_487 = tpu.vector_load %arg9[%parallel_loop3A_484, %parallel_loop3A_485, %parallel_loop3A_486] {strides = array<i32>} : memref<2x8x2048xf32, #tpu.memory_space<vmem>>, vector<16xf32>,
        tpu.vector_store %arg9[%parallel_loop3A_484, %parallel_loop3A_485, %parallel_loop3A_486], %parallel_loop3A_481 {strides = array<i32>} : memref<2x8x2048xf32, #tpu.memory_space<vmem>>, vector<16xf32>,
      } {sc.loop_unroll_factor = 16 : i64, sc.parallel_access}
      %sub3A_435 = arith.constant 5 : i32
      %sub3A_436 = arith.subi %sub3A_374, %sub3A_435 : i32
      %and3A_437 = arith.constant 15 : i32
      %and3A_438 = arith.andi %sub3A_436, %and3A_437 : i32
      %mul3A_439 = arith.constant 4128 : i32
      %mul3A_440 = arith.muli %and3A_438, %mul3A_439 : i32
      %sub3A_441 = arith.subi %sub3A_436, %and3A_438 : i32
      %add3A_442 = arith.addi %mul3A_440, %sub3A_441 : i32
      %multiple_of3A_443 = tpu.assume_multiple %add3A_442, 16 : i32
      %parallel_loop3A_444 = arith.constant 0 : i32
      %parallel_loop3A_445 = arith.constant 128 : i32
      %parallel_loop3A_446 = arith.constant 1 : i32
      scf.for %parallel_loop3A_476 = %parallel_loop3A_444 to %parallel_loop3A_445 step %parallel_loop3A_446  : i32 {
        %parallel_loop3A_477 = arith.constant 16 : i32
        %parallel_loop3A_478 = arith.muli %parallel_loop3A_476, %parallel_loop3A_477 : i32
        %parallel_loop3A_479 = arith.addi %multiple_of3A_443, %parallel_loop3A_478 : i32
        %parallel_loop3A_480 = arith.index_cast %parallel_loop3A_479 : i32 to index
        %parallel_loop3A_481 = tpu.vector_load %arg8[%parallel_loop3A_480] {strides = array<i32>} : memref<66048xf32, #tpu.memory_space<vmem>>, vector<16xf32>,
        %parallel_loop3A_482 = arith.constant 0 : i32
        %parallel_loop3A_483 = arith.constant 5 : i32
        %parallel_loop3A_484 = arith.index_cast %parallel_loop3A_482 : i32 to index
        %parallel_loop3A_485 = arith.index_cast %parallel_loop3A_483 : i32 to index
        %parallel_loop3A_486 = arith.index_cast %parallel_loop3A_478 : i32 to index
        %parallel_loop3A_487 = tpu.vector_load %arg9[%parallel_loop3A_484, %parallel_loop3A_485, %parallel_loop3A_486] {strides = array<i32>} : memref<2x8x2048xf32, #tpu.memory_space<vmem>>, vector<16xf32>,
        tpu.vector_store %arg9[%parallel_loop3A_484, %parallel_loop3A_485, %parallel_loop3A_486], %parallel_loop3A_481 {strides = array<i32>} : memref<2x8x2048xf32, #tpu.memory_space<vmem>>, vector<16xf32>,
      } {sc.loop_unroll_factor = 16 : i64, sc.parallel_access}
      %sub3A_447 = arith.constant 6 : i32
      %sub3A_448 = arith.subi %sub3A_374, %sub3A_447 : i32
      %and3A_449 = arith.constant 15 : i32
      %and3A_450 = arith.andi %sub3A_448, %and3A_449 : i32
      %mul3A_451 = arith.constant 4128 : i32
      %mul3A_452 = arith.muli %and3A_450, %mul3A_451 : i32
      %sub3A_453 = arith.subi %sub3A_448, %and3A_450 : i32
      %add3A_454 = arith.addi %mul3A_452, %sub3A_453 : i32
      %multiple_of3A_455 = tpu.assume_multiple %add3A_454, 16 : i32
      %parallel_loop3A_456 = arith.constant 0 : i32
      %parallel_loop3A_457 = arith.constant 128 : i32
      %parallel_loop3A_458 = arith.constant 1 : i32
      scf.for %parallel_loop3A_476 = %parallel_loop3A_456 to %parallel_loop3A_457 step %parallel_loop3A_458  : i32 {
        %parallel_loop3A_477 = arith.constant 16 : i32
        %parallel_loop3A_478 = arith.muli %parallel_loop3A_476, %parallel_loop3A_477 : i32
        %parallel_loop3A_479 = arith.addi %multiple_of3A_455, %parallel_loop3A_478 : i32
        %parallel_loop3A_480 = arith.index_cast %parallel_loop3A_479 : i32 to index
        %parallel_loop3A_481 = tpu.vector_load %arg8[%parallel_loop3A_480] {strides = array<i32>} : memref<66048xf32, #tpu.memory_space<vmem>>, vector<16xf32>,
        %parallel_loop3A_482 = arith.constant 0 : i32
        %parallel_loop3A_483 = arith.constant 6 : i32
        %parallel_loop3A_484 = arith.index_cast %parallel_loop3A_482 : i32 to index
        %parallel_loop3A_485 = arith.index_cast %parallel_loop3A_483 : i32 to index
        %parallel_loop3A_486 = arith.index_cast %parallel_loop3A_478 : i32 to index
        %parallel_loop3A_487 = tpu.vector_load %arg9[%parallel_loop3A_484, %parallel_loop3A_485, %parallel_loop3A_486] {strides = array<i32>} : memref<2x8x2048xf32, #tpu.memory_space<vmem>>, vector<16xf32>,
        tpu.vector_store %arg9[%parallel_loop3A_484, %parallel_loop3A_485, %parallel_loop3A_486], %parallel_loop3A_481 {strides = array<i32>} : memref<2x8x2048xf32, #tpu.memory_space<vmem>>, vector<16xf32>,
      } {sc.loop_unroll_factor = 16 : i64, sc.parallel_access}
      %sub3A_459 = arith.constant 7 : i32
      %sub3A_460 = arith.subi %sub3A_374, %sub3A_459 : i32
      %and3A_461 = arith.constant 15 : i32
      %and3A_462 = arith.andi %sub3A_460, %and3A_461 : i32
      %mul3A_463 = arith.constant 4128 : i32
      %mul3A_464 = arith.muli %and3A_462, %mul3A_463 : i32
      %sub3A_465 = arith.subi %sub3A_460, %and3A_462 : i32
      %add3A_466 = arith.addi %mul3A_464, %sub3A_465 : i32
      %multiple_of3A_467 = tpu.assume_multiple %add3A_466, 16 : i32
      %parallel_loop3A_468 = arith.constant 0 : i32
      %parallel_loop3A_469 = arith.constant 128 : i32
      %parallel_loop3A_470 = arith.constant 1 : i32
      scf.for %parallel_loop3A_476 = %parallel_loop3A_468 to %parallel_loop3A_469 step %parallel_loop3A_470  : i32 {
        %parallel_loop3A_477 = arith.constant 16 : i32
        %parallel_loop3A_478 = arith.muli %parallel_loop3A_476, %parallel_loop3A_477 : i32
        %parallel_loop3A_479 = arith.addi %multiple_of3A_467, %parallel_loop3A_478 : i32
        %parallel_loop3A_480 = arith.index_cast %parallel_loop3A_479 : i32 to index
        %parallel_loop3A_481 = tpu.vector_load %arg8[%parallel_loop3A_480] {strides = array<i32>} : memref<66048xf32, #tpu.memory_space<vmem>>, vector<16xf32>,
        %parallel_loop3A_482 = arith.constant 0 : i32
        %parallel_loop3A_483 = arith.constant 7 : i32
        %parallel_loop3A_484 = arith.index_cast %parallel_loop3A_482 : i32 to index
        %parallel_loop3A_485 = arith.index_cast %parallel_loop3A_483 : i32 to index
        %parallel_loop3A_486 = arith.index_cast %parallel_loop3A_478 : i32 to index
        %parallel_loop3A_487 = tpu.vector_load %arg9[%parallel_loop3A_484, %parallel_loop3A_485, %parallel_loop3A_486] {strides = array<i32>} : memref<2x8x2048xf32, #tpu.memory_space<vmem>>, vector<16xf32>,
        tpu.vector_store %arg9[%parallel_loop3A_484, %parallel_loop3A_485, %parallel_loop3A_486], %parallel_loop3A_481 {strides = array<i32>} : memref<2x8x2048xf32, #tpu.memory_space<vmem>>, vector<16xf32>,
      } {sc.loop_unroll_factor = 16 : i64, sc.parallel_access}
      %lt3A_471 = arith.constant 63 : i32
      %lt3A_472 = arith.cmpi slt, %scan3A_220, %lt3A_471 : i32
      %convert_element_type3A_473 = arith.extui %lt3A_472 : i1 to i32
      %cond3A_474 = arith.constant 0 : i32
      %cond3A_475 = arith.cmpi ne, %convert_element_type3A_473, %cond3A_474 : i32
      scf.if %cond3A_475 {
        %add3A_476 = arith.constant 2 : i32
        %add3A_477 = arith.addi %mul3A_222, %add3A_476 : i32
        %mul3A_478 = arith.constant 8 : i32
        %mul3A_479 = arith.muli %add3A_477, %mul3A_478 : i32
        %add3A_480 = arith.addi %mul3A_32, %mul3A_479 : i32
        %multiple_of3A_481 = tpu.assume_multiple %add3A_480, 8 : i32
        %dma_start3A_482 = arith.constant 0 : i32
        %dma_start3A_483 = arith.constant 0 : i32
        %dma_start3A_484 = arith.constant 0 : i32
        %dma_start3A_485 = tpu.memref_slice %arg9[%dma_start3A_482, %dma_start3A_483, %dma_start3A_484] : memref<2x8x2048xf32, #tpu.memory_space<vmem>> -> memref<1x8x2048xf32, #tpu.memory_space<vmem>>
        %dma_start3A_486 = tpu.memref_squeeze %dma_start3A_485 : memref<1x8x2048xf32, #tpu.memory_space<vmem>> -> memref<8x2048xf32, #tpu.memory_space<vmem>>
        %dma_start3A_487 = arith.constant 0 : i32
        %dma_start3A_488 = tpu.memref_slice %arg4[%select_n3A, %multiple_of3A_481, %dma_start3A_487] : memref<16x2048x2048xf32, #tpu.memory_space<hbm>> -> memref<1x8x2048xf32, #tpu.memory_space<hbm>>
        %dma_start3A_489 = tpu.memref_squeeze %dma_start3A_488 : memref<1x8x2048xf32, #tpu.memory_space<hbm>> -> memref<8x2048xf32, #tpu.memory_space<hbm>>
        %dma_start3A_490 = arith.constant 0 : i32
        %dma_start3A_491 = tpu.memref_slice %arg4[%select_n3A, %multiple_of3A_481, %dma_start3A_490] : memref<16x2048x2048xf32, #tpu.memory_space<hbm>> -> memref<1x8x2048xf32, #tpu.memory_space<hbm>>
        %dma_start3A_492 = tpu.memref_squeeze %dma_start3A_491 : memref<1x8x2048xf32, #tpu.memory_space<hbm>> -> memref<8x2048xf32, #tpu.memory_space<hbm>>
        %dma_start3A_493 = arith.constant 0 : i32
        %dma_start3A_494 = arith.constant 0 : i32
        %dma_start3A_495 = tpu.memref_slice %arg9[%dma_start3A_482, %dma_start3A_493, %dma_start3A_494] : memref<2x8x2048xf32, #tpu.memory_space<vmem>> -> memref<1x8x2048xf32, #tpu.memory_space<vmem>>
        %dma_start3A_496 = tpu.memref_squeeze %dma_start3A_495 : memref<1x8x2048xf32, #tpu.memory_space<vmem>> -> memref<8x2048xf32, #tpu.memory_space<vmem>>
        tpu.enqueue_dma source(%dma_start3A_496 : memref<8x2048xf32, #tpu.memory_space<vmem>>) target(%dma_start3A_492 : memref<8x2048xf32, #tpu.memory_space<hbm>>) target_semaphore(%arg10 : memref<!tpu.dma_semaphore, #tpu.memory_space<semaphore_mem>>)
      } else {
      }
    }
    %scan3A_202 = arith.constant 64 : i32
    %add3A_203 = arith.constant 1016 : i32
    %add3A_204 = arith.addi %mul3A_32, %add3A_203 : i32
    %multiple_of3A_205 = tpu.assume_multiple %add3A_204, 8 : i32
    %dma_wait3A = arith.constant 1 : i32
    %dma_wait3A_206 = arith.constant 0 : i32
    %dma_wait3A_207 = arith.constant 0 : i32
    %dma_wait3A_208 = tpu.memref_slice %arg9[%dma_wait3A, %dma_wait3A_206, %dma_wait3A_207] : memref<2x8x2048xf32, #tpu.memory_space<vmem>> -> memref<1x8x2048xf32, #tpu.memory_space<vmem>>
    %dma_wait3A_209 = tpu.memref_squeeze %dma_wait3A_208 : memref<1x8x2048xf32, #tpu.memory_space<vmem>> -> memref<8x2048xf32, #tpu.memory_space<vmem>>
    %dma_wait3A_210 = arith.constant 0 : i32
    %dma_wait3A_211 = tpu.memref_slice %arg4[%select_n3A, %multiple_of3A_205, %dma_wait3A_210] : memref<16x2048x2048xf32, #tpu.memory_space<hbm>> -> memref<1x8x2048xf32, #tpu.memory_space<hbm>>
    %dma_wait3A_212 = tpu.memref_squeeze %dma_wait3A_211 : memref<1x8x2048xf32, #tpu.memory_space<hbm>> -> memref<8x2048xf32, #tpu.memory_space<hbm>>
    %dma_wait3A_213 = arith.constant 0 : i32
    %dma_wait3A_214 = tpu.memref_slice %arg4[%select_n3A, %multiple_of3A_205, %dma_wait3A_213] : memref<16x2048x2048xf32, #tpu.memory_space<hbm>> -> memref<1x8x2048xf32, #tpu.memory_space<hbm>>
    %dma_wait3A_215 = tpu.memref_squeeze %dma_wait3A_214 : memref<1x8x2048xf32, #tpu.memory_space<hbm>> -> memref<8x2048xf32, #tpu.memory_space<hbm>>
    %dma_wait3A_216 = arith.constant 0 : i32
    %dma_wait3A_217 = arith.constant 0 : i32
    %dma_wait3A_218 = tpu.memref_slice %arg9[%dma_wait3A, %dma_wait3A_216, %dma_wait3A_217] : memref<2x8x2048xf32, #tpu.memory_space<vmem>> -> memref<1x8x2048xf32, #tpu.memory_space<vmem>>
    %dma_wait3A_219 = tpu.memref_squeeze %dma_wait3A_218 : memref<1x8x2048xf32, #tpu.memory_space<vmem>> -> memref<8x2048xf32, #tpu.memory_space<vmem>>
    tpu.wait_dma2 semaphore(%arg11 : memref<!tpu.dma_semaphore, #tpu.memory_space<semaphore_mem>>) src(%dma_wait3A_219 : memref<8x2048xf32, #tpu.memory_space<vmem>>) dst(%dma_wait3A_215 : memref<8x2048xf32, #tpu.memory_space<hbm>>)
    return
  }
}

</mosaic_0001>

<sc_bundles>
// kernel: kernel.3.cloned.1.call-start
scs
__scs_entry_jumppad:
0x0: {  	(pc) =	sbr.rel $0x88, $3  }
0x1: {  	(tag) =	ssettag $0x0;
	lr =	simm.s32 $0x1  }
0x2: {  	[smem:$0x3FA0] =	sst lr;
	_ =	strace $0xD0000000  }
0x3: {  	_ = 	snop  }
0x4: {  	_ = 	snop  }
0x5: {  	_ = 	snop  }
0x6: {  	_ = 	snop  }
0x7: {  	_ = 	snop  }
__scs_overlays_trampoline_lowered:
0x8: {  	[smem:$0x3FAF] =	sst s0  }
0x9: {  	[smem:$0x3FB0] =	sst s1  }
0xa: {  	[smem:$0x3FB1] =	sst s2  }
0xb: {  	[smem:$0x3FB2] =	sst s3  }
0xc: {  	[smem:$0x3FB3] =	sst s4  }
0xd: {  	[smem:$0x3FB4] =	sst s5  }
0xe: {  	[smem:$0x3FB5] =	sst s6  }
0xf: {  	[smem:$0x3FB6] =	sst s7  }
0x10: {  	[smem:$0x3FB7] =	sst s8  }
0x11: {  	[smem:$0x3FB8] =	sst s9;
	s0 =	simm.s32 @!p0 $0x0  }
0x12: {  	s1 =	sld [smem:$0x3F9E];
	s0 =	simm.s32 @p0 $0x1  }
0x13: {  	[smem:$0x3FB9] =	sst s0;
	s0 =	simm.s32 @!p1 $0x0  }
0x14: {  	s2 =	sld [smem:$0x3F9D];
	s0 =	simm.s32 @p1 $0x1  }
0x15: {  	[smem:$0x3FBA] =	sst s0;
	s0 =	simm.s32 @!p2 $0x0  }
0x16: {  	s3 =	sld [smem:$0x3FDB];
	s0 =	simm.s32 @p2 $0x1  }
0x17: {  	s4 =	simm.s32 $0x1BF5;
	[smem:$0x3FBC] =	sst s0  }
0x18: {  	s0 =	sld [smem:$0x3F9F];
	_ =	swait.ge [sflag:s4], $0x0  }
0x19: {  	s7 =	sld [smem:$0x3FA0]  }
0x1a: {  	s8 =	sadd.s32 $0xFFFFE003, lr  }
0x1b: {  	s9 =	sadd.s32 $0xFFFFFEF7, lr;
	s5 =	simm.s32 $0xFFFFFFFF;
	p2 =	slt.u32 s8, $0xFFFFF086  }
0x1c: {  	p1 =	slt.u32 s9, $0xF7A;
	s5 =	simm.s32 @!p2 $0x0  }
0x1d: {  	s5 =	simm.s32 @p1 $0x1;
	p0 =	seq.s32 s7, s2  }
0x1e: {  	s7 =	smul.u32 @!p0 $0xF7A, s2;
	p2 =	seq.s32 @!p0 s5, $0x0  }
0x1f: {  	s9 =	smul.u32 $0xF7A, s1;
	s8 =	simm.s32 @!p0 $0x1BF5;
	p2 =	por !p2, p0  }
0x20: {  	[sflag:s8] =	ssyncset.s32 @!p0 $0xFFFFF086;
	s6 =	sadd.s32 @!p0 s3, s7;
	s7 =	simm.s32 @!p0 $0x108  }
0x21: {  	s3 =	sadd.s32 s3, s9;
	s6 =	sadd.s32 @!p0 $0x88, s6;
	s7 =	simm.s32 @p2 $0x1082  }
0x22: {  	[simem:s7], [sflag:s8] =	dma.local @!p0 [hbm:s6], $0xF7A  }
0x23: {  	s9 =	sor.u32 $0xD0000000, s2;
	s6 =	simm.s32 $0x108;
	_ =	swait.ge @!p0 [sflag:s8], $0x0  }
0x24: {  	s3 =	sadd.s32 $0x88, s3;
	s6 =	simm.s32 @!p1 $0x1082;
	[sflag:s4] =	ssyncset.s32 $0xFFFFF086  }
0x25: {  	[simem:s6], [sflag:s4] =	dma.local [hbm:s3], $0xF7A  }
0x26: {  	[smem:$0x3FA0] =	sst s1;
	(tag) =	ssettag s2;
	_ =	strace s9  }
0x27: {  	s1 =	sld [smem:$0x3FB0]  }
0x28: {  	s2 =	sld [smem:$0x3FB1]  }
0x29: {  	s4 =	sld [smem:$0x3FB3]  }
0x2a: {  	p0 =	seq.s32 s5, $0x0;
	s5 =	sld [smem:$0x3FB4]  }
0x2b: {  	s6 =	sld [smem:$0x3FB5]  }
0x2c: {  	s7 =	sld [smem:$0x3FB6]  }
0x2d: {  	s3 =	simm.s32 $0x108;
	s8 =	sld [smem:$0x3FB7]  }
0x2e: {  	s3 =	simm.s32 @!p0 $0x1082;
	s9 =	sld [smem:$0x3FB8]  }
0x2f: {  	lr =	sadd.s32 s0, s3;
	s0 =	sld [smem:$0x3FAF]  }
0x30: {  	s3 =	sld [smem:$0x3FB2]  }
0x31: {  	[smem:$0x3FBB] =	sst s10  }
0x32: {  	s10 =	sld [smem:$0x3FB9];
	_ =	sdelay $0x3  }
0x33: {  	p0 =	seq.s32 s10, $0x1;
	s10 =	sld [smem:$0x3FBB];
	_ =	sdelay $0x3  }
0x34: {  	[smem:$0x3FBB] =	sst s10  }
0x35: {  	s10 =	sld [smem:$0x3FBA];
	_ =	sdelay $0x3  }
0x36: {  	p1 =	seq.s32 s10, $0x1;
	s10 =	sld [smem:$0x3FBB];
	_ =	sdelay $0x3  }
0x37: {  	[smem:$0x3FBB] =	sst s10  }
0x38: {  	s10 =	sld [smem:$0x3FBC]  }
0x39: {  	_ = 	snop;
	(pc) =	sbr.ind lr, $3  }
0x3a: {  	_ = 	snop  }
0x3b: {  	_ = 	snop  }
0x3c: {  	p2 =	seq.s32 s10, $0x1;
	s10 =	sld [smem:$0x3FBB]  }
0x3d: {  	_ =	shalt  }
0x3e: {  	_ =	shalt  }
0x3f: {  	_ =	shalt  }
0x40: {  	_ =	shalt  }
0x41: {  	_ =	shalt  }
0x42: {  	_ =	shalt  }
0x43: {  	_ =	shalt  }
0x44: {  	_ =	shalt  }
0x45: {  	_ =	shalt  }
0x46: {  	_ =	shalt  }
0x47: {  	_ =	shalt  }
0x48: {  	_ =	shalt  }
0x49: {  	_ =	shalt  }
0x4a: {  	_ =	shalt  }
0x4b: {  	_ =	shalt  }
0x4c: {  	_ =	shalt  }
0x4d: {  	_ =	shalt  }
0x4e: {  	_ =	shalt  }
0x4f: {  	_ =	shalt  }
0x50: {  	_ =	shalt  }
0x51: {  	_ =	shalt  }
0x52: {  	_ =	shalt  }
0x53: {  	_ =	shalt  }
0x54: {  	_ =	shalt  }
0x55: {  	_ =	shalt  }
0x56: {  	_ =	shalt  }
0x57: {  	_ =	shalt  }
0x58: {  	_ =	shalt  }
0x59: {  	_ =	shalt  }
0x5a: {  	_ =	shalt  }
0x5b: {  	_ =	shalt  }
0x5c: {  	_ =	shalt  }
0x5d: {  	_ =	shalt  }
0x5e: {  	_ =	shalt  }
0x5f: {  	_ =	shalt  }
0x60: {  	_ =	shalt  }
0x61: {  	_ =	shalt  }
0x62: {  	_ =	shalt  }
0x63: {  	_ =	shalt  }
0x64: {  	_ =	shalt  }
0x65: {  	_ =	shalt  }
0x66: {  	_ =	shalt  }
0x67: {  	_ =	shalt  }
0x68: {  	_ =	shalt  }
0x69: {  	_ =	shalt  }
0x6a: {  	_ =	shalt  }
0x6b: {  	_ =	shalt  }
0x6c: {  	_ =	shalt  }
0x6d: {  	_ =	shalt  }
0x6e: {  	_ =	shalt  }
0x6f: {  	_ =	shalt  }
0x70: {  	_ =	shalt  }
0x71: {  	_ =	shalt  }
0x72: {  	_ =	shalt  }
0x73: {  	_ =	shalt  }
0x74: {  	_ =	shalt  }
0x75: {  	_ =	shalt  }
0x76: {  	_ =	shalt  }
0x77: {  	_ =	shalt  }
0x78: {  	_ =	shalt  }
0x79: {  	_ =	shalt  }
0x7a: {  	_ =	shalt  }
0x7b: {  	_ =	shalt  }
0x7c: {  	_ =	shalt  }
0x7d: {  	_ =	shalt  }
0x7e: {  	_ =	shalt  }
0x7f: {  	_ =	shalt  }
0x80: {  	_ =	shalt  }
0x81: {  	_ =	shalt  }
0x82: {  	_ =	shalt  }
0x83: {  	_ =	shalt  }
0x84: {  	_ =	shalt  }
0x85: {  	_ =	shalt  }
0x86: {  	_ =	shalt  }
0x87: {  	_ =	shalt  }
.Lfunc_end0:
.L_simem_size_0:
called_computation_lowered:
.L_overlay_start_0:
0x88: {  	s2 =	sld [smem:$0x3FD9]  }
0x89: {  	s3 =	sld [smem:$0x3FFE];
	_ =	sdelay $0x1  }
0x8a: {  	s1 =	srdreg.scid  }
0x8b: {  	s0 =	sand.u32 $0x1, s1  }
0x8c: {  	s17 =	sshll.u32 s0, $0xA;
	s2 =	sadd.s32 s3, s2  }
0x8d: {  	s2 =	sadd.s32 s2, s17  }
0x8e: {  	[smem:$0x3FC7] =	sst s2  }
0x8f: {  	_ = 	snop  }
0x90: {  	s2 =	sld [smem:$0x3FD0];
	(tm) =	ssettm $0x1  }
0x91: {  	s18 =	sld [smem:$0x3FFB];
	_ =	sdelay $0x3  }
0x92: {  	_ =	strace s18  }
0x93: {  	s3 =	sld [smem:$0x3FFC];
	_ =	sdelay $0x3  }
0x94: {  	_ =	strace s3  }
0x95: {  	s3 =	sld [smem:$0x3FFD];
	_ =	sdelay $0x3  }
0x96: {  	_ =	strace s3  }
0x97: {  	_ =	strace $0x8FFFFFFF  }
0x98: {  	s19 =	sld [smem:$0x3FDB];
	_ =	sdelay $0x1  }
0x99: {  	s4 =	simm.s32 $_scs_section_size  }
0x9a: {  	s5 =	simm.s32 $_size__tile_overlayer_lowered;
	s6 =	simm.s32 $_tile_overlayer_lowered  }
0x9b: {  	s22 =	simm.s32 $0x1BFF;
	s21 =	sshll.u32 s6, $0x1;
	s3 =	sadd.s32 s4, s19  }
0x9c: {  	s7 =	simm.s32 $0x0;
	s20 =	sshll.u32 s5, $0x1;
	s5 =	sadd.s32 s21, s3  }
0x9d: {  	[timem:s7], [sflag:s22] =	dma.local [hbm:s5], s20  }
0x9e: {  	_ =	swait.ge [sflag:s22], s20  }
0x9f: {  	s4 =	ssub.s32 $0x0, s20;
	[sflag:s22] =	ssyncset.done $0x0  }
0xa0: {  	[sflag:s22] =	ssyncadd.s32 s4;
	_ =	sdelay $0x1  }
0xa1: {  	s23 =	simm.s32 $0x1B8B  }
0xa2: {  	_ =	swait.ge [sflag:s23], $0x1  }
0xa3: {  	[sflag:s23] =	ssyncset.done $0x0  }
0xa4: {  	s25 =	simm.s32 $0x1B8E;
	s24 =	sld [smem:$0x3FFE];
	[sflag:s23] =	ssyncadd.s32 $0xFFFFFFFF  }
0xa5: {  	s26 =	simm.s32 $execute0_lowered;
	[smem:$0x3FD2] =	sst s25  }
0xa6: {  	s5 =	sshll.u32 s26, $0x1;
	_ =	strace $0x80000046;
	[dreg:$0x1] =	wrdreg $0xFFFFFFFF  }
0xa7: {  	s28 =	simm.s32 $_size_execute0_lowered;
	s3 =	sadd.s32 s3, s5;
	[dreg:$0x0] =	wrdreg $0x0  }
0xa8: {  	s5 =	sshll.u32 s28, $0x1;
	[dreg:$0x2] =	wrdreg s3  }
0xa9: {  	[dreg:$0x3] =	wrdreg s5  }
0xaa: {  	[dreg:$0x4] =	wrdreg $0xC0  }
0xab: {  	_ =	task [dreg:s7], $0x5FFFF  }
0xac: {  	[dreg:$0x1] =	wrdreg $0xFFFFFFFF  }
0xad: {  	[dreg:$0x0] =	wrdreg $0x60  }
0xae: {  	[dreg:$0x2] =	wrdreg s24  }
0xaf: {  	[dreg:$0x3] =	wrdreg s2  }
0xb0: {  	[dreg:$0x4] =	wrdreg $0x9  }
0xb1: {  	_ =	task.clear_ibuf [dreg:s7], $0x5FFFF;
	_ =	strace $0x90000046  }
0xb2: {  	s29 =	simm.s32 $0x9;
	_ =	strace $0x80000048  }
0xb3: {  	_ =	swait.ge [sflag:s29], $0x1  }
0xb4: {  	[sflag:s29] =	ssyncadd.s32 $0xFFFFFFFF  }
0xb5: {  	_ =	strace $0x90000048  }
0xb6: {  	_ =	sfence  }
0xb7: {  	s30 =	sld [smem:$0x0];
	_ =	sdelay $0x2  }
0xb8: {  	s31 =	sshll.u32 s1, $0xD;
	s1 =	sshrl.u32 s1, $0x2  }
0xb9: {  	s3 =	sand.u32 $0x4000, s31;
	s1 =	sadd.s32 s1, s30  }
0xba: {  	s0 =	sor.u32 s3, s0;
	s1 =	sshll.u32 s1, $0x11  }
0xbb: {  	s0 =	sor.u32 s1, s0  }
0xbc: {  	s0 =	sadd.s32 $0x8F2B, s0  }
0xbd: {  	[sflag:s0] =	ssyncadd.remote.s32 $0x1  }
0xbe: {  	_ =	sfence.sel $0xFFFF  }
0xbf: {  	[dreg:$0x0] =	wrdreg $0xFFFFFFFF;
	(pc) =	sbr.abs _section_cstart, $3  }
0xc0: {  	[dreg:$0x1] =	wrdreg $0xFFFFFFFF  }
0xc1: {  	_ =	task.clear_ibuf [dreg:s7], $0x2FFFF;
	_ =	strace $0x9FFFFFFF  }
0xc2: {  	(tm) =	ssettm $0x7FFFFFFF  }
0xc3: {  	_ =	shalt  }
tec
execute0_lowered:
.L_overlay_start_1:
0x0: {  	(tag) =	ssettag $0x1  }
0x1: {  	s0 =	srdreg.scid  }
0x2: {  	s5 =	stileid.u32;
	s2 =	rddreg [dreg:$0x0]  }
0x3: {  	s6 =	rddreg [dreg:$0x1];
	s10 =	simm.s32 $0x0;
	s1 =	sand.u32 $0x1, s0  }
0x4: {  	s3 =	sand.u32 $0x1, s5;
	[smem:$0x7FF] =	sst s10;
	s23 =	sadd.s32 $0x600, s2  }
0x5: {  	s2 =	sadd.s32 $0x400, s2;
	s0 =	sshll.u32 s1, $0x4;
	p1 =	seq.s32 s3, $0x1  }
0x6: {  	_ =	strace $0x80000047;
	s1 =	ssub.s32 $0x2, s1;
	[dreg:$0x5] =	wrdreg s23  }
0x7: {  	[dreg:$0x6] =	wrdreg s2;
	s26 =	sshll.u32 s3, $0xC;
	s0 =	sor.u32 s5, s0  }
0x8: {  	s5 =	sshll.u32 s5, $0xA;
	s24 =	sshrl.u32 s1, $0x1;
	s30 =	ssub.s32 $0x3AA80, s26  }
0x9: {  	s31 =	ssub.s32 $0x36A00, s26;
	s11 =	ssub.s32 $0x2A880, s26;
	s20 =	ssub.s32 $0x0, s26  }
0xa: {  	s17 =	ssub.s32 $0xE500, s26;
	s7 =	sand.u32 $0x400, s5;
	[dreg:$0x12] =	wrdreg s20  }
0xb: {  	s1 =	ssub.s32 s1, s24;
	s28 =	sor.u32 $0x10, s7;
	[dreg:$0x3] =	wrdreg s7  }
0xc: {  	s13 =	sshrl.u32 s11, $0x2;
	s1 =	smax.u32 s1, $0x1;
	[dreg:$0x8] =	wrdreg s28  }
0xd: {  	s19 =	sshrl.u32 s17, $0x2;
	s14 =	sadd.s32 $0x3100, s13;
	[dreg:$0x9] =	wrdreg s1  }
0xe: {  	s9 =	ssub.s32 $0x2E900, s26;
	s21 =	sadd.s32 $0x3100, s19;
	[dreg:$0xf] =	wrdreg s14  }
0xf: {  	s3 =	sshrl.u32 s30, $0x2;
	s30 =	ssub.s32 $0x68B0, s7;
	[dreg:$0x13] =	wrdreg s21  }
0x10: {  	s5 =	sshrl.u32 s31, $0x2;
	s31 =	ssub.s32 $0x5910, s7;
	[dreg:$0x1a] =	wrdreg s30  }
0x11: {  	s12 =	sshrl.u32 s9, $0x2;
	s9 =	ssub.s32 $0x28B0, s7;
	[dreg:$0x1b] =	wrdreg s31  }
0x12: {  	s11 =	ssub.s32 $0x1810, s7;
	[smem:$0x7E9] =	sst s9  }
0x13: {  	s16 =	ssub.s32 $0x22780, s26;
	s13 =	sxor.u32 $0x7F0, s7;
	[smem:$0x7EA] =	sst s11  }
0x14: {  	s18 =	sshrl.u32 s16, $0x2;
	s16 =	ssub.s32 $0xFA40, s7;
	[smem:$0x7EC] =	sst s13  }
0x15: {  	s17 =	ssub.s32 $0xE9A0, s7;
	[smem:$0x7EF] =	sst s16  }
0x16: {  	s19 =	ssub.s32 $0xD980, s7;
	[smem:$0x7F0] =	sst s17  }
0x17: {  	s20 =	ssub.s32 $0xDA00, s7;
	[smem:$0x7F2] =	sst s19  }
0x18: {  	s29 =	ssub.s32 $0x3EB00, s26;
	s28 =	ssub.s32 $0x78D0, s7;
	[smem:$0x7F3] =	sst s20  }
0x19: {  	s1 =	sshrl.u32 s29, $0x2;
	s29 =	ssub.s32 $0x6930, s7;
	[dreg:$0x18] =	wrdreg s28  }
0x1a: {  	s4 =	simm.s32 $0x1;
	s14 =	ssub.s32 $0x870, s7;
	[dreg:$0x19] =	wrdreg s29  }
0x1b: {  	s23 =	ssub.s32 $0x6400, s26;
	s21 =	ssub.s32 $0xC960, s7;
	[smem:$0x7ED] =	sst s14  }
0x1c: {  	p0 =	seq.s32 s0, $0x0;
	s30 =	ssub.s32 $0x88E0, s7;
	[smem:$0x7F4] =	sst s21  }
0x1d: {  	s0 =	sshrl.u32 s0, $0x1;
	s31 =	ssub.s32 $0x8960, s7;
	[smem:$0x7FC] =	sst s30  }
0x1e: {  	p0 =	por !p0, !p1;
	s1 =	sadd.s32 $0x3100, s1;
	[smem:$0x7FD] =	sst s31  }
0x1f: {  	p0 =	por !p0, !p0;
	s28 =	ssub.s32 $0x9900, s7;
	[dreg:$0xa] =	wrdreg s1  }
0x20: {  	s4 =	simm.s32 @!p0 $0x0;
	s29 =	ssub.s32 $0x9980, s7;
	[smem:$0x7FA] =	sst s28  }
0x21: {  	s0 =	ssub.s32 s0, s4;
	s1 =	sadd.s32 $0x3100, s3;
	[smem:$0x7FB] =	sst s29  }
0x22: {  	s3 =	sshrl.u32 s23, $0x2;
	s23 =	ssub.s32 $0xB940, s7;
	[dreg:$0xb] =	wrdreg s1  }
0x23: {  	s8 =	sshll.u32 s0, $0x16;
	[smem:$0x7F6] =	sst s23  }
0x24: {  	s22 =	sshll.u32 s7, $0xB;
	s24 =	sadd.s32 $0x3100, s3;
	[dreg:$0x4] =	wrdreg s8  }
0x25: {  	s3 =	ssub.s32 $0x48F0, s7;
	s4 =	sor.u32 s22, s8;
	[dreg:$0x15] =	wrdreg s24  }
0x26: {  	s8 =	ssub.s32 $0x32980, s26;
	[dreg:$0x1d] =	wrdreg s3;
	s24 =	ssub.s32 $0xB9C0, s7  }
0x27: {  	s25 =	sshrl.u32 s4, $0x3;
	s4 =	ssub.s32 $0x4870, s7;
	[smem:$0x7F7] =	sst s24  }
0x28: {  	s1 =	sshrl.u32 s8, $0x2;
	s8 =	ssub.s32 $0x2830, s7;
	[dreg:$0x1e] =	wrdreg s4  }
0x29: {  	s2 =	sadd.s32 s6, s25;
	[smem:$0x7E8] =	sst s8  }
0x2a: {  	s6 =	sadd.s32 $0x3100, s5;
	[dreg:$0x7] =	wrdreg s2  }
0x2b: {  	s1 =	sor.u32 $0x3100, s1;
	[dreg:$0xc] =	wrdreg s6  }
0x2c: {  	s15 =	ssub.s32 $0x26800, s26;
	s5 =	ssub.s32 $0x3850, s7;
	[dreg:$0xd] =	wrdreg s1  }
0x2d: {  	s22 =	ssub.s32 $0xA480, s26;
	s1 =	sadd.s32 $0x3100, s12;
	[dreg:$0x1f] =	wrdreg s5  }
0x2e: {  	s2 =	ssub.s32 $0x2380, s26;
	s26 =	ssub.s32 $0x7950, s7;
	[dreg:$0xe] =	wrdreg s1  }
0x2f: {  	s6 =	ssub.s32 $0x38D0, s7;
	[dreg:$0x17] =	wrdreg s26  }
0x30: {  	s12 =	ssub.s32 $0x1890, s7;
	[smem:$0x7E7] =	sst s6  }
0x31: {  	s1 =	sshrl.u32 s15, $0x2;
	[smem:$0x7EB] =	sst s12;
	s15 =	ssub.s32 $0xF9C0, s7  }
0x32: {  	s26 =	ssub.s32 $0xA9A0, s7;
	[smem:$0x7EE] =	sst s15  }
0x33: {  	s2 =	sshrl.u32 s2, $0x2;
	s1 =	sadd.s32 $0x3100, s1;
	[smem:$0x7F9] =	sst s26  }
0x34: {  	s25 =	sor.u32 $0x3100, s2;
	[dreg:$0x10] =	wrdreg s1  }
0x35: {  	s2 =	ssub.s32 $0x5890, s7;
	[dreg:$0x16] =	wrdreg s25  }
0x36: {  	s1 =	sadd.s32 $0x3100, s18;
	[dreg:$0x1c] =	wrdreg s2  }
.Ltmp0:
0x37: {  	s18 =	ssub.s32 $0xEA20, s7;
	[dreg:$0x11] =	wrdreg s1;
	(pc) =	sbr.rel .LBB2_1-.Ltmp0, $4  }
0x38: {  	s25 =	ssub.s32 $0xA920, s7;
	[smem:$0x7F1] =	sst s18  }
0x39: {  	s1 =	sshrl.u32 s22, $0x2;
	s22 =	ssub.s32 $0xC9E0, s7;
	[smem:$0x7F8] =	sst s25  }
0x3a: {  	s3 =	simm.s32 $0x1080;
	s1 =	sadd.s32 $0x3100, s1;
	[smem:$0x7F5] =	sst s22  }
0x3b: {  	v1 =	vlaneseq.u32;
	v0 =	vmov s0;
	s2 =	simm.s32 $0x0;
	s25 =	simm.s32 $0x2080;
	[dreg:$0x14] =	wrdreg s1  }
.LBB2_120:
0x3c: {  	s1 =	simm.s32 $0x2  }
0x3d: {  	_ =	swait.ge [sflag:s1], $0x4000  }
0x3e: {  	s2 =	sld [smem:$0x7E6];
	_ =	sdelay $0x2  }
0x3f: {  	s0 =	rddreg [dreg:$0x9];
	s2 =	sadd.s32 $0x1, s2  }
0x40: {  	p0 =	sne.s32 s2, s0  }
.Ltmp1:
0x41: {  	_ = 	snop;
	(pc) =	sbr.rel @!p0 .LBB2_121-.Ltmp1, $3  }
0x42: {  	_ =	sdelay $0x1  }
0x43: {  	[sflag:s1] =	ssyncset.done $0x0  }
0x44: {  	s3 =	simm.s32 $0x1080;
	s10 =	simm.s32 $0x0;
	[sflag:s1] =	ssyncadd.s32 $0xFFFFC000  }
.LBB2_1:
0x45: {  	[smem:$0x7E6] =	sst s2  }
0x46: {  	s0 =	rddreg [dreg:$0x5];
	s1 =	simm.s32 $0x3  }
0x47: {  	[tilespmem:s10], [sflag:$0x3] =	stream.linear.gather [hbm4b:s0+s10], $0x1080, $0x38;
	[tilespmem:$0x1B300] =	vst v63  }
0x48: {  	_ =	swait.ge [sflag:s1], $0x1080  }
0x49: {  	[sflag:s1] =	ssyncset.done $0x0  }
0x4a: {  	s29 =	rddreg [dreg:$0x6];
	[sflag:s1] =	ssyncadd.s32 $0xFFFFEF80  }
0x4b: {  	[tilespmem:s3], [sflag:$0x3] =	stream.linear.gather [hbm4b:s29+s10], $0x1000, $0x38;
	[tilespmem:$0x1B300] =	vst v63  }
0x4c: {  	_ =	swait.ge [sflag:s1], $0x1000  }
0x4d: {  	[sflag:s1] =	ssyncset.done $0x0  }
0x4e: {  	s30 =	simm.s32 $0x40;
	[sflag:s1] =	ssyncadd.s32 $0xFFFFF000  }
0x4f: {  	v2 =	vld [tilespmem:s30+$0x30]  }
0x50: {  	v5 =	vld [tilespmem:s30+$0xFFFFFFF0]  }
0x51: {  	v6 =	vld [tilespmem:s30+$0x0]  }
0x52: {  	v3 =	vld [tilespmem:s30+$0xFFFFFFD0]  }
0x53: {  	v4 =	vld [tilespmem:s30+$0xFFFFFFE0]  }
0x54: {  	v7 =	vld [tilespmem:s30+$0x10]  }
0x55: {  	v8 =	vld [tilespmem:s30+$0x20];
	v5 =	vshll.u32 v5, $0x7  }
0x56: {  	s31 =	simm.s32 $0xC0;
	v9 =	vld [tilespmem:s30+$0xFFFFFFC0];
	v6 =	vshll.u32 v6, $0x7;
	v5 =	vadd.s32 v0, v5  }
0x57: {  	v12 =	vld [tilespmem:s31+$0xFFFFFFE0];
	v6 =	vadd.s32 v0, v6  }
0x58: {  	v13 =	vld [tilespmem:s31+$0xFFFFFFF0]  }
0x59: {  	v14 =	vld [tilespmem:s31+$0x0];
	v2 =	vshll.u32 v2, $0x7  }
0x5a: {  	v15 =	vld [tilespmem:s31+$0x10];
	v3 =	vshll.u32 v3, $0x7;
	v2 =	vadd.s32 v0, v2  }
0x5b: {  	v4 =	vshll.u32 v4, $0x7;
	v3 =	vadd.s32 v0, v3;
	v10 =	vld.idx.msk [tilespmem:v5+s3+$0x0], $0xffff  }
0x5c: {  	v4 =	vadd.s32 v0, v4;
	v11 =	vld.idx.msk [tilespmem:v6+s3+$0x0], $0xffff  }
0x5d: {  	v5 =	vld [tilespmem:s31+$0x30]  }
0x5e: {  	v9 =	vshll.u32 v9, $0x7;
	v6 =	vld [tilespmem:s31+$0xFFFFFFD0]  }
0x5f: {  	v7 =	vshll.u32 v7, $0x7;
	v9 =	vadd.s32 v0, v9;
	v2 =	vld.idx.msk [tilespmem:v2+s3+$0x0], $0xffff  }
0x60: {  	v8 =	vshll.u32 v8, $0x7;
	v7 =	vadd.s32 v0, v7;
	v3 =	vld.idx.msk [tilespmem:v3+s3+$0x0], $0xffff  }
0x61: {  	v12 =	vshll.u32 v12, $0x7;
	v8 =	vadd.s32 v0, v8;
	v4 =	vld.idx.msk [tilespmem:v4+s3+$0x0], $0xffff  }
0x62: {  	v16 =	vld [tilespmem:s31+$0x20];
	v12 =	vadd.s32 v0, v12;
	v5 =	vshll.u32 v5, $0x7  }
0x63: {  	s0 =	simm.s32 $0x20C0;
	v17 =	vld [tilespmem:s31+$0xFFFFFFC0];
	v6 =	vshll.u32 v6, $0x7;
	v5 =	vadd.s32 v0, v5  }
0x64: {  	v13 =	vshll.u32 v13, $0x7;
	v18 =	vld.idx.msk [tilespmem:v9+s3+$0x0], $0xffff;
	[tilespmem:s0+$0x30] =	vst v2;
	v6 =	vadd.s32 v0, v6  }
0x65: {  	v9 =	vadd.s32 v0, v13;
	v63 =	vld.idx.msk [tilespmem:v7+s3+$0x0], $0xffff;
	v2 =	vshll.u32 v14, $0x7;
	[tilespmem:s0+$0xFFFFFFD0] =	vst v3  }
0x66: {  	v7 =	vld.idx.msk [tilespmem:v8+s3+$0x0], $0xffff;
	[tilespmem:s0+$0xFFFFFFE0] =	vst v4;
	v14 =	vadd.s32 v0, v2  }
0x67: {  	v8 =	vld.idx.msk [tilespmem:v12+s3+$0x0], $0xffff;
	[tilespmem:s0+$0xFFFFFFF0] =	vst v10  }
0x68: {  	[tilespmem:s0+$0x0] =	vst v11;
	v5 =	vld.idx.msk [tilespmem:v5+s3+$0x0], $0xffff  }
0x69: {  	[tilespmem:s0+$0xFFFFFFC0] =	vst v18;
	v6 =	vld.idx.msk [tilespmem:v6+s3+$0x0], $0xffff  }
0x6a: {  	v3 =	vshll.u32 v16, $0x7;
	v4 =	vshll.u32 v17, $0x7;
	v9 =	vld.idx.msk [tilespmem:v9+s3+$0x0], $0xffff;
	[tilespmem:s0+$0x10] =	vst v63;
	v2 =	vshll.u32 v15, $0x7  }
0x6b: {  	s2 =	simm.s32 $0x140;
	s1 =	simm.s32 $0x8;
	v3 =	vadd.s32 v0, v3;
	v4 =	vadd.s32 v0, v4;
	v2 =	vadd.s32 v0, v2;
	v10 =	vld.idx.msk [tilespmem:v14+s3+$0x0], $0xffff  }
.LBB2_2:
0x6c: {  	v11 =	vld [tilespmem:s2+$0x30];
	s1 =	sadd.s32 $0x8, s1;
	[tilespmem:s0+$0x20] =	vst v7;
	s0 =	sadd.s32 $0x80, s0  }
0x6d: {  	v7 =	vld [tilespmem:s2+$0xFFFFFFD0];
	p0 =	slt.u32 s1, $0xF8;
	[tilespmem:s0+$0x30] =	vst v5  }
0x6e: {  	v5 =	vld [tilespmem:s2+$0xFFFFFFE0];
	[tilespmem:s0+$0xFFFFFFD0] =	vst v6  }
0x6f: {  	v6 =	vld [tilespmem:s2+$0xFFFFFFF0];
	[tilespmem:s0+$0xFFFFFFE0] =	vst v8  }
0x70: {  	v8 =	vld [tilespmem:s2+$0x0];
	[tilespmem:s0+$0xFFFFFFF0] =	vst v9  }
0x71: {  	v9 =	vld [tilespmem:s2+$0x10];
	v11 =	vshll.u32 v11, $0x7;
	[tilespmem:s0+$0x0] =	vst v10  }
0x72: {  	v7 =	vshll.u32 v7, $0x7;
	v10 =	vld [tilespmem:s2+$0x20];
	v11 =	vadd.s32 v0, v11  }
0x73: {  	v12 =	vld [tilespmem:s2+$0xFFFFFFC0];
	v13 =	vadd.s32 v0, v7;
	v5 =	vshll.u32 v5, $0x7  }
0x74: {  	v14 =	vadd.s32 v0, v5;
	v5 =	vshll.u32 v6, $0x7;
	v15 =	vld.idx.msk [tilespmem:v4+s3+$0x0], $0xffff  }
0x75: {  	v16 =	vadd.s32 v0, v5;
	v4 =	vshll.u32 v8, $0x7;
	v17 =	vld.idx.msk [tilespmem:v2+s3+$0x0], $0xffff  }
0x76: {  	v18 =	vadd.s32 v0, v4;
	v2 =	vshll.u32 v9, $0x7;
	v7 =	vld.idx.msk [tilespmem:v3+s3+$0x0], $0xffff  }
.Ltmp2:
0x77: {  	v2 =	vadd.s32 v0, v2;
	v3 =	vshll.u32 v10, $0x7;
	v5 =	vld.idx.msk [tilespmem:v11+s3+$0x0], $0xffff;
	(pc) =	sbr.rel @p0 .LBB2_2-.Ltmp2, $4  }
0x78: {  	v4 =	vshll.u32 v12, $0x7;
	v6 =	vld.idx.msk [tilespmem:v13+s3+$0x0], $0xffff;
	v3 =	vadd.s32 v0, v3  }
0x79: {  	v4 =	vadd.s32 v0, v4;
	v8 =	vld.idx.msk [tilespmem:v14+s3+$0x0], $0xffff  }
0x7a: {  	v9 =	vld.idx.msk [tilespmem:v16+s3+$0x0], $0xffff;
	[tilespmem:s0+$0xFFFFFFC0] =	vst v15  }
0x7b: {  	s2 =	sadd.s32 $0x80, s2;
	v10 =	vld.idx.msk [tilespmem:v18+s3+$0x0], $0xffff;
	[tilespmem:s0+$0x10] =	vst v17  }
0x7c: {  	_ =	sdelay $0x2  }
0x7d: {  	[tilespmem:s0+$0x20] =	vst v7;
	s1 =	sadd.s32 $0x80, s0  }
0x7e: {  	v4 =	vld.idx.msk [tilespmem:v4+s3+$0x0], $0xffff;
	[tilespmem:s1+$0x30] =	vst v5  }
0x7f: {  	v2 =	vld.idx.msk [tilespmem:v2+s3+$0x0], $0xffff;
	[tilespmem:s1+$0xFFFFFFD0] =	vst v6  }
0x80: {  	v3 =	vld.idx.msk [tilespmem:v3+s3+$0x0], $0xffff;
	[tilespmem:s1+$0xFFFFFFE0] =	vst v8  }
0x81: {  	[tilespmem:s1+$0xFFFFFFF0] =	vst v9  }
0x82: {  	[tilespmem:s1+$0x0] =	vst v10  }
0x83: {  	[tilespmem:s1+$0xFFFFFFC0] =	vst v4  }
0x84: {  	[tilespmem:s1+$0x10] =	vst v2  }
0x85: {  	s0 =	simm.s32 $0x0;
	[tilespmem:s1+$0x20] =	vst v3  }
.LBB2_4:
0x86: {  	s1 =	sshra.s32 s0, $0x2  }
0x87: {  	v2 =	vld [tilespmem:s1+$0x1000];
	_ =	sdelay $0x4  }
0x88: {  	v2 =	vshll.u32 v2, $0x7  }
0x89: {  	v2 =	vadd.s32 v0, v2;
	_ =	sdelay $0x4  }
0x8a: {  	p0 =	sne.s32 s0, $0x40;
	v2 =	vld.idx.msk [tilespmem:v2+s3+$0x0], $0xffff  }
.Ltmp3:
0x8b: {  	_ = 	snop;
	(pc) =	sbr.rel @p0 .LBB2_4-.Ltmp3, $2  }
0x8c: {  	_ =	sdelay $0x2  }
0x8d: {  	s0 =	sadd.s32 $0x40, s0;
	[tilespmem:s1+$0x3080] =	vst v2  }
0x8e: {  	s1 =	simm.s32 $0x18  }
0x8f: {  	s18 =	simm.s32 $0x8;
	v3 =	vadd.s32 s1, v1  }
0x90: {  	s0 =	simm.s32 $0x78;
	s19 =	simm.s32 $0x28;
	v4 =	vadd.s32 s18, v1  }
0x91: {  	s20 =	simm.s32 $0x38;
	v2 =	vadd.s32 s0, v1;
	v5 =	vadd.s32 s19, v1  }
0x92: {  	v6 =	vadd.s32 s20, v1;
	vm0 =	vlt.s32 v2, $0x101F  }
0x93: {  	s21 =	simm.s32 $0x48;
	v2 =	vnsel vm0, $0x101F, v2  }
0x94: {  	s22 =	simm.s32 $0x58;
	v7 =	vadd.s32 s21, v1;
	v3 =	vld.idx.msk [tilespmem:v3+s25+$0x0], $0xffff  }
0x95: {  	s23 =	simm.s32 $0x68;
	v8 =	vadd.s32 s22, v1;
	v12 =	vld.idx.msk [tilespmem:v4+s25+$0x0], $0xffff  }
0x96: {  	s24 =	simm.s32 $0xF8;
	s28 =	simm.s32 $0x88;
	v11 =	vadd.s32 s23, v1;
	v13 =	vld.idx.msk [tilespmem:v5+s25+$0x0], $0xffff  }
0x97: {  	s26 =	simm.s32 $0x98;
	v16 =	vadd.s32 s28, v1;
	v4 =	vadd.s32 s24, v1;
	v15 =	vld.idx.msk [tilespmem:v6+s25+$0x0], $0xffff  }
0x98: {  	v14 =	vadd.s32 s26, v1;
	vm15 =	vlt.s32 v4, $0x101F;
	v2 =	vld.idx.msk [tilespmem:v2+s25+$0x0], $0xffff  }
0x99: {  	s29 =	simm.s32 $0xA8;
	s0 =	simm.s32 $0xB270;
	v10 =	vld.idx.msk [tilespmem:v7+s25+$0x0], $0xffff;
	v6 =	vnsel vm15, $0x101F, v4  }
0x9a: {  	s30 =	simm.s32 $0xB8;
	v9 =	vld.idx.msk [tilespmem:v8+s25+$0x0], $0xffff;
	v5 =	vadd.s32 s29, v1;
	[tilespmem:s0+$0xFFFFFF90] =	vst v12  }
0x9b: {  	s2 =	simm.s32 $0xC8;
	v8 =	vadd.s32 s30, v1;
	v4 =	vld.idx.msk [tilespmem:v11+s25+$0x0], $0xffff;
	[tilespmem:s0+$0xFFFFFFA0] =	vst v3  }
0x9c: {  	s31 =	simm.s32 $0xD8;
	v3 =	vadd.s32 s2, v1;
	[tilespmem:s0+$0xFFFFFFB0] =	vst v13;
	v12 =	vld.idx.msk [tilespmem:v16+s25+$0x0], $0xffff  }
0x9d: {  	s3 =	simm.s32 $0xE8;
	v7 =	vadd.s32 s31, v1;
	[tilespmem:s0+$0x0] =	vst v2;
	v2 =	vld.idx.msk [tilespmem:v14+s25+$0x0], $0xffff  }
0x9e: {  	s1 =	simm.s32 $0x8;
	s2 =	simm.s32 $0x178;
	[tilespmem:s0+$0xFFFFFFC0] =	vst v15;
	v11 =	vld.idx.msk [tilespmem:v6+s25+$0x0], $0xffff;
	v6 =	vadd.s32 s3, v1  }
.LBB2_6:
0x9f: {  	s3 =	sadd.s32 $0xFFFFFFA0, s2;
	s4 =	sadd.s32 $0xFFFFFFB0, s2;
	v13 =	vadd.s32 s2, v1;
	s1 =	sadd.s32 $0x8, s1;
	v14 =	vld.idx.msk [tilespmem:v5+s25+$0x0], $0xffff;
	[tilespmem:s0+$0xFFFFFFD0] =	vst v10  }
0xa0: {  	v15 =	vadd.s32 s3, v1;
	v5 =	vadd.s32 s4, v1;
	s3 =	sadd.s32 $0xFFFFFFC0, s2;
	s4 =	sadd.s32 $0xFFFFFFD0, s2;
	vm0 =	vlt.s32 v13, $0x101F;
	p0 =	slt.u32 s1, $0xF8;
	v16 =	vld.idx.msk [tilespmem:v8+s25+$0x0], $0xffff;
	[tilespmem:s0+$0xFFFFFFE0] =	vst v9  }
0xa1: {  	s5 =	sadd.s32 $0xFFFFFF90, s2;
	s6 =	sadd.s32 $0xFFFFFFF0, s2;
	v8 =	vadd.s32 s3, v1;
	s3 =	sadd.s32 $0xFFFFFFE0, s2;
	v13 =	vnsel vm0, $0x101F, v13;
	v10 =	vld.idx.msk [tilespmem:v3+s25+$0x0], $0xffff;
	v3 =	vadd.s32 s4, v1;
	[tilespmem:s0+$0xFFFFFFF0] =	vst v4  }
0xa2: {  	v17 =	vadd.s32 s5, v1;
	v18 =	vadd.s32 s6, v1;
	s0 =	sadd.s32 $0x80, s0;
	v9 =	vld.idx.msk [tilespmem:v7+s25+$0x0], $0xffff;
	v7 =	vadd.s32 s3, v1  }
.Ltmp4:
0xa3: {  	v4 =	vld.idx.msk [tilespmem:v6+s25+$0x0], $0xffff;
	[tilespmem:s0+$0x0] =	vst v11;
	v6 =	vmov v18;
	(pc) =	sbr.rel @p0 .LBB2_6-.Ltmp4, $4  }
0xa4: {  	[tilespmem:s0+$0xFFFFFF90] =	vst v12  }
0xa5: {  	[tilespmem:s0+$0xFFFFFFA0] =	vst v2;
	v2 =	vld.idx.msk [tilespmem:v15+s25+$0x0], $0xffff  }
0xa6: {  	v11 =	vld.idx.msk [tilespmem:v13+s25+$0x0], $0xffff;
	[tilespmem:s0+$0xFFFFFFB0] =	vst v14  }
0xa7: {  	s2 =	sadd.s32 $0x80, s2;
	v12 =	vld.idx.msk [tilespmem:v17+s25+$0x0], $0xffff;
	[tilespmem:s0+$0xFFFFFFC0] =	vst v16  }
0xa8: {  	_ =	sdelay $0x2  }
0xa9: {  	[tilespmem:s0+$0xFFFFFFD0] =	vst v10  }
0xaa: {  	v5 =	vld.idx.msk [tilespmem:v5+s25+$0x0], $0xffff;
	[tilespmem:s0+$0xFFFFFFE0] =	vst v9  }
0xab: {  	v8 =	vld.idx.msk [tilespmem:v8+s25+$0x0], $0xffff;
	[tilespmem:s0+$0xFFFFFFF0] =	vst v4;
	s2 =	sadd.s32 $0x80, s0  }
0xac: {  	v3 =	vld.idx.msk [tilespmem:v3+s25+$0x0], $0xffff;
	[tilespmem:s2+$0xFFFFFFA0] =	vst v2  }
0xad: {  	v63 =	vld.idx.msk [tilespmem:v7+s25+$0x0], $0xffff;
	[tilespmem:s2+$0x0] =	vst v11  }
0xae: {  	v6 =	vld.idx.msk [tilespmem:v6+s25+$0x0], $0xffff;
	[tilespmem:s2+$0xFFFFFF90] =	vst v12  }
0xaf: {  	[tilespmem:s2+$0xFFFFFFB0] =	vst v5  }
0xb0: {  	[tilespmem:s2+$0xFFFFFFC0] =	vst v8  }
0xb1: {  	[tilespmem:s2+$0xFFFFFFD0] =	vst v3  }
0xb2: {  	[tilespmem:s2+$0xFFFFFFE0] =	vst v63  }
0xb3: {  	s0 =	simm.s32 $0x1008;
	s1 =	simm.s32 $0xC200;
	[tilespmem:s2+$0xFFFFFFF0] =	vst v6  }
.LBB2_8:
0xb4: {  	v2 =	vadd.s32 s0, v1  }
0xb5: {  	vm0 =	vlt.s32 v2, $0x101F  }
0xb6: {  	v2 =	vnsel vm0, $0x101F, v2;
	_ =	sdelay $0x4  }
0xb7: {  	p0 =	sne.s32 s0, $0x1018;
	v2 =	vld.idx.msk [tilespmem:v2+s25+$0x0], $0xffff  }
.Ltmp5:
0xb8: {  	_ = 	snop;
	(pc) =	sbr.rel @p0 .LBB2_8-.Ltmp5, $2  }
0xb9: {  	_ =	sdelay $0x2  }
0xba: {  	s0 =	sadd.s32 $0x10, s0;
	[tilespmem:s1+$0x0] =	vst v2;
	s1 =	sadd.s32 $0x10, s1  }
0xbb: {  	s1 =	simm.s32 $0x19  }
0xbc: {  	s18 =	simm.s32 $0x9;
	v3 =	vadd.s32 s1, v1  }
0xbd: {  	s0 =	simm.s32 $0x79;
	s19 =	simm.s32 $0x29;
	v4 =	vadd.s32 s18, v1  }
0xbe: {  	s20 =	simm.s32 $0x39;
	v2 =	vadd.s32 s0, v1;
	v5 =	vadd.s32 s19, v1  }
0xbf: {  	v6 =	vadd.s32 s20, v1;
	vm0 =	vlt.s32 v2, $0x101F  }
0xc0: {  	s21 =	simm.s32 $0x49;
	v2 =	vnsel vm0, $0x101F, v2  }
0xc1: {  	s22 =	simm.s32 $0x59;
	v7 =	vadd.s32 s21, v1;
	v3 =	vld.idx.msk [tilespmem:v3+s25+$0x0], $0xffff  }
0xc2: {  	s23 =	simm.s32 $0x69;
	v8 =	vadd.s32 s22, v1;
	v12 =	vld.idx.msk [tilespmem:v4+s25+$0x0], $0xffff  }
0xc3: {  	s24 =	simm.s32 $0xF9;
	s28 =	simm.s32 $0x89;
	v11 =	vadd.s32 s23, v1;
	v13 =	vld.idx.msk [tilespmem:v5+s25+$0x0], $0xffff  }
0xc4: {  	s26 =	simm.s32 $0x99;
	v16 =	vadd.s32 s28, v1;
	v4 =	vadd.s32 s24, v1;
	v15 =	vld.idx.msk [tilespmem:v6+s25+$0x0], $0xffff  }
0xc5: {  	v14 =	vadd.s32 s26, v1;
	vm15 =	vlt.s32 v4, $0x101F;
	v2 =	vld.idx.msk [tilespmem:v2+s25+$0x0], $0xffff  }
0xc6: {  	s29 =	simm.s32 $0xA9;
	s0 =	simm.s32 $0xC290;
	v10 =	vld.idx.msk [tilespmem:v7+s25+$0x0], $0xffff;
	v6 =	vnsel vm15, $0x101F, v4  }
0xc7: {  	s30 =	simm.s32 $0xB9;
	v9 =	vld.idx.msk [tilespmem:v8+s25+$0x0], $0xffff;
	v5 =	vadd.s32 s29, v1;
	[tilespmem:s0+$0xFFFFFF90] =	vst v12  }
0xc8: {  	s2 =	simm.s32 $0xC9;
	v8 =	vadd.s32 s30, v1;
	v4 =	vld.idx.msk [tilespmem:v11+s25+$0x0], $0xffff;
	[tilespmem:s0+$0xFFFFFFA0] =	vst v3  }
0xc9: {  	s31 =	simm.s32 $0xD9;
	v3 =	vadd.s32 s2, v1;
	[tilespmem:s0+$0xFFFFFFB0] =	vst v13;
	v12 =	vld.idx.msk [tilespmem:v16+s25+$0x0], $0xffff  }
0xca: {  	s3 =	simm.s32 $0xE9;
	v7 =	vadd.s32 s31, v1;
	[tilespmem:s0+$0x0] =	vst v2;
	v2 =	vld.idx.msk [tilespmem:v14+s25+$0x0], $0xffff  }
0xcb: {  	s1 =	simm.s32 $0x8;
	s2 =	simm.s32 $0x179;
	[tilespmem:s0+$0xFFFFFFC0] =	vst v15;
	v11 =	vld.idx.msk [tilespmem:v6+s25+$0x0], $0xffff;
	v6 =	vadd.s32 s3, v1  }
.LBB2_10:
0xcc: {  	s3 =	sadd.s32 $0xFFFFFFA0, s2;
	s4 =	sadd.s32 $0xFFFFFFB0, s2;
	v13 =	vadd.s32 s2, v1;
	s1 =	sadd.s32 $0x8, s1;
	v14 =	vld.idx.msk [tilespmem:v5+s25+$0x0], $0xffff;
	[tilespmem:s0+$0xFFFFFFD0] =	vst v10  }
0xcd: {  	v15 =	vadd.s32 s3, v1;
	v5 =	vadd.s32 s4, v1;
	s3 =	sadd.s32 $0xFFFFFFC0, s2;
	s4 =	sadd.s32 $0xFFFFFFD0, s2;
	vm0 =	vlt.s32 v13, $0x101F;
	p0 =	slt.u32 s1, $0xF8;
	v16 =	vld.idx.msk [tilespmem:v8+s25+$0x0], $0xffff;
	[tilespmem:s0+$0xFFFFFFE0] =	vst v9  }
0xce: {  	s5 =	sadd.s32 $0xFFFFFF90, s2;
	s6 =	sadd.s32 $0xFFFFFFF0, s2;
	v8 =	vadd.s32 s3, v1;
	s3 =	sadd.s32 $0xFFFFFFE0, s2;
	v13 =	vnsel vm0, $0x101F, v13;
	v10 =	vld.idx.msk [tilespmem:v3+s25+$0x0], $0xffff;
	v3 =	vadd.s32 s4, v1;
	[tilespmem:s0+$0xFFFFFFF0] =	vst v4  }
0xcf: {  	v17 =	vadd.s32 s5, v1;
	v18 =	vadd.s32 s6, v1;
	s0 =	sadd.s32 $0x80, s0;
	v9 =	vld.idx.msk [tilespmem:v7+s25+$0x0], $0xffff;
	v7 =	vadd.s32 s3, v1  }
.Ltmp6:
0xd0: {  	v4 =	vld.idx.msk [tilespmem:v6+s25+$0x0], $0xffff;
	[tilespmem:s0+$0x0] =	vst v11;
	v6 =	vmov v18;
	(pc) =	sbr.rel @p0 .LBB2_10-.Ltmp6, $4  }
0xd1: {  	[tilespmem:s0+$0xFFFFFF90] =	vst v12  }
0xd2: {  	[tilespmem:s0+$0xFFFFFFA0] =	vst v2;
	v2 =	vld.idx.msk [tilespmem:v15+s25+$0x0], $0xffff  }
0xd3: {  	v11 =	vld.idx.msk [tilespmem:v13+s25+$0x0], $0xffff;
	[tilespmem:s0+$0xFFFFFFB0] =	vst v14  }
0xd4: {  	s2 =	sadd.s32 $0x80, s2;
	v12 =	vld.idx.msk [tilespmem:v17+s25+$0x0], $0xffff;
	[tilespmem:s0+$0xFFFFFFC0] =	vst v16  }
0xd5: {  	_ =	sdelay $0x2  }
0xd6: {  	[tilespmem:s0+$0xFFFFFFD0] =	vst v10  }
0xd7: {  	v5 =	vld.idx.msk [tilespmem:v5+s25+$0x0], $0xffff;
	[tilespmem:s0+$0xFFFFFFE0] =	vst v9  }
0xd8: {  	v8 =	vld.idx.msk [tilespmem:v8+s25+$0x0], $0xffff;
	[tilespmem:s0+$0xFFFFFFF0] =	vst v4;
	s2 =	sadd.s32 $0x80, s0  }
0xd9: {  	v3 =	vld.idx.msk [tilespmem:v3+s25+$0x0], $0xffff;
	[tilespmem:s2+$0xFFFFFFA0] =	vst v2  }
0xda: {  	v63 =	vld.idx.msk [tilespmem:v7+s25+$0x0], $0xffff;
	[tilespmem:s2+$0x0] =	vst v11  }
0xdb: {  	v6 =	vld.idx.msk [tilespmem:v6+s25+$0x0], $0xffff;
	[tilespmem:s2+$0xFFFFFF90] =	vst v12  }
0xdc: {  	[tilespmem:s2+$0xFFFFFFB0] =	vst v5  }
0xdd: {  	[tilespmem:s2+$0xFFFFFFC0] =	vst v8  }
0xde: {  	[tilespmem:s2+$0xFFFFFFD0] =	vst v3  }
0xdf: {  	[tilespmem:s2+$0xFFFFFFE0] =	vst v63  }
0xe0: {  	s0 =	simm.s32 $0x1009;
	s1 =	simm.s32 $0xD220;
	[tilespmem:s2+$0xFFFFFFF0] =	vst v6  }
.LBB2_12:
0xe1: {  	v2 =	vadd.s32 s0, v1  }
0xe2: {  	vm0 =	vlt.s32 v2, $0x101F  }
0xe3: {  	v2 =	vnsel vm0, $0x101F, v2;
	_ =	sdelay $0x4  }
0xe4: {  	p0 =	sne.s32 s0, $0x1019;
	v2 =	vld.idx.msk [tilespmem:v2+s25+$0x0], $0xffff  }
.Ltmp7:
0xe5: {  	_ = 	snop;
	(pc) =	sbr.rel @p0 .LBB2_12-.Ltmp7, $2  }
0xe6: {  	_ =	sdelay $0x2  }
0xe7: {  	s0 =	sadd.s32 $0x10, s0;
	[tilespmem:s1+$0x0] =	vst v2;
	s1 =	sadd.s32 $0x10, s1  }
0xe8: {  	s1 =	simm.s32 $0x1A  }
0xe9: {  	s18 =	simm.s32 $0xA;
	v3 =	vadd.s32 s1, v1  }
0xea: {  	s0 =	simm.s32 $0x7A;
	s19 =	simm.s32 $0x2A;
	v4 =	vadd.s32 s18, v1  }
0xeb: {  	s20 =	simm.s32 $0x3A;
	v2 =	vadd.s32 s0, v1;
	v5 =	vadd.s32 s19, v1  }
0xec: {  	v6 =	vadd.s32 s20, v1;
	vm0 =	vlt.s32 v2, $0x101F  }
0xed: {  	s21 =	simm.s32 $0x4A;
	v2 =	vnsel vm0, $0x101F, v2  }
0xee: {  	s22 =	simm.s32 $0x5A;
	v7 =	vadd.s32 s21, v1;
	v3 =	vld.idx.msk [tilespmem:v3+s25+$0x0], $0xffff  }
0xef: {  	s23 =	simm.s32 $0x6A;
	v8 =	vadd.s32 s22, v1;
	v12 =	vld.idx.msk [tilespmem:v4+s25+$0x0], $0xffff  }
0xf0: {  	s24 =	simm.s32 $0xFA;
	s28 =	simm.s32 $0x8A;
	v11 =	vadd.s32 s23, v1;
	v13 =	vld.idx.msk [tilespmem:v5+s25+$0x0], $0xffff  }
0xf1: {  	s26 =	simm.s32 $0x9A;
	v16 =	vadd.s32 s28, v1;
	v4 =	vadd.s32 s24, v1;
	v15 =	vld.idx.msk [tilespmem:v6+s25+$0x0], $0xffff  }
0xf2: {  	v14 =	vadd.s32 s26, v1;
	vm15 =	vlt.s32 v4, $0x101F;
	v2 =	vld.idx.msk [tilespmem:v2+s25+$0x0], $0xffff  }
0xf3: {  	s29 =	simm.s32 $0xAA;
	s0 =	simm.s32 $0xD2B0;
	v10 =	vld.idx.msk [tilespmem:v7+s25+$0x0], $0xffff;
	v6 =	vnsel vm15, $0x101F, v4  }
0xf4: {  	s30 =	simm.s32 $0xBA;
	v9 =	vld.idx.msk [tilespmem:v8+s25+$0x0], $0xffff;
	v5 =	vadd.s32 s29, v1;
	[tilespmem:s0+$0xFFFFFF90] =	vst v12  }
0xf5: {  	s2 =	simm.s32 $0xCA;
	v8 =	vadd.s32 s30, v1;
	v4 =	vld.idx.msk [tilespmem:v11+s25+$0x0], $0xffff;
	[tilespmem:s0+$0xFFFFFFA0] =	vst v3  }
0xf6: {  	s31 =	simm.s32 $0xDA;
	v3 =	vadd.s32 s2, v1;
	[tilespmem:s0+$0xFFFFFFB0] =	vst v13;
	v12 =	vld.idx.msk [tilespmem:v16+s25+$0x0], $0xffff  }
0xf7: {  	s3 =	simm.s32 $0xEA;
	v7 =	vadd.s32 s31, v1;
	[tilespmem:s0+$0x0] =	vst v2;
	v2 =	vld.idx.msk [tilespmem:v14+s25+$0x0], $0xffff  }
0xf8: {  	s1 =	simm.s32 $0x8;
	s2 =	simm.s32 $0x17A;
	[tilespmem:s0+$0xFFFFFFC0] =	vst v15;
	v11 =	vld.idx.msk [tilespmem:v6+s25+$0x0], $0xffff;
	v6 =	vadd.s32 s3, v1  }
.LBB2_14:
0xf9: {  	s3 =	sadd.s32 $0xFFFFFFA0, s2;
	s4 =	sadd.s32 $0xFFFFFFB0, s2;
	v13 =	vadd.s32 s2, v1;
	s1 =	sadd.s32 $0x8, s1;
	v14 =	vld.idx.msk [tilespmem:v5+s25+$0x0], $0xffff;
	[tilespmem:s0+$0xFFFFFFD0] =	vst v10  }
0xfa: {  	v15 =	vadd.s32 s3, v1;
	v5 =	vadd.s32 s4, v1;
	s3 =	sadd.s32 $0xFFFFFFC0, s2;
	s4 =	sadd.s32 $0xFFFFFFD0, s2;
	vm0 =	vlt.s32 v13, $0x101F;
	p0 =	slt.u32 s1, $0xF8;
	v16 =	vld.idx.msk [tilespmem:v8+s25+$0x0], $0xffff;
	[tilespmem:s0+$0xFFFFFFE0] =	vst v9  }
0xfb: {  	s5 =	sadd.s32 $0xFFFFFF90, s2;
	s6 =	sadd.s32 $0xFFFFFFF0, s2;
	v8 =	vadd.s32 s3, v1;
	s3 =	sadd.s32 $0xFFFFFFE0, s2;
	v13 =	vnsel vm0, $0x101F, v13;
	v10 =	vld.idx.msk [tilespmem:v3+s25+$0x0], $0xffff;
	v3 =	vadd.s32 s4, v1;
	[tilespmem:s0+$0xFFFFFFF0] =	vst v4  }
0xfc: {  	v17 =	vadd.s32 s5, v1;
	v18 =	vadd.s32 s6, v1;
	s0 =	sadd.s32 $0x80, s0;
	v9 =	vld.idx.msk [tilespmem:v7+s25+$0x0], $0xffff;
	v7 =	vadd.s32 s3, v1  }
.Ltmp8:
0xfd: {  	v4 =	vld.idx.msk [tilespmem:v6+s25+$0x0], $0xffff;
	[tilespmem:s0+$0x0] =	vst v11;
	v6 =	vmov v18;
	(pc) =	sbr.rel @p0 .LBB2_14-.Ltmp8, $4  }
0xfe: {  	[tilespmem:s0+$0xFFFFFF90] =	vst v12  }
0xff: {  	[tilespmem:s0+$0xFFFFFFA0] =	vst v2;
	v2 =	vld.idx.msk [tilespmem:v15+s25+$0x0], $0xffff  }
0x100: {  	v11 =	vld.idx.msk [tilespmem:v13+s25+$0x0], $0xffff;
	[tilespmem:s0+$0xFFFFFFB0] =	vst v14  }
0x101: {  	s2 =	sadd.s32 $0x80, s2;
	v12 =	vld.idx.msk [tilespmem:v17+s25+$0x0], $0xffff;
	[tilespmem:s0+$0xFFFFFFC0] =	vst v16  }
0x102: {  	_ =	sdelay $0x2  }
0x103: {  	[tilespmem:s0+$0xFFFFFFD0] =	vst v10  }
0x104: {  	v5 =	vld.idx.msk [tilespmem:v5+s25+$0x0], $0xffff;
	[tilespmem:s0+$0xFFFFFFE0] =	vst v9  }
0x105: {  	v8 =	vld.idx.msk [tilespmem:v8+s25+$0x0], $0xffff;
	[tilespmem:s0+$0xFFFFFFF0] =	vst v4;
	s2 =	sadd.s32 $0x80, s0  }
0x106: {  	v3 =	vld.idx.msk [tilespmem:v3+s25+$0x0], $0xffff;
	[tilespmem:s2+$0xFFFFFFA0] =	vst v2  }
0x107: {  	v63 =	vld.idx.msk [tilespmem:v7+s25+$0x0], $0xffff;
	[tilespmem:s2+$0x0] =	vst v11  }
0x108: {  	v6 =	vld.idx.msk [tilespmem:v6+s25+$0x0], $0xffff;
	[tilespmem:s2+$0xFFFFFF90] =	vst v12  }
0x109: {  	[tilespmem:s2+$0xFFFFFFB0] =	vst v5  }
0x10a: {  	[tilespmem:s2+$0xFFFFFFC0] =	vst v8  }
0x10b: {  	[tilespmem:s2+$0xFFFFFFD0] =	vst v3  }
0x10c: {  	[tilespmem:s2+$0xFFFFFFE0] =	vst v63  }
0x10d: {  	s0 =	simm.s32 $0x100A;
	s1 =	simm.s32 $0xE240;
	[tilespmem:s2+$0xFFFFFFF0] =	vst v6  }
.LBB2_16:
0x10e: {  	v2 =	vadd.s32 s0, v1  }
0x10f: {  	vm0 =	vlt.s32 v2, $0x101F  }
0x110: {  	v2 =	vnsel vm0, $0x101F, v2;
	_ =	sdelay $0x4  }
0x111: {  	p0 =	sne.s32 s0, $0x101A;
	v2 =	vld.idx.msk [tilespmem:v2+s25+$0x0], $0xffff  }
.Ltmp9:
0x112: {  	_ = 	snop;
	(pc) =	sbr.rel @p0 .LBB2_16-.Ltmp9, $2  }
0x113: {  	_ =	sdelay $0x2  }
0x114: {  	s0 =	sadd.s32 $0x10, s0;
	[tilespmem:s1+$0x0] =	vst v2;
	s1 =	sadd.s32 $0x10, s1  }
0x115: {  	s1 =	simm.s32 $0x1B  }
0x116: {  	s18 =	simm.s32 $0xB;
	v3 =	vadd.s32 s1, v1  }
0x117: {  	s0 =	simm.s32 $0x7B;
	s19 =	simm.s32 $0x2B;
	v4 =	vadd.s32 s18, v1  }
0x118: {  	s20 =	simm.s32 $0x3B;
	v2 =	vadd.s32 s0, v1;
	v5 =	vadd.s32 s19, v1  }
0x119: {  	v6 =	vadd.s32 s20, v1;
	vm0 =	vlt.s32 v2, $0x101F  }
0x11a: {  	s21 =	simm.s32 $0x4B;
	v2 =	vnsel vm0, $0x101F, v2  }
0x11b: {  	s22 =	simm.s32 $0x5B;
	v7 =	vadd.s32 s21, v1;
	v3 =	vld.idx.msk [tilespmem:v3+s25+$0x0], $0xffff  }
0x11c: {  	s23 =	simm.s32 $0x6B;
	v8 =	vadd.s32 s22, v1;
	v12 =	vld.idx.msk [tilespmem:v4+s25+$0x0], $0xffff  }
0x11d: {  	s24 =	simm.s32 $0xFB;
	s28 =	simm.s32 $0x8B;
	v11 =	vadd.s32 s23, v1;
	v13 =	vld.idx.msk [tilespmem:v5+s25+$0x0], $0xffff  }
0x11e: {  	s26 =	simm.s32 $0x9B;
	v16 =	vadd.s32 s28, v1;
	v4 =	vadd.s32 s24, v1;
	v15 =	vld.idx.msk [tilespmem:v6+s25+$0x0], $0xffff  }
0x11f: {  	v14 =	vadd.s32 s26, v1;
	vm15 =	vlt.s32 v4, $0x101F;
	v2 =	vld.idx.msk [tilespmem:v2+s25+$0x0], $0xffff  }
0x120: {  	s29 =	simm.s32 $0xAB;
	s0 =	simm.s32 $0xE2D0;
	v10 =	vld.idx.msk [tilespmem:v7+s25+$0x0], $0xffff;
	v6 =	vnsel vm15, $0x101F, v4  }
0x121: {  	s30 =	simm.s32 $0xBB;
	v9 =	vld.idx.msk [tilespmem:v8+s25+$0x0], $0xffff;
	v5 =	vadd.s32 s29, v1;
	[tilespmem:s0+$0xFFFFFF90] =	vst v12  }
0x122: {  	s2 =	simm.s32 $0xCB;
	v8 =	vadd.s32 s30, v1;
	v4 =	vld.idx.msk [tilespmem:v11+s25+$0x0], $0xffff;
	[tilespmem:s0+$0xFFFFFFA0] =	vst v3  }
0x123: {  	s31 =	simm.s32 $0xDB;
	v3 =	vadd.s32 s2, v1;
	[tilespmem:s0+$0xFFFFFFB0] =	vst v13;
	v12 =	vld.idx.msk [tilespmem:v16+s25+$0x0], $0xffff  }
0x124: {  	s3 =	simm.s32 $0xEB;
	v7 =	vadd.s32 s31, v1;
	[tilespmem:s0+$0x0] =	vst v2;
	v2 =	vld.idx.msk [tilespmem:v14+s25+$0x0], $0xffff  }
0x125: {  	s1 =	simm.s32 $0x8;
	s2 =	simm.s32 $0x17B;
	[tilespmem:s0+$0xFFFFFFC0] =	vst v15;
	v11 =	vld.idx.msk [tilespmem:v6+s25+$0x0], $0xffff;
	v6 =	vadd.s32 s3, v1  }
.LBB2_18:
0x126: {  	s3 =	sadd.s32 $0xFFFFFFA0, s2;
	s4 =	sadd.s32 $0xFFFFFFB0, s2;
	v13 =	vadd.s32 s2, v1;
	s1 =	sadd.s32 $0x8, s1;
	v14 =	vld.idx.msk [tilespmem:v5+s25+$0x0], $0xffff;
	[tilespmem:s0+$0xFFFFFFD0] =	vst v10  }
0x127: {  	v15 =	vadd.s32 s3, v1;
	v5 =	vadd.s32 s4, v1;
	s3 =	sadd.s32 $0xFFFFFFC0, s2;
	s4 =	sadd.s32 $0xFFFFFFD0, s2;
	vm0 =	vlt.s32 v13, $0x101F;
	p0 =	slt.u32 s1, $0xF8;
	v16 =	vld.idx.msk [tilespmem:v8+s25+$0x0], $0xffff;
	[tilespmem:s0+$0xFFFFFFE0] =	vst v9  }
0x128: {  	s5 =	sadd.s32 $0xFFFFFF90, s2;
	s6 =	sadd.s32 $0xFFFFFFF0, s2;
	v8 =	vadd.s32 s3, v1;
	s3 =	sadd.s32 $0xFFFFFFE0, s2;
	v13 =	vnsel vm0, $0x101F, v13;
	v10 =	vld.idx.msk [tilespmem:v3+s25+$0x0], $0xffff;
	v3 =	vadd.s32 s4, v1;
	[tilespmem:s0+$0xFFFFFFF0] =	vst v4  }
0x129: {  	v17 =	vadd.s32 s5, v1;
	v18 =	vadd.s32 s6, v1;
	s0 =	sadd.s32 $0x80, s0;
	v9 =	vld.idx.msk [tilespmem:v7+s25+$0x0], $0xffff;
	v7 =	vadd.s32 s3, v1  }
.Ltmp10:
0x12a: {  	v4 =	vld.idx.msk [tilespmem:v6+s25+$0x0], $0xffff;
	[tilespmem:s0+$0x0] =	vst v11;
	v6 =	vmov v18;
	(pc) =	sbr.rel @p0 .LBB2_18-.Ltmp10, $4  }
0x12b: {  	[tilespmem:s0+$0xFFFFFF90] =	vst v12  }
0x12c: {  	[tilespmem:s0+$0xFFFFFFA0] =	vst v2;
	v2 =	vld.idx.msk [tilespmem:v15+s25+$0x0], $0xffff  }
0x12d: {  	v11 =	vld.idx.msk [tilespmem:v13+s25+$0x0], $0xffff;
	[tilespmem:s0+$0xFFFFFFB0] =	vst v14  }
0x12e: {  	s2 =	sadd.s32 $0x80, s2;
	v12 =	vld.idx.msk [tilespmem:v17+s25+$0x0], $0xffff;
	[tilespmem:s0+$0xFFFFFFC0] =	vst v16  }
0x12f: {  	_ =	sdelay $0x2  }
0x130: {  	[tilespmem:s0+$0xFFFFFFD0] =	vst v10  }
0x131: {  	v5 =	vld.idx.msk [tilespmem:v5+s25+$0x0], $0xffff;
	[tilespmem:s0+$0xFFFFFFE0] =	vst v9  }
0x132: {  	v8 =	vld.idx.msk [tilespmem:v8+s25+$0x0], $0xffff;
	[tilespmem:s0+$0xFFFFFFF0] =	vst v4;
	s2 =	sadd.s32 $0x80, s0  }
0x133: {  	v3 =	vld.idx.msk [tilespmem:v3+s25+$0x0], $0xffff;
	[tilespmem:s2+$0xFFFFFFA0] =	vst v2  }
0x134: {  	v63 =	vld.idx.msk [tilespmem:v7+s25+$0x0], $0xffff;
	[tilespmem:s2+$0x0] =	vst v11  }
0x135: {  	v6 =	vld.idx.msk [tilespmem:v6+s25+$0x0], $0xffff;
	[tilespmem:s2+$0xFFFFFF90] =	vst v12  }
0x136: {  	[tilespmem:s2+$0xFFFFFFB0] =	vst v5  }
0x137: {  	[tilespmem:s2+$0xFFFFFFC0] =	vst v8  }
0x138: {  	[tilespmem:s2+$0xFFFFFFD0] =	vst v3  }
0x139: {  	[tilespmem:s2+$0xFFFFFFE0] =	vst v63  }
0x13a: {  	s0 =	simm.s32 $0x100B;
	s1 =	simm.s32 $0xF260;
	[tilespmem:s2+$0xFFFFFFF0] =	vst v6  }
.LBB2_20:
0x13b: {  	v2 =	vadd.s32 s0, v1  }
0x13c: {  	vm0 =	vlt.s32 v2, $0x101F  }
0x13d: {  	v2 =	vnsel vm0, $0x101F, v2;
	_ =	sdelay $0x4  }
0x13e: {  	p0 =	sne.s32 s0, $0x101B;
	v2 =	vld.idx.msk [tilespmem:v2+s25+$0x0], $0xffff  }
.Ltmp11:
0x13f: {  	_ = 	snop;
	(pc) =	sbr.rel @p0 .LBB2_20-.Ltmp11, $2  }
0x140: {  	_ =	sdelay $0x2  }
0x141: {  	s0 =	sadd.s32 $0x10, s0;
	[tilespmem:s1+$0x0] =	vst v2;
	s1 =	sadd.s32 $0x10, s1  }
0x142: {  	s1 =	simm.s32 $0x1C  }
0x143: {  	s18 =	simm.s32 $0xC;
	v3 =	vadd.s32 s1, v1  }
0x144: {  	s0 =	simm.s32 $0x7C;
	s19 =	simm.s32 $0x2C;
	v4 =	vadd.s32 s18, v1  }
0x145: {  	s20 =	simm.s32 $0x3C;
	v2 =	vadd.s32 s0, v1;
	v5 =	vadd.s32 s19, v1  }
0x146: {  	v6 =	vadd.s32 s20, v1;
	vm0 =	vlt.s32 v2, $0x101F  }
0x147: {  	s21 =	simm.s32 $0x4C;
	v2 =	vnsel vm0, $0x101F, v2  }
0x148: {  	s22 =	simm.s32 $0x5C;
	v7 =	vadd.s32 s21, v1;
	v3 =	vld.idx.msk [tilespmem:v3+s25+$0x0], $0xffff  }
0x149: {  	s23 =	simm.s32 $0x6C;
	v8 =	vadd.s32 s22, v1;
	v12 =	vld.idx.msk [tilespmem:v4+s25+$0x0], $0xffff  }
0x14a: {  	s24 =	simm.s32 $0xFC;
	s28 =	simm.s32 $0x8C;
	v11 =	vadd.s32 s23, v1;
	v13 =	vld.idx.msk [tilespmem:v5+s25+$0x0], $0xffff  }
0x14b: {  	s26 =	simm.s32 $0x9C;
	v16 =	vadd.s32 s28, v1;
	v4 =	vadd.s32 s24, v1;
	v15 =	vld.idx.msk [tilespmem:v6+s25+$0x0], $0xffff  }
0x14c: {  	v14 =	vadd.s32 s26, v1;
	vm15 =	vlt.s32 v4, $0x101F;
	v2 =	vld.idx.msk [tilespmem:v2+s25+$0x0], $0xffff  }
0x14d: {  	s29 =	simm.s32 $0xAC;
	s0 =	simm.s32 $0xF2F0;
	v10 =	vld.idx.msk [tilespmem:v7+s25+$0x0], $0xffff;
	v6 =	vnsel vm15, $0x101F, v4  }
0x14e: {  	s30 =	simm.s32 $0xBC;
	v9 =	vld.idx.msk [tilespmem:v8+s25+$0x0], $0xffff;
	v5 =	vadd.s32 s29, v1;
	[tilespmem:s0+$0xFFFFFF90] =	vst v12  }
0x14f: {  	s2 =	simm.s32 $0xCC;
	v8 =	vadd.s32 s30, v1;
	v4 =	vld.idx.msk [tilespmem:v11+s25+$0x0], $0xffff;
	[tilespmem:s0+$0xFFFFFFA0] =	vst v3  }
0x150: {  	s31 =	simm.s32 $0xDC;
	v3 =	vadd.s32 s2, v1;
	[tilespmem:s0+$0xFFFFFFB0] =	vst v13;
	v12 =	vld.idx.msk [tilespmem:v16+s25+$0x0], $0xffff  }
0x151: {  	s3 =	simm.s32 $0xEC;
	v7 =	vadd.s32 s31, v1;
	[tilespmem:s0+$0x0] =	vst v2;
	v2 =	vld.idx.msk [tilespmem:v14+s25+$0x0], $0xffff  }
0x152: {  	s1 =	simm.s32 $0x8;
	s2 =	simm.s32 $0x17C;
	[tilespmem:s0+$0xFFFFFFC0] =	vst v15;
	v11 =	vld.idx.msk [tilespmem:v6+s25+$0x0], $0xffff;
	v6 =	vadd.s32 s3, v1  }
.LBB2_22:
0x153: {  	s3 =	sadd.s32 $0xFFFFFFA0, s2;
	s4 =	sadd.s32 $0xFFFFFFB0, s2;
	v13 =	vadd.s32 s2, v1;
	s1 =	sadd.s32 $0x8, s1;
	v14 =	vld.idx.msk [tilespmem:v5+s25+$0x0], $0xffff;
	[tilespmem:s0+$0xFFFFFFD0] =	vst v10  }
0x154: {  	v15 =	vadd.s32 s3, v1;
	v5 =	vadd.s32 s4, v1;
	s3 =	sadd.s32 $0xFFFFFFC0, s2;
	s4 =	sadd.s32 $0xFFFFFFD0, s2;
	vm0 =	vlt.s32 v13, $0x101F;
	p0 =	slt.u32 s1, $0xF8;
	v16 =	vld.idx.msk [tilespmem:v8+s25+$0x0], $0xffff;
	[tilespmem:s0+$0xFFFFFFE0] =	vst v9  }
0x155: {  	s5 =	sadd.s32 $0xFFFFFF90, s2;
	s6 =	sadd.s32 $0xFFFFFFF0, s2;
	v8 =	vadd.s32 s3, v1;
	s3 =	sadd.s32 $0xFFFFFFE0, s2;
	v13 =	vnsel vm0, $0x101F, v13;
	v10 =	vld.idx.msk [tilespmem:v3+s25+$0x0], $0xffff;
	v3 =	vadd.s32 s4, v1;
	[tilespmem:s0+$0xFFFFFFF0] =	vst v4  }
0x156: {  	v17 =	vadd.s32 s5, v1;
	v18 =	vadd.s32 s6, v1;
	s0 =	sadd.s32 $0x80, s0;
	v9 =	vld.idx.msk [tilespmem:v7+s25+$0x0], $0xffff;
	v7 =	vadd.s32 s3, v1  }
.Ltmp12:
0x157: {  	v4 =	vld.idx.msk [tilespmem:v6+s25+$0x0], $0xffff;
	[tilespmem:s0+$0x0] =	vst v11;
	v6 =	vmov v18;
	(pc) =	sbr.rel @p0 .LBB2_22-.Ltmp12, $4  }
0x158: {  	[tilespmem:s0+$0xFFFFFF90] =	vst v12  }
0x159: {  	[tilespmem:s0+$0xFFFFFFA0] =	vst v2;
	v2 =	vld.idx.msk [tilespmem:v15+s25+$0x0], $0xffff  }
0x15a: {  	v11 =	vld.idx.msk [tilespmem:v13+s25+$0x0], $0xffff;
	[tilespmem:s0+$0xFFFFFFB0] =	vst v14  }
0x15b: {  	s2 =	sadd.s32 $0x80, s2;
	v12 =	vld.idx.msk [tilespmem:v17+s25+$0x0], $0xffff;
	[tilespmem:s0+$0xFFFFFFC0] =	vst v16  }
0x15c: {  	_ =	sdelay $0x2  }
0x15d: {  	[tilespmem:s0+$0xFFFFFFD0] =	vst v10  }
0x15e: {  	v5 =	vld.idx.msk [tilespmem:v5+s25+$0x0], $0xffff;
	[tilespmem:s0+$0xFFFFFFE0] =	vst v9  }
0x15f: {  	v8 =	vld.idx.msk [tilespmem:v8+s25+$0x0], $0xffff;
	[tilespmem:s0+$0xFFFFFFF0] =	vst v4;
	s2 =	sadd.s32 $0x80, s0  }
0x160: {  	v3 =	vld.idx.msk [tilespmem:v3+s25+$0x0], $0xffff;
	[tilespmem:s2+$0xFFFFFFA0] =	vst v2  }
0x161: {  	v63 =	vld.idx.msk [tilespmem:v7+s25+$0x0], $0xffff;
	[tilespmem:s2+$0x0] =	vst v11  }
0x162: {  	v6 =	vld.idx.msk [tilespmem:v6+s25+$0x0], $0xffff;
	[tilespmem:s2+$0xFFFFFF90] =	vst v12  }
0x163: {  	[tilespmem:s2+$0xFFFFFFB0] =	vst v5  }
0x164: {  	[tilespmem:s2+$0xFFFFFFC0] =	vst v8  }
0x165: {  	[tilespmem:s2+$0xFFFFFFD0] =	vst v3  }
0x166: {  	[tilespmem:s2+$0xFFFFFFE0] =	vst v63  }
0x167: {  	s0 =	simm.s32 $0x100C;
	s1 =	simm.s32 $0x10280;
	[tilespmem:s2+$0xFFFFFFF0] =	vst v6  }
.LBB2_24:
0x168: {  	v2 =	vadd.s32 s0, v1  }
0x169: {  	vm0 =	vlt.s32 v2, $0x101F  }
0x16a: {  	v2 =	vnsel vm0, $0x101F, v2;
	_ =	sdelay $0x4  }
0x16b: {  	p0 =	sne.s32 s0, $0x101C;
	v2 =	vld.idx.msk [tilespmem:v2+s25+$0x0], $0xffff  }
.Ltmp13:
0x16c: {  	_ = 	snop;
	(pc) =	sbr.rel @p0 .LBB2_24-.Ltmp13, $2  }
0x16d: {  	_ =	sdelay $0x2  }
0x16e: {  	s0 =	sadd.s32 $0x10, s0;
	[tilespmem:s1+$0x0] =	vst v2;
	s1 =	sadd.s32 $0x10, s1  }
0x16f: {  	s1 =	simm.s32 $0x1D  }
0x170: {  	s18 =	simm.s32 $0xD;
	v3 =	vadd.s32 s1, v1  }
0x171: {  	s0 =	simm.s32 $0x7D;
	s19 =	simm.s32 $0x2D;
	v4 =	vadd.s32 s18, v1  }
0x172: {  	s20 =	simm.s32 $0x3D;
	v2 =	vadd.s32 s0, v1;
	v5 =	vadd.s32 s19, v1  }
0x173: {  	v6 =	vadd.s32 s20, v1;
	vm0 =	vlt.s32 v2, $0x101F  }
0x174: {  	s21 =	simm.s32 $0x4D;
	v2 =	vnsel vm0, $0x101F, v2  }
0x175: {  	s22 =	simm.s32 $0x5D;
	v7 =	vadd.s32 s21, v1;
	v3 =	vld.idx.msk [tilespmem:v3+s25+$0x0], $0xffff  }
0x176: {  	s23 =	simm.s32 $0x6D;
	v8 =	vadd.s32 s22, v1;
	v12 =	vld.idx.msk [tilespmem:v4+s25+$0x0], $0xffff  }
0x177: {  	s24 =	simm.s32 $0xFD;
	s28 =	simm.s32 $0x8D;
	v11 =	vadd.s32 s23, v1;
	v13 =	vld.idx.msk [tilespmem:v5+s25+$0x0], $0xffff  }
0x178: {  	s26 =	simm.s32 $0x9D;
	v16 =	vadd.s32 s28, v1;
	v4 =	vadd.s32 s24, v1;
	v15 =	vld.idx.msk [tilespmem:v6+s25+$0x0], $0xffff  }
0x179: {  	v14 =	vadd.s32 s26, v1;
	vm15 =	vlt.s32 v4, $0x101F;
	v2 =	vld.idx.msk [tilespmem:v2+s25+$0x0], $0xffff  }
0x17a: {  	s29 =	simm.s32 $0xAD;
	s0 =	simm.s32 $0x10310;
	v10 =	vld.idx.msk [tilespmem:v7+s25+$0x0], $0xffff;
	v6 =	vnsel vm15, $0x101F, v4  }
0x17b: {  	s30 =	simm.s32 $0xBD;
	v9 =	vld.idx.msk [tilespmem:v8+s25+$0x0], $0xffff;
	v5 =	vadd.s32 s29, v1;
	[tilespmem:s0+$0xFFFFFF90] =	vst v12  }
0x17c: {  	s2 =	simm.s32 $0xCD;
	v8 =	vadd.s32 s30, v1;
	v4 =	vld.idx.msk [tilespmem:v11+s25+$0x0], $0xffff;
	[tilespmem:s0+$0xFFFFFFA0] =	vst v3  }
0x17d: {  	s31 =	simm.s32 $0xDD;
	v3 =	vadd.s32 s2, v1;
	[tilespmem:s0+$0xFFFFFFB0] =	vst v13;
	v12 =	vld.idx.msk [tilespmem:v16+s25+$0x0], $0xffff  }
0x17e: {  	s3 =	simm.s32 $0xED;
	v7 =	vadd.s32 s31, v1;
	[tilespmem:s0+$0x0] =	vst v2;
	v2 =	vld.idx.msk [tilespmem:v14+s25+$0x0], $0xffff  }
0x17f: {  	s1 =	simm.s32 $0x8;
	s2 =	simm.s32 $0x17D;
	[tilespmem:s0+$0xFFFFFFC0] =	vst v15;
	v11 =	vld.idx.msk [tilespmem:v6+s25+$0x0], $0xffff;
	v6 =	vadd.s32 s3, v1  }
.LBB2_26:
0x180: {  	s3 =	sadd.s32 $0xFFFFFFA0, s2;
	s4 =	sadd.s32 $0xFFFFFFB0, s2;
	v13 =	vadd.s32 s2, v1;
	s1 =	sadd.s32 $0x8, s1;
	v14 =	vld.idx.msk [tilespmem:v5+s25+$0x0], $0xffff;
	[tilespmem:s0+$0xFFFFFFD0] =	vst v10  }
0x181: {  	v15 =	vadd.s32 s3, v1;
	v5 =	vadd.s32 s4, v1;
	s3 =	sadd.s32 $0xFFFFFFC0, s2;
	s4 =	sadd.s32 $0xFFFFFFD0, s2;
	vm0 =	vlt.s32 v13, $0x101F;
	p0 =	slt.u32 s1, $0xF8;
	v16 =	vld.idx.msk [tilespmem:v8+s25+$0x0], $0xffff;
	[tilespmem:s0+$0xFFFFFFE0] =	vst v9  }
0x182: {  	s5 =	sadd.s32 $0xFFFFFF90, s2;
	s6 =	sadd.s32 $0xFFFFFFF0, s2;
	v8 =	vadd.s32 s3, v1;
	s3 =	sadd.s32 $0xFFFFFFE0, s2;
	v13 =	vnsel vm0, $0x101F, v13;
	v10 =	vld.idx.msk [tilespmem:v3+s25+$0x0], $0xffff;
	v3 =	vadd.s32 s4, v1;
	[tilespmem:s0+$0xFFFFFFF0] =	vst v4  }
0x183: {  	v17 =	vadd.s32 s5, v1;
	v18 =	vadd.s32 s6, v1;
	s0 =	sadd.s32 $0x80, s0;
	v9 =	vld.idx.msk [tilespmem:v7+s25+$0x0], $0xffff;
	v7 =	vadd.s32 s3, v1  }
.Ltmp14:
0x184: {  	v4 =	vld.idx.msk [tilespmem:v6+s25+$0x0], $0xffff;
	[tilespmem:s0+$0x0] =	vst v11;
	v6 =	vmov v18;
	(pc) =	sbr.rel @p0 .LBB2_26-.Ltmp14, $4  }
0x185: {  	[tilespmem:s0+$0xFFFFFF90] =	vst v12  }
0x186: {  	[tilespmem:s0+$0xFFFFFFA0] =	vst v2;
	v2 =	vld.idx.msk [tilespmem:v15+s25+$0x0], $0xffff  }
0x187: {  	v11 =	vld.idx.msk [tilespmem:v13+s25+$0x0], $0xffff;
	[tilespmem:s0+$0xFFFFFFB0] =	vst v14  }
0x188: {  	s2 =	sadd.s32 $0x80, s2;
	v12 =	vld.idx.msk [tilespmem:v17+s25+$0x0], $0xffff;
	[tilespmem:s0+$0xFFFFFFC0] =	vst v16  }
0x189: {  	_ =	sdelay $0x2  }
0x18a: {  	[tilespmem:s0+$0xFFFFFFD0] =	vst v10  }
0x18b: {  	v5 =	vld.idx.msk [tilespmem:v5+s25+$0x0], $0xffff;
	[tilespmem:s0+$0xFFFFFFE0] =	vst v9  }
0x18c: {  	v8 =	vld.idx.msk [tilespmem:v8+s25+$0x0], $0xffff;
	[tilespmem:s0+$0xFFFFFFF0] =	vst v4;
	s2 =	sadd.s32 $0x80, s0  }
0x18d: {  	v3 =	vld.idx.msk [tilespmem:v3+s25+$0x0], $0xffff;
	[tilespmem:s2+$0xFFFFFFA0] =	vst v2  }
0x18e: {  	v63 =	vld.idx.msk [tilespmem:v7+s25+$0x0], $0xffff;
	[tilespmem:s2+$0x0] =	vst v11  }
0x18f: {  	v6 =	vld.idx.msk [tilespmem:v6+s25+$0x0], $0xffff;
	[tilespmem:s2+$0xFFFFFF90] =	vst v12  }
0x190: {  	[tilespmem:s2+$0xFFFFFFB0] =	vst v5  }
0x191: {  	[tilespmem:s2+$0xFFFFFFC0] =	vst v8  }
0x192: {  	[tilespmem:s2+$0xFFFFFFD0] =	vst v3  }
0x193: {  	[tilespmem:s2+$0xFFFFFFE0] =	vst v63  }
0x194: {  	s0 =	simm.s32 $0x100D;
	s1 =	simm.s32 $0x112A0;
	[tilespmem:s2+$0xFFFFFFF0] =	vst v6  }
.LBB2_28:
0x195: {  	v2 =	vadd.s32 s0, v1  }
0x196: {  	vm0 =	vlt.s32 v2, $0x101F  }
0x197: {  	v2 =	vnsel vm0, $0x101F, v2;
	_ =	sdelay $0x4  }
0x198: {  	p0 =	sne.s32 s0, $0x101D;
	v2 =	vld.idx.msk [tilespmem:v2+s25+$0x0], $0xffff  }
.Ltmp15:
0x199: {  	_ = 	snop;
	(pc) =	sbr.rel @p0 .LBB2_28-.Ltmp15, $2  }
0x19a: {  	_ =	sdelay $0x2  }
0x19b: {  	s0 =	sadd.s32 $0x10, s0;
	[tilespmem:s1+$0x0] =	vst v2;
	s1 =	sadd.s32 $0x10, s1  }
0x19c: {  	s1 =	simm.s32 $0x1E  }
0x19d: {  	s18 =	simm.s32 $0xE;
	v3 =	vadd.s32 s1, v1  }
0x19e: {  	s0 =	simm.s32 $0x7E;
	s19 =	simm.s32 $0x2E;
	v4 =	vadd.s32 s18, v1  }
0x19f: {  	s20 =	simm.s32 $0x3E;
	v2 =	vadd.s32 s0, v1;
	v5 =	vadd.s32 s19, v1  }
0x1a0: {  	v6 =	vadd.s32 s20, v1;
	vm0 =	vlt.s32 v2, $0x101F  }
0x1a1: {  	s21 =	simm.s32 $0x4E;
	v2 =	vnsel vm0, $0x101F, v2  }
0x1a2: {  	s22 =	simm.s32 $0x5E;
	v7 =	vadd.s32 s21, v1;
	v3 =	vld.idx.msk [tilespmem:v3+s25+$0x0], $0xffff  }
0x1a3: {  	s23 =	simm.s32 $0x6E;
	v8 =	vadd.s32 s22, v1;
	v12 =	vld.idx.msk [tilespmem:v4+s25+$0x0], $0xffff  }
0x1a4: {  	s24 =	simm.s32 $0xFE;
	s28 =	simm.s32 $0x8E;
	v11 =	vadd.s32 s23, v1;
	v13 =	vld.idx.msk [tilespmem:v5+s25+$0x0], $0xffff  }
0x1a5: {  	s26 =	simm.s32 $0x9E;
	v16 =	vadd.s32 s28, v1;
	v4 =	vadd.s32 s24, v1;
	v15 =	vld.idx.msk [tilespmem:v6+s25+$0x0], $0xffff  }
0x1a6: {  	v14 =	vadd.s32 s26, v1;
	vm15 =	vlt.s32 v4, $0x101F;
	v2 =	vld.idx.msk [tilespmem:v2+s25+$0x0], $0xffff  }
0x1a7: {  	s29 =	simm.s32 $0xAE;
	s0 =	simm.s32 $0x11330;
	v10 =	vld.idx.msk [tilespmem:v7+s25+$0x0], $0xffff;
	v6 =	vnsel vm15, $0x101F, v4  }
0x1a8: {  	s30 =	simm.s32 $0xBE;
	v9 =	vld.idx.msk [tilespmem:v8+s25+$0x0], $0xffff;
	v5 =	vadd.s32 s29, v1;
	[tilespmem:s0+$0xFFFFFF90] =	vst v12  }
0x1a9: {  	s2 =	simm.s32 $0xCE;
	v8 =	vadd.s32 s30, v1;
	v4 =	vld.idx.msk [tilespmem:v11+s25+$0x0], $0xffff;
	[tilespmem:s0+$0xFFFFFFA0] =	vst v3  }
0x1aa: {  	s31 =	simm.s32 $0xDE;
	v3 =	vadd.s32 s2, v1;
	[tilespmem:s0+$0xFFFFFFB0] =	vst v13;
	v12 =	vld.idx.msk [tilespmem:v16+s25+$0x0], $0xffff  }
0x1ab: {  	s3 =	simm.s32 $0xEE;
	v7 =	vadd.s32 s31, v1;
	[tilespmem:s0+$0x0] =	vst v2;
	v2 =	vld.idx.msk [tilespmem:v14+s25+$0x0], $0xffff  }
0x1ac: {  	s1 =	simm.s32 $0x8;
	s2 =	simm.s32 $0x17E;
	[tilespmem:s0+$0xFFFFFFC0] =	vst v15;
	v11 =	vld.idx.msk [tilespmem:v6+s25+$0x0], $0xffff;
	v6 =	vadd.s32 s3, v1  }
.LBB2_30:
0x1ad: {  	s3 =	sadd.s32 $0xFFFFFFA0, s2;
	s4 =	sadd.s32 $0xFFFFFFB0, s2;
	v13 =	vadd.s32 s2, v1;
	s1 =	sadd.s32 $0x8, s1;
	v14 =	vld.idx.msk [tilespmem:v5+s25+$0x0], $0xffff;
	[tilespmem:s0+$0xFFFFFFD0] =	vst v10  }
0x1ae: {  	v15 =	vadd.s32 s3, v1;
	v5 =	vadd.s32 s4, v1;
	s3 =	sadd.s32 $0xFFFFFFC0, s2;
	s4 =	sadd.s32 $0xFFFFFFD0, s2;
	vm0 =	vlt.s32 v13, $0x101F;
	p0 =	slt.u32 s1, $0xF8;
	v16 =	vld.idx.msk [tilespmem:v8+s25+$0x0], $0xffff;
	[tilespmem:s0+$0xFFFFFFE0] =	vst v9  }
0x1af: {  	s5 =	sadd.s32 $0xFFFFFF90, s2;
	s6 =	sadd.s32 $0xFFFFFFF0, s2;
	v8 =	vadd.s32 s3, v1;
	s3 =	sadd.s32 $0xFFFFFFE0, s2;
	v13 =	vnsel vm0, $0x101F, v13;
	v10 =	vld.idx.msk [tilespmem:v3+s25+$0x0], $0xffff;
	v3 =	vadd.s32 s4, v1;
	[tilespmem:s0+$0xFFFFFFF0] =	vst v4  }
0x1b0: {  	v17 =	vadd.s32 s5, v1;
	v18 =	vadd.s32 s6, v1;
	s0 =	sadd.s32 $0x80, s0;
	v9 =	vld.idx.msk [tilespmem:v7+s25+$0x0], $0xffff;
	v7 =	vadd.s32 s3, v1  }
.Ltmp16:
0x1b1: {  	v4 =	vld.idx.msk [tilespmem:v6+s25+$0x0], $0xffff;
	[tilespmem:s0+$0x0] =	vst v11;
	v6 =	vmov v18;
	(pc) =	sbr.rel @p0 .LBB2_30-.Ltmp16, $4  }
0x1b2: {  	[tilespmem:s0+$0xFFFFFF90] =	vst v12  }
0x1b3: {  	[tilespmem:s0+$0xFFFFFFA0] =	vst v2;
	v2 =	vld.idx.msk [tilespmem:v15+s25+$0x0], $0xffff  }
0x1b4: {  	v11 =	vld.idx.msk [tilespmem:v13+s25+$0x0], $0xffff;
	[tilespmem:s0+$0xFFFFFFB0] =	vst v14  }
0x1b5: {  	s2 =	sadd.s32 $0x80, s2;
	v12 =	vld.idx.msk [tilespmem:v17+s25+$0x0], $0xffff;
	[tilespmem:s0+$0xFFFFFFC0] =	vst v16  }
0x1b6: {  	_ =	sdelay $0x2  }
0x1b7: {  	[tilespmem:s0+$0xFFFFFFD0] =	vst v10  }
0x1b8: {  	v5 =	vld.idx.msk [tilespmem:v5+s25+$0x0], $0xffff;
	[tilespmem:s0+$0xFFFFFFE0] =	vst v9  }
0x1b9: {  	v8 =	vld.idx.msk [tilespmem:v8+s25+$0x0], $0xffff;
	[tilespmem:s0+$0xFFFFFFF0] =	vst v4;
	s2 =	sadd.s32 $0x80, s0  }
0x1ba: {  	v3 =	vld.idx.msk [tilespmem:v3+s25+$0x0], $0xffff;
	[tilespmem:s2+$0xFFFFFFA0] =	vst v2  }
0x1bb: {  	v63 =	vld.idx.msk [tilespmem:v7+s25+$0x0], $0xffff;
	[tilespmem:s2+$0x0] =	vst v11  }
0x1bc: {  	v6 =	vld.idx.msk [tilespmem:v6+s25+$0x0], $0xffff;
	[tilespmem:s2+$0xFFFFFF90] =	vst v12  }
0x1bd: {  	[tilespmem:s2+$0xFFFFFFB0] =	vst v5  }
0x1be: {  	[tilespmem:s2+$0xFFFFFFC0] =	vst v8  }
0x1bf: {  	[tilespmem:s2+$0xFFFFFFD0] =	vst v3  }
0x1c0: {  	[tilespmem:s2+$0xFFFFFFE0] =	vst v63  }
0x1c1: {  	s0 =	simm.s32 $0x100E;
	s1 =	simm.s32 $0x122C0;
	[tilespmem:s2+$0xFFFFFFF0] =	vst v6  }
.LBB2_32:
0x1c2: {  	v2 =	vadd.s32 s0, v1  }
0x1c3: {  	vm0 =	vlt.s32 v2, $0x101F  }
0x1c4: {  	v2 =	vnsel vm0, $0x101F, v2;
	_ =	sdelay $0x4  }
0x1c5: {  	p0 =	sne.s32 s0, $0x101E;
	v2 =	vld.idx.msk [tilespmem:v2+s25+$0x0], $0xffff  }
.Ltmp17:
0x1c6: {  	_ = 	snop;
	(pc) =	sbr.rel @p0 .LBB2_32-.Ltmp17, $2  }
0x1c7: {  	_ =	sdelay $0x2  }
0x1c8: {  	s0 =	sadd.s32 $0x10, s0;
	[tilespmem:s1+$0x0] =	vst v2;
	s1 =	sadd.s32 $0x10, s1  }
0x1c9: {  	s1 =	simm.s32 $0x1F  }
0x1ca: {  	s18 =	simm.s32 $0xF;
	v3 =	vadd.s32 s1, v1  }
0x1cb: {  	s0 =	simm.s32 $0x7F;
	s19 =	simm.s32 $0x2F;
	v4 =	vadd.s32 s18, v1  }
0x1cc: {  	s20 =	simm.s32 $0x3F;
	v2 =	vadd.s32 s0, v1;
	v5 =	vadd.s32 s19, v1  }
0x1cd: {  	v6 =	vadd.s32 s20, v1;
	vm0 =	vlt.s32 v2, $0x101F  }
0x1ce: {  	s21 =	simm.s32 $0x4F;
	v2 =	vnsel vm0, $0x101F, v2  }
0x1cf: {  	s22 =	simm.s32 $0x5F;
	v7 =	vadd.s32 s21, v1;
	v3 =	vld.idx.msk [tilespmem:v3+s25+$0x0], $0xffff  }
0x1d0: {  	s23 =	simm.s32 $0x6F;
	v8 =	vadd.s32 s22, v1;
	v12 =	vld.idx.msk [tilespmem:v4+s25+$0x0], $0xffff  }
0x1d1: {  	s24 =	simm.s32 $0xFF;
	s28 =	simm.s32 $0x8F;
	v11 =	vadd.s32 s23, v1;
	v13 =	vld.idx.msk [tilespmem:v5+s25+$0x0], $0xffff  }
0x1d2: {  	s26 =	simm.s32 $0x9F;
	v16 =	vadd.s32 s28, v1;
	v4 =	vadd.s32 s24, v1;
	v15 =	vld.idx.msk [tilespmem:v6+s25+$0x0], $0xffff  }
0x1d3: {  	v14 =	vadd.s32 s26, v1;
	vm15 =	vlt.s32 v4, $0x101F;
	v2 =	vld.idx.msk [tilespmem:v2+s25+$0x0], $0xffff  }
0x1d4: {  	s29 =	simm.s32 $0xAF;
	s0 =	simm.s32 $0x12350;
	v10 =	vld.idx.msk [tilespmem:v7+s25+$0x0], $0xffff;
	v6 =	vnsel vm15, $0x101F, v4  }
0x1d5: {  	s30 =	simm.s32 $0xBF;
	v9 =	vld.idx.msk [tilespmem:v8+s25+$0x0], $0xffff;
	v5 =	vadd.s32 s29, v1;
	[tilespmem:s0+$0xFFFFFF90] =	vst v12  }
0x1d6: {  	s2 =	simm.s32 $0xCF;
	v8 =	vadd.s32 s30, v1;
	v4 =	vld.idx.msk [tilespmem:v11+s25+$0x0], $0xffff;
	[tilespmem:s0+$0xFFFFFFA0] =	vst v3  }
0x1d7: {  	s31 =	simm.s32 $0xDF;
	v3 =	vadd.s32 s2, v1;
	[tilespmem:s0+$0xFFFFFFB0] =	vst v13;
	v12 =	vld.idx.msk [tilespmem:v16+s25+$0x0], $0xffff  }
0x1d8: {  	s3 =	simm.s32 $0xEF;
	v7 =	vadd.s32 s31, v1;
	[tilespmem:s0+$0x0] =	vst v2;
	v2 =	vld.idx.msk [tilespmem:v14+s25+$0x0], $0xffff  }
0x1d9: {  	s1 =	simm.s32 $0x8;
	s2 =	simm.s32 $0x17F;
	[tilespmem:s0+$0xFFFFFFC0] =	vst v15;
	v11 =	vld.idx.msk [tilespmem:v6+s25+$0x0], $0xffff;
	v6 =	vadd.s32 s3, v1  }
.LBB2_34:
0x1da: {  	s3 =	sadd.s32 $0xFFFFFFA0, s2;
	s4 =	sadd.s32 $0xFFFFFFB0, s2;
	v13 =	vadd.s32 s2, v1;
	s1 =	sadd.s32 $0x8, s1;
	v14 =	vld.idx.msk [tilespmem:v5+s25+$0x0], $0xffff;
	[tilespmem:s0+$0xFFFFFFD0] =	vst v10  }
0x1db: {  	v15 =	vadd.s32 s3, v1;
	v5 =	vadd.s32 s4, v1;
	s3 =	sadd.s32 $0xFFFFFFC0, s2;
	s4 =	sadd.s32 $0xFFFFFFD0, s2;
	vm0 =	vlt.s32 v13, $0x101F;
	p0 =	slt.u32 s1, $0xF8;
	v16 =	vld.idx.msk [tilespmem:v8+s25+$0x0], $0xffff;
	[tilespmem:s0+$0xFFFFFFE0] =	vst v9  }
0x1dc: {  	s5 =	sadd.s32 $0xFFFFFF90, s2;
	s6 =	sadd.s32 $0xFFFFFFF0, s2;
	v8 =	vadd.s32 s3, v1;
	s3 =	sadd.s32 $0xFFFFFFE0, s2;
	v13 =	vnsel vm0, $0x101F, v13;
	v10 =	vld.idx.msk [tilespmem:v3+s25+$0x0], $0xffff;
	v3 =	vadd.s32 s4, v1;
	[tilespmem:s0+$0xFFFFFFF0] =	vst v4  }
0x1dd: {  	v17 =	vadd.s32 s5, v1;
	v18 =	vadd.s32 s6, v1;
	s0 =	sadd.s32 $0x80, s0;
	v9 =	vld.idx.msk [tilespmem:v7+s25+$0x0], $0xffff;
	v7 =	vadd.s32 s3, v1  }
.Ltmp18:
0x1de: {  	v4 =	vld.idx.msk [tilespmem:v6+s25+$0x0], $0xffff;
	[tilespmem:s0+$0x0] =	vst v11;
	v6 =	vmov v18;
	(pc) =	sbr.rel @p0 .LBB2_34-.Ltmp18, $4  }
0x1df: {  	[tilespmem:s0+$0xFFFFFF90] =	vst v12  }
0x1e0: {  	[tilespmem:s0+$0xFFFFFFA0] =	vst v2;
	v2 =	vld.idx.msk [tilespmem:v15+s25+$0x0], $0xffff  }
0x1e1: {  	v11 =	vld.idx.msk [tilespmem:v13+s25+$0x0], $0xffff;
	[tilespmem:s0+$0xFFFFFFB0] =	vst v14  }
0x1e2: {  	s2 =	sadd.s32 $0x80, s2;
	v12 =	vld.idx.msk [tilespmem:v17+s25+$0x0], $0xffff;
	[tilespmem:s0+$0xFFFFFFC0] =	vst v16  }
0x1e3: {  	_ =	sdelay $0x2  }
0x1e4: {  	[tilespmem:s0+$0xFFFFFFD0] =	vst v10  }
0x1e5: {  	v5 =	vld.idx.msk [tilespmem:v5+s25+$0x0], $0xffff;
	[tilespmem:s0+$0xFFFFFFE0] =	vst v9  }
0x1e6: {  	v8 =	vld.idx.msk [tilespmem:v8+s25+$0x0], $0xffff;
	[tilespmem:s0+$0xFFFFFFF0] =	vst v4;
	s2 =	sadd.s32 $0x80, s0  }
0x1e7: {  	v3 =	vld.idx.msk [tilespmem:v3+s25+$0x0], $0xffff;
	[tilespmem:s2+$0xFFFFFFA0] =	vst v2  }
0x1e8: {  	v63 =	vld.idx.msk [tilespmem:v7+s25+$0x0], $0xffff;
	[tilespmem:s2+$0x0] =	vst v11  }
0x1e9: {  	v6 =	vld.idx.msk [tilespmem:v6+s25+$0x0], $0xffff;
	[tilespmem:s2+$0xFFFFFF90] =	vst v12  }
0x1ea: {  	[tilespmem:s2+$0xFFFFFFB0] =	vst v5  }
0x1eb: {  	[tilespmem:s2+$0xFFFFFFC0] =	vst v8  }
0x1ec: {  	[tilespmem:s2+$0xFFFFFFD0] =	vst v3  }
0x1ed: {  	[tilespmem:s2+$0xFFFFFFE0] =	vst v63  }
0x1ee: {  	s0 =	simm.s32 $0x100F;
	s1 =	simm.s32 $0x132E0;
	[tilespmem:s2+$0xFFFFFFF0] =	vst v6  }
.LBB2_36:
0x1ef: {  	v2 =	vadd.s32 s0, v1  }
0x1f0: {  	vm0 =	vlt.s32 v2, $0x101F  }
0x1f1: {  	v2 =	vnsel vm0, $0x101F, v2;
	_ =	sdelay $0x4  }
0x1f2: {  	p0 =	sne.s32 s0, $0x101F;
	v2 =	vld.idx.msk [tilespmem:v2+s25+$0x0], $0xffff  }
.Ltmp19:
0x1f3: {  	_ = 	snop;
	(pc) =	sbr.rel @p0 .LBB2_36-.Ltmp19, $2  }
0x1f4: {  	_ =	sdelay $0x2  }
0x1f5: {  	s0 =	sadd.s32 $0x10, s0;
	[tilespmem:s1+$0x0] =	vst v2;
	s1 =	sadd.s32 $0x10, s1  }
0x1f6: {  	s4 =	rddreg [dreg:$0xa]  }
0x1f7: {  	v2 =	vld [tilespmem:s4+$0x0]  }
0x1f8: {  	v3 =	vld [tilespmem:s4+$0xFFFFFF20]  }
0x1f9: {  	v4 =	vld [tilespmem:s4+$0xFFFFFF30]  }
0x1fa: {  	v5 =	vld [tilespmem:s4+$0xFFFFFF40]  }
0x1fb: {  	s1 =	simm.s32 $0x13700;
	v6 =	vld [tilespmem:s4+$0xFFFFFF50]  }
0x1fc: {  	v7 =	vld [tilespmem:s4+$0xFFFFFF60];
	[tilespmem:s1+$0x70] =	vst v2  }
0x1fd: {  	[tilespmem:s1+$0xFFFFFC10] =	vst v3;
	v2 =	vld [tilespmem:s4+$0xFFFFFF70]  }
0x1fe: {  	[tilespmem:s1+$0xFFFFFC20] =	vst v4;
	v3 =	vld [tilespmem:s4+$0xFFFFFF80]  }
0x1ff: {  	[tilespmem:s1+$0xFFFFFC30] =	vst v5;
	v4 =	vld [tilespmem:s4+$0xFFFFFF90]  }
0x200: {  	[tilespmem:s1+$0xFFFFFC40] =	vst v6;
	v5 =	vld [tilespmem:s4+$0xFFFFFFA0]  }
0x201: {  	[tilespmem:s1+$0xFFFFFC50] =	vst v7;
	v7 =	vld [tilespmem:s4+$0xFFFFFFB0]  }
0x202: {  	[tilespmem:s1+$0xFFFFFC60] =	vst v2;
	v2 =	vld [tilespmem:s4+$0xFFFFFFC0]  }
0x203: {  	[tilespmem:s1+$0xFFFFFC70] =	vst v3;
	v3 =	vld [tilespmem:s4+$0xFFFFFFD0]  }
0x204: {  	[tilespmem:s1+$0x0] =	vst v4;
	v4 =	vld [tilespmem:s4+$0xFFFFFFE0]  }
0x205: {  	s3 =	simm.s32 $0x0;
	[tilespmem:s1+$0x10] =	vst v5;
	v5 =	vld [tilespmem:s4+$0xFFFFFFF0]  }
0x206: {  	s0 =	simm.s32 $0x780;
	s2 =	simm.s32 $0x13780;
	v6 =	vld [tilespmem:s4+$0xFFFFFF10];
	[tilespmem:s1+$0x20] =	vst v7;
	s4 =	sadd.s32 $0x100, s4  }
.LBB2_38:
0x207: {  	v7 =	vld [tilespmem:s4+$0x0];
	s3 =	sadd.s32 $0x10, s3;
	[tilespmem:s1+$0x30] =	vst v2  }
0x208: {  	v2 =	vld [tilespmem:s4+$0xFFFFFF20];
	p0 =	slt.u32 s3, $0x70;
	[tilespmem:s1+$0x40] =	vst v3  }
0x209: {  	v3 =	vld [tilespmem:s4+$0xFFFFFF30];
	[tilespmem:s1+$0x50] =	vst v4  }
0x20a: {  	v4 =	vld [tilespmem:s4+$0xFFFFFF40];
	[tilespmem:s1+$0x60] =	vst v5  }
0x20b: {  	v5 =	vld [tilespmem:s4+$0xFFFFFF50];
	[tilespmem:s1+$0xFFFFFC00] =	vst v6;
	s1 =	sadd.s32 $0x800, s1  }
0x20c: {  	v6 =	vld [tilespmem:s4+$0xFFFFFF60];
	[tilespmem:s1+$0x70] =	vst v7  }
0x20d: {  	[tilespmem:s1+$0xFFFFFC10] =	vst v2;
	v2 =	vld [tilespmem:s4+$0xFFFFFF70]  }
0x20e: {  	[tilespmem:s1+$0xFFFFFC20] =	vst v3;
	v3 =	vld [tilespmem:s4+$0xFFFFFF80]  }
0x20f: {  	[tilespmem:s1+$0xFFFFFC30] =	vst v4;
	v4 =	vld [tilespmem:s4+$0xFFFFFF90]  }
0x210: {  	[tilespmem:s1+$0xFFFFFC40] =	vst v5;
	v5 =	vld [tilespmem:s4+$0xFFFFFFA0]  }
0x211: {  	[tilespmem:s1+$0xFFFFFC50] =	vst v6;
	v7 =	vld [tilespmem:s4+$0xFFFFFFB0]  }
.Ltmp20:
0x212: {  	[tilespmem:s1+$0xFFFFFC60] =	vst v2;
	v2 =	vld [tilespmem:s4+$0xFFFFFFC0];
	(pc) =	sbr.rel @p0 .LBB2_38-.Ltmp20, $4  }
0x213: {  	[tilespmem:s1+$0xFFFFFC70] =	vst v3;
	v3 =	vld [tilespmem:s4+$0xFFFFFFD0]  }
0x214: {  	[tilespmem:s1+$0x0] =	vst v4;
	v4 =	vld [tilespmem:s4+$0xFFFFFFE0]  }
0x215: {  	[tilespmem:s1+$0x10] =	vst v5;
	v5 =	vld [tilespmem:s4+$0xFFFFFFF0]  }
0x216: {  	v6 =	vld [tilespmem:s4+$0xFFFFFF10];
	[tilespmem:s1+$0x20] =	vst v7;
	s4 =	sadd.s32 $0x100, s4  }
0x217: {  	[tilespmem:s1+$0x30] =	vst v2  }
0x218: {  	[tilespmem:s1+$0x40] =	vst v3  }
0x219: {  	[tilespmem:s1+$0x50] =	vst v4  }
0x21a: {  	[tilespmem:s1+$0x60] =	vst v5  }
0x21b: {  	[tilespmem:s1+$0xFFFFFC00] =	vst v6  }
0x21c: {  	s8 =	rddreg [dreg:$0xb]  }
0x21d: {  	v2 =	vld [tilespmem:s8+$0x0]  }
0x21e: {  	v3 =	vld [tilespmem:s8+$0xFFFFFF20]  }
0x21f: {  	v4 =	vld [tilespmem:s8+$0xFFFFFF30]  }
0x220: {  	v5 =	vld [tilespmem:s8+$0xFFFFFF40]  }
0x221: {  	s31 =	sand.u32 $0x3C80, s0;
	v6 =	vld [tilespmem:s8+$0xFFFFFF50]  }
0x222: {  	v7 =	vld [tilespmem:s8+$0xFFFFFF60];
	[tilespmem:s31+$0x13370] =	vst v2  }
0x223: {  	[tilespmem:s2+$0xFFFFFC10] =	vst v3;
	v2 =	vld [tilespmem:s8+$0xFFFFFF70]  }
0x224: {  	[tilespmem:s2+$0xFFFFFC20] =	vst v4;
	v3 =	vld [tilespmem:s8+$0xFFFFFF80]  }
0x225: {  	[tilespmem:s2+$0xFFFFFC30] =	vst v5;
	v4 =	vld [tilespmem:s8+$0xFFFFFF90]  }
0x226: {  	[tilespmem:s2+$0xFFFFFC40] =	vst v6;
	v5 =	vld [tilespmem:s8+$0xFFFFFFA0]  }
0x227: {  	[tilespmem:s2+$0xFFFFFC50] =	vst v7;
	v7 =	vld [tilespmem:s8+$0xFFFFFFB0]  }
0x228: {  	[tilespmem:s2+$0xFFFFFC60] =	vst v2;
	v2 =	vld [tilespmem:s8+$0xFFFFFFC0]  }
0x229: {  	[tilespmem:s2+$0xFFFFFC70] =	vst v3;
	v3 =	vld [tilespmem:s8+$0xFFFFFFD0]  }
0x22a: {  	s4 =	simm.s32 $0x580;
	s5 =	simm.s32 $0x680;
	[tilespmem:s2+$0x0] =	vst v4;
	v4 =	vld [tilespmem:s8+$0xFFFFFFE0]  }
0x22b: {  	s3 =	simm.s32 $0x0;
	s7 =	sand.u32 $0x3C80, s4;
	s6 =	sand.u32 $0x3C80, s5;
	v6 =	vld [tilespmem:s8+$0xFFFFFFF0];
	[tilespmem:s2+$0x10] =	vst v5  }
0x22c: {  	s5 =	simm.s32 $0x780;
	s1 =	simm.s32 $0x13800;
	s4 =	sadd.s32 $0x100, s8;
	v5 =	vld [tilespmem:s8+$0xFFFFFF10];
	[tilespmem:s2+$0x20] =	vst v7  }
.LBB2_40:
0x22d: {  	v7 =	vld [tilespmem:s4+$0x0];
	s3 =	sadd.s32 $0x10, s3;
	[tilespmem:s7+$0x13330] =	vst v2  }
0x22e: {  	v2 =	vld [tilespmem:s4+$0xFFFFFF20];
	p0 =	slt.u32 s3, $0x70;
	[tilespmem:s2+$0x40] =	vst v3  }
0x22f: {  	v3 =	vld [tilespmem:s4+$0xFFFFFF30];
	[tilespmem:s6+$0x13350] =	vst v4  }
0x230: {  	s5 =	sadd.s32 $0x800, s5;
	v4 =	vld [tilespmem:s4+$0xFFFFFF40];
	[tilespmem:s2+$0x60] =	vst v6  }
0x231: {  	s8 =	sadd.s32 $0xFFFFFF00, s5;
	s9 =	sand.u32 $0x3C80, s5;
	s6 =	sadd.s32 $0xFFFFFE00, s5;
	v6 =	vld [tilespmem:s4+$0xFFFFFF50];
	[tilespmem:s2+$0xFFFFFC00] =	vst v5  }
0x232: {  	s7 =	sand.u32 $0x3C80, s6;
	s6 =	sand.u32 $0x3C80, s8;
	s2 =	sadd.s32 $0x800, s2;
	v5 =	vld [tilespmem:s4+$0xFFFFFF60];
	[tilespmem:s9+$0x13370] =	vst v7  }
0x233: {  	[tilespmem:s2+$0xFFFFFC10] =	vst v2;
	v2 =	vld [tilespmem:s4+$0xFFFFFF70]  }
0x234: {  	[tilespmem:s2+$0xFFFFFC20] =	vst v3;
	v3 =	vld [tilespmem:s4+$0xFFFFFF80]  }
0x235: {  	[tilespmem:s2+$0xFFFFFC30] =	vst v4;
	v4 =	vld [tilespmem:s4+$0xFFFFFF90]  }
0x236: {  	[tilespmem:s2+$0xFFFFFC40] =	vst v6;
	v6 =	vld [tilespmem:s4+$0xFFFFFFA0]  }
0x237: {  	[tilespmem:s2+$0xFFFFFC50] =	vst v5;
	v7 =	vld [tilespmem:s4+$0xFFFFFFB0]  }
.Ltmp21:
0x238: {  	[tilespmem:s2+$0xFFFFFC60] =	vst v2;
	v2 =	vld [tilespmem:s4+$0xFFFFFFC0];
	(pc) =	sbr.rel @p0 .LBB2_40-.Ltmp21, $4  }
0x239: {  	[tilespmem:s2+$0xFFFFFC70] =	vst v3;
	v3 =	vld [tilespmem:s4+$0xFFFFFFD0]  }
0x23a: {  	[tilespmem:s2+$0x0] =	vst v4;
	v4 =	vld [tilespmem:s4+$0xFFFFFFE0]  }
0x23b: {  	[tilespmem:s2+$0x10] =	vst v6;
	v6 =	vld [tilespmem:s4+$0xFFFFFFF0]  }
0x23c: {  	v5 =	vld [tilespmem:s4+$0xFFFFFF10];
	[tilespmem:s2+$0x20] =	vst v7;
	s4 =	sadd.s32 $0x100, s4  }
0x23d: {  	[tilespmem:s7+$0x13330] =	vst v2  }
0x23e: {  	[tilespmem:s2+$0x40] =	vst v3  }
0x23f: {  	[tilespmem:s6+$0x13350] =	vst v4  }
0x240: {  	[tilespmem:s2+$0x60] =	vst v6  }
0x241: {  	[tilespmem:s2+$0xFFFFFC00] =	vst v5  }
0x242: {  	s5 =	rddreg [dreg:$0xc]  }
0x243: {  	v2 =	vld [tilespmem:s5+$0x0]  }
0x244: {  	v3 =	vld [tilespmem:s5+$0xFFFFFF20]  }
0x245: {  	v4 =	vld [tilespmem:s5+$0xFFFFFF30]  }
0x246: {  	v5 =	vld [tilespmem:s5+$0xFFFFFF40]  }
0x247: {  	s31 =	sand.u32 $0x3D00, s0;
	v6 =	vld [tilespmem:s5+$0xFFFFFF50]  }
0x248: {  	v7 =	vld [tilespmem:s5+$0xFFFFFF60];
	[tilespmem:s31+$0x13370] =	vst v2  }
0x249: {  	[tilespmem:s1+$0xFFFFFC10] =	vst v3;
	v2 =	vld [tilespmem:s5+$0xFFFFFF70]  }
0x24a: {  	[tilespmem:s1+$0xFFFFFC20] =	vst v4;
	v3 =	vld [tilespmem:s5+$0xFFFFFF80]  }
0x24b: {  	[tilespmem:s1+$0xFFFFFC30] =	vst v5;
	v4 =	vld [tilespmem:s5+$0xFFFFFF90]  }
0x24c: {  	[tilespmem:s1+$0xFFFFFC40] =	vst v6;
	v5 =	vld [tilespmem:s5+$0xFFFFFFA0]  }
0x24d: {  	[tilespmem:s1+$0xFFFFFC50] =	vst v7;
	v7 =	vld [tilespmem:s5+$0xFFFFFFB0]  }
0x24e: {  	[tilespmem:s1+$0xFFFFFC60] =	vst v2;
	v2 =	vld [tilespmem:s5+$0xFFFFFFC0]  }
0x24f: {  	[tilespmem:s1+$0xFFFFFC70] =	vst v3;
	v3 =	vld [tilespmem:s5+$0xFFFFFFD0]  }
0x250: {  	[tilespmem:s1+$0x0] =	vst v4;
	v4 =	vld [tilespmem:s5+$0xFFFFFFE0]  }
0x251: {  	s4 =	simm.s32 $0x0;
	s3 =	simm.s32 $0x700;
	v6 =	vld [tilespmem:s5+$0xFFFFFFF0];
	[tilespmem:s1+$0x10] =	vst v5  }
0x252: {  	s6 =	sand.u32 $0x3D00, s3;
	s2 =	simm.s32 $0x13880;
	v5 =	vld [tilespmem:s5+$0xFFFFFF10];
	[tilespmem:s1+$0x20] =	vst v7;
	s5 =	sadd.s32 $0x100, s5  }
.LBB2_42:
0x253: {  	v7 =	vld [tilespmem:s5+$0x0];
	s4 =	sadd.s32 $0x10, s4;
	[tilespmem:s1+$0x30] =	vst v2  }
0x254: {  	v2 =	vld [tilespmem:s5+$0xFFFFFF20];
	p0 =	slt.u32 s4, $0x70;
	[tilespmem:s1+$0x40] =	vst v3  }
0x255: {  	v3 =	vld [tilespmem:s5+$0xFFFFFF30];
	[tilespmem:s1+$0x50] =	vst v4  }
0x256: {  	s0 =	sadd.s32 $0x800, s0;
	v4 =	vld [tilespmem:s5+$0xFFFFFF40];
	[tilespmem:s6+$0x13360] =	vst v6  }
0x257: {  	s3 =	sadd.s32 $0xFFFFFF80, s0;
	s7 =	sand.u32 $0x3D00, s0;
	v6 =	vld [tilespmem:s5+$0xFFFFFF50];
	[tilespmem:s1+$0xFFFFFC00] =	vst v5  }
0x258: {  	s6 =	sand.u32 $0x3D00, s3;
	s3 =	simm.s32 $0x780;
	s1 =	sadd.s32 $0x800, s1;
	v5 =	vld [tilespmem:s5+$0xFFFFFF60];
	[tilespmem:s7+$0x13370] =	vst v7  }
0x259: {  	[tilespmem:s1+$0xFFFFFC10] =	vst v2;
	v2 =	vld [tilespmem:s5+$0xFFFFFF70]  }
0x25a: {  	[tilespmem:s1+$0xFFFFFC20] =	vst v3;
	v3 =	vld [tilespmem:s5+$0xFFFFFF80]  }
0x25b: {  	[tilespmem:s1+$0xFFFFFC30] =	vst v4;
	v4 =	vld [tilespmem:s5+$0xFFFFFF90]  }
0x25c: {  	[tilespmem:s1+$0xFFFFFC40] =	vst v6;
	v6 =	vld [tilespmem:s5+$0xFFFFFFA0]  }
0x25d: {  	[tilespmem:s1+$0xFFFFFC50] =	vst v5;
	v7 =	vld [tilespmem:s5+$0xFFFFFFB0]  }
.Ltmp22:
0x25e: {  	[tilespmem:s1+$0xFFFFFC60] =	vst v2;
	v2 =	vld [tilespmem:s5+$0xFFFFFFC0];
	(pc) =	sbr.rel @p0 .LBB2_42-.Ltmp22, $4  }
0x25f: {  	[tilespmem:s1+$0xFFFFFC70] =	vst v3;
	v3 =	vld [tilespmem:s5+$0xFFFFFFD0]  }
0x260: {  	[tilespmem:s1+$0x0] =	vst v4;
	v4 =	vld [tilespmem:s5+$0xFFFFFFE0]  }
0x261: {  	[tilespmem:s1+$0x10] =	vst v6;
	v6 =	vld [tilespmem:s5+$0xFFFFFFF0]  }
0x262: {  	v5 =	vld [tilespmem:s5+$0xFFFFFF10];
	[tilespmem:s1+$0x20] =	vst v7;
	s5 =	sadd.s32 $0x100, s5  }
0x263: {  	[tilespmem:s1+$0x30] =	vst v2  }
0x264: {  	[tilespmem:s1+$0x40] =	vst v3  }
0x265: {  	[tilespmem:s1+$0x50] =	vst v4  }
0x266: {  	[tilespmem:s6+$0x13360] =	vst v6  }
0x267: {  	[tilespmem:s1+$0xFFFFFC00] =	vst v5  }
0x268: {  	s5 =	rddreg [dreg:$0xd]  }
0x269: {  	v2 =	vld [tilespmem:s5+$0x0]  }
0x26a: {  	v3 =	vld [tilespmem:s5+$0xFFFFFF20]  }
0x26b: {  	v4 =	vld [tilespmem:s5+$0xFFFFFF30]  }
0x26c: {  	v5 =	vld [tilespmem:s5+$0xFFFFFF40]  }
0x26d: {  	s0 =	sand.u32 $0x3D80, s3;
	v6 =	vld [tilespmem:s5+$0xFFFFFF50]  }
0x26e: {  	v7 =	vld [tilespmem:s5+$0xFFFFFF60];
	[tilespmem:s0+$0x13370] =	vst v2  }
0x26f: {  	[tilespmem:s2+$0xFFFFFC10] =	vst v3;
	v2 =	vld [tilespmem:s5+$0xFFFFFF70]  }
0x270: {  	[tilespmem:s2+$0xFFFFFC20] =	vst v4;
	v3 =	vld [tilespmem:s5+$0xFFFFFF80]  }
0x271: {  	[tilespmem:s2+$0xFFFFFC30] =	vst v5;
	v4 =	vld [tilespmem:s5+$0xFFFFFF90]  }
0x272: {  	[tilespmem:s2+$0xFFFFFC40] =	vst v6;
	v6 =	vld [tilespmem:s5+$0xFFFFFFA0]  }
0x273: {  	[tilespmem:s2+$0xFFFFFC50] =	vst v7;
	v7 =	vld [tilespmem:s5+$0xFFFFFFB0]  }
0x274: {  	[tilespmem:s2+$0xFFFFFC60] =	vst v2;
	v2 =	vld [tilespmem:s5+$0xFFFFFFC0]  }
0x275: {  	s30 =	simm.s32 $0x480;
	[tilespmem:s2+$0xFFFFFC70] =	vst v3;
	v3 =	vld [tilespmem:s5+$0xFFFFFFD0]  }
0x276: {  	s31 =	simm.s32 $0x500;
	s0 =	sor.u32 $0x190, s30;
	v5 =	vld [tilespmem:s5+$0xFFFFFFE0];
	[tilespmem:s2+$0x0] =	vst v4  }
0x277: {  	s4 =	sor.u32 $0x1A0, s31;
	[tilespmem:s0+$0x13300] =	vst v6;
	v6 =	vld [tilespmem:s5+$0xFFFFFFF0]  }
0x278: {  	s1 =	simm.s32 $0x13900;
	s0 =	simm.s32 $0x0;
	v4 =	vld [tilespmem:s5+$0xFFFFFF10];
	[tilespmem:s4+$0x13300] =	vst v7;
	s4 =	sadd.s32 $0x100, s5  }
.LBB2_44:
0x279: {  	v7 =	vld [tilespmem:s4+$0x0];
	s0 =	sadd.s32 $0x10, s0;
	[tilespmem:s2+$0x30] =	vst v2  }
0x27a: {  	v2 =	vld [tilespmem:s4+$0xFFFFFF20];
	p0 =	slt.u32 s0, $0x70;
	[tilespmem:s2+$0x40] =	vst v3  }
0x27b: {  	v3 =	vld [tilespmem:s4+$0xFFFFFF30];
	[tilespmem:s2+$0x50] =	vst v5  }
0x27c: {  	s3 =	sadd.s32 $0x800, s3;
	v5 =	vld [tilespmem:s4+$0xFFFFFF40];
	[tilespmem:s2+$0x60] =	vst v6  }
0x27d: {  	s5 =	sadd.s32 $0xFFFFFD00, s3;
	s6 =	sadd.s32 $0xFFFFFD80, s3;
	s7 =	sand.u32 $0x3D80, s3;
	v6 =	vld [tilespmem:s4+$0xFFFFFF50];
	[tilespmem:s2+$0xFFFFFC00] =	vst v4  }
0x27e: {  	s5 =	sor.u32 $0x190, s5;
	s6 =	sor.u32 $0x1A0, s6;
	s2 =	sadd.s32 $0x800, s2;
	v4 =	vld [tilespmem:s4+$0xFFFFFF60];
	[tilespmem:s7+$0x13370] =	vst v7  }
0x27f: {  	[tilespmem:s2+$0xFFFFFC10] =	vst v2;
	v2 =	vld [tilespmem:s4+$0xFFFFFF70]  }
0x280: {  	[tilespmem:s2+$0xFFFFFC20] =	vst v3;
	v3 =	vld [tilespmem:s4+$0xFFFFFF80]  }
0x281: {  	[tilespmem:s2+$0xFFFFFC30] =	vst v5;
	v5 =	vld [tilespmem:s4+$0xFFFFFF90]  }
0x282: {  	[tilespmem:s2+$0xFFFFFC40] =	vst v6;
	v6 =	vld [tilespmem:s4+$0xFFFFFFA0]  }
0x283: {  	[tilespmem:s2+$0xFFFFFC50] =	vst v4;
	v7 =	vld [tilespmem:s4+$0xFFFFFFB0]  }
.Ltmp23:
0x284: {  	[tilespmem:s2+$0xFFFFFC60] =	vst v2;
	v2 =	vld [tilespmem:s4+$0xFFFFFFC0];
	(pc) =	sbr.rel @p0 .LBB2_44-.Ltmp23, $4  }
0x285: {  	[tilespmem:s2+$0xFFFFFC70] =	vst v3;
	v3 =	vld [tilespmem:s4+$0xFFFFFFD0]  }
0x286: {  	[tilespmem:s2+$0x0] =	vst v5;
	v5 =	vld [tilespmem:s4+$0xFFFFFFE0]  }
0x287: {  	[tilespmem:s5+$0x13300] =	vst v6;
	v6 =	vld [tilespmem:s4+$0xFFFFFFF0]  }
0x288: {  	v4 =	vld [tilespmem:s4+$0xFFFFFF10];
	[tilespmem:s6+$0x13300] =	vst v7;
	s4 =	sadd.s32 $0x100, s4  }
0x289: {  	[tilespmem:s2+$0x30] =	vst v2  }
0x28a: {  	[tilespmem:s2+$0x40] =	vst v3  }
0x28b: {  	[tilespmem:s2+$0x50] =	vst v5  }
0x28c: {  	[tilespmem:s2+$0x60] =	vst v6  }
0x28d: {  	[tilespmem:s2+$0xFFFFFC00] =	vst v4  }
0x28e: {  	s3 =	rddreg [dreg:$0xe]  }
0x28f: {  	v2 =	vld [tilespmem:s3+$0x0]  }
0x290: {  	v3 =	vld [tilespmem:s3+$0xFFFFFF20]  }
0x291: {  	v4 =	vld [tilespmem:s3+$0xFFFFFF30]  }
0x292: {  	v5 =	vld [tilespmem:s3+$0xFFFFFF40]  }
0x293: {  	v6 =	vld [tilespmem:s3+$0xFFFFFF50]  }
0x294: {  	v7 =	vld [tilespmem:s3+$0xFFFFFF60];
	[tilespmem:s1+$0x70] =	vst v2  }
0x295: {  	[tilespmem:s1+$0xFFFFFC10] =	vst v3;
	v2 =	vld [tilespmem:s3+$0xFFFFFF70]  }
0x296: {  	[tilespmem:s1+$0xFFFFFC20] =	vst v4;
	v3 =	vld [tilespmem:s3+$0xFFFFFF80]  }
0x297: {  	[tilespmem:s1+$0xFFFFFC30] =	vst v5;
	v4 =	vld [tilespmem:s3+$0xFFFFFF90]  }
0x298: {  	[tilespmem:s1+$0xFFFFFC40] =	vst v6;
	v5 =	vld [tilespmem:s3+$0xFFFFFFA0]  }
0x299: {  	[tilespmem:s1+$0xFFFFFC50] =	vst v7;
	v7 =	vld [tilespmem:s3+$0xFFFFFFB0]  }
0x29a: {  	[tilespmem:s1+$0xFFFFFC60] =	vst v2;
	v2 =	vld [tilespmem:s3+$0xFFFFFFC0]  }
0x29b: {  	[tilespmem:s1+$0xFFFFFC70] =	vst v3;
	v3 =	vld [tilespmem:s3+$0xFFFFFFD0]  }
0x29c: {  	[tilespmem:s1+$0x0] =	vst v4;
	v4 =	vld [tilespmem:s3+$0xFFFFFFE0]  }
0x29d: {  	[tilespmem:s1+$0x10] =	vst v5;
	v5 =	vld [tilespmem:s3+$0xFFFFFFF0]  }
0x29e: {  	s0 =	simm.s32 $0x13980;
	s2 =	simm.s32 $0x0;
	v6 =	vld [tilespmem:s3+$0xFFFFFF10];
	[tilespmem:s1+$0x20] =	vst v7;
	s3 =	sadd.s32 $0x100, s3  }
.LBB2_46:
0x29f: {  	v7 =	vld [tilespmem:s3+$0x0];
	s2 =	sadd.s32 $0x10, s2;
	[tilespmem:s1+$0x30] =	vst v2  }
0x2a0: {  	v2 =	vld [tilespmem:s3+$0xFFFFFF20];
	p0 =	slt.u32 s2, $0x70;
	[tilespmem:s1+$0x40] =	vst v3  }
0x2a1: {  	v3 =	vld [tilespmem:s3+$0xFFFFFF30];
	[tilespmem:s1+$0x50] =	vst v4  }
0x2a2: {  	v4 =	vld [tilespmem:s3+$0xFFFFFF40];
	[tilespmem:s1+$0x60] =	vst v5  }
0x2a3: {  	v5 =	vld [tilespmem:s3+$0xFFFFFF50];
	[tilespmem:s1+$0xFFFFFC00] =	vst v6;
	s1 =	sadd.s32 $0x800, s1  }
0x2a4: {  	s4 =	simm.s32 $0x780;
	v6 =	vld [tilespmem:s3+$0xFFFFFF60];
	[tilespmem:s1+$0x70] =	vst v7  }
0x2a5: {  	[tilespmem:s1+$0xFFFFFC10] =	vst v2;
	v2 =	vld [tilespmem:s3+$0xFFFFFF70]  }
0x2a6: {  	[tilespmem:s1+$0xFFFFFC20] =	vst v3;
	v3 =	vld [tilespmem:s3+$0xFFFFFF80]  }
0x2a7: {  	[tilespmem:s1+$0xFFFFFC30] =	vst v4;
	v4 =	vld [tilespmem:s3+$0xFFFFFF90]  }
0x2a8: {  	[tilespmem:s1+$0xFFFFFC40] =	vst v5;
	v5 =	vld [tilespmem:s3+$0xFFFFFFA0]  }
0x2a9: {  	[tilespmem:s1+$0xFFFFFC50] =	vst v6;
	v7 =	vld [tilespmem:s3+$0xFFFFFFB0]  }
.Ltmp24:
0x2aa: {  	[tilespmem:s1+$0xFFFFFC60] =	vst v2;
	v2 =	vld [tilespmem:s3+$0xFFFFFFC0];
	(pc) =	sbr.rel @p0 .LBB2_46-.Ltmp24, $4  }
0x2ab: {  	[tilespmem:s1+$0xFFFFFC70] =	vst v3;
	v3 =	vld [tilespmem:s3+$0xFFFFFFD0]  }
0x2ac: {  	[tilespmem:s1+$0x0] =	vst v4;
	v4 =	vld [tilespmem:s3+$0xFFFFFFE0]  }
0x2ad: {  	[tilespmem:s1+$0x10] =	vst v5;
	v5 =	vld [tilespmem:s3+$0xFFFFFFF0]  }
0x2ae: {  	v6 =	vld [tilespmem:s3+$0xFFFFFF10];
	[tilespmem:s1+$0x20] =	vst v7;
	s3 =	sadd.s32 $0x100, s3  }
0x2af: {  	[tilespmem:s1+$0x30] =	vst v2  }
0x2b0: {  	[tilespmem:s1+$0x40] =	vst v3  }
0x2b1: {  	[tilespmem:s1+$0x50] =	vst v4  }
0x2b2: {  	[tilespmem:s1+$0x60] =	vst v5  }
0x2b3: {  	[tilespmem:s1+$0xFFFFFC00] =	vst v6  }
0x2b4: {  	s7 =	rddreg [dreg:$0xf]  }
0x2b5: {  	v2 =	vld [tilespmem:s7+$0x0]  }
0x2b6: {  	v3 =	vld [tilespmem:s7+$0xFFFFFF20]  }
0x2b7: {  	v4 =	vld [tilespmem:s7+$0xFFFFFF30]  }
0x2b8: {  	v5 =	vld [tilespmem:s7+$0xFFFFFF40]  }
0x2b9: {  	s30 =	sand.u32 $0x3E80, s4;
	v6 =	vld [tilespmem:s7+$0xFFFFFF50]  }
0x2ba: {  	v7 =	vld [tilespmem:s7+$0xFFFFFF60];
	[tilespmem:s30+$0x13370] =	vst v2  }
0x2bb: {  	[tilespmem:s0+$0xFFFFFC10] =	vst v3;
	v2 =	vld [tilespmem:s7+$0xFFFFFF70]  }
0x2bc: {  	[tilespmem:s0+$0xFFFFFC20] =	vst v4;
	v3 =	vld [tilespmem:s7+$0xFFFFFF80]  }
0x2bd: {  	[tilespmem:s0+$0xFFFFFC30] =	vst v5;
	v4 =	vld [tilespmem:s7+$0xFFFFFF90]  }
0x2be: {  	[tilespmem:s0+$0xFFFFFC40] =	vst v6;
	v5 =	vld [tilespmem:s7+$0xFFFFFFA0]  }
0x2bf: {  	[tilespmem:s0+$0xFFFFFC50] =	vst v7;
	v7 =	vld [tilespmem:s7+$0xFFFFFFB0]  }
0x2c0: {  	[tilespmem:s0+$0xFFFFFC60] =	vst v2;
	v2 =	vld [tilespmem:s7+$0xFFFFFFC0]  }
0x2c1: {  	s31 =	simm.s32 $0x480;
	[tilespmem:s0+$0xFFFFFC70] =	vst v3;
	v3 =	vld [tilespmem:s7+$0xFFFFFFD0]  }
0x2c2: {  	s5 =	simm.s32 $0x600;
	s3 =	sor.u32 $0x290, s31;
	[tilespmem:s0+$0x0] =	vst v4;
	v4 =	vld [tilespmem:s7+$0xFFFFFFE0]  }
0x2c3: {  	s2 =	simm.s32 $0x13A00;
	s6 =	sor.u32 $0x2C0, s5;
	v6 =	vld [tilespmem:s7+$0xFFFFFFF0];
	[tilespmem:s3+$0x13300] =	vst v5  }
0x2c4: {  	s1 =	simm.s32 $0x0;
	s5 =	sadd.s32 $0x100, s7;
	s3 =	simm.s32 $0x600;
	v5 =	vld [tilespmem:s7+$0xFFFFFF10];
	[tilespmem:s0+$0x20] =	vst v7  }
.LBB2_48:
0x2c5: {  	v7 =	vld [tilespmem:s5+$0x0];
	s1 =	sadd.s32 $0x10, s1;
	[tilespmem:s0+$0x30] =	vst v2  }
0x2c6: {  	v2 =	vld [tilespmem:s5+$0xFFFFFF20];
	p0 =	slt.u32 s1, $0x70;
	[tilespmem:s6+$0x13300] =	vst v3  }
0x2c7: {  	v3 =	vld [tilespmem:s5+$0xFFFFFF30];
	[tilespmem:s0+$0x50] =	vst v4  }
0x2c8: {  	s4 =	sadd.s32 $0x800, s4;
	v4 =	vld [tilespmem:s5+$0xFFFFFF40];
	[tilespmem:s0+$0x60] =	vst v6  }
0x2c9: {  	s6 =	sadd.s32 $0xFFFFFD00, s4;
	s7 =	sadd.s32 $0xFFFFFE80, s4;
	s8 =	sand.u32 $0x3E80, s4;
	v6 =	vld [tilespmem:s5+$0xFFFFFF50];
	[tilespmem:s0+$0xFFFFFC00] =	vst v5  }
0x2ca: {  	s9 =	sor.u32 $0x290, s6;
	s6 =	sor.u32 $0x2C0, s7;
	s0 =	sadd.s32 $0x800, s0;
	v5 =	vld [tilespmem:s5+$0xFFFFFF60];
	[tilespmem:s8+$0x13370] =	vst v7  }
0x2cb: {  	[tilespmem:s0+$0xFFFFFC10] =	vst v2;
	v2 =	vld [tilespmem:s5+$0xFFFFFF70]  }
0x2cc: {  	[tilespmem:s0+$0xFFFFFC20] =	vst v3;
	v3 =	vld [tilespmem:s5+$0xFFFFFF80]  }
0x2cd: {  	[tilespmem:s0+$0xFFFFFC30] =	vst v4;
	v4 =	vld [tilespmem:s5+$0xFFFFFF90]  }
0x2ce: {  	[tilespmem:s0+$0xFFFFFC40] =	vst v6;
	v6 =	vld [tilespmem:s5+$0xFFFFFFA0]  }
0x2cf: {  	[tilespmem:s0+$0xFFFFFC50] =	vst v5;
	v7 =	vld [tilespmem:s5+$0xFFFFFFB0]  }
.Ltmp25:
0x2d0: {  	[tilespmem:s0+$0xFFFFFC60] =	vst v2;
	v2 =	vld [tilespmem:s5+$0xFFFFFFC0];
	(pc) =	sbr.rel @p0 .LBB2_48-.Ltmp25, $4  }
0x2d1: {  	[tilespmem:s0+$0xFFFFFC70] =	vst v3;
	v3 =	vld [tilespmem:s5+$0xFFFFFFD0]  }
0x2d2: {  	[tilespmem:s0+$0x0] =	vst v4;
	v4 =	vld [tilespmem:s5+$0xFFFFFFE0]  }
0x2d3: {  	[tilespmem:s9+$0x13300] =	vst v6;
	v6 =	vld [tilespmem:s5+$0xFFFFFFF0]  }
0x2d4: {  	v5 =	vld [tilespmem:s5+$0xFFFFFF10];
	[tilespmem:s0+$0x20] =	vst v7;
	s5 =	sadd.s32 $0x100, s5  }
0x2d5: {  	[tilespmem:s0+$0x30] =	vst v2  }
0x2d6: {  	[tilespmem:s6+$0x13300] =	vst v3  }
0x2d7: {  	[tilespmem:s0+$0x50] =	vst v4  }
0x2d8: {  	[tilespmem:s0+$0x60] =	vst v6  }
0x2d9: {  	[tilespmem:s0+$0xFFFFFC00] =	vst v5  }
0x2da: {  	s6 =	rddreg [dreg:$0x10]  }
0x2db: {  	v2 =	vld [tilespmem:s6+$0x0]  }
0x2dc: {  	v3 =	vld [tilespmem:s6+$0xFFFFFF20]  }
0x2dd: {  	v4 =	vld [tilespmem:s6+$0xFFFFFF30]  }
0x2de: {  	v5 =	vld [tilespmem:s6+$0xFFFFFF40]  }
0x2df: {  	v6 =	vld [tilespmem:s6+$0xFFFFFF50]  }
0x2e0: {  	v7 =	vld [tilespmem:s6+$0xFFFFFF60];
	[tilespmem:s2+$0x70] =	vst v2  }
0x2e1: {  	[tilespmem:s2+$0xFFFFFC10] =	vst v3;
	v2 =	vld [tilespmem:s6+$0xFFFFFF70]  }
0x2e2: {  	[tilespmem:s2+$0xFFFFFC20] =	vst v4;
	v4 =	vld [tilespmem:s6+$0xFFFFFF80]  }
0x2e3: {  	[tilespmem:s2+$0xFFFFFC30] =	vst v5;
	v5 =	vld [tilespmem:s6+$0xFFFFFF90]  }
0x2e4: {  	[tilespmem:s2+$0xFFFFFC40] =	vst v6;
	v6 =	vld [tilespmem:s6+$0xFFFFFFA0]  }
0x2e5: {  	[tilespmem:s2+$0xFFFFFC50] =	vst v7;
	v7 =	vld [tilespmem:s6+$0xFFFFFFB0]  }
0x2e6: {  	v3 =	vld [tilespmem:s6+$0xFFFFFFC0];
	[tilespmem:s2+$0xFFFFFC60] =	vst v2  }
0x2e7: {  	[tilespmem:s2+$0xFFFFFC70] =	vst v4;
	v2 =	vld [tilespmem:s6+$0xFFFFFFD0]  }
0x2e8: {  	s31 =	simm.s32 $0x500;
	[tilespmem:s2+$0x0] =	vst v5;
	v4 =	vld [tilespmem:s6+$0xFFFFFFE0]  }
0x2e9: {  	s4 =	simm.s32 $0x0;
	s5 =	sor.u32 $0x320, s31;
	[tilespmem:s2+$0x10] =	vst v6;
	v5 =	vld [tilespmem:s6+$0xFFFFFFF0]  }
0x2ea: {  	s1 =	simm.s32 $0x700;
	s0 =	simm.s32 $0x13A80;
	v6 =	vld [tilespmem:s6+$0xFFFFFF10];
	[tilespmem:s5+$0x13300] =	vst v7;
	s5 =	sadd.s32 $0x100, s6  }
.LBB2_50:
0x2eb: {  	v7 =	vld [tilespmem:s5+$0x0];
	s4 =	sadd.s32 $0x10, s4;
	[tilespmem:s2+$0x30] =	vst v3;
	s6 =	sor.u32 $0x340, s3  }
0x2ec: {  	v3 =	vld [tilespmem:s5+$0xFFFFFF20];
	p0 =	slt.u32 s4, $0x70;
	[tilespmem:s6+$0x13300] =	vst v2  }
0x2ed: {  	v2 =	vld [tilespmem:s5+$0xFFFFFF30];
	[tilespmem:s2+$0x50] =	vst v4  }
0x2ee: {  	v4 =	vld [tilespmem:s5+$0xFFFFFF40];
	[tilespmem:s2+$0x60] =	vst v5  }
0x2ef: {  	v5 =	vld [tilespmem:s5+$0xFFFFFF50];
	[tilespmem:s2+$0xFFFFFC00] =	vst v6;
	s2 =	sadd.s32 $0x800, s2  }
0x2f0: {  	v6 =	vld [tilespmem:s5+$0xFFFFFF60];
	[tilespmem:s2+$0x70] =	vst v7  }
0x2f1: {  	[tilespmem:s2+$0xFFFFFC10] =	vst v3;
	v3 =	vld [tilespmem:s5+$0xFFFFFF70]  }
0x2f2: {  	[tilespmem:s2+$0xFFFFFC20] =	vst v2;
	v2 =	vld [tilespmem:s5+$0xFFFFFF80]  }
0x2f3: {  	[tilespmem:s2+$0xFFFFFC30] =	vst v4;
	v4 =	vld [tilespmem:s5+$0xFFFFFF90]  }
0x2f4: {  	[tilespmem:s2+$0xFFFFFC40] =	vst v5;
	v5 =	vld [tilespmem:s5+$0xFFFFFFA0]  }
0x2f5: {  	[tilespmem:s2+$0xFFFFFC50] =	vst v6;
	v7 =	vld [tilespmem:s5+$0xFFFFFFB0]  }
.Ltmp26:
0x2f6: {  	[tilespmem:s2+$0xFFFFFC60] =	vst v3;
	v3 =	vld [tilespmem:s5+$0xFFFFFFC0];
	(pc) =	sbr.rel @p0 .LBB2_50-.Ltmp26, $4  }
0x2f7: {  	s3 =	sadd.s32 $0x800, s3;
	[tilespmem:s2+$0xFFFFFC70] =	vst v2;
	v2 =	vld [tilespmem:s5+$0xFFFFFFD0]  }
0x2f8: {  	s6 =	sadd.s32 $0xFFFFFF00, s3;
	[tilespmem:s2+$0x0] =	vst v4;
	v4 =	vld [tilespmem:s5+$0xFFFFFFE0]  }
0x2f9: {  	s6 =	sor.u32 $0x320, s6;
	[tilespmem:s2+$0x10] =	vst v5;
	v5 =	vld [tilespmem:s5+$0xFFFFFFF0]  }
0x2fa: {  	v6 =	vld [tilespmem:s5+$0xFFFFFF10];
	[tilespmem:s6+$0x13300] =	vst v7;
	s5 =	sadd.s32 $0x100, s5  }
0x2fb: {  	[tilespmem:s2+$0x30] =	vst v3;
	s3 =	sor.u32 $0x340, s3  }
0x2fc: {  	[tilespmem:s3+$0x13300] =	vst v2  }
0x2fd: {  	[tilespmem:s2+$0x50] =	vst v4  }
0x2fe: {  	[tilespmem:s2+$0x60] =	vst v5  }
0x2ff: {  	[tilespmem:s2+$0xFFFFFC00] =	vst v6  }
0x300: {  	s6 =	rddreg [dreg:$0x11]  }
0x301: {  	v2 =	vld [tilespmem:s6+$0x0]  }
0x302: {  	v3 =	vld [tilespmem:s6+$0xFFFFFF20]  }
0x303: {  	v4 =	vld [tilespmem:s6+$0xFFFFFF30]  }
0x304: {  	v5 =	vld [tilespmem:s6+$0xFFFFFF40]  }
0x305: {  	v6 =	vld [tilespmem:s6+$0xFFFFFF50]  }
0x306: {  	v7 =	vld [tilespmem:s6+$0xFFFFFF60];
	[tilespmem:s0+$0x70] =	vst v2  }
0x307: {  	[tilespmem:s0+$0xFFFFFC10] =	vst v3;
	v2 =	vld [tilespmem:s6+$0xFFFFFF70]  }
0x308: {  	[tilespmem:s0+$0xFFFFFC20] =	vst v4;
	v4 =	vld [tilespmem:s6+$0xFFFFFF80]  }
0x309: {  	[tilespmem:s0+$0xFFFFFC30] =	vst v5;
	v5 =	vld [tilespmem:s6+$0xFFFFFF90]  }
0x30a: {  	[tilespmem:s0+$0xFFFFFC40] =	vst v6;
	v6 =	vld [tilespmem:s6+$0xFFFFFFA0]  }
0x30b: {  	[tilespmem:s0+$0xFFFFFC50] =	vst v7;
	v7 =	vld [tilespmem:s6+$0xFFFFFFB0]  }
0x30c: {  	v3 =	vld [tilespmem:s6+$0xFFFFFFC0];
	[tilespmem:s0+$0xFFFFFC60] =	vst v2  }
0x30d: {  	s28 =	simm.s32 $0x480;
	[tilespmem:s0+$0xFFFFFC70] =	vst v4;
	v2 =	vld [tilespmem:s6+$0xFFFFFFD0]  }
0x30e: {  	s4 =	simm.s32 $0x500;
	s29 =	sor.u32 $0x390, s28;
	[tilespmem:s0+$0x0] =	vst v5;
	v4 =	vld [tilespmem:s6+$0xFFFFFFE0]  }
0x30f: {  	s31 =	simm.s32 $0x580;
	s5 =	simm.s32 $0x600;
	s30 =	sor.u32 $0x3A0, s4;
	[tilespmem:s29+$0x13300] =	vst v6;
	v6 =	vld [tilespmem:s6+$0xFFFFFFF0]  }
0x310: {  	s4 =	sor.u32 $0x3B0, s31;
	s2 =	simm.s32 $0x0;
	s3 =	sadd.s32 $0x100, s6;
	v5 =	vld [tilespmem:s6+$0xFFFFFF10];
	[tilespmem:s30+$0x13300] =	vst v7  }
.LBB2_52:
0x311: {  	v7 =	vld [tilespmem:s3+$0x0];
	s2 =	sadd.s32 $0x10, s2;
	[tilespmem:s4+$0x13300] =	vst v3;
	s4 =	sor.u32 $0x3C0, s5;
	s5 =	sadd.s32 $0xFFFFFF80, s1  }
0x312: {  	v3 =	vld [tilespmem:s3+$0xFFFFFF20];
	p0 =	slt.u32 s2, $0x70;
	[tilespmem:s4+$0x13300] =	vst v2;
	s4 =	sor.u32 $0x3D0, s5  }
0x313: {  	v2 =	vld [tilespmem:s3+$0xFFFFFF30];
	[tilespmem:s4+$0x13300] =	vst v4;
	s4 =	sor.u32 $0x3E0, s1  }
0x314: {  	v4 =	vld [tilespmem:s3+$0xFFFFFF40];
	[tilespmem:s4+$0x13300] =	vst v6  }
0x315: {  	v6 =	vld [tilespmem:s3+$0xFFFFFF50];
	[tilespmem:s0+$0xFFFFFC00] =	vst v5;
	s0 =	sadd.s32 $0x800, s0  }
0x316: {  	v5 =	vld [tilespmem:s3+$0xFFFFFF60];
	[tilespmem:s0+$0x70] =	vst v7  }
0x317: {  	[tilespmem:s0+$0xFFFFFC10] =	vst v3;
	v3 =	vld [tilespmem:s3+$0xFFFFFF70]  }
0x318: {  	[tilespmem:s0+$0xFFFFFC20] =	vst v2;
	v2 =	vld [tilespmem:s3+$0xFFFFFF80]  }
0x319: {  	[tilespmem:s0+$0xFFFFFC30] =	vst v4;
	v4 =	vld [tilespmem:s3+$0xFFFFFF90]  }
0x31a: {  	[tilespmem:s0+$0xFFFFFC40] =	vst v6;
	v6 =	vld [tilespmem:s3+$0xFFFFFFA0]  }
0x31b: {  	[tilespmem:s0+$0xFFFFFC50] =	vst v5;
	v7 =	vld [tilespmem:s3+$0xFFFFFFB0]  }
.Ltmp27:
0x31c: {  	s1 =	sadd.s32 $0x800, s1;
	[tilespmem:s0+$0xFFFFFC60] =	vst v3;
	v3 =	vld [tilespmem:s3+$0xFFFFFFC0];
	(pc) =	sbr.rel @p0 .LBB2_52-.Ltmp27, $4  }
0x31d: {  	s4 =	sadd.s32 $0xFFFFFD80, s1;
	[tilespmem:s0+$0xFFFFFC70] =	vst v2;
	v2 =	vld [tilespmem:s3+$0xFFFFFFD0]  }
0x31e: {  	s5 =	sadd.s32 $0xFFFFFE00, s1;
	s4 =	sor.u32 $0x390, s4;
	[tilespmem:s0+$0x0] =	vst v4;
	v4 =	vld [tilespmem:s3+$0xFFFFFFE0]  }
0x31f: {  	[tilespmem:s4+$0x13300] =	vst v6;
	s4 =	sor.u32 $0x3A0, s5;
	s5 =	sadd.s32 $0xFFFFFE80, s1;
	v6 =	vld [tilespmem:s3+$0xFFFFFFF0]  }
0x320: {  	v5 =	vld [tilespmem:s3+$0xFFFFFF10];
	[tilespmem:s4+$0x13300] =	vst v7;
	s4 =	sor.u32 $0x3B0, s5;
	s5 =	sadd.s32 $0xFFFFFF00, s1;
	s3 =	sadd.s32 $0x100, s3  }
0x321: {  	[tilespmem:s4+$0x13300] =	vst v3;
	s2 =	sor.u32 $0x3C0, s5;
	s3 =	sadd.s32 $0xFFFFFF80, s1  }
0x322: {  	s15 =	simm.s32 $0x60;
	[tilespmem:s2+$0x13300] =	vst v2;
	s11 =	sor.u32 $0x3D0, s3  }
0x323: {  	s12 =	sor.u32 $0x3E0, s1;
	s16 =	simm.s32 $0x10;
	v3 =	vor.u32 s15, v1;
	[tilespmem:s11+$0x13300] =	vst v4  }
0x324: {  	s19 =	simm.s32 $0x30;
	v4 =	vor.u32 s16, v1;
	[tilespmem:s12+$0x13300] =	vst v6  }
0x325: {  	s13 =	simm.s32 $0x13300;
	s18 =	simm.s32 $0x0;
	v7 =	vor.u32 s19, v1;
	[tilespmem:s0+$0xFFFFFC00] =	vst v5  }
0x326: {  	s17 =	simm.s32 $0x20;
	s20 =	simm.s32 $0x40;
	v6 =	vor.u32 s18, v1;
	s0 =	rddreg [dreg:$0x7]  }
0x327: {  	v8 =	vor.u32 s20, v1;
	[hbm4b:s0+s10] =	stream.linear.scatter [tilespmem:s13], [sflag:$0x1], $0x4000, $0x38;
	[tilespmem:$0x1B300] =	vst v63  }
0x328: {  	s21 =	simm.s32 $0x50;
	v5 =	vor.u32 s17, v1;
	v3 =	vld.idx.msk [tilespmem:v3+s25+$0x0], $0xffff  }
0x329: {  	s22 =	simm.s32 $0xF0;
	v9 =	vor.u32 s21, v1;
	v4 =	vld.idx.msk [tilespmem:v4+s25+$0x0], $0xffff  }
0x32a: {  	s14 =	simm.s32 $0x70;
	v11 =	vor.u32 s22, v1;
	v14 =	vld.idx.msk [tilespmem:v7+s25+$0x0], $0xffff  }
0x32b: {  	s24 =	simm.s32 $0x90;
	v2 =	vor.u32 s14, v1;
	v6 =	vld.idx.msk [tilespmem:v6+s25+$0x0], $0xffff  }
0x32c: {  	s23 =	simm.s32 $0xE0;
	v13 =	vor.u32 s24, v1;
	v16 =	vld.idx.msk [tilespmem:v8+s25+$0x0], $0xffff  }
0x32d: {  	s26 =	simm.s32 $0xA0;
	v12 =	vor.u32 s23, v1;
	s0 =	simm.s32 $0x3140;
	v5 =	vld.idx.msk [tilespmem:v5+s25+$0x0], $0xffff  }
0x32e: {  	s31 =	simm.s32 $0x80;
	v15 =	vor.u32 s26, v1;
	v10 =	vld.idx.msk [tilespmem:v9+s25+$0x0], $0xffff;
	[tilespmem:s0+$0x20] =	vst v3  }
0x32f: {  	s28 =	simm.s32 $0xB0;
	[tilespmem:s0+$0xFFFFFFD0] =	vst v4;
	v3 =	vld.idx.msk [tilespmem:v11+s25+$0x0], $0xffff;
	v11 =	vor.u32 s31, v1  }
0x330: {  	s29 =	simm.s32 $0xC0;
	v2 =	vld.idx.msk [tilespmem:v2+s25+$0x0], $0xffff;
	[tilespmem:s0+$0xFFFFFFC0] =	vst v6;
	v6 =	vor.u32 s28, v1  }
0x331: {  	s30 =	simm.s32 $0xD0;
	v7 =	vor.u32 s29, v1;
	v8 =	vld.idx.msk [tilespmem:v13+s25+$0x0], $0xffff;
	[tilespmem:s0+$0xFFFFFFF0] =	vst v14  }
0x332: {  	v4 =	vld.idx.msk [tilespmem:v12+s25+$0x0], $0xffff;
	[tilespmem:s0+$0xFFFFFFE0] =	vst v5;
	v5 =	vor.u32 s30, v1  }
0x333: {  	s1 =	simm.s32 $0x8;
	s2 =	simm.s32 $0x170;
	v9 =	vld.idx.msk [tilespmem:v15+s25+$0x0], $0xffff;
	[tilespmem:s0+$0x0] =	vst v16  }
.LBB2_54:
0x334: {  	s3 =	sadd.s32 $0xFFFFFFA0, s2;
	s4 =	sadd.s32 $0xFFFFFFF0, s2;
	v12 =	vor.u32 s2, v1;
	s1 =	sadd.s32 $0x8, s1;
	v13 =	vld.idx.msk [tilespmem:v11+s25+$0x0], $0xffff;
	[tilespmem:s0+$0x10] =	vst v10  }
0x335: {  	s5 =	sadd.s32 $0xFFFFFFC0, s2;
	v14 =	vor.u32 s3, v1;
	s3 =	sadd.s32 $0xFFFFFFB0, s2;
	v15 =	vor.u32 s4, v1;
	p0 =	slt.u32 s1, $0xF8;
	v16 =	vld.idx.msk [tilespmem:v6+s25+$0x0], $0xffff;
	[tilespmem:s0+$0x30] =	vst v2  }
0x336: {  	v6 =	vor.u32 s5, v1;
	s4 =	sadd.s32 $0xFFFFFFE0, s2;
	s0 =	sadd.s32 $0x80, s0;
	v2 =	vmov v3;
	v17 =	vor.u32 s3, v1;
	s3 =	sadd.s32 $0xFFFFFFD0, s2;
	v18 =	vld.idx.msk [tilespmem:v7+s25+$0x0], $0xffff  }
0x337: {  	s5 =	sadd.s32 $0xFFFFFF90, s2;
	v7 =	vor.u32 s3, v1;
	v10 =	vld.idx.msk [tilespmem:v5+s25+$0x0], $0xffff;
	v5 =	vor.u32 s4, v1;
	[tilespmem:s0+$0x20] =	vst v4  }
.Ltmp28:
0x338: {  	v11 =	vor.u32 s5, v1;
	[tilespmem:s0+$0xFFFFFFD0] =	vst v8;
	(pc) =	sbr.rel @p0 .LBB2_54-.Ltmp28, $4  }
0x339: {  	v3 =	vld.idx.msk [tilespmem:v12+s25+$0x0], $0xffff;
	[tilespmem:s0+$0xFFFFFFE0] =	vst v9  }
0x33a: {  	v4 =	vld.idx.msk [tilespmem:v15+s25+$0x0], $0xffff;
	[tilespmem:s0+$0xFFFFFFC0] =	vst v13  }
0x33b: {  	v8 =	vld.idx.msk [tilespmem:v14+s25+$0x0], $0xffff;
	[tilespmem:s0+$0xFFFFFFF0] =	vst v16  }
0x33c: {  	s2 =	sadd.s32 $0x80, s2;
	v9 =	vld.idx.msk [tilespmem:v17+s25+$0x0], $0xffff;
	[tilespmem:s0+$0x0] =	vst v18  }
0x33d: {  	_ =	sdelay $0x2  }
0x33e: {  	[tilespmem:s0+$0x10] =	vst v10  }
0x33f: {  	v11 =	vld.idx.msk [tilespmem:v11+s25+$0x0], $0xffff;
	[tilespmem:s0+$0x30] =	vst v2;
	s2 =	sadd.s32 $0x80, s0  }
0x340: {  	v6 =	vld.idx.msk [tilespmem:v6+s25+$0x0], $0xffff;
	[tilespmem:s2+$0x30] =	vst v3  }
0x341: {  	v2 =	vld.idx.msk [tilespmem:v7+s25+$0x0], $0xffff;
	[tilespmem:s2+$0x20] =	vst v4  }
0x342: {  	v63 =	vld.idx.msk [tilespmem:v5+s25+$0x0], $0xffff;
	[tilespmem:s2+$0xFFFFFFD0] =	vst v8  }
0x343: {  	[tilespmem:s2+$0xFFFFFFE0] =	vst v9  }
0x344: {  	[tilespmem:s2+$0xFFFFFFC0] =	vst v11  }
0x345: {  	[tilespmem:s2+$0xFFFFFFF0] =	vst v6  }
0x346: {  	[tilespmem:s2+$0x0] =	vst v2  }
0x347: {  	s0 =	simm.s32 $0x1000;
	s1 =	simm.s32 $0x4100;
	[tilespmem:s2+$0x10] =	vst v63  }
.LBB2_56:
0x348: {  	v2 =	vor.u32 s0, v1  }
0x349: {  	vm0 =	vlt.s32 v2, $0x101F  }
0x34a: {  	v2 =	vnsel vm0, $0x101F, v2;
	_ =	sdelay $0x4  }
0x34b: {  	p0 =	sne.s32 s0, $0x1010;
	v2 =	vld.idx.msk [tilespmem:v2+s25+$0x0], $0xffff  }
.Ltmp29:
0x34c: {  	_ = 	snop;
	(pc) =	sbr.rel @p0 .LBB2_56-.Ltmp29, $2  }
0x34d: {  	_ =	sdelay $0x2  }
0x34e: {  	s0 =	sadd.s32 $0x10, s0;
	[tilespmem:s1+$0x0] =	vst v2;
	s1 =	sadd.s32 $0x10, s1  }
0x34f: {  	s1 =	simm.s32 $0x11  }
0x350: {  	s18 =	simm.s32 $0x1;
	v3 =	vadd.s32 s1, v1  }
0x351: {  	s0 =	simm.s32 $0x71;
	s19 =	simm.s32 $0x21;
	v4 =	vadd.s32 s18, v1  }
0x352: {  	s20 =	simm.s32 $0x31;
	v2 =	vadd.s32 s0, v1;
	v5 =	vadd.s32 s19, v1  }
0x353: {  	v6 =	vadd.s32 s20, v1;
	vm0 =	vlt.s32 v2, $0x101F  }
0x354: {  	s21 =	simm.s32 $0x41;
	v2 =	vnsel vm0, $0x101F, v2  }
0x355: {  	s22 =	simm.s32 $0x51;
	v7 =	vadd.s32 s21, v1;
	v3 =	vld.idx.msk [tilespmem:v3+s25+$0x0], $0xffff  }
0x356: {  	s23 =	simm.s32 $0x61;
	v8 =	vadd.s32 s22, v1;
	v12 =	vld.idx.msk [tilespmem:v4+s25+$0x0], $0xffff  }
0x357: {  	s24 =	simm.s32 $0xF1;
	s28 =	simm.s32 $0x81;
	v11 =	vadd.s32 s23, v1;
	v13 =	vld.idx.msk [tilespmem:v5+s25+$0x0], $0xffff  }
0x358: {  	s26 =	simm.s32 $0x91;
	v16 =	vadd.s32 s28, v1;
	v4 =	vadd.s32 s24, v1;
	v15 =	vld.idx.msk [tilespmem:v6+s25+$0x0], $0xffff  }
0x359: {  	v14 =	vadd.s32 s26, v1;
	vm15 =	vlt.s32 v4, $0x101F;
	v2 =	vld.idx.msk [tilespmem:v2+s25+$0x0], $0xffff  }
0x35a: {  	s29 =	simm.s32 $0xA1;
	s0 =	simm.s32 $0x4190;
	v10 =	vld.idx.msk [tilespmem:v7+s25+$0x0], $0xffff;
	v6 =	vnsel vm15, $0x101F, v4  }
0x35b: {  	s30 =	simm.s32 $0xB1;
	v9 =	vld.idx.msk [tilespmem:v8+s25+$0x0], $0xffff;
	v5 =	vadd.s32 s29, v1;
	[tilespmem:s0+$0xFFFFFF90] =	vst v12  }
0x35c: {  	s2 =	simm.s32 $0xC1;
	v8 =	vadd.s32 s30, v1;
	v4 =	vld.idx.msk [tilespmem:v11+s25+$0x0], $0xffff;
	[tilespmem:s0+$0xFFFFFFA0] =	vst v3  }
0x35d: {  	s31 =	simm.s32 $0xD1;
	v3 =	vadd.s32 s2, v1;
	[tilespmem:s0+$0xFFFFFFB0] =	vst v13;
	v12 =	vld.idx.msk [tilespmem:v16+s25+$0x0], $0xffff  }
0x35e: {  	s3 =	simm.s32 $0xE1;
	v7 =	vadd.s32 s31, v1;
	[tilespmem:s0+$0x0] =	vst v2;
	v2 =	vld.idx.msk [tilespmem:v14+s25+$0x0], $0xffff  }
0x35f: {  	s1 =	simm.s32 $0x8;
	s2 =	simm.s32 $0x171;
	[tilespmem:s0+$0xFFFFFFC0] =	vst v15;
	v11 =	vld.idx.msk [tilespmem:v6+s25+$0x0], $0xffff;
	v6 =	vadd.s32 s3, v1  }
.LBB2_58:
0x360: {  	s3 =	sadd.s32 $0xFFFFFFA0, s2;
	s4 =	sadd.s32 $0xFFFFFFB0, s2;
	v13 =	vadd.s32 s2, v1;
	s1 =	sadd.s32 $0x8, s1;
	v14 =	vld.idx.msk [tilespmem:v5+s25+$0x0], $0xffff;
	[tilespmem:s0+$0xFFFFFFD0] =	vst v10  }
0x361: {  	v15 =	vadd.s32 s3, v1;
	v5 =	vadd.s32 s4, v1;
	s3 =	sadd.s32 $0xFFFFFFC0, s2;
	s4 =	sadd.s32 $0xFFFFFFD0, s2;
	vm0 =	vlt.s32 v13, $0x101F;
	p0 =	slt.u32 s1, $0xF8;
	v16 =	vld.idx.msk [tilespmem:v8+s25+$0x0], $0xffff;
	[tilespmem:s0+$0xFFFFFFE0] =	vst v9  }
0x362: {  	s5 =	sadd.s32 $0xFFFFFF90, s2;
	s6 =	sadd.s32 $0xFFFFFFF0, s2;
	v8 =	vadd.s32 s3, v1;
	s3 =	sadd.s32 $0xFFFFFFE0, s2;
	v13 =	vnsel vm0, $0x101F, v13;
	v10 =	vld.idx.msk [tilespmem:v3+s25+$0x0], $0xffff;
	v3 =	vadd.s32 s4, v1;
	[tilespmem:s0+$0xFFFFFFF0] =	vst v4  }
0x363: {  	v17 =	vadd.s32 s5, v1;
	v18 =	vadd.s32 s6, v1;
	s0 =	sadd.s32 $0x80, s0;
	v9 =	vld.idx.msk [tilespmem:v7+s25+$0x0], $0xffff;
	v7 =	vadd.s32 s3, v1  }
.Ltmp30:
0x364: {  	v4 =	vld.idx.msk [tilespmem:v6+s25+$0x0], $0xffff;
	[tilespmem:s0+$0x0] =	vst v11;
	v6 =	vmov v18;
	(pc) =	sbr.rel @p0 .LBB2_58-.Ltmp30, $4  }
0x365: {  	[tilespmem:s0+$0xFFFFFF90] =	vst v12  }
0x366: {  	[tilespmem:s0+$0xFFFFFFA0] =	vst v2;
	v2 =	vld.idx.msk [tilespmem:v15+s25+$0x0], $0xffff  }
0x367: {  	v11 =	vld.idx.msk [tilespmem:v13+s25+$0x0], $0xffff;
	[tilespmem:s0+$0xFFFFFFB0] =	vst v14  }
0x368: {  	s2 =	sadd.s32 $0x80, s2;
	v12 =	vld.idx.msk [tilespmem:v17+s25+$0x0], $0xffff;
	[tilespmem:s0+$0xFFFFFFC0] =	vst v16  }
0x369: {  	_ =	sdelay $0x2  }
0x36a: {  	[tilespmem:s0+$0xFFFFFFD0] =	vst v10  }
0x36b: {  	v5 =	vld.idx.msk [tilespmem:v5+s25+$0x0], $0xffff;
	[tilespmem:s0+$0xFFFFFFE0] =	vst v9  }
0x36c: {  	v8 =	vld.idx.msk [tilespmem:v8+s25+$0x0], $0xffff;
	[tilespmem:s0+$0xFFFFFFF0] =	vst v4;
	s2 =	sadd.s32 $0x80, s0  }
0x36d: {  	v3 =	vld.idx.msk [tilespmem:v3+s25+$0x0], $0xffff;
	[tilespmem:s2+$0xFFFFFFA0] =	vst v2  }
0x36e: {  	v63 =	vld.idx.msk [tilespmem:v7+s25+$0x0], $0xffff;
	[tilespmem:s2+$0x0] =	vst v11  }
0x36f: {  	v6 =	vld.idx.msk [tilespmem:v6+s25+$0x0], $0xffff;
	[tilespmem:s2+$0xFFFFFF90] =	vst v12  }
0x370: {  	[tilespmem:s2+$0xFFFFFFB0] =	vst v5  }
0x371: {  	[tilespmem:s2+$0xFFFFFFC0] =	vst v8  }
0x372: {  	[tilespmem:s2+$0xFFFFFFD0] =	vst v3  }
0x373: {  	[tilespmem:s2+$0xFFFFFFE0] =	vst v63  }
0x374: {  	s0 =	simm.s32 $0x1001;
	s1 =	simm.s32 $0x5120;
	[tilespmem:s2+$0xFFFFFFF0] =	vst v6  }
.LBB2_60:
0x375: {  	v2 =	vadd.s32 s0, v1  }
0x376: {  	vm0 =	vlt.s32 v2, $0x101F  }
0x377: {  	v2 =	vnsel vm0, $0x101F, v2;
	_ =	sdelay $0x4  }
0x378: {  	p0 =	sne.s32 s0, $0x1011;
	v2 =	vld.idx.msk [tilespmem:v2+s25+$0x0], $0xffff  }
.Ltmp31:
0x379: {  	_ = 	snop;
	(pc) =	sbr.rel @p0 .LBB2_60-.Ltmp31, $2  }
0x37a: {  	_ =	sdelay $0x2  }
0x37b: {  	s0 =	sadd.s32 $0x10, s0;
	[tilespmem:s1+$0x0] =	vst v2;
	s1 =	sadd.s32 $0x10, s1  }
0x37c: {  	s1 =	simm.s32 $0x12  }
0x37d: {  	s18 =	simm.s32 $0x2;
	v3 =	vadd.s32 s1, v1  }
0x37e: {  	s0 =	simm.s32 $0x72;
	s19 =	simm.s32 $0x22;
	v4 =	vadd.s32 s18, v1  }
0x37f: {  	s20 =	simm.s32 $0x32;
	v2 =	vadd.s32 s0, v1;
	v5 =	vadd.s32 s19, v1  }
0x380: {  	v6 =	vadd.s32 s20, v1;
	vm0 =	vlt.s32 v2, $0x101F  }
0x381: {  	s21 =	simm.s32 $0x42;
	v2 =	vnsel vm0, $0x101F, v2  }
0x382: {  	s22 =	simm.s32 $0x52;
	v7 =	vadd.s32 s21, v1;
	v3 =	vld.idx.msk [tilespmem:v3+s25+$0x0], $0xffff  }
0x383: {  	s23 =	simm.s32 $0x62;
	v8 =	vadd.s32 s22, v1;
	v12 =	vld.idx.msk [tilespmem:v4+s25+$0x0], $0xffff  }
0x384: {  	s24 =	simm.s32 $0xF2;
	s28 =	simm.s32 $0x82;
	v11 =	vadd.s32 s23, v1;
	v13 =	vld.idx.msk [tilespmem:v5+s25+$0x0], $0xffff  }
0x385: {  	s26 =	simm.s32 $0x92;
	v16 =	vadd.s32 s28, v1;
	v4 =	vadd.s32 s24, v1;
	v15 =	vld.idx.msk [tilespmem:v6+s25+$0x0], $0xffff  }
0x386: {  	v14 =	vadd.s32 s26, v1;
	vm15 =	vlt.s32 v4, $0x101F;
	v2 =	vld.idx.msk [tilespmem:v2+s25+$0x0], $0xffff  }
0x387: {  	s29 =	simm.s32 $0xA2;
	s0 =	simm.s32 $0x51B0;
	v10 =	vld.idx.msk [tilespmem:v7+s25+$0x0], $0xffff;
	v6 =	vnsel vm15, $0x101F, v4  }
0x388: {  	s30 =	simm.s32 $0xB2;
	v9 =	vld.idx.msk [tilespmem:v8+s25+$0x0], $0xffff;
	v5 =	vadd.s32 s29, v1;
	[tilespmem:s0+$0xFFFFFF90] =	vst v12  }
0x389: {  	s2 =	simm.s32 $0xC2;
	v8 =	vadd.s32 s30, v1;
	v4 =	vld.idx.msk [tilespmem:v11+s25+$0x0], $0xffff;
	[tilespmem:s0+$0xFFFFFFA0] =	vst v3  }
0x38a: {  	s31 =	simm.s32 $0xD2;
	v3 =	vadd.s32 s2, v1;
	[tilespmem:s0+$0xFFFFFFB0] =	vst v13;
	v12 =	vld.idx.msk [tilespmem:v16+s25+$0x0], $0xffff  }
0x38b: {  	s3 =	simm.s32 $0xE2;
	v7 =	vadd.s32 s31, v1;
	[tilespmem:s0+$0x0] =	vst v2;
	v2 =	vld.idx.msk [tilespmem:v14+s25+$0x0], $0xffff  }
0x38c: {  	s1 =	simm.s32 $0x8;
	s2 =	simm.s32 $0x172;
	[tilespmem:s0+$0xFFFFFFC0] =	vst v15;
	v11 =	vld.idx.msk [tilespmem:v6+s25+$0x0], $0xffff;
	v6 =	vadd.s32 s3, v1  }
.LBB2_62:
0x38d: {  	s3 =	sadd.s32 $0xFFFFFFA0, s2;
	s4 =	sadd.s32 $0xFFFFFFB0, s2;
	v13 =	vadd.s32 s2, v1;
	s1 =	sadd.s32 $0x8, s1;
	v14 =	vld.idx.msk [tilespmem:v5+s25+$0x0], $0xffff;
	[tilespmem:s0+$0xFFFFFFD0] =	vst v10  }
0x38e: {  	v15 =	vadd.s32 s3, v1;
	v5 =	vadd.s32 s4, v1;
	s3 =	sadd.s32 $0xFFFFFFC0, s2;
	s4 =	sadd.s32 $0xFFFFFFD0, s2;
	vm0 =	vlt.s32 v13, $0x101F;
	p0 =	slt.u32 s1, $0xF8;
	v16 =	vld.idx.msk [tilespmem:v8+s25+$0x0], $0xffff;
	[tilespmem:s0+$0xFFFFFFE0] =	vst v9  }
0x38f: {  	s5 =	sadd.s32 $0xFFFFFF90, s2;
	s6 =	sadd.s32 $0xFFFFFFF0, s2;
	v8 =	vadd.s32 s3, v1;
	s3 =	sadd.s32 $0xFFFFFFE0, s2;
	v13 =	vnsel vm0, $0x101F, v13;
	v10 =	vld.idx.msk [tilespmem:v3+s25+$0x0], $0xffff;
	v3 =	vadd.s32 s4, v1;
	[tilespmem:s0+$0xFFFFFFF0] =	vst v4  }
0x390: {  	v17 =	vadd.s32 s5, v1;
	v18 =	vadd.s32 s6, v1;
	s0 =	sadd.s32 $0x80, s0;
	v9 =	vld.idx.msk [tilespmem:v7+s25+$0x0], $0xffff;
	v7 =	vadd.s32 s3, v1  }
.Ltmp32:
0x391: {  	v4 =	vld.idx.msk [tilespmem:v6+s25+$0x0], $0xffff;
	[tilespmem:s0+$0x0] =	vst v11;
	v6 =	vmov v18;
	(pc) =	sbr.rel @p0 .LBB2_62-.Ltmp32, $4  }
0x392: {  	[tilespmem:s0+$0xFFFFFF90] =	vst v12  }
0x393: {  	[tilespmem:s0+$0xFFFFFFA0] =	vst v2;
	v2 =	vld.idx.msk [tilespmem:v15+s25+$0x0], $0xffff  }
0x394: {  	v11 =	vld.idx.msk [tilespmem:v13+s25+$0x0], $0xffff;
	[tilespmem:s0+$0xFFFFFFB0] =	vst v14  }
0x395: {  	s2 =	sadd.s32 $0x80, s2;
	v12 =	vld.idx.msk [tilespmem:v17+s25+$0x0], $0xffff;
	[tilespmem:s0+$0xFFFFFFC0] =	vst v16  }
0x396: {  	_ =	sdelay $0x2  }
0x397: {  	[tilespmem:s0+$0xFFFFFFD0] =	vst v10  }
0x398: {  	v5 =	vld.idx.msk [tilespmem:v5+s25+$0x0], $0xffff;
	[tilespmem:s0+$0xFFFFFFE0] =	vst v9  }
0x399: {  	v8 =	vld.idx.msk [tilespmem:v8+s25+$0x0], $0xffff;
	[tilespmem:s0+$0xFFFFFFF0] =	vst v4;
	s2 =	sadd.s32 $0x80, s0  }
0x39a: {  	v3 =	vld.idx.msk [tilespmem:v3+s25+$0x0], $0xffff;
	[tilespmem:s2+$0xFFFFFFA0] =	vst v2  }
0x39b: {  	v63 =	vld.idx.msk [tilespmem:v7+s25+$0x0], $0xffff;
	[tilespmem:s2+$0x0] =	vst v11  }
0x39c: {  	v6 =	vld.idx.msk [tilespmem:v6+s25+$0x0], $0xffff;
	[tilespmem:s2+$0xFFFFFF90] =	vst v12  }
0x39d: {  	[tilespmem:s2+$0xFFFFFFB0] =	vst v5  }
0x39e: {  	[tilespmem:s2+$0xFFFFFFC0] =	vst v8  }
0x39f: {  	[tilespmem:s2+$0xFFFFFFD0] =	vst v3  }
0x3a0: {  	[tilespmem:s2+$0xFFFFFFE0] =	vst v63  }
0x3a1: {  	s0 =	simm.s32 $0x1002;
	s1 =	simm.s32 $0x6140;
	[tilespmem:s2+$0xFFFFFFF0] =	vst v6  }
.LBB2_64:
0x3a2: {  	v2 =	vadd.s32 s0, v1  }
0x3a3: {  	vm0 =	vlt.s32 v2, $0x101F  }
0x3a4: {  	v2 =	vnsel vm0, $0x101F, v2;
	_ =	sdelay $0x4  }
0x3a5: {  	p0 =	sne.s32 s0, $0x1012;
	v2 =	vld.idx.msk [tilespmem:v2+s25+$0x0], $0xffff  }
.Ltmp33:
0x3a6: {  	_ = 	snop;
	(pc) =	sbr.rel @p0 .LBB2_64-.Ltmp33, $2  }
0x3a7: {  	_ =	sdelay $0x2  }
0x3a8: {  	s0 =	sadd.s32 $0x10, s0;
	[tilespmem:s1+$0x0] =	vst v2;
	s1 =	sadd.s32 $0x10, s1  }
0x3a9: {  	s1 =	simm.s32 $0x13  }
0x3aa: {  	s18 =	simm.s32 $0x3;
	v3 =	vadd.s32 s1, v1  }
0x3ab: {  	s0 =	simm.s32 $0x73;
	s19 =	simm.s32 $0x23;
	v4 =	vadd.s32 s18, v1  }
0x3ac: {  	s20 =	simm.s32 $0x33;
	v2 =	vadd.s32 s0, v1;
	v5 =	vadd.s32 s19, v1  }
0x3ad: {  	v6 =	vadd.s32 s20, v1;
	vm0 =	vlt.s32 v2, $0x101F  }
0x3ae: {  	s21 =	simm.s32 $0x43;
	v2 =	vnsel vm0, $0x101F, v2  }
0x3af: {  	s22 =	simm.s32 $0x53;
	v7 =	vadd.s32 s21, v1;
	v3 =	vld.idx.msk [tilespmem:v3+s25+$0x0], $0xffff  }
0x3b0: {  	s23 =	simm.s32 $0x63;
	v8 =	vadd.s32 s22, v1;
	v12 =	vld.idx.msk [tilespmem:v4+s25+$0x0], $0xffff  }
0x3b1: {  	s24 =	simm.s32 $0xF3;
	s28 =	simm.s32 $0x83;
	v11 =	vadd.s32 s23, v1;
	v13 =	vld.idx.msk [tilespmem:v5+s25+$0x0], $0xffff  }
0x3b2: {  	s26 =	simm.s32 $0x93;
	v16 =	vadd.s32 s28, v1;
	v4 =	vadd.s32 s24, v1;
	v15 =	vld.idx.msk [tilespmem:v6+s25+$0x0], $0xffff  }
0x3b3: {  	v14 =	vadd.s32 s26, v1;
	vm15 =	vlt.s32 v4, $0x101F;
	v2 =	vld.idx.msk [tilespmem:v2+s25+$0x0], $0xffff  }
0x3b4: {  	s29 =	simm.s32 $0xA3;
	s0 =	simm.s32 $0x61D0;
	v10 =	vld.idx.msk [tilespmem:v7+s25+$0x0], $0xffff;
	v6 =	vnsel vm15, $0x101F, v4  }
0x3b5: {  	s30 =	simm.s32 $0xB3;
	v9 =	vld.idx.msk [tilespmem:v8+s25+$0x0], $0xffff;
	v5 =	vadd.s32 s29, v1;
	[tilespmem:s0+$0xFFFFFF90] =	vst v12  }
0x3b6: {  	s2 =	simm.s32 $0xC3;
	v8 =	vadd.s32 s30, v1;
	v4 =	vld.idx.msk [tilespmem:v11+s25+$0x0], $0xffff;
	[tilespmem:s0+$0xFFFFFFA0] =	vst v3  }
0x3b7: {  	s31 =	simm.s32 $0xD3;
	v3 =	vadd.s32 s2, v1;
	[tilespmem:s0+$0xFFFFFFB0] =	vst v13;
	v12 =	vld.idx.msk [tilespmem:v16+s25+$0x0], $0xffff  }
0x3b8: {  	s3 =	simm.s32 $0xE3;
	v7 =	vadd.s32 s31, v1;
	[tilespmem:s0+$0x0] =	vst v2;
	v2 =	vld.idx.msk [tilespmem:v14+s25+$0x0], $0xffff  }
0x3b9: {  	s1 =	simm.s32 $0x8;
	s2 =	simm.s32 $0x173;
	[tilespmem:s0+$0xFFFFFFC0] =	vst v15;
	v11 =	vld.idx.msk [tilespmem:v6+s25+$0x0], $0xffff;
	v6 =	vadd.s32 s3, v1  }
.LBB2_66:
0x3ba: {  	s3 =	sadd.s32 $0xFFFFFFA0, s2;
	s4 =	sadd.s32 $0xFFFFFFB0, s2;
	v13 =	vadd.s32 s2, v1;
	s1 =	sadd.s32 $0x8, s1;
	v14 =	vld.idx.msk [tilespmem:v5+s25+$0x0], $0xffff;
	[tilespmem:s0+$0xFFFFFFD0] =	vst v10  }
0x3bb: {  	v15 =	vadd.s32 s3, v1;
	v5 =	vadd.s32 s4, v1;
	s3 =	sadd.s32 $0xFFFFFFC0, s2;
	s4 =	sadd.s32 $0xFFFFFFD0, s2;
	vm0 =	vlt.s32 v13, $0x101F;
	p0 =	slt.u32 s1, $0xF8;
	v16 =	vld.idx.msk [tilespmem:v8+s25+$0x0], $0xffff;
	[tilespmem:s0+$0xFFFFFFE0] =	vst v9  }
0x3bc: {  	s5 =	sadd.s32 $0xFFFFFF90, s2;
	s6 =	sadd.s32 $0xFFFFFFF0, s2;
	v8 =	vadd.s32 s3, v1;
	s3 =	sadd.s32 $0xFFFFFFE0, s2;
	v13 =	vnsel vm0, $0x101F, v13;
	v10 =	vld.idx.msk [tilespmem:v3+s25+$0x0], $0xffff;
	v3 =	vadd.s32 s4, v1;
	[tilespmem:s0+$0xFFFFFFF0] =	vst v4  }
0x3bd: {  	v17 =	vadd.s32 s5, v1;
	v18 =	vadd.s32 s6, v1;
	s0 =	sadd.s32 $0x80, s0;
	v9 =	vld.idx.msk [tilespmem:v7+s25+$0x0], $0xffff;
	v7 =	vadd.s32 s3, v1  }
.Ltmp34:
0x3be: {  	v4 =	vld.idx.msk [tilespmem:v6+s25+$0x0], $0xffff;
	[tilespmem:s0+$0x0] =	vst v11;
	v6 =	vmov v18;
	(pc) =	sbr.rel @p0 .LBB2_66-.Ltmp34, $4  }
0x3bf: {  	[tilespmem:s0+$0xFFFFFF90] =	vst v12  }
0x3c0: {  	[tilespmem:s0+$0xFFFFFFA0] =	vst v2;
	v2 =	vld.idx.msk [tilespmem:v15+s25+$0x0], $0xffff  }
0x3c1: {  	v11 =	vld.idx.msk [tilespmem:v13+s25+$0x0], $0xffff;
	[tilespmem:s0+$0xFFFFFFB0] =	vst v14  }
0x3c2: {  	s2 =	sadd.s32 $0x80, s2;
	v12 =	vld.idx.msk [tilespmem:v17+s25+$0x0], $0xffff;
	[tilespmem:s0+$0xFFFFFFC0] =	vst v16  }
0x3c3: {  	_ =	sdelay $0x2  }
0x3c4: {  	[tilespmem:s0+$0xFFFFFFD0] =	vst v10  }
0x3c5: {  	v5 =	vld.idx.msk [tilespmem:v5+s25+$0x0], $0xffff;
	[tilespmem:s0+$0xFFFFFFE0] =	vst v9  }
0x3c6: {  	v8 =	vld.idx.msk [tilespmem:v8+s25+$0x0], $0xffff;
	[tilespmem:s0+$0xFFFFFFF0] =	vst v4;
	s2 =	sadd.s32 $0x80, s0  }
0x3c7: {  	v3 =	vld.idx.msk [tilespmem:v3+s25+$0x0], $0xffff;
	[tilespmem:s2+$0xFFFFFFA0] =	vst v2  }
0x3c8: {  	v63 =	vld.idx.msk [tilespmem:v7+s25+$0x0], $0xffff;
	[tilespmem:s2+$0x0] =	vst v11  }
0x3c9: {  	v6 =	vld.idx.msk [tilespmem:v6+s25+$0x0], $0xffff;
	[tilespmem:s2+$0xFFFFFF90] =	vst v12  }
0x3ca: {  	[tilespmem:s2+$0xFFFFFFB0] =	vst v5  }
0x3cb: {  	[tilespmem:s2+$0xFFFFFFC0] =	vst v8  }
0x3cc: {  	[tilespmem:s2+$0xFFFFFFD0] =	vst v3  }
0x3cd: {  	[tilespmem:s2+$0xFFFFFFE0] =	vst v63  }
0x3ce: {  	s0 =	simm.s32 $0x1003;
	s1 =	simm.s32 $0x7160;
	[tilespmem:s2+$0xFFFFFFF0] =	vst v6  }
.LBB2_68:
0x3cf: {  	v2 =	vadd.s32 s0, v1  }
0x3d0: {  	vm0 =	vlt.s32 v2, $0x101F  }
0x3d1: {  	v2 =	vnsel vm0, $0x101F, v2;
	_ =	sdelay $0x4  }
0x3d2: {  	p0 =	sne.s32 s0, $0x1013;
	v2 =	vld.idx.msk [tilespmem:v2+s25+$0x0], $0xffff  }
.Ltmp35:
0x3d3: {  	_ = 	snop;
	(pc) =	sbr.rel @p0 .LBB2_68-.Ltmp35, $2  }
0x3d4: {  	_ =	sdelay $0x2  }
0x3d5: {  	s0 =	sadd.s32 $0x10, s0;
	[tilespmem:s1+$0x0] =	vst v2;
	s1 =	sadd.s32 $0x10, s1  }
0x3d6: {  	s1 =	simm.s32 $0x14  }
0x3d7: {  	s18 =	simm.s32 $0x4;
	v3 =	vadd.s32 s1, v1  }
0x3d8: {  	s0 =	simm.s32 $0x74;
	s19 =	simm.s32 $0x24;
	v4 =	vadd.s32 s18, v1  }
0x3d9: {  	s20 =	simm.s32 $0x34;
	v2 =	vadd.s32 s0, v1;
	v5 =	vadd.s32 s19, v1  }
0x3da: {  	v6 =	vadd.s32 s20, v1;
	vm0 =	vlt.s32 v2, $0x101F  }
0x3db: {  	s21 =	simm.s32 $0x44;
	v2 =	vnsel vm0, $0x101F, v2  }
0x3dc: {  	s22 =	simm.s32 $0x54;
	v7 =	vadd.s32 s21, v1;
	v3 =	vld.idx.msk [tilespmem:v3+s25+$0x0], $0xffff  }
0x3dd: {  	s23 =	simm.s32 $0x64;
	v8 =	vadd.s32 s22, v1;
	v12 =	vld.idx.msk [tilespmem:v4+s25+$0x0], $0xffff  }
0x3de: {  	s24 =	simm.s32 $0xF4;
	s28 =	simm.s32 $0x84;
	v11 =	vadd.s32 s23, v1;
	v13 =	vld.idx.msk [tilespmem:v5+s25+$0x0], $0xffff  }
0x3df: {  	s26 =	simm.s32 $0x94;
	v16 =	vadd.s32 s28, v1;
	v4 =	vadd.s32 s24, v1;
	v15 =	vld.idx.msk [tilespmem:v6+s25+$0x0], $0xffff  }
0x3e0: {  	v14 =	vadd.s32 s26, v1;
	vm15 =	vlt.s32 v4, $0x101F;
	v2 =	vld.idx.msk [tilespmem:v2+s25+$0x0], $0xffff  }
0x3e1: {  	s29 =	simm.s32 $0xA4;
	s0 =	simm.s32 $0x71F0;
	v10 =	vld.idx.msk [tilespmem:v7+s25+$0x0], $0xffff;
	v6 =	vnsel vm15, $0x101F, v4  }
0x3e2: {  	s30 =	simm.s32 $0xB4;
	v9 =	vld.idx.msk [tilespmem:v8+s25+$0x0], $0xffff;
	v5 =	vadd.s32 s29, v1;
	[tilespmem:s0+$0xFFFFFF90] =	vst v12  }
0x3e3: {  	s2 =	simm.s32 $0xC4;
	v8 =	vadd.s32 s30, v1;
	v4 =	vld.idx.msk [tilespmem:v11+s25+$0x0], $0xffff;
	[tilespmem:s0+$0xFFFFFFA0] =	vst v3  }
0x3e4: {  	s31 =	simm.s32 $0xD4;
	v3 =	vadd.s32 s2, v1;
	[tilespmem:s0+$0xFFFFFFB0] =	vst v13;
	v12 =	vld.idx.msk [tilespmem:v16+s25+$0x0], $0xffff  }
0x3e5: {  	s3 =	simm.s32 $0xE4;
	v7 =	vadd.s32 s31, v1;
	[tilespmem:s0+$0x0] =	vst v2;
	v2 =	vld.idx.msk [tilespmem:v14+s25+$0x0], $0xffff  }
0x3e6: {  	s1 =	simm.s32 $0x8;
	s2 =	simm.s32 $0x174;
	[tilespmem:s0+$0xFFFFFFC0] =	vst v15;
	v11 =	vld.idx.msk [tilespmem:v6+s25+$0x0], $0xffff;
	v6 =	vadd.s32 s3, v1  }
.LBB2_70:
0x3e7: {  	s3 =	sadd.s32 $0xFFFFFFA0, s2;
	s4 =	sadd.s32 $0xFFFFFFB0, s2;
	v13 =	vadd.s32 s2, v1;
	s1 =	sadd.s32 $0x8, s1;
	v14 =	vld.idx.msk [tilespmem:v5+s25+$0x0], $0xffff;
	[tilespmem:s0+$0xFFFFFFD0] =	vst v10  }
0x3e8: {  	v15 =	vadd.s32 s3, v1;
	v5 =	vadd.s32 s4, v1;
	s3 =	sadd.s32 $0xFFFFFFC0, s2;
	s4 =	sadd.s32 $0xFFFFFFD0, s2;
	vm0 =	vlt.s32 v13, $0x101F;
	p0 =	slt.u32 s1, $0xF8;
	v16 =	vld.idx.msk [tilespmem:v8+s25+$0x0], $0xffff;
	[tilespmem:s0+$0xFFFFFFE0] =	vst v9  }
0x3e9: {  	s5 =	sadd.s32 $0xFFFFFF90, s2;
	s6 =	sadd.s32 $0xFFFFFFF0, s2;
	v8 =	vadd.s32 s3, v1;
	s3 =	sadd.s32 $0xFFFFFFE0, s2;
	v13 =	vnsel vm0, $0x101F, v13;
	v10 =	vld.idx.msk [tilespmem:v3+s25+$0x0], $0xffff;
	v3 =	vadd.s32 s4, v1;
	[tilespmem:s0+$0xFFFFFFF0] =	vst v4  }
0x3ea: {  	v17 =	vadd.s32 s5, v1;
	v18 =	vadd.s32 s6, v1;
	s0 =	sadd.s32 $0x80, s0;
	v9 =	vld.idx.msk [tilespmem:v7+s25+$0x0], $0xffff;
	v7 =	vadd.s32 s3, v1  }
.Ltmp36:
0x3eb: {  	v4 =	vld.idx.msk [tilespmem:v6+s25+$0x0], $0xffff;
	[tilespmem:s0+$0x0] =	vst v11;
	v6 =	vmov v18;
	(pc) =	sbr.rel @p0 .LBB2_70-.Ltmp36, $4  }
0x3ec: {  	[tilespmem:s0+$0xFFFFFF90] =	vst v12  }
0x3ed: {  	[tilespmem:s0+$0xFFFFFFA0] =	vst v2;
	v2 =	vld.idx.msk [tilespmem:v15+s25+$0x0], $0xffff  }
0x3ee: {  	v11 =	vld.idx.msk [tilespmem:v13+s25+$0x0], $0xffff;
	[tilespmem:s0+$0xFFFFFFB0] =	vst v14  }
0x3ef: {  	s2 =	sadd.s32 $0x80, s2;
	v12 =	vld.idx.msk [tilespmem:v17+s25+$0x0], $0xffff;
	[tilespmem:s0+$0xFFFFFFC0] =	vst v16  }
0x3f0: {  	_ =	sdelay $0x2  }
0x3f1: {  	[tilespmem:s0+$0xFFFFFFD0] =	vst v10  }
0x3f2: {  	v5 =	vld.idx.msk [tilespmem:v5+s25+$0x0], $0xffff;
	[tilespmem:s0+$0xFFFFFFE0] =	vst v9  }
0x3f3: {  	v8 =	vld.idx.msk [tilespmem:v8+s25+$0x0], $0xffff;
	[tilespmem:s0+$0xFFFFFFF0] =	vst v4;
	s2 =	sadd.s32 $0x80, s0  }
0x3f4: {  	v3 =	vld.idx.msk [tilespmem:v3+s25+$0x0], $0xffff;
	[tilespmem:s2+$0xFFFFFFA0] =	vst v2  }
0x3f5: {  	v63 =	vld.idx.msk [tilespmem:v7+s25+$0x0], $0xffff;
	[tilespmem:s2+$0x0] =	vst v11  }
0x3f6: {  	v6 =	vld.idx.msk [tilespmem:v6+s25+$0x0], $0xffff;
	[tilespmem:s2+$0xFFFFFF90] =	vst v12  }
0x3f7: {  	[tilespmem:s2+$0xFFFFFFB0] =	vst v5  }
0x3f8: {  	[tilespmem:s2+$0xFFFFFFC0] =	vst v8  }
0x3f9: {  	[tilespmem:s2+$0xFFFFFFD0] =	vst v3  }
0x3fa: {  	[tilespmem:s2+$0xFFFFFFE0] =	vst v63  }
0x3fb: {  	s0 =	simm.s32 $0x1004;
	s1 =	simm.s32 $0x8180;
	[tilespmem:s2+$0xFFFFFFF0] =	vst v6  }
.LBB2_72:
0x3fc: {  	v2 =	vadd.s32 s0, v1  }
0x3fd: {  	vm0 =	vlt.s32 v2, $0x101F  }
0x3fe: {  	v2 =	vnsel vm0, $0x101F, v2;
	_ =	sdelay $0x4  }
0x3ff: {  	p0 =	sne.s32 s0, $0x1014;
	v2 =	vld.idx.msk [tilespmem:v2+s25+$0x0], $0xffff  }
.Ltmp37:
0x400: {  	_ = 	snop;
	(pc) =	sbr.rel @p0 .LBB2_72-.Ltmp37, $2  }
0x401: {  	_ =	sdelay $0x2  }
0x402: {  	s0 =	sadd.s32 $0x10, s0;
	[tilespmem:s1+$0x0] =	vst v2;
	s1 =	sadd.s32 $0x10, s1  }
0x403: {  	s1 =	simm.s32 $0x15  }
0x404: {  	s18 =	simm.s32 $0x5;
	v3 =	vadd.s32 s1, v1  }
0x405: {  	s0 =	simm.s32 $0x75;
	s19 =	simm.s32 $0x25;
	v4 =	vadd.s32 s18, v1  }
0x406: {  	s20 =	simm.s32 $0x35;
	v2 =	vadd.s32 s0, v1;
	v5 =	vadd.s32 s19, v1  }
0x407: {  	v6 =	vadd.s32 s20, v1;
	vm0 =	vlt.s32 v2, $0x101F  }
0x408: {  	s21 =	simm.s32 $0x45;
	v2 =	vnsel vm0, $0x101F, v2  }
0x409: {  	s22 =	simm.s32 $0x55;
	v7 =	vadd.s32 s21, v1;
	v3 =	vld.idx.msk [tilespmem:v3+s25+$0x0], $0xffff  }
0x40a: {  	s23 =	simm.s32 $0x65;
	v8 =	vadd.s32 s22, v1;
	v12 =	vld.idx.msk [tilespmem:v4+s25+$0x0], $0xffff  }
0x40b: {  	s24 =	simm.s32 $0xF5;
	s28 =	simm.s32 $0x85;
	v11 =	vadd.s32 s23, v1;
	v13 =	vld.idx.msk [tilespmem:v5+s25+$0x0], $0xffff  }
0x40c: {  	s26 =	simm.s32 $0x95;
	v16 =	vadd.s32 s28, v1;
	v4 =	vadd.s32 s24, v1;
	v15 =	vld.idx.msk [tilespmem:v6+s25+$0x0], $0xffff  }
0x40d: {  	v14 =	vadd.s32 s26, v1;
	vm15 =	vlt.s32 v4, $0x101F;
	v2 =	vld.idx.msk [tilespmem:v2+s25+$0x0], $0xffff  }
0x40e: {  	s29 =	simm.s32 $0xA5;
	s0 =	simm.s32 $0x8210;
	v10 =	vld.idx.msk [tilespmem:v7+s25+$0x0], $0xffff;
	v6 =	vnsel vm15, $0x101F, v4  }
0x40f: {  	s30 =	simm.s32 $0xB5;
	v9 =	vld.idx.msk [tilespmem:v8+s25+$0x0], $0xffff;
	v5 =	vadd.s32 s29, v1;
	[tilespmem:s0+$0xFFFFFF90] =	vst v12  }
0x410: {  	s2 =	simm.s32 $0xC5;
	v8 =	vadd.s32 s30, v1;
	v4 =	vld.idx.msk [tilespmem:v11+s25+$0x0], $0xffff;
	[tilespmem:s0+$0xFFFFFFA0] =	vst v3  }
0x411: {  	s31 =	simm.s32 $0xD5;
	v3 =	vadd.s32 s2, v1;
	[tilespmem:s0+$0xFFFFFFB0] =	vst v13;
	v12 =	vld.idx.msk [tilespmem:v16+s25+$0x0], $0xffff  }
0x412: {  	s3 =	simm.s32 $0xE5;
	v7 =	vadd.s32 s31, v1;
	[tilespmem:s0+$0x0] =	vst v2;
	v2 =	vld.idx.msk [tilespmem:v14+s25+$0x0], $0xffff  }
0x413: {  	s1 =	simm.s32 $0x8;
	s2 =	simm.s32 $0x175;
	[tilespmem:s0+$0xFFFFFFC0] =	vst v15;
	v11 =	vld.idx.msk [tilespmem:v6+s25+$0x0], $0xffff;
	v6 =	vadd.s32 s3, v1  }
.LBB2_74:
0x414: {  	s3 =	sadd.s32 $0xFFFFFFA0, s2;
	s4 =	sadd.s32 $0xFFFFFFB0, s2;
	v13 =	vadd.s32 s2, v1;
	s1 =	sadd.s32 $0x8, s1;
	v14 =	vld.idx.msk [tilespmem:v5+s25+$0x0], $0xffff;
	[tilespmem:s0+$0xFFFFFFD0] =	vst v10  }
0x415: {  	v15 =	vadd.s32 s3, v1;
	v5 =	vadd.s32 s4, v1;
	s3 =	sadd.s32 $0xFFFFFFC0, s2;
	s4 =	sadd.s32 $0xFFFFFFD0, s2;
	vm0 =	vlt.s32 v13, $0x101F;
	p0 =	slt.u32 s1, $0xF8;
	v16 =	vld.idx.msk [tilespmem:v8+s25+$0x0], $0xffff;
	[tilespmem:s0+$0xFFFFFFE0] =	vst v9  }
0x416: {  	s5 =	sadd.s32 $0xFFFFFF90, s2;
	s6 =	sadd.s32 $0xFFFFFFF0, s2;
	v8 =	vadd.s32 s3, v1;
	s3 =	sadd.s32 $0xFFFFFFE0, s2;
	v13 =	vnsel vm0, $0x101F, v13;
	v10 =	vld.idx.msk [tilespmem:v3+s25+$0x0], $0xffff;
	v3 =	vadd.s32 s4, v1;
	[tilespmem:s0+$0xFFFFFFF0] =	vst v4  }
0x417: {  	v17 =	vadd.s32 s5, v1;
	v18 =	vadd.s32 s6, v1;
	s0 =	sadd.s32 $0x80, s0;
	v9 =	vld.idx.msk [tilespmem:v7+s25+$0x0], $0xffff;
	v7 =	vadd.s32 s3, v1  }
.Ltmp38:
0x418: {  	v4 =	vld.idx.msk [tilespmem:v6+s25+$0x0], $0xffff;
	[tilespmem:s0+$0x0] =	vst v11;
	v6 =	vmov v18;
	(pc) =	sbr.rel @p0 .LBB2_74-.Ltmp38, $4  }
0x419: {  	[tilespmem:s0+$0xFFFFFF90] =	vst v12  }
0x41a: {  	[tilespmem:s0+$0xFFFFFFA0] =	vst v2;
	v2 =	vld.idx.msk [tilespmem:v15+s25+$0x0], $0xffff  }
0x41b: {  	v11 =	vld.idx.msk [tilespmem:v13+s25+$0x0], $0xffff;
	[tilespmem:s0+$0xFFFFFFB0] =	vst v14  }
0x41c: {  	s2 =	sadd.s32 $0x80, s2;
	v12 =	vld.idx.msk [tilespmem:v17+s25+$0x0], $0xffff;
	[tilespmem:s0+$0xFFFFFFC0] =	vst v16  }
0x41d: {  	_ =	sdelay $0x2  }
0x41e: {  	[tilespmem:s0+$0xFFFFFFD0] =	vst v10  }
0x41f: {  	v5 =	vld.idx.msk [tilespmem:v5+s25+$0x0], $0xffff;
	[tilespmem:s0+$0xFFFFFFE0] =	vst v9  }
0x420: {  	v8 =	vld.idx.msk [tilespmem:v8+s25+$0x0], $0xffff;
	[tilespmem:s0+$0xFFFFFFF0] =	vst v4;
	s2 =	sadd.s32 $0x80, s0  }
0x421: {  	v3 =	vld.idx.msk [tilespmem:v3+s25+$0x0], $0xffff;
	[tilespmem:s2+$0xFFFFFFA0] =	vst v2  }
0x422: {  	v63 =	vld.idx.msk [tilespmem:v7+s25+$0x0], $0xffff;
	[tilespmem:s2+$0x0] =	vst v11  }
0x423: {  	v6 =	vld.idx.msk [tilespmem:v6+s25+$0x0], $0xffff;
	[tilespmem:s2+$0xFFFFFF90] =	vst v12  }
0x424: {  	[tilespmem:s2+$0xFFFFFFB0] =	vst v5  }
0x425: {  	[tilespmem:s2+$0xFFFFFFC0] =	vst v8  }
0x426: {  	[tilespmem:s2+$0xFFFFFFD0] =	vst v3  }
0x427: {  	[tilespmem:s2+$0xFFFFFFE0] =	vst v63  }
0x428: {  	s0 =	simm.s32 $0x1005;
	s1 =	simm.s32 $0x91A0;
	[tilespmem:s2+$0xFFFFFFF0] =	vst v6  }
.LBB2_76:
0x429: {  	v2 =	vadd.s32 s0, v1  }
0x42a: {  	vm0 =	vlt.s32 v2, $0x101F  }
0x42b: {  	v2 =	vnsel vm0, $0x101F, v2;
	_ =	sdelay $0x4  }
0x42c: {  	p0 =	sne.s32 s0, $0x1015;
	v2 =	vld.idx.msk [tilespmem:v2+s25+$0x0], $0xffff  }
.Ltmp39:
0x42d: {  	_ = 	snop;
	(pc) =	sbr.rel @p0 .LBB2_76-.Ltmp39, $2  }
0x42e: {  	_ =	sdelay $0x2  }
0x42f: {  	s0 =	sadd.s32 $0x10, s0;
	[tilespmem:s1+$0x0] =	vst v2;
	s1 =	sadd.s32 $0x10, s1  }
0x430: {  	s1 =	simm.s32 $0x16  }
0x431: {  	s18 =	simm.s32 $0x6;
	v3 =	vadd.s32 s1, v1  }
0x432: {  	s0 =	simm.s32 $0x76;
	s19 =	simm.s32 $0x26;
	v4 =	vadd.s32 s18, v1  }
0x433: {  	s20 =	simm.s32 $0x36;
	v2 =	vadd.s32 s0, v1;
	v5 =	vadd.s32 s19, v1  }
0x434: {  	v6 =	vadd.s32 s20, v1;
	vm0 =	vlt.s32 v2, $0x101F  }
0x435: {  	s21 =	simm.s32 $0x46;
	v2 =	vnsel vm0, $0x101F, v2  }
0x436: {  	s22 =	simm.s32 $0x56;
	v7 =	vadd.s32 s21, v1;
	v3 =	vld.idx.msk [tilespmem:v3+s25+$0x0], $0xffff  }
0x437: {  	s23 =	simm.s32 $0x66;
	v8 =	vadd.s32 s22, v1;
	v12 =	vld.idx.msk [tilespmem:v4+s25+$0x0], $0xffff  }
0x438: {  	s24 =	simm.s32 $0xF6;
	s28 =	simm.s32 $0x86;
	v11 =	vadd.s32 s23, v1;
	v13 =	vld.idx.msk [tilespmem:v5+s25+$0x0], $0xffff  }
0x439: {  	s26 =	simm.s32 $0x96;
	v16 =	vadd.s32 s28, v1;
	v4 =	vadd.s32 s24, v1;
	v15 =	vld.idx.msk [tilespmem:v6+s25+$0x0], $0xffff  }
0x43a: {  	v14 =	vadd.s32 s26, v1;
	vm15 =	vlt.s32 v4, $0x101F;
	v2 =	vld.idx.msk [tilespmem:v2+s25+$0x0], $0xffff  }
0x43b: {  	s29 =	simm.s32 $0xA6;
	s0 =	simm.s32 $0x9230;
	v10 =	vld.idx.msk [tilespmem:v7+s25+$0x0], $0xffff;
	v6 =	vnsel vm15, $0x101F, v4  }
0x43c: {  	s30 =	simm.s32 $0xB6;
	v9 =	vld.idx.msk [tilespmem:v8+s25+$0x0], $0xffff;
	v5 =	vadd.s32 s29, v1;
	[tilespmem:s0+$0xFFFFFF90] =	vst v12  }
0x43d: {  	s2 =	simm.s32 $0xC6;
	v8 =	vadd.s32 s30, v1;
	v4 =	vld.idx.msk [tilespmem:v11+s25+$0x0], $0xffff;
	[tilespmem:s0+$0xFFFFFFA0] =	vst v3  }
0x43e: {  	s31 =	simm.s32 $0xD6;
	v3 =	vadd.s32 s2, v1;
	[tilespmem:s0+$0xFFFFFFB0] =	vst v13;
	v12 =	vld.idx.msk [tilespmem:v16+s25+$0x0], $0xffff  }
0x43f: {  	s3 =	simm.s32 $0xE6;
	v7 =	vadd.s32 s31, v1;
	[tilespmem:s0+$0x0] =	vst v2;
	v2 =	vld.idx.msk [tilespmem:v14+s25+$0x0], $0xffff  }
0x440: {  	s1 =	simm.s32 $0x8;
	s2 =	simm.s32 $0x176;
	[tilespmem:s0+$0xFFFFFFC0] =	vst v15;
	v11 =	vld.idx.msk [tilespmem:v6+s25+$0x0], $0xffff;
	v6 =	vadd.s32 s3, v1  }
.LBB2_78:
0x441: {  	s3 =	sadd.s32 $0xFFFFFFA0, s2;
	s4 =	sadd.s32 $0xFFFFFFB0, s2;
	v13 =	vadd.s32 s2, v1;
	s1 =	sadd.s32 $0x8, s1;
	v14 =	vld.idx.msk [tilespmem:v5+s25+$0x0], $0xffff;
	[tilespmem:s0+$0xFFFFFFD0] =	vst v10  }
0x442: {  	v15 =	vadd.s32 s3, v1;
	v5 =	vadd.s32 s4, v1;
	s3 =	sadd.s32 $0xFFFFFFC0, s2;
	s4 =	sadd.s32 $0xFFFFFFD0, s2;
	vm0 =	vlt.s32 v13, $0x101F;
	p0 =	slt.u32 s1, $0xF8;
	v16 =	vld.idx.msk [tilespmem:v8+s25+$0x0], $0xffff;
	[tilespmem:s0+$0xFFFFFFE0] =	vst v9  }
0x443: {  	s5 =	sadd.s32 $0xFFFFFF90, s2;
	s6 =	sadd.s32 $0xFFFFFFF0, s2;
	v8 =	vadd.s32 s3, v1;
	s3 =	sadd.s32 $0xFFFFFFE0, s2;
	v13 =	vnsel vm0, $0x101F, v13;
	v10 =	vld.idx.msk [tilespmem:v3+s25+$0x0], $0xffff;
	v3 =	vadd.s32 s4, v1;
	[tilespmem:s0+$0xFFFFFFF0] =	vst v4  }
0x444: {  	v17 =	vadd.s32 s5, v1;
	v18 =	vadd.s32 s6, v1;
	s0 =	sadd.s32 $0x80, s0;
	v9 =	vld.idx.msk [tilespmem:v7+s25+$0x0], $0xffff;
	v7 =	vadd.s32 s3, v1  }
.Ltmp40:
0x445: {  	v4 =	vld.idx.msk [tilespmem:v6+s25+$0x0], $0xffff;
	[tilespmem:s0+$0x0] =	vst v11;
	v6 =	vmov v18;
	(pc) =	sbr.rel @p0 .LBB2_78-.Ltmp40, $4  }
0x446: {  	[tilespmem:s0+$0xFFFFFF90] =	vst v12  }
0x447: {  	[tilespmem:s0+$0xFFFFFFA0] =	vst v2;
	v2 =	vld.idx.msk [tilespmem:v15+s25+$0x0], $0xffff  }
0x448: {  	v11 =	vld.idx.msk [tilespmem:v13+s25+$0x0], $0xffff;
	[tilespmem:s0+$0xFFFFFFB0] =	vst v14  }
0x449: {  	s2 =	sadd.s32 $0x80, s2;
	v12 =	vld.idx.msk [tilespmem:v17+s25+$0x0], $0xffff;
	[tilespmem:s0+$0xFFFFFFC0] =	vst v16  }
0x44a: {  	_ =	sdelay $0x2  }
0x44b: {  	[tilespmem:s0+$0xFFFFFFD0] =	vst v10  }
0x44c: {  	v5 =	vld.idx.msk [tilespmem:v5+s25+$0x0], $0xffff;
	[tilespmem:s0+$0xFFFFFFE0] =	vst v9  }
0x44d: {  	v8 =	vld.idx.msk [tilespmem:v8+s25+$0x0], $0xffff;
	[tilespmem:s0+$0xFFFFFFF0] =	vst v4;
	s2 =	sadd.s32 $0x80, s0  }
0x44e: {  	v3 =	vld.idx.msk [tilespmem:v3+s25+$0x0], $0xffff;
	[tilespmem:s2+$0xFFFFFFA0] =	vst v2  }
0x44f: {  	v63 =	vld.idx.msk [tilespmem:v7+s25+$0x0], $0xffff;
	[tilespmem:s2+$0x0] =	vst v11  }
0x450: {  	v6 =	vld.idx.msk [tilespmem:v6+s25+$0x0], $0xffff;
	[tilespmem:s2+$0xFFFFFF90] =	vst v12  }
0x451: {  	[tilespmem:s2+$0xFFFFFFB0] =	vst v5  }
0x452: {  	[tilespmem:s2+$0xFFFFFFC0] =	vst v8  }
0x453: {  	[tilespmem:s2+$0xFFFFFFD0] =	vst v3  }
0x454: {  	[tilespmem:s2+$0xFFFFFFE0] =	vst v63  }
0x455: {  	s0 =	simm.s32 $0x1006;
	s1 =	simm.s32 $0xA1C0;
	[tilespmem:s2+$0xFFFFFFF0] =	vst v6  }
.LBB2_80:
0x456: {  	v2 =	vadd.s32 s0, v1  }
0x457: {  	vm0 =	vlt.s32 v2, $0x101F  }
0x458: {  	v2 =	vnsel vm0, $0x101F, v2;
	_ =	sdelay $0x4  }
0x459: {  	p0 =	sne.s32 s0, $0x1016;
	v2 =	vld.idx.msk [tilespmem:v2+s25+$0x0], $0xffff  }
.Ltmp41:
0x45a: {  	_ = 	snop;
	(pc) =	sbr.rel @p0 .LBB2_80-.Ltmp41, $2  }
0x45b: {  	_ =	sdelay $0x2  }
0x45c: {  	s0 =	sadd.s32 $0x10, s0;
	[tilespmem:s1+$0x0] =	vst v2;
	s1 =	sadd.s32 $0x10, s1  }
0x45d: {  	s1 =	simm.s32 $0x17  }
0x45e: {  	s18 =	simm.s32 $0x7;
	v3 =	vadd.s32 s1, v1  }
0x45f: {  	s0 =	simm.s32 $0x77;
	s19 =	simm.s32 $0x27;
	v4 =	vadd.s32 s18, v1  }
0x460: {  	s20 =	simm.s32 $0x37;
	v2 =	vadd.s32 s0, v1;
	v5 =	vadd.s32 s19, v1  }
0x461: {  	v6 =	vadd.s32 s20, v1;
	vm0 =	vlt.s32 v2, $0x101F  }
0x462: {  	s21 =	simm.s32 $0x47;
	v2 =	vnsel vm0, $0x101F, v2  }
0x463: {  	s22 =	simm.s32 $0x57;
	v7 =	vadd.s32 s21, v1;
	v3 =	vld.idx.msk [tilespmem:v3+s25+$0x0], $0xffff  }
0x464: {  	s23 =	simm.s32 $0x67;
	v8 =	vadd.s32 s22, v1;
	v12 =	vld.idx.msk [tilespmem:v4+s25+$0x0], $0xffff  }
0x465: {  	s24 =	simm.s32 $0xF7;
	s28 =	simm.s32 $0x87;
	v11 =	vadd.s32 s23, v1;
	v13 =	vld.idx.msk [tilespmem:v5+s25+$0x0], $0xffff  }
0x466: {  	s26 =	simm.s32 $0x97;
	v16 =	vadd.s32 s28, v1;
	v4 =	vadd.s32 s24, v1;
	v15 =	vld.idx.msk [tilespmem:v6+s25+$0x0], $0xffff  }
0x467: {  	v14 =	vadd.s32 s26, v1;
	vm15 =	vlt.s32 v4, $0x101F;
	v2 =	vld.idx.msk [tilespmem:v2+s25+$0x0], $0xffff  }
0x468: {  	s29 =	simm.s32 $0xA7;
	s0 =	simm.s32 $0xA250;
	v10 =	vld.idx.msk [tilespmem:v7+s25+$0x0], $0xffff;
	v6 =	vnsel vm15, $0x101F, v4  }
0x469: {  	s30 =	simm.s32 $0xB7;
	v9 =	vld.idx.msk [tilespmem:v8+s25+$0x0], $0xffff;
	v5 =	vadd.s32 s29, v1;
	[tilespmem:s0+$0xFFFFFF90] =	vst v12  }
0x46a: {  	s2 =	simm.s32 $0xC7;
	v8 =	vadd.s32 s30, v1;
	v4 =	vld.idx.msk [tilespmem:v11+s25+$0x0], $0xffff;
	[tilespmem:s0+$0xFFFFFFA0] =	vst v3  }
0x46b: {  	s31 =	simm.s32 $0xD7;
	v3 =	vadd.s32 s2, v1;
	[tilespmem:s0+$0xFFFFFFB0] =	vst v13;
	v12 =	vld.idx.msk [tilespmem:v16+s25+$0x0], $0xffff  }
0x46c: {  	s3 =	simm.s32 $0xE7;
	v7 =	vadd.s32 s31, v1;
	[tilespmem:s0+$0x0] =	vst v2;
	v2 =	vld.idx.msk [tilespmem:v14+s25+$0x0], $0xffff  }
0x46d: {  	s1 =	simm.s32 $0x8;
	s2 =	simm.s32 $0x177;
	[tilespmem:s0+$0xFFFFFFC0] =	vst v15;
	v11 =	vld.idx.msk [tilespmem:v6+s25+$0x0], $0xffff;
	v6 =	vadd.s32 s3, v1  }
.LBB2_82:
0x46e: {  	s3 =	sadd.s32 $0xFFFFFFA0, s2;
	s4 =	sadd.s32 $0xFFFFFFB0, s2;
	v13 =	vadd.s32 s2, v1;
	s1 =	sadd.s32 $0x8, s1;
	v14 =	vld.idx.msk [tilespmem:v5+s25+$0x0], $0xffff;
	[tilespmem:s0+$0xFFFFFFD0] =	vst v10  }
0x46f: {  	v15 =	vadd.s32 s3, v1;
	v5 =	vadd.s32 s4, v1;
	s3 =	sadd.s32 $0xFFFFFFC0, s2;
	s4 =	sadd.s32 $0xFFFFFFD0, s2;
	vm0 =	vlt.s32 v13, $0x101F;
	p0 =	slt.u32 s1, $0xF8;
	v16 =	vld.idx.msk [tilespmem:v8+s25+$0x0], $0xffff;
	[tilespmem:s0+$0xFFFFFFE0] =	vst v9  }
0x470: {  	s5 =	sadd.s32 $0xFFFFFF90, s2;
	s6 =	sadd.s32 $0xFFFFFFF0, s2;
	v8 =	vadd.s32 s3, v1;
	s3 =	sadd.s32 $0xFFFFFFE0, s2;
	v13 =	vnsel vm0, $0x101F, v13;
	v10 =	vld.idx.msk [tilespmem:v3+s25+$0x0], $0xffff;
	v3 =	vadd.s32 s4, v1;
	[tilespmem:s0+$0xFFFFFFF0] =	vst v4  }
0x471: {  	v17 =	vadd.s32 s5, v1;
	v18 =	vadd.s32 s6, v1;
	s0 =	sadd.s32 $0x80, s0;
	v9 =	vld.idx.msk [tilespmem:v7+s25+$0x0], $0xffff;
	v7 =	vadd.s32 s3, v1  }
.Ltmp42:
0x472: {  	v4 =	vld.idx.msk [tilespmem:v6+s25+$0x0], $0xffff;
	[tilespmem:s0+$0x0] =	vst v11;
	v6 =	vmov v18;
	(pc) =	sbr.rel @p0 .LBB2_82-.Ltmp42, $4  }
0x473: {  	[tilespmem:s0+$0xFFFFFF90] =	vst v12  }
0x474: {  	[tilespmem:s0+$0xFFFFFFA0] =	vst v2;
	v2 =	vld.idx.msk [tilespmem:v15+s25+$0x0], $0xffff  }
0x475: {  	v11 =	vld.idx.msk [tilespmem:v13+s25+$0x0], $0xffff;
	[tilespmem:s0+$0xFFFFFFB0] =	vst v14  }
0x476: {  	s2 =	sadd.s32 $0x80, s2;
	v12 =	vld.idx.msk [tilespmem:v17+s25+$0x0], $0xffff;
	[tilespmem:s0+$0xFFFFFFC0] =	vst v16  }
0x477: {  	_ =	sdelay $0x2  }
0x478: {  	[tilespmem:s0+$0xFFFFFFD0] =	vst v10  }
0x479: {  	v5 =	vld.idx.msk [tilespmem:v5+s25+$0x0], $0xffff;
	[tilespmem:s0+$0xFFFFFFE0] =	vst v9  }
0x47a: {  	v8 =	vld.idx.msk [tilespmem:v8+s25+$0x0], $0xffff;
	[tilespmem:s0+$0xFFFFFFF0] =	vst v4;
	s2 =	sadd.s32 $0x80, s0  }
0x47b: {  	v3 =	vld.idx.msk [tilespmem:v3+s25+$0x0], $0xffff;
	[tilespmem:s2+$0xFFFFFFA0] =	vst v2  }
0x47c: {  	v63 =	vld.idx.msk [tilespmem:v7+s25+$0x0], $0xffff;
	[tilespmem:s2+$0x0] =	vst v11  }
0x47d: {  	v6 =	vld.idx.msk [tilespmem:v6+s25+$0x0], $0xffff;
	[tilespmem:s2+$0xFFFFFF90] =	vst v12  }
0x47e: {  	[tilespmem:s2+$0xFFFFFFB0] =	vst v5  }
0x47f: {  	[tilespmem:s2+$0xFFFFFFC0] =	vst v8  }
0x480: {  	[tilespmem:s2+$0xFFFFFFD0] =	vst v3  }
0x481: {  	[tilespmem:s2+$0xFFFFFFE0] =	vst v63  }
0x482: {  	s0 =	simm.s32 $0x1007;
	s1 =	simm.s32 $0xB1E0;
	[tilespmem:s2+$0xFFFFFFF0] =	vst v6  }
.LBB2_84:
0x483: {  	v2 =	vadd.s32 s0, v1  }
0x484: {  	vm0 =	vlt.s32 v2, $0x101F  }
0x485: {  	v2 =	vnsel vm0, $0x101F, v2;
	_ =	sdelay $0x4  }
0x486: {  	p0 =	sne.s32 s0, $0x1017;
	v2 =	vld.idx.msk [tilespmem:v2+s25+$0x0], $0xffff  }
.Ltmp43:
0x487: {  	_ = 	snop;
	(pc) =	sbr.rel @p0 .LBB2_84-.Ltmp43, $2  }
0x488: {  	_ =	sdelay $0x2  }
0x489: {  	s0 =	sadd.s32 $0x10, s0;
	[tilespmem:s1+$0x0] =	vst v2;
	s1 =	sadd.s32 $0x10, s1  }
0x48a: {  	s1 =	sld [smem:$0x7FC]  }
0x48b: {  	s2 =	sld [smem:$0x7FB]  }
0x48c: {  	s4 =	sld [smem:$0x7FA]  }
0x48d: {  	s5 =	sld [smem:$0x7F9]  }
0x48e: {  	s7 =	sld [smem:$0x7F8]  }
0x48f: {  	s8 =	sld [smem:$0x7F7]  }
0x490: {  	s9 =	sld [smem:$0x7F6]  }
0x491: {  	s11 =	sld [smem:$0x7F5]  }
0x492: {  	s12 =	sld [smem:$0x7F4]  }
0x493: {  	s14 =	sld [smem:$0x7F3]  }
0x494: {  	s15 =	sld [smem:$0x7F2]  }
0x495: {  	s17 =	sld [smem:$0x7F1]  }
0x496: {  	s20 =	sld [smem:$0x7F0]  }
0x497: {  	s19 =	sld [smem:$0x7EF]  }
0x498: {  	s21 =	sld [smem:$0x7EE]  }
0x499: {  	s3 =	rddreg [dreg:$0x16]  }
0x49a: {  	s16 =	sld [smem:$0x7ED]  }
0x49b: {  	s29 =	sld [smem:$0x7EC]  }
0x49c: {  	s18 =	rddreg [dreg:$0x15]  }
0x49d: {  	s10 =	sld [smem:$0x7EB]  }
0x49e: {  	s24 =	sld [smem:$0x7EA]  }
0x49f: {  	s22 =	rddreg [dreg:$0x14]  }
0x4a0: {  	s23 =	sld [smem:$0x7E9]  }
0x4a1: {  	s26 =	sld [smem:$0x7E8]  }
0x4a2: {  	s28 =	rddreg [dreg:$0x13]  }
0x4a3: {  	s30 =	sld [smem:$0x7E7]  }
0x4a4: {  	s6 =	rddreg [dreg:$0x1f]  }
0x4a5: {  	s13 =	rddreg [dreg:$0x1e]  }
0x4a6: {  	s0 =	simm.s32 $0x0;
	s31 =	rddreg [dreg:$0x1b]  }
0x4a7: {  	[smem:$0x7D9] =	sst s0  }
0x4a8: {  	s0 =	sld [smem:$0x7FD]  }
0x4a9: {  	[smem:$0x7DA] =	sst s3  }
0x4aa: {  	[smem:$0x7DB] =	sst s18  }
0x4ab: {  	[smem:$0x7DC] =	sst s22  }
0x4ac: {  	[smem:$0x7DF] =	sst s28  }
0x4ad: {  	[smem:$0x7E0] =	sst s6  }
0x4ae: {  	[smem:$0x7E1] =	sst s13  }
0x4af: {  	s22 =	rddreg [dreg:$0x1d]  }
0x4b0: {  	s18 =	rddreg [dreg:$0x1c]  }
0x4b1: {  	s6 =	rddreg [dreg:$0x17]  }
0x4b2: {  	s28 =	rddreg [dreg:$0x12]  }
0x4b3: {  	[smem:$0x7E2] =	sst s18  }
0x4b4: {  	s18 =	rddreg [dreg:$0x18]  }
0x4b5: {  	[smem:$0x7E5] =	sst s28  }
0x4b6: {  	[smem:$0x7DD] =	sst s23  }
0x4b7: {  	[smem:$0x7DE] =	sst s26  }
0x4b8: {  	s23 =	rddreg [dreg:$0x1a]  }
0x4b9: {  	s26 =	rddreg [dreg:$0x19]  }
0x4ba: {  	[smem:$0x7E3] =	sst s23  }
0x4bb: {  	[smem:$0x7E4] =	sst s26  }
.LBB2_86:
0x4bc: {  	[smem:$0x7AC] =	sst s1  }
0x4bd: {  	[smem:$0x7AD] =	sst s0  }
0x4be: {  	[smem:$0x7AE] =	sst s4  }
0x4bf: {  	[smem:$0x7B0] =	sst s2  }
0x4c0: {  	[smem:$0x7B1] =	sst s7  }
0x4c1: {  	[smem:$0x7B2] =	sst s5  }
0x4c2: {  	[smem:$0x7B4] =	sst s9  }
0x4c3: {  	[smem:$0x7B5] =	sst s8  }
0x4c4: {  	[smem:$0x7B6] =	sst s12  }
0x4c5: {  	[smem:$0x7B7] =	sst s11  }
0x4c6: {  	[smem:$0x7B8] =	sst s15  }
0x4c7: {  	[smem:$0x7B9] =	sst s14  }
0x4c8: {  	[smem:$0x7BA] =	sst s20  }
0x4c9: {  	[smem:$0x7BB] =	sst s17  }
0x4ca: {  	[smem:$0x7BC] =	sst s21  }
0x4cb: {  	[smem:$0x7BD] =	sst s19  }
0x4cc: {  	[smem:$0x7BE] =	sst s16  }
0x4cd: {  	[smem:$0x7BF] =	sst s10  }
0x4ce: {  	[smem:$0x7C0] =	sst s30  }
0x4cf: {  	[smem:$0x7C1] =	sst s22  }
0x4d0: {  	s26 =	sshll.u32 s1, $0x2;
	s3 =	sshll.u32 s0, $0x2;
	[smem:$0x7C2] =	sst s6  }
0x4d1: {  	s23 =	sshll.u32 s2, $0x2;
	s28 =	sshll.u32 s12, $0x2;
	[smem:$0x7C3] =	sst s18  }
0x4d2: {  	s2 =	sshll.u32 s11, $0x2;
	s20 =	sshll.u32 s20, $0x2;
	[smem:$0x7C5] =	sst s26  }
0x4d3: {  	s1 =	sand.u32 $0x1C0, s26;
	s0 =	sand.u32 $0xFFFFFE00, s3;
	s3 =	sshll.u32 s4, $0x2  }
0x4d4: {  	s26 =	sshll.u32 s7, $0x2;
	s11 =	sand.u32 $0x1C0, s20;
	[smem:$0x7C7] =	sst s3  }
0x4d5: {  	s0 =	sor.u32 s1, s0;
	s13 =	sand.u32 $0x1C0, s3;
	s1 =	sand.u32 $0xFFFFFE00, s23  }
0x4d6: {  	[smem:$0x7C9] =	sst s26;
	s3 =	sshll.u32 s5, $0x2;
	s4 =	sand.u32 $0x1C0, s26  }
0x4d7: {  	s23 =	sand.u32 $0x1C0, s28;
	s5 =	sshll.u32 s24, $0x2;
	[smem:$0x7AF] =	sst s0  }
0x4d8: {  	s0 =	sor.u32 s13, s1;
	s7 =	sand.u32 $0xFFFFFE00, s3;
	s3 =	sshll.u32 s9, $0x2  }
0x4d9: {  	s9 =	sshll.u32 s8, $0x2;
	s1 =	sand.u32 $0xFFFFFE00, s2;
	s2 =	sshll.u32 s15, $0x2  }
0x4da: {  	[smem:$0x7B3] =	sst s0;
	s26 =	sor.u32 s4, s7;
	s13 =	sand.u32 $0x1C0, s3  }
0x4db: {  	s0 =	sand.u32 $0xFFFFFE00, s9;
	s4 =	sshll.u32 s14, $0x2;
	s15 =	sor.u32 s23, s1  }
0x4dc: {  	s7 =	sand.u32 $0x1C0, s2;
	s9 =	sshll.u32 s17, $0x2;
	s23 =	sshll.u32 s21, $0x2  }
0x4dd: {  	s14 =	sshll.u32 s19, $0x2;
	s17 =	sshll.u32 s29, $0x2;
	s19 =	sshll.u32 s16, $0x2  }
0x4de: {  	s16 =	smov.u32 s29;
	s29 =	sld [smem:$0x7E0];
	s13 =	sor.u32 s13, s0  }
0x4df: {  	s8 =	sand.u32 $0xFFFFFE00, s4;
	s0 =	sand.u32 $0xFFFFFE00, s9;
	s12 =	sand.u32 $0x1C0, s23  }
0x4e0: {  	s1 =	sand.u32 $0xFFFFFE00, s14;
	s4 =	sand.u32 $0xFFFFFE00, s19;
	s19 =	sld [smem:$0x7DE]  }
0x4e1: {  	s8 =	sor.u32 s7, s8;
	s21 =	sor.u32 s11, s0;
	s11 =	sor.u32 s12, s1  }
0x4e2: {  	s1 =	sand.u32 $0x1C0, s17;
	s7 =	sshll.u32 s10, $0x2;
	s12 =	sld [smem:$0x7DD]  }
0x4e3: {  	s0 =	sor.u32 s1, s4;
	s1 =	sand.u32 $0xFFFFFE00, s7;
	s17 =	sshll.u32 s29, $0x2  }
0x4e4: {  	[smem:$0x7CE] =	sst s0;
	s0 =	sand.u32 $0x1C0, s5;
	s9 =	sshll.u32 s19, $0x2  }
0x4e5: {  	s0 =	sor.u32 s0, s1;
	s10 =	sand.u32 $0x1C0, s9;
	[smem:$0x7DD] =	sst s12  }
0x4e6: {  	s14 =	sshll.u32 s12, $0x2;
	s1 =	sshll.u32 s30, $0x2;
	[smem:$0x7CF] =	sst s0  }
0x4e7: {  	s5 =	sand.u32 $0xFFFFFE00, s14;
	s12 =	sand.u32 $0xFFFFFE00, s1;
	s1 =	sld [smem:$0x7D9]  }
0x4e8: {  	s9 =	sand.u32 $0x1C0, s17;
	s14 =	sld [smem:$0x7E1];
	s0 =	sor.u32 s10, s5  }
0x4e9: {  	s5 =	sor.u32 s9, s12;
	[smem:$0x7D3] =	sst s0  }
0x4ea: {  	[smem:$0x7D5] =	sst s5;
	p0 =	seq.s32 s1, $0x0  }
0x4eb: {  	s7 =	sshll.u32 s18, $0x2;
	[smem:$0x7E1] =	sst s14;
	s18 =	simm.s32 @!p0 $0x2  }
0x4ec: {  	s6 =	sshll.u32 s6, $0x2;
	_ =	swait.ge @!p0 [sflag:s18], $0x4000  }
0x4ed: {  	s4 =	sshll.u32 s22, $0x2;
	s22 =	sand.u32 $0xFFFFFFC0, s7;
	[smem:$0x7C4] =	sst s31  }
0x4ee: {  	s17 =	sshll.u32 s31, $0x2;
	s10 =	sand.u32 $0x1C0, s7;
	[smem:$0x7D7] =	sst s22  }
0x4ef: {  	s5 =	sand.u32 $0xFFFFFE00, s6;
	s31 =	smov.u32 s24;
	s24 =	sld [smem:$0x7E4]  }
0x4f0: {  	s9 =	sor.u32 s10, s5;
	[sflag:s18] =	ssyncset.done @!p0 $0x0;
	s10 =	sld [smem:$0x7E2]  }
0x4f1: {  	[sflag:s18] =	ssyncadd.s32 @!p0 $0xFFFFC000;
	s18 =	sand.u32 $0xFFFFFE00, s17;
	s17 =	sld [smem:$0x7E3]  }
0x4f2: {  	s6 =	sshra.s32 s22, $0x2;
	[smem:$0x7E4] =	sst s24  }
0x4f3: {  	s7 =	sshra.s32 s9, $0x2;
	v3 =	vld [tilespmem:s6+$0x3100]  }
0x4f4: {  	s0 =	sand.u32 $0xFFFFFE00, s4;
	s14 =	sshll.u32 s14, $0x2;
	v2 =	vld [tilespmem:s7+$0x3100];
	[smem:$0x7E2] =	sst s10  }
0x4f5: {  	s22 =	sand.u32 $0x1C0, s14;
	s4 =	sshll.u32 s24, $0x2;
	[smem:$0x7E3] =	sst s17  }
0x4f6: {  	s12 =	sand.u32 $0xFFFFFE00, s4;
	s17 =	sshll.u32 s17, $0x2;
	s4 =	sld [smem:$0x7E5]  }
0x4f7: {  	s7 =	sshll.u32 s10, $0x2;
	s10 =	sld [smem:$0x7C5];
	s6 =	sand.u32 $0x1C0, s17  }
0x4f8: {  	s5 =	sor.u32 s22, s0;
	s0 =	sor.u32 s6, s12;
	s12 =	sld [smem:$0x7C7]  }
0x4f9: {  	s22 =	sld [smem:$0x7C9];
	s24 =	sand.u32 $0x1C0, s7;
	s30 =	sshra.s32 s4, $0x2  }
0x4fa: {  	s18 =	sor.u32 s24, s18;
	s24 =	smov.u32 s1;
	s1 =	sand.u32 $0xFFFFFFC0, s10;
	v4 =	vld [tilespmem:s30+$0xAAC0]  }
0x4fb: {  	v5 =	vld [tilespmem:s30+$0xA9E0];
	[smem:$0x7C6] =	sst s1;
	s1 =	sand.u32 $0xFFFFFFC0, s12  }
0x4fc: {  	s3 =	sand.u32 $0xFFFFFFC0, s3;
	[smem:$0x7C8] =	sst s1  }
0x4fd: {  	v6 =	vld [tilespmem:s30+$0xA9F0];
	[smem:$0x7CA] =	sst s3  }
0x4fe: {  	s23 =	sand.u32 $0xFFFFFFC0, s23;
	v7 =	vld [tilespmem:s30+$0xAA00]  }
0x4ff: {  	s6 =	sand.u32 $0x3FFFFFF0, s16;
	s12 =	sand.u32 $0xFFFFFFC0, s22;
	v8 =	vld [tilespmem:s30+$0xAA10];
	[smem:$0x7CB] =	sst s16  }
0x500: {  	s22 =	sand.u32 $0xFFFFFFC0, s2;
	s2 =	sadd.s32 $0x3100, s6;
	[smem:$0x7CC] =	sst s23  }
0x501: {  	s16 =	simm.s32 $0x17300;
	[smem:$0x7CD] =	sst s2  }
0x502: {  	s3 =	sld [smem:$0x7CE];
	[tilespmem:s16+$0x470] =	vst v4  }
0x503: {  	s23 =	sld [smem:$0x7CF];
	_ =	sdelay $0x1  }
0x504: {  	s2 =	sand.u32 $0x3FFFFFF0, s31;
	v9 =	vld [tilespmem:s30+$0xAA20];
	[tilespmem:s16+$0x0] =	vst v3  }
0x505: {  	v10 =	vld [tilespmem:s30+$0xAA30];
	[smem:$0x7D0] =	sst s31;
	s1 =	sshrl.u32 s23, $0x2;
	s23 =	sadd.s32 $0x3100, s2  }
0x506: {  	[smem:$0x7D1] =	sst s23  }
0x507: {  	s2 =	sand.u32 $0x3FFFFFF0, s19;
	[tilespmem:s16+$0x10] =	vst v5  }
0x508: {  	s23 =	sadd.s32 $0x3100, s1;
	s1 =	sadd.s32 $0x3100, s2;
	v5 =	vld [tilespmem:s30+$0xAA40];
	[smem:$0x7DE] =	sst s19  }
0x509: {  	[smem:$0x7D2] =	sst s1  }
0x50a: {  	s6 =	sshrl.u32 s3, $0x2;
	s3 =	sld [smem:$0x7D3];
	s19 =	sand.u32 $0x3FFFFFF0, s29;
	[tilespmem:s16+$0x20] =	vst v6  }
0x50b: {  	v3 =	vld [tilespmem:s30+$0xAA60];
	s2 =	sadd.s32 $0x3100, s19;
	[smem:$0x7E0] =	sst s29  }
0x50c: {  	[smem:$0x7D4] =	sst s2  }
0x50d: {  	s14 =	sand.u32 $0xFFFFFFC0, s14;
	s1 =	sshrl.u32 s3, $0x2;
	s3 =	sld [smem:$0x7D5];
	[tilespmem:s16+$0x30] =	vst v7  }
0x50e: {  	v4 =	vld [tilespmem:s30+$0xAA70];
	[smem:$0x7D6] =	sst s14  }
0x50f: {  	s20 =	sand.u32 $0xFFFFFFC0, s20;
	[tilespmem:s16+$0x40] =	vst v8  }
0x510: {  	s7 =	sand.u32 $0xFFFFFFC0, s7;
	s10 =	sand.u32 $0xFFFFFFC0, s28;
	s6 =	sadd.s32 $0x3100, s6;
	v6 =	vld [tilespmem:s30+$0xAA80];
	[tilespmem:s16+$0x50] =	vst v9  }
0x511: {  	s29 =	simm.s32 $0x17380;
	s28 =	sadd.s32 $0x3100, s1;
	v7 =	vld [tilespmem:s30+$0xAA90];
	[smem:$0x7D9] =	sst s24  }
0x512: {  	s14 =	sshll.u32 s24, $0x4;
	s1 =	sshrl.u32 s3, $0x2;
	s2 =	sld [smem:$0x7D7];
	[tilespmem:s16+$0x60] =	vst v10  }
0x513: {  	s3 =	sand.u32 $0xFFFFFFC0, s17;
	s24 =	smov.u32 s14;
	s17 =	rddreg [dreg:$0x3]  }
0x514: {  	s19 =	sadd.s32 $0x3100, s1;
	v8 =	vld [tilespmem:s30+$0xAAA0];
	[smem:$0x7E5] =	sst s4;
	s1 =	sor.u32 s14, s17  }
0x515: {  	s31 =	sadd.s32 $0x400, s2;
	s14 =	simm.s32 $0x0;
	[smem:$0x7D8] =	sst s1  }
.LBB2_87:
0x516: {  	s2 =	sshra.s32 s31, $0x2;
	[tilespmem:s16+$0x70] =	vst v5;
	v5 =	vld [tilespmem:s30+$0xAAB0];
	s9 =	sadd.s32 $0x400, s9  }
0x517: {  	s4 =	sadd.s32 $0x400, s4;
	v9 =	vld [tilespmem:s2+$0x3100];
	s2 =	sshra.s32 s9, $0x2;
	[tilespmem:s16+$0x400] =	vst v2  }
0x518: {  	s14 =	sadd.s32 $0x10, s14;
	s30 =	sshra.s32 s4, $0x2;
	v2 =	vld [tilespmem:s2+$0x3100];
	[tilespmem:s16+$0x410] =	vst v3  }
0x519: {  	p0 =	slt.u32 s14, $0x70;
	v3 =	vld [tilespmem:s30+$0xAAC0];
	[tilespmem:s16+$0x420] =	vst v4  }
0x51a: {  	v4 =	vld [tilespmem:s30+$0xA9E0];
	[tilespmem:s16+$0x430] =	vst v6  }
0x51b: {  	v6 =	vld [tilespmem:s30+$0xA9F0];
	[tilespmem:s16+$0x440] =	vst v7  }
0x51c: {  	v7 =	vld [tilespmem:s30+$0xAA00];
	[tilespmem:s16+$0x450] =	vst v8  }
0x51d: {  	v8 =	vld [tilespmem:s30+$0xAA10];
	[tilespmem:s16+$0x460] =	vst v5;
	s16 =	sadd.s32 $0x800, s16  }
0x51e: {  	v10 =	vld [tilespmem:s30+$0xAA20];
	[tilespmem:s16+$0x470] =	vst v3  }
0x51f: {  	[tilespmem:s16+$0x0] =	vst v9;
	v9 =	vld [tilespmem:s30+$0xAA30]  }
0x520: {  	[tilespmem:s16+$0x10] =	vst v4;
	v5 =	vld [tilespmem:s30+$0xAA40]  }
.Ltmp44:
0x521: {  	[tilespmem:s16+$0x20] =	vst v6;
	v3 =	vld [tilespmem:s30+$0xAA60];
	(pc) =	sbr.rel @p0 .LBB2_87-.Ltmp44, $4  }
0x522: {  	[tilespmem:s16+$0x30] =	vst v7;
	v4 =	vld [tilespmem:s30+$0xAA70]  }
0x523: {  	[tilespmem:s16+$0x40] =	vst v8;
	v6 =	vld [tilespmem:s30+$0xAA80]  }
0x524: {  	[tilespmem:s16+$0x50] =	vst v10;
	v7 =	vld [tilespmem:s30+$0xAA90]  }
0x525: {  	s31 =	sadd.s32 $0x400, s31;
	[tilespmem:s16+$0x60] =	vst v9;
	v8 =	vld [tilespmem:s30+$0xAAA0]  }
0x526: {  	[tilespmem:s16+$0x70] =	vst v5  }
0x527: {  	[tilespmem:s16+$0x400] =	vst v2  }
0x528: {  	v2 =	vld [tilespmem:s30+$0xAAB0];
	[tilespmem:s16+$0x410] =	vst v3  }
0x529: {  	[tilespmem:s16+$0x420] =	vst v4  }
0x52a: {  	[tilespmem:s16+$0x430] =	vst v6  }
0x52b: {  	[tilespmem:s16+$0x440] =	vst v7  }
0x52c: {  	[tilespmem:s16+$0x450] =	vst v8  }
0x52d: {  	[tilespmem:s16+$0x460] =	vst v2  }
0x52e: {  	s31 =	sld [smem:$0x7E5]  }
0x52f: {  	s1 =	sshra.s32 s3, $0x2  }
0x530: {  	s17 =	sshra.s32 s0, $0x2;
	v3 =	vld [tilespmem:s1+$0x3100]  }
0x531: {  	v2 =	vld [tilespmem:s17+$0x3100];
	s16 =	sshra.s32 s31, $0x2  }
0x532: {  	v4 =	vld [tilespmem:s16+$0x9AA0]  }
0x533: {  	v5 =	vld [tilespmem:s16+$0x99C0]  }
0x534: {  	v6 =	vld [tilespmem:s16+$0x99D0]  }
0x535: {  	v7 =	vld [tilespmem:s16+$0x99E0]  }
0x536: {  	v9 =	vld [tilespmem:s16+$0x99F0]  }
0x537: {  	v10 =	vld [tilespmem:s16+$0x9A00];
	[tilespmem:s29+$0x0] =	vst v3  }
0x538: {  	v11 =	vld [tilespmem:s16+$0x9A10];
	[tilespmem:s29+$0x470] =	vst v4  }
0x539: {  	v8 =	vld [tilespmem:s16+$0x9A20];
	[tilespmem:s29+$0x10] =	vst v5  }
0x53a: {  	v3 =	vld [tilespmem:s16+$0x9A40];
	[tilespmem:s29+$0x20] =	vst v6  }
0x53b: {  	[tilespmem:s29+$0x30] =	vst v7;
	v4 =	vld [tilespmem:s16+$0x9A50]  }
0x53c: {  	[tilespmem:s29+$0x40] =	vst v9;
	v5 =	vld [tilespmem:s16+$0x9A60]  }
0x53d: {  	s30 =	simm.s32 $0x0;
	[tilespmem:s29+$0x50] =	vst v10;
	v6 =	vld [tilespmem:s16+$0x9A70]  }
0x53e: {  	s9 =	simm.s32 $0x17400;
	s3 =	sadd.s32 $0x400, s3;
	s1 =	smov.u32 s31;
	[tilespmem:s29+$0x60] =	vst v11;
	v7 =	vld [tilespmem:s16+$0x9A80]  }
.LBB2_89:
0x53f: {  	s2 =	sshra.s32 s3, $0x2;
	[tilespmem:s29+$0x70] =	vst v8;
	v8 =	vld [tilespmem:s16+$0x9A90];
	s0 =	sadd.s32 $0x400, s0  }
0x540: {  	s1 =	sadd.s32 $0x400, s1;
	v9 =	vld [tilespmem:s2+$0x3100];
	s2 =	sshra.s32 s0, $0x2;
	[tilespmem:s29+$0x400] =	vst v2  }
0x541: {  	s30 =	sadd.s32 $0x10, s30;
	s16 =	sshra.s32 s1, $0x2;
	v2 =	vld [tilespmem:s2+$0x3100];
	[tilespmem:s29+$0x410] =	vst v3  }
0x542: {  	p0 =	slt.u32 s30, $0x70;
	v3 =	vld [tilespmem:s16+$0x9AA0];
	[tilespmem:s29+$0x420] =	vst v4  }
0x543: {  	v4 =	vld [tilespmem:s16+$0x99C0];
	[tilespmem:s29+$0x430] =	vst v5  }
0x544: {  	v5 =	vld [tilespmem:s16+$0x99D0];
	[tilespmem:s29+$0x440] =	vst v6  }
0x545: {  	v6 =	vld [tilespmem:s16+$0x99E0];
	[tilespmem:s29+$0x450] =	vst v7  }
0x546: {  	v7 =	vld [tilespmem:s16+$0x99F0];
	[tilespmem:s29+$0x460] =	vst v8;
	s29 =	sadd.s32 $0x800, s29  }
0x547: {  	v10 =	vld [tilespmem:s16+$0x9A00];
	[tilespmem:s29+$0x470] =	vst v3  }
0x548: {  	[tilespmem:s29+$0x0] =	vst v9;
	v9 =	vld [tilespmem:s16+$0x9A10]  }
0x549: {  	[tilespmem:s29+$0x10] =	vst v4;
	v8 =	vld [tilespmem:s16+$0x9A20]  }
.Ltmp45:
0x54a: {  	[tilespmem:s29+$0x20] =	vst v5;
	v3 =	vld [tilespmem:s16+$0x9A40];
	(pc) =	sbr.rel @p0 .LBB2_89-.Ltmp45, $4  }
0x54b: {  	[tilespmem:s29+$0x30] =	vst v6;
	v4 =	vld [tilespmem:s16+$0x9A50]  }
0x54c: {  	[tilespmem:s29+$0x40] =	vst v7;
	v5 =	vld [tilespmem:s16+$0x9A60]  }
0x54d: {  	[tilespmem:s29+$0x50] =	vst v10;
	v6 =	vld [tilespmem:s16+$0x9A70]  }
0x54e: {  	s3 =	sadd.s32 $0x400, s3;
	[tilespmem:s29+$0x60] =	vst v9;
	v7 =	vld [tilespmem:s16+$0x9A80]  }
0x54f: {  	[tilespmem:s29+$0x70] =	vst v8  }
0x550: {  	[tilespmem:s29+$0x400] =	vst v2  }
0x551: {  	v2 =	vld [tilespmem:s16+$0x9A90];
	[tilespmem:s29+$0x410] =	vst v3  }
0x552: {  	[tilespmem:s29+$0x420] =	vst v4  }
0x553: {  	[tilespmem:s29+$0x430] =	vst v5  }
0x554: {  	[tilespmem:s29+$0x440] =	vst v6  }
0x555: {  	[tilespmem:s29+$0x450] =	vst v7  }
0x556: {  	s3 =	sshra.s32 s31, $0x2;
	[tilespmem:s29+$0x460] =	vst v2  }
0x557: {  	s0 =	sshra.s32 s7, $0x2;
	v4 =	vld [tilespmem:s3+$0x8A80]  }
0x558: {  	v3 =	vld [tilespmem:s0+$0x3100]  }
0x559: {  	v5 =	vld [tilespmem:s3+$0x89A0]  }
0x55a: {  	v6 =	vld [tilespmem:s3+$0x89B0]  }
0x55b: {  	v7 =	vld [tilespmem:s3+$0x89C0]  }
0x55c: {  	v9 =	vld [tilespmem:s3+$0x89D0];
	[tilespmem:s9+$0x470] =	vst v4  }
0x55d: {  	v10 =	vld [tilespmem:s3+$0x89E0];
	[tilespmem:s9+$0x0] =	vst v3  }
0x55e: {  	s30 =	sshra.s32 s18, $0x2;
	v11 =	vld [tilespmem:s3+$0x89F0];
	[tilespmem:s9+$0x10] =	vst v5  }
0x55f: {  	v2 =	vld [tilespmem:s30+$0x3100];
	[tilespmem:s9+$0x20] =	vst v6  }
0x560: {  	v8 =	vld [tilespmem:s3+$0x8A00];
	[tilespmem:s9+$0x30] =	vst v7  }
0x561: {  	v3 =	vld [tilespmem:s3+$0x8A20];
	[tilespmem:s9+$0x40] =	vst v9  }
0x562: {  	v4 =	vld [tilespmem:s3+$0x8A30];
	[tilespmem:s9+$0x50] =	vst v10  }
0x563: {  	s16 =	simm.s32 $0x0;
	v5 =	vld [tilespmem:s3+$0x8A40];
	[tilespmem:s9+$0x60] =	vst v11  }
0x564: {  	s7 =	sadd.s32 $0x400, s7;
	s1 =	smov.u32 s31;
	v6 =	vld [tilespmem:s3+$0x8A50];
	s17 =	sld [smem:$0x7DB]  }
0x565: {  	s4 =	simm.s32 $0x0;
	s0 =	simm.s32 $0x17480;
	v7 =	vld [tilespmem:s3+$0x8A60];
	s29 =	sld [smem:$0x7D0]  }
.LBB2_91:
0x566: {  	s2 =	sshra.s32 s7, $0x2;
	[tilespmem:s9+$0x70] =	vst v8;
	v8 =	vld [tilespmem:s3+$0x8A70];
	s18 =	sadd.s32 $0x400, s18  }
0x567: {  	s1 =	sadd.s32 $0x400, s1;
	v9 =	vld [tilespmem:s2+$0x3100];
	s2 =	sshra.s32 s18, $0x2;
	[tilespmem:s9+$0x400] =	vst v2  }
0x568: {  	s16 =	sadd.s32 $0x10, s16;
	s3 =	sshra.s32 s1, $0x2;
	v2 =	vld [tilespmem:s2+$0x3100];
	[tilespmem:s9+$0x410] =	vst v3  }
0x569: {  	p0 =	slt.u32 s16, $0x70;
	v3 =	vld [tilespmem:s3+$0x8A80];
	[tilespmem:s9+$0x420] =	vst v4  }
0x56a: {  	v4 =	vld [tilespmem:s3+$0x89A0];
	[tilespmem:s9+$0x430] =	vst v5  }
0x56b: {  	v5 =	vld [tilespmem:s3+$0x89B0];
	[tilespmem:s9+$0x440] =	vst v6  }
0x56c: {  	v6 =	vld [tilespmem:s3+$0x89C0];
	[tilespmem:s9+$0x450] =	vst v7  }
0x56d: {  	v7 =	vld [tilespmem:s3+$0x89D0];
	[tilespmem:s9+$0x460] =	vst v8;
	s9 =	sadd.s32 $0x800, s9  }
0x56e: {  	v10 =	vld [tilespmem:s3+$0x89E0];
	[tilespmem:s9+$0x470] =	vst v3  }
0x56f: {  	[tilespmem:s9+$0x0] =	vst v9;
	v9 =	vld [tilespmem:s3+$0x89F0]  }
0x570: {  	[tilespmem:s9+$0x10] =	vst v4;
	v8 =	vld [tilespmem:s3+$0x8A00]  }
.Ltmp46:
0x571: {  	[tilespmem:s9+$0x20] =	vst v5;
	v3 =	vld [tilespmem:s3+$0x8A20];
	(pc) =	sbr.rel @p0 .LBB2_91-.Ltmp46, $4  }
0x572: {  	[tilespmem:s9+$0x30] =	vst v6;
	v4 =	vld [tilespmem:s3+$0x8A30]  }
0x573: {  	[tilespmem:s9+$0x40] =	vst v7;
	v5 =	vld [tilespmem:s3+$0x8A40]  }
0x574: {  	[tilespmem:s9+$0x50] =	vst v10;
	v6 =	vld [tilespmem:s3+$0x8A50]  }
0x575: {  	s7 =	sadd.s32 $0x400, s7;
	[tilespmem:s9+$0x60] =	vst v9;
	v7 =	vld [tilespmem:s3+$0x8A60]  }
0x576: {  	[tilespmem:s9+$0x70] =	vst v8  }
0x577: {  	[tilespmem:s9+$0x400] =	vst v2  }
0x578: {  	v2 =	vld [tilespmem:s3+$0x8A70];
	[tilespmem:s9+$0x410] =	vst v3  }
0x579: {  	[tilespmem:s9+$0x420] =	vst v4  }
0x57a: {  	[tilespmem:s9+$0x430] =	vst v5  }
0x57b: {  	[tilespmem:s9+$0x440] =	vst v6  }
0x57c: {  	[tilespmem:s9+$0x450] =	vst v7  }
0x57d: {  	s30 =	sshra.s32 s5, $0x2;
	[tilespmem:s9+$0x460] =	vst v2  }
0x57e: {  	s3 =	sshra.s32 s31, $0x2;
	v2 =	vld [tilespmem:s30+$0x3100]  }
0x57f: {  	v4 =	vld [tilespmem:s3+$0x7A60]  }
0x580: {  	v5 =	vld [tilespmem:s3+$0x7980]  }
0x581: {  	s2 =	sld [smem:$0x7D6];
	v6 =	vld [tilespmem:s3+$0x7990]  }
0x582: {  	v7 =	vld [tilespmem:s3+$0x79A0]  }
0x583: {  	v9 =	vld [tilespmem:s3+$0x79B0]  }
0x584: {  	v10 =	vld [tilespmem:s3+$0x79C0];
	s1 =	sshra.s32 s2, $0x2  }
0x585: {  	v3 =	vld [tilespmem:s1+$0x3100];
	[tilespmem:s0+$0x470] =	vst v4  }
0x586: {  	v11 =	vld [tilespmem:s3+$0x79D0];
	[tilespmem:s0+$0x10] =	vst v5  }
0x587: {  	v8 =	vld [tilespmem:s3+$0x79E0];
	[tilespmem:s0+$0x20] =	vst v6  }
0x588: {  	[tilespmem:s0+$0x30] =	vst v7;
	v4 =	vld [tilespmem:s3+$0x7A10]  }
0x589: {  	[tilespmem:s0+$0x40] =	vst v9;
	v5 =	vld [tilespmem:s3+$0x7A20]  }
0x58a: {  	[tilespmem:s0+$0x0] =	vst v3;
	v3 =	vld [tilespmem:s3+$0x7A00]  }
0x58b: {  	s7 =	simm.s32 $0x17500;
	[tilespmem:s0+$0x50] =	vst v10;
	v6 =	vld [tilespmem:s3+$0x7A30]  }
0x58c: {  	s9 =	simm.s32 $0x0;
	s14 =	sadd.s32 $0x400, s2;
	s1 =	smov.u32 s31;
	[tilespmem:s0+$0x60] =	vst v11;
	v7 =	vld [tilespmem:s3+$0x7A40]  }
.LBB2_93:
0x58d: {  	s2 =	sshra.s32 s14, $0x2;
	[tilespmem:s0+$0x70] =	vst v8;
	v8 =	vld [tilespmem:s3+$0x7A50];
	s5 =	sadd.s32 $0x400, s5  }
0x58e: {  	s1 =	sadd.s32 $0x400, s1;
	v9 =	vld [tilespmem:s2+$0x3100];
	s2 =	sshra.s32 s5, $0x2;
	[tilespmem:s0+$0x400] =	vst v2  }
0x58f: {  	s9 =	sadd.s32 $0x10, s9;
	s3 =	sshra.s32 s1, $0x2;
	v2 =	vld [tilespmem:s2+$0x3100];
	[tilespmem:s0+$0x410] =	vst v3  }
0x590: {  	p0 =	slt.u32 s9, $0x70;
	v3 =	vld [tilespmem:s3+$0x7A60];
	[tilespmem:s0+$0x420] =	vst v4  }
0x591: {  	v4 =	vld [tilespmem:s3+$0x7980];
	[tilespmem:s0+$0x430] =	vst v5  }
0x592: {  	v5 =	vld [tilespmem:s3+$0x7990];
	[tilespmem:s0+$0x440] =	vst v6  }
0x593: {  	v6 =	vld [tilespmem:s3+$0x79A0];
	[tilespmem:s0+$0x450] =	vst v7  }
0x594: {  	v7 =	vld [tilespmem:s3+$0x79B0];
	[tilespmem:s0+$0x460] =	vst v8;
	s0 =	sadd.s32 $0x800, s0  }
0x595: {  	v10 =	vld [tilespmem:s3+$0x79C0];
	[tilespmem:s0+$0x470] =	vst v3  }
0x596: {  	[tilespmem:s0+$0x0] =	vst v9;
	v9 =	vld [tilespmem:s3+$0x79D0]  }
0x597: {  	[tilespmem:s0+$0x10] =	vst v4;
	v8 =	vld [tilespmem:s3+$0x79E0]  }
.Ltmp47:
0x598: {  	[tilespmem:s0+$0x20] =	vst v5;
	v3 =	vld [tilespmem:s3+$0x7A00];
	(pc) =	sbr.rel @p0 .LBB2_93-.Ltmp47, $4  }
0x599: {  	[tilespmem:s0+$0x30] =	vst v6;
	v4 =	vld [tilespmem:s3+$0x7A10]  }
0x59a: {  	[tilespmem:s0+$0x40] =	vst v7;
	v5 =	vld [tilespmem:s3+$0x7A20]  }
0x59b: {  	[tilespmem:s0+$0x50] =	vst v10;
	v6 =	vld [tilespmem:s3+$0x7A30]  }
0x59c: {  	s14 =	sadd.s32 $0x400, s14;
	[tilespmem:s0+$0x60] =	vst v9;
	v7 =	vld [tilespmem:s3+$0x7A40]  }
0x59d: {  	[tilespmem:s0+$0x70] =	vst v8  }
0x59e: {  	[tilespmem:s0+$0x400] =	vst v2  }
0x59f: {  	v2 =	vld [tilespmem:s3+$0x7A50];
	[tilespmem:s0+$0x410] =	vst v3  }
0x5a0: {  	[tilespmem:s0+$0x420] =	vst v4  }
0x5a1: {  	[tilespmem:s0+$0x430] =	vst v5  }
0x5a2: {  	[tilespmem:s0+$0x440] =	vst v6  }
0x5a3: {  	[tilespmem:s0+$0x450] =	vst v7  }
0x5a4: {  	[tilespmem:s0+$0x460] =	vst v2  }
0x5a5: {  	s1 =	sld [smem:$0x7D4]  }
0x5a6: {  	s5 =	sld [smem:$0x7DF]  }
0x5a7: {  	v2 =	vld [tilespmem:s19+$0x0]  }
0x5a8: {  	v3 =	vld [tilespmem:s1+$0x0]  }
0x5a9: {  	v4 =	vld [tilespmem:s5+$0x0]  }
0x5aa: {  	v5 =	vld [tilespmem:s5+$0xFFFFFF20]  }
0x5ab: {  	v6 =	vld [tilespmem:s5+$0xFFFFFF30]  }
0x5ac: {  	v7 =	vld [tilespmem:s5+$0xFFFFFF40]  }
0x5ad: {  	v8 =	vld [tilespmem:s5+$0xFFFFFF50]  }
0x5ae: {  	v9 =	vld [tilespmem:s5+$0xFFFFFF60];
	[tilespmem:s7+$0x470] =	vst v4  }
0x5af: {  	v10 =	vld [tilespmem:s5+$0xFFFFFF70];
	[tilespmem:s7+$0x0] =	vst v3  }
0x5b0: {  	v11 =	vld [tilespmem:s5+$0xFFFFFF80];
	[tilespmem:s7+$0x10] =	vst v5  }
0x5b1: {  	[tilespmem:s7+$0x20] =	vst v6;
	v5 =	vld [tilespmem:s5+$0xFFFFFFA0]  }
0x5b2: {  	[tilespmem:s7+$0x30] =	vst v7;
	v3 =	vld [tilespmem:s5+$0xFFFFFFB0]  }
0x5b3: {  	[tilespmem:s7+$0x40] =	vst v8;
	v4 =	vld [tilespmem:s5+$0xFFFFFFC0]  }
0x5b4: {  	[tilespmem:s7+$0x50] =	vst v9;
	v6 =	vld [tilespmem:s5+$0xFFFFFFD0]  }
0x5b5: {  	[tilespmem:s7+$0x60] =	vst v10;
	v7 =	vld [tilespmem:s5+$0xFFFFFFE0]  }
0x5b6: {  	s3 =	simm.s32 $0x0;
	s0 =	simm.s32 $0x17580;
	s1 =	sadd.s32 $0x100, s1;
	[tilespmem:s7+$0x70] =	vst v11;
	v8 =	vld [tilespmem:s5+$0xFFFFFFF0]  }
.LBB2_95:
0x5b7: {  	v9 =	vld [tilespmem:s1+$0x0];
	[tilespmem:s7+$0x400] =	vst v2;
	s19 =	sadd.s32 $0x100, s19  }
0x5b8: {  	s5 =	sadd.s32 $0x100, s5;
	v2 =	vld [tilespmem:s19+$0x0];
	[tilespmem:s7+$0x410] =	vst v5  }
0x5b9: {  	s3 =	sadd.s32 $0x10, s3;
	v5 =	vld [tilespmem:s5+$0x0];
	[tilespmem:s7+$0x420] =	vst v3  }
0x5ba: {  	p0 =	slt.u32 s3, $0x70;
	v3 =	vld [tilespmem:s5+$0xFFFFFF20];
	[tilespmem:s7+$0x430] =	vst v4  }
0x5bb: {  	v4 =	vld [tilespmem:s5+$0xFFFFFF30];
	[tilespmem:s7+$0x440] =	vst v6  }
0x5bc: {  	v6 =	vld [tilespmem:s5+$0xFFFFFF40];
	[tilespmem:s7+$0x450] =	vst v7  }
0x5bd: {  	v7 =	vld [tilespmem:s5+$0xFFFFFF50];
	[tilespmem:s7+$0x460] =	vst v8;
	s7 =	sadd.s32 $0x800, s7  }
0x5be: {  	v8 =	vld [tilespmem:s5+$0xFFFFFF60];
	[tilespmem:s7+$0x470] =	vst v5  }
0x5bf: {  	[tilespmem:s7+$0x0] =	vst v9;
	v9 =	vld [tilespmem:s5+$0xFFFFFF70]  }
0x5c0: {  	[tilespmem:s7+$0x10] =	vst v3;
	v10 =	vld [tilespmem:s5+$0xFFFFFF80]  }
0x5c1: {  	[tilespmem:s7+$0x20] =	vst v4;
	v5 =	vld [tilespmem:s5+$0xFFFFFFA0]  }
.Ltmp48:
0x5c2: {  	[tilespmem:s7+$0x30] =	vst v6;
	v3 =	vld [tilespmem:s5+$0xFFFFFFB0];
	(pc) =	sbr.rel @p0 .LBB2_95-.Ltmp48, $4  }
0x5c3: {  	[tilespmem:s7+$0x40] =	vst v7;
	v4 =	vld [tilespmem:s5+$0xFFFFFFC0]  }
0x5c4: {  	[tilespmem:s7+$0x50] =	vst v8;
	v6 =	vld [tilespmem:s5+$0xFFFFFFD0]  }
0x5c5: {  	[tilespmem:s7+$0x60] =	vst v9;
	v7 =	vld [tilespmem:s5+$0xFFFFFFE0]  }
0x5c6: {  	s1 =	sadd.s32 $0x100, s1;
	[tilespmem:s7+$0x70] =	vst v10;
	v8 =	vld [tilespmem:s5+$0xFFFFFFF0]  }
0x5c7: {  	[tilespmem:s7+$0x400] =	vst v2  }
0x5c8: {  	[tilespmem:s7+$0x410] =	vst v5  }
0x5c9: {  	[tilespmem:s7+$0x420] =	vst v3  }
0x5ca: {  	[tilespmem:s7+$0x430] =	vst v4  }
0x5cb: {  	[tilespmem:s7+$0x440] =	vst v6  }
0x5cc: {  	[tilespmem:s7+$0x450] =	vst v7  }
0x5cd: {  	[tilespmem:s7+$0x460] =	vst v8  }
0x5ce: {  	s1 =	sld [smem:$0x7D2]  }
0x5cf: {  	s7 =	sld [smem:$0x7DC]  }
0x5d0: {  	v2 =	vld [tilespmem:s28+$0x0]  }
0x5d1: {  	v3 =	vld [tilespmem:s1+$0x0]  }
0x5d2: {  	v4 =	vld [tilespmem:s7+$0x0]  }
0x5d3: {  	v5 =	vld [tilespmem:s7+$0xFFFFFF20]  }
0x5d4: {  	v6 =	vld [tilespmem:s7+$0xFFFFFF30]  }
0x5d5: {  	v7 =	vld [tilespmem:s7+$0xFFFFFF40]  }
0x5d6: {  	v8 =	vld [tilespmem:s7+$0xFFFFFF50]  }
0x5d7: {  	v9 =	vld [tilespmem:s7+$0xFFFFFF60];
	[tilespmem:s0+$0x470] =	vst v4  }
0x5d8: {  	v10 =	vld [tilespmem:s7+$0xFFFFFF70];
	[tilespmem:s0+$0x0] =	vst v3  }
0x5d9: {  	v11 =	vld [tilespmem:s7+$0xFFFFFF80];
	[tilespmem:s0+$0x10] =	vst v5  }
0x5da: {  	[tilespmem:s0+$0x20] =	vst v6;
	v5 =	vld [tilespmem:s7+$0xFFFFFFA0]  }
0x5db: {  	[tilespmem:s0+$0x30] =	vst v7;
	v3 =	vld [tilespmem:s7+$0xFFFFFFB0]  }
0x5dc: {  	[tilespmem:s0+$0x40] =	vst v8;
	v4 =	vld [tilespmem:s7+$0xFFFFFFC0]  }
0x5dd: {  	[tilespmem:s0+$0x50] =	vst v9;
	v6 =	vld [tilespmem:s7+$0xFFFFFFD0]  }
0x5de: {  	[tilespmem:s0+$0x60] =	vst v10;
	v7 =	vld [tilespmem:s7+$0xFFFFFFE0]  }
0x5df: {  	s5 =	simm.s32 $0x0;
	s3 =	simm.s32 $0x17600;
	s1 =	sadd.s32 $0x100, s1;
	[tilespmem:s0+$0x70] =	vst v11;
	v8 =	vld [tilespmem:s7+$0xFFFFFFF0]  }
.LBB2_97:
0x5e0: {  	v9 =	vld [tilespmem:s1+$0x0];
	[tilespmem:s0+$0x400] =	vst v2;
	s28 =	sadd.s32 $0x100, s28  }
0x5e1: {  	s7 =	sadd.s32 $0x100, s7;
	v2 =	vld [tilespmem:s28+$0x0];
	[tilespmem:s0+$0x410] =	vst v5  }
0x5e2: {  	s5 =	sadd.s32 $0x10, s5;
	v5 =	vld [tilespmem:s7+$0x0];
	[tilespmem:s0+$0x420] =	vst v3  }
0x5e3: {  	p0 =	slt.u32 s5, $0x70;
	v3 =	vld [tilespmem:s7+$0xFFFFFF20];
	[tilespmem:s0+$0x430] =	vst v4  }
0x5e4: {  	v4 =	vld [tilespmem:s7+$0xFFFFFF30];
	[tilespmem:s0+$0x440] =	vst v6  }
0x5e5: {  	v6 =	vld [tilespmem:s7+$0xFFFFFF40];
	[tilespmem:s0+$0x450] =	vst v7  }
0x5e6: {  	v7 =	vld [tilespmem:s7+$0xFFFFFF50];
	[tilespmem:s0+$0x460] =	vst v8;
	s0 =	sadd.s32 $0x800, s0  }
0x5e7: {  	v8 =	vld [tilespmem:s7+$0xFFFFFF60];
	[tilespmem:s0+$0x470] =	vst v5  }
0x5e8: {  	[tilespmem:s0+$0x0] =	vst v9;
	v9 =	vld [tilespmem:s7+$0xFFFFFF70]  }
0x5e9: {  	[tilespmem:s0+$0x10] =	vst v3;
	v10 =	vld [tilespmem:s7+$0xFFFFFF80]  }
0x5ea: {  	[tilespmem:s0+$0x20] =	vst v4;
	v5 =	vld [tilespmem:s7+$0xFFFFFFA0]  }
.Ltmp49:
0x5eb: {  	[tilespmem:s0+$0x30] =	vst v6;
	v3 =	vld [tilespmem:s7+$0xFFFFFFB0];
	(pc) =	sbr.rel @p0 .LBB2_97-.Ltmp49, $4  }
0x5ec: {  	[tilespmem:s0+$0x40] =	vst v7;
	v4 =	vld [tilespmem:s7+$0xFFFFFFC0]  }
0x5ed: {  	[tilespmem:s0+$0x50] =	vst v8;
	v6 =	vld [tilespmem:s7+$0xFFFFFFD0]  }
0x5ee: {  	[tilespmem:s0+$0x60] =	vst v9;
	v7 =	vld [tilespmem:s7+$0xFFFFFFE0]  }
0x5ef: {  	s1 =	sadd.s32 $0x100, s1;
	[tilespmem:s0+$0x70] =	vst v10;
	v8 =	vld [tilespmem:s7+$0xFFFFFFF0]  }
0x5f0: {  	[tilespmem:s0+$0x400] =	vst v2  }
0x5f1: {  	[tilespmem:s0+$0x410] =	vst v5  }
0x5f2: {  	[tilespmem:s0+$0x420] =	vst v3  }
0x5f3: {  	[tilespmem:s0+$0x430] =	vst v4  }
0x5f4: {  	[tilespmem:s0+$0x440] =	vst v6  }
0x5f5: {  	[tilespmem:s0+$0x450] =	vst v7  }
0x5f6: {  	[tilespmem:s0+$0x460] =	vst v8  }
0x5f7: {  	v2 =	vld [tilespmem:s23+$0x0]  }
0x5f8: {  	v4 =	vld [tilespmem:s17+$0x0]  }
0x5f9: {  	v5 =	vld [tilespmem:s17+$0xFFFFFF20]  }
0x5fa: {  	v6 =	vld [tilespmem:s17+$0xFFFFFF30]  }
0x5fb: {  	v7 =	vld [tilespmem:s17+$0xFFFFFF40]  }
0x5fc: {  	s1 =	sld [smem:$0x7D1];
	v8 =	vld [tilespmem:s17+$0xFFFFFF50]  }
0x5fd: {  	v9 =	vld [tilespmem:s17+$0xFFFFFF60]  }
0x5fe: {  	v10 =	vld [tilespmem:s17+$0xFFFFFF70];
	[tilespmem:s3+$0x470] =	vst v4  }
0x5ff: {  	v3 =	vld [tilespmem:s1+$0x0];
	[tilespmem:s3+$0x10] =	vst v5  }
0x600: {  	v11 =	vld [tilespmem:s17+$0xFFFFFF80];
	[tilespmem:s3+$0x20] =	vst v6  }
0x601: {  	v5 =	vld [tilespmem:s17+$0xFFFFFFA0];
	[tilespmem:s3+$0x30] =	vst v7  }
0x602: {  	[tilespmem:s3+$0x40] =	vst v8;
	v4 =	vld [tilespmem:s17+$0xFFFFFFC0]  }
0x603: {  	[tilespmem:s3+$0x50] =	vst v9;
	v6 =	vld [tilespmem:s17+$0xFFFFFFD0]  }
0x604: {  	[tilespmem:s3+$0x0] =	vst v3;
	v3 =	vld [tilespmem:s17+$0xFFFFFFB0]  }
0x605: {  	s5 =	simm.s32 $0x0;
	[tilespmem:s3+$0x60] =	vst v10;
	v7 =	vld [tilespmem:s17+$0xFFFFFFE0]  }
0x606: {  	s7 =	smov.u32 s17;
	s0 =	simm.s32 $0x17680;
	s1 =	sadd.s32 $0x100, s1;
	[tilespmem:s3+$0x70] =	vst v11;
	v8 =	vld [tilespmem:s17+$0xFFFFFFF0]  }
.LBB2_99:
0x607: {  	v9 =	vld [tilespmem:s1+$0x0];
	[tilespmem:s3+$0x400] =	vst v2;
	s23 =	sadd.s32 $0x100, s23  }
0x608: {  	s7 =	sadd.s32 $0x100, s7;
	v2 =	vld [tilespmem:s23+$0x0];
	[tilespmem:s3+$0x410] =	vst v5  }
0x609: {  	s5 =	sadd.s32 $0x10, s5;
	v5 =	vld [tilespmem:s7+$0x0];
	[tilespmem:s3+$0x420] =	vst v3  }
0x60a: {  	p0 =	slt.u32 s5, $0x70;
	v3 =	vld [tilespmem:s7+$0xFFFFFF20];
	[tilespmem:s3+$0x430] =	vst v4  }
0x60b: {  	v4 =	vld [tilespmem:s7+$0xFFFFFF30];
	[tilespmem:s3+$0x440] =	vst v6  }
0x60c: {  	v6 =	vld [tilespmem:s7+$0xFFFFFF40];
	[tilespmem:s3+$0x450] =	vst v7  }
0x60d: {  	v7 =	vld [tilespmem:s7+$0xFFFFFF50];
	[tilespmem:s3+$0x460] =	vst v8;
	s3 =	sadd.s32 $0x800, s3  }
0x60e: {  	v8 =	vld [tilespmem:s7+$0xFFFFFF60];
	[tilespmem:s3+$0x470] =	vst v5  }
0x60f: {  	[tilespmem:s3+$0x0] =	vst v9;
	v9 =	vld [tilespmem:s7+$0xFFFFFF70]  }
0x610: {  	[tilespmem:s3+$0x10] =	vst v3;
	v10 =	vld [tilespmem:s7+$0xFFFFFF80]  }
0x611: {  	[tilespmem:s3+$0x20] =	vst v4;
	v5 =	vld [tilespmem:s7+$0xFFFFFFA0]  }
.Ltmp50:
0x612: {  	[tilespmem:s3+$0x30] =	vst v6;
	v3 =	vld [tilespmem:s7+$0xFFFFFFB0];
	(pc) =	sbr.rel @p0 .LBB2_99-.Ltmp50, $4  }
0x613: {  	[tilespmem:s3+$0x40] =	vst v7;
	v4 =	vld [tilespmem:s7+$0xFFFFFFC0]  }
0x614: {  	[tilespmem:s3+$0x50] =	vst v8;
	v6 =	vld [tilespmem:s7+$0xFFFFFFD0]  }
0x615: {  	[tilespmem:s3+$0x60] =	vst v9;
	v7 =	vld [tilespmem:s7+$0xFFFFFFE0]  }
0x616: {  	s1 =	sadd.s32 $0x100, s1;
	[tilespmem:s3+$0x70] =	vst v10;
	v8 =	vld [tilespmem:s7+$0xFFFFFFF0]  }
0x617: {  	[tilespmem:s3+$0x400] =	vst v2  }
0x618: {  	[tilespmem:s3+$0x410] =	vst v5  }
0x619: {  	[tilespmem:s3+$0x420] =	vst v3  }
0x61a: {  	[tilespmem:s3+$0x430] =	vst v4  }
0x61b: {  	[tilespmem:s3+$0x440] =	vst v6  }
0x61c: {  	[tilespmem:s3+$0x450] =	vst v7  }
0x61d: {  	[tilespmem:s3+$0x460] =	vst v8  }
0x61e: {  	s1 =	sld [smem:$0x7CD]  }
0x61f: {  	s23 =	sld [smem:$0x7DA]  }
0x620: {  	v2 =	vld [tilespmem:s6+$0x0]  }
0x621: {  	v3 =	vld [tilespmem:s1+$0x0]  }
0x622: {  	v4 =	vld [tilespmem:s23+$0x0]  }
0x623: {  	v5 =	vld [tilespmem:s23+$0xFFFFFF20]  }
0x624: {  	v6 =	vld [tilespmem:s23+$0xFFFFFF30]  }
0x625: {  	v7 =	vld [tilespmem:s23+$0xFFFFFF40]  }
0x626: {  	v9 =	vld [tilespmem:s23+$0xFFFFFF50]  }
0x627: {  	v10 =	vld [tilespmem:s23+$0xFFFFFF60];
	[tilespmem:s0+$0x470] =	vst v4  }
0x628: {  	v11 =	vld [tilespmem:s23+$0xFFFFFF70];
	[tilespmem:s0+$0x0] =	vst v3  }
0x629: {  	v12 =	vld [tilespmem:s23+$0xFFFFFF80];
	[tilespmem:s0+$0x10] =	vst v5  }
0x62a: {  	v8 =	vld [tilespmem:s23+$0xFFFFFFA0];
	[tilespmem:s0+$0x20] =	vst v6  }
0x62b: {  	[tilespmem:s0+$0x30] =	vst v7;
	v6 =	vld [tilespmem:s23+$0xFFFFFFB0]  }
0x62c: {  	[tilespmem:s0+$0x40] =	vst v9;
	v3 =	vld [tilespmem:s23+$0xFFFFFFC0]  }
0x62d: {  	[tilespmem:s0+$0x50] =	vst v10;
	v4 =	vld [tilespmem:s23+$0xFFFFFFD0]  }
0x62e: {  	[tilespmem:s0+$0x60] =	vst v11;
	v5 =	vld [tilespmem:s23+$0xFFFFFFE0]  }
0x62f: {  	s3 =	simm.s32 $0x0;
	s1 =	sadd.s32 $0x100, s1;
	s5 =	smov.u32 s23;
	[tilespmem:s0+$0x70] =	vst v12;
	v7 =	vld [tilespmem:s23+$0xFFFFFFF0]  }
.LBB2_101:
0x630: {  	v9 =	vld [tilespmem:s1+$0x0];
	[tilespmem:s0+$0x400] =	vst v2;
	s6 =	sadd.s32 $0x100, s6  }
0x631: {  	s5 =	sadd.s32 $0x100, s5;
	v2 =	vld [tilespmem:s6+$0x0];
	[tilespmem:s0+$0x410] =	vst v8  }
0x632: {  	s3 =	sadd.s32 $0x10, s3;
	v8 =	vld [tilespmem:s5+$0x0];
	[tilespmem:s0+$0x420] =	vst v6  }
0x633: {  	p0 =	slt.u32 s3, $0x70;
	v6 =	vld [tilespmem:s5+$0xFFFFFF20];
	[tilespmem:s0+$0x430] =	vst v3  }
0x634: {  	v3 =	vld [tilespmem:s5+$0xFFFFFF30];
	[tilespmem:s0+$0x440] =	vst v4  }
0x635: {  	v4 =	vld [tilespmem:s5+$0xFFFFFF40];
	[tilespmem:s0+$0x450] =	vst v5  }
0x636: {  	v5 =	vld [tilespmem:s5+$0xFFFFFF50];
	[tilespmem:s0+$0x460] =	vst v7;
	s0 =	sadd.s32 $0x800, s0  }
0x637: {  	v7 =	vld [tilespmem:s5+$0xFFFFFF60];
	[tilespmem:s0+$0x470] =	vst v8  }
0x638: {  	[tilespmem:s0+$0x0] =	vst v9;
	v9 =	vld [tilespmem:s5+$0xFFFFFF70]  }
0x639: {  	[tilespmem:s0+$0x10] =	vst v6;
	v10 =	vld [tilespmem:s5+$0xFFFFFF80]  }
0x63a: {  	[tilespmem:s0+$0x20] =	vst v3;
	v8 =	vld [tilespmem:s5+$0xFFFFFFA0]  }
.Ltmp51:
0x63b: {  	[tilespmem:s0+$0x30] =	vst v4;
	v6 =	vld [tilespmem:s5+$0xFFFFFFB0];
	(pc) =	sbr.rel @p0 .LBB2_101-.Ltmp51, $4  }
0x63c: {  	[tilespmem:s0+$0x40] =	vst v5;
	v3 =	vld [tilespmem:s5+$0xFFFFFFC0]  }
0x63d: {  	[tilespmem:s0+$0x50] =	vst v7;
	v4 =	vld [tilespmem:s5+$0xFFFFFFD0]  }
0x63e: {  	[tilespmem:s0+$0x60] =	vst v9;
	v5 =	vld [tilespmem:s5+$0xFFFFFFE0]  }
0x63f: {  	s1 =	sadd.s32 $0x100, s1;
	[tilespmem:s0+$0x70] =	vst v10;
	v7 =	vld [tilespmem:s5+$0xFFFFFFF0]  }
0x640: {  	[tilespmem:s0+$0x400] =	vst v2  }
0x641: {  	[tilespmem:s0+$0x410] =	vst v8  }
0x642: {  	[tilespmem:s0+$0x420] =	vst v6  }
0x643: {  	s1 =	sld [smem:$0x7D8];
	_ =	sdelay $0x1  }
0x644: {  	[tilespmem:s0+$0x430] =	vst v3  }
0x645: {  	s2 =	rddreg [dreg:$0x4];
	s1 =	sshll.u32 s1, $0xB  }
0x646: {  	s1 =	sadd.s32 s1, s2  }
0x647: {  	[tilespmem:s0+$0x440] =	vst v4;
	s1 =	sadd.s32 $0x4000, s1  }
0x648: {  	s9 =	rddreg [dreg:$0x1];
	[tilespmem:s0+$0x450] =	vst v5;
	s1 =	sshrl.u32 s1, $0x3  }
0x649: {  	s14 =	simm.s32 $0x17300;
	s16 =	simm.s32 $0x1;
	[tilespmem:s0+$0x460] =	vst v7;
	s0 =	sadd.s32 s9, s1  }
0x64a: {  	[hbm4b:s0+s4] =	stream.linear.scatter [tilespmem:s14], [sflag:$0x2], $0x4000, $0x38;
	[tilespmem:$0x1B300] =	vst v63  }
0x64b: {  	_ =	swait.ge [sflag:s16], $0x4000  }
0x64c: {  	[sflag:s16] =	ssyncset.done $0x0  }
0x64d: {  	s28 =	sshra.s32 s11, $0x2;
	[sflag:s16] =	ssyncadd.s32 $0xFFFFC000  }
0x64e: {  	s6 =	sshra.s32 s31, $0x2;
	v2 =	vld [tilespmem:s28+$0x3100]  }
0x64f: {  	v4 =	vld [tilespmem:s6+$0x12BB0]  }
0x650: {  	v5 =	vld [tilespmem:s6+$0x12AD0]  }
0x651: {  	s18 =	sld [smem:$0x7CC];
	v6 =	vld [tilespmem:s6+$0x12AE0]  }
0x652: {  	v7 =	vld [tilespmem:s6+$0x12AF0]  }
0x653: {  	v9 =	vld [tilespmem:s6+$0x12B00]  }
0x654: {  	s0 =	simm.s32 $0x13700;
	v10 =	vld [tilespmem:s6+$0x12B10];
	s19 =	sshra.s32 s18, $0x2  }
0x655: {  	v3 =	vld [tilespmem:s19+$0x3100];
	[tilespmem:s0+$0x70] =	vst v4  }
0x656: {  	v11 =	vld [tilespmem:s6+$0x12B20];
	[tilespmem:s0+$0xFFFFFC10] =	vst v5  }
0x657: {  	v8 =	vld [tilespmem:s6+$0x12B30];
	[tilespmem:s0+$0xFFFFFC20] =	vst v6  }
0x658: {  	[tilespmem:s0+$0xFFFFFC30] =	vst v7;
	v4 =	vld [tilespmem:s6+$0x12B60]  }
0x659: {  	[tilespmem:s0+$0xFFFFFC40] =	vst v9;
	v5 =	vld [tilespmem:s6+$0x12B70]  }
0x65a: {  	[tilespmem:s0+$0xFFFFFC00] =	vst v3;
	v3 =	vld [tilespmem:s6+$0x12B50]  }
0x65b: {  	s7 =	simm.s32 $0x0;
	s3 =	simm.s32 $0x580;
	v6 =	vld [tilespmem:s6+$0x12B80];
	s30 =	rddreg [dreg:$0x8];
	[tilespmem:s0+$0xFFFFFC50] =	vst v10  }
0x65c: {  	s16 =	smov.u32 s31;
	s14 =	sadd.s32 $0x400, s18;
	v7 =	vld [tilespmem:s6+$0x12B90];
	[tilespmem:s0+$0xFFFFFC60] =	vst v11;
	s9 =	sadd.s32 s24, s30  }
.LBB2_103:
0x65d: {  	s1 =	sshra.s32 s14, $0x2;
	[tilespmem:s0+$0xFFFFFC70] =	vst v8;
	v8 =	vld [tilespmem:s6+$0x12BA0];
	s11 =	sadd.s32 $0x400, s11  }
0x65e: {  	s16 =	sadd.s32 $0x400, s16;
	v9 =	vld [tilespmem:s1+$0x3100];
	s1 =	sshra.s32 s11, $0x2;
	[tilespmem:s0+$0x0] =	vst v2  }
0x65f: {  	s7 =	sadd.s32 $0x10, s7;
	s6 =	sshra.s32 s16, $0x2;
	v2 =	vld [tilespmem:s1+$0x3100];
	[tilespmem:s0+$0x10] =	vst v3  }
0x660: {  	p0 =	slt.u32 s7, $0x70;
	v3 =	vld [tilespmem:s6+$0x12BB0];
	[tilespmem:s0+$0x20] =	vst v4  }
0x661: {  	v4 =	vld [tilespmem:s6+$0x12AD0];
	[tilespmem:s0+$0x30] =	vst v5  }
0x662: {  	v5 =	vld [tilespmem:s6+$0x12AE0];
	[tilespmem:s0+$0x40] =	vst v6  }
0x663: {  	v6 =	vld [tilespmem:s6+$0x12AF0];
	[tilespmem:s0+$0x50] =	vst v7  }
0x664: {  	v7 =	vld [tilespmem:s6+$0x12B00];
	[tilespmem:s0+$0x60] =	vst v8;
	s0 =	sadd.s32 $0x800, s0  }
0x665: {  	s5 =	simm.s32 $0x13780;
	v10 =	vld [tilespmem:s6+$0x12B10];
	[tilespmem:s0+$0x70] =	vst v3  }
0x666: {  	[tilespmem:s0+$0xFFFFFC00] =	vst v9;
	v9 =	vld [tilespmem:s6+$0x12B20]  }
0x667: {  	[tilespmem:s0+$0xFFFFFC10] =	vst v4;
	v8 =	vld [tilespmem:s6+$0x12B30]  }
.Ltmp52:
0x668: {  	[tilespmem:s0+$0xFFFFFC20] =	vst v5;
	v3 =	vld [tilespmem:s6+$0x12B50];
	(pc) =	sbr.rel @p0 .LBB2_103-.Ltmp52, $4  }
0x669: {  	[tilespmem:s0+$0xFFFFFC30] =	vst v6;
	v4 =	vld [tilespmem:s6+$0x12B60]  }
0x66a: {  	[tilespmem:s0+$0xFFFFFC40] =	vst v7;
	v5 =	vld [tilespmem:s6+$0x12B70]  }
0x66b: {  	[tilespmem:s0+$0xFFFFFC50] =	vst v10;
	v6 =	vld [tilespmem:s6+$0x12B80]  }
0x66c: {  	s14 =	sadd.s32 $0x400, s14;
	[tilespmem:s0+$0xFFFFFC60] =	vst v9;
	v7 =	vld [tilespmem:s6+$0x12B90]  }
0x66d: {  	[tilespmem:s0+$0xFFFFFC70] =	vst v8  }
0x66e: {  	[tilespmem:s0+$0x0] =	vst v2  }
0x66f: {  	v2 =	vld [tilespmem:s6+$0x12BA0];
	[tilespmem:s0+$0x10] =	vst v3  }
0x670: {  	[tilespmem:s0+$0x20] =	vst v4  }
0x671: {  	[tilespmem:s0+$0x30] =	vst v5  }
0x672: {  	[tilespmem:s0+$0x40] =	vst v6  }
0x673: {  	[tilespmem:s0+$0x50] =	vst v7  }
0x674: {  	[tilespmem:s0+$0x60] =	vst v2;
	s0 =	sshra.s32 s31, $0x2  }
0x675: {  	v2 =	vld [tilespmem:s0+$0x11B90]  }
0x676: {  	v3 =	vld [tilespmem:s0+$0x11AB0]  }
0x677: {  	v4 =	vld [tilespmem:s0+$0x11AC0]  }
0x678: {  	s1 =	simm.s32 $0x780;
	v5 =	vld [tilespmem:s0+$0x11AD0]  }
0x679: {  	s1 =	sand.u32 $0x3C80, s1;
	v6 =	vld [tilespmem:s0+$0x11AE0]  }
0x67a: {  	v7 =	vld [tilespmem:s0+$0x11AF0];
	[tilespmem:s1+$0x13370] =	vst v2  }
0x67b: {  	[tilespmem:s5+$0xFFFFFC10] =	vst v3;
	v3 =	vld [tilespmem:s0+$0x11B00]  }
0x67c: {  	[tilespmem:s5+$0xFFFFFC20] =	vst v4;
	v4 =	vld [tilespmem:s0+$0x11B10]  }
0x67d: {  	v8 =	vld [tilespmem:s0+$0x11B40];
	[tilespmem:s5+$0xFFFFFC30] =	vst v5  }
0x67e: {  	v5 =	vld [tilespmem:s0+$0x11B30];
	[tilespmem:s5+$0xFFFFFC40] =	vst v6  }
0x67f: {  	[tilespmem:s5+$0xFFFFFC50] =	vst v7;
	v2 =	vld [tilespmem:s0+$0x11B50]  }
0x680: {  	[tilespmem:s5+$0xFFFFFC60] =	vst v3;
	v3 =	vld [tilespmem:s0+$0x11B60]  }
0x681: {  	s11 =	simm.s32 $0x0;
	[tilespmem:s5+$0xFFFFFC70] =	vst v4;
	v4 =	vld [tilespmem:s0+$0x11B70]  }
0x682: {  	s18 =	sand.u32 $0x3C80, s3;
	s30 =	simm.s32 $0x680;
	s2 =	sshra.s32 s20, $0x2;
	v6 =	vld [tilespmem:s0+$0x11B80];
	[tilespmem:s5+$0x20] =	vst v8  }
0x683: {  	s16 =	sadd.s32 $0x400, s31;
	s19 =	sand.u32 $0x3C80, s30;
	s1 =	sshra.s32 s21, $0x2;
	[tilespmem:s5+$0x10] =	vst v5;
	v5 =	vld [tilespmem:s2+$0x3100]  }
.LBB2_105:
0x684: {  	s2 =	sshra.s32 s16, $0x2;
	s11 =	sadd.s32 $0x10, s11;
	v7 =	vld [tilespmem:s1+$0x3100];
	[tilespmem:s18+$0x13330] =	vst v2  }
0x685: {  	v2 =	vld [tilespmem:s2+$0x11B90];
	p0 =	slt.u32 s11, $0x70;
	[tilespmem:s5+$0x40] =	vst v3  }
0x686: {  	v3 =	vld [tilespmem:s2+$0x11AB0];
	[tilespmem:s19+$0x13350] =	vst v4  }
0x687: {  	s3 =	sadd.s32 $0x800, s3;
	v4 =	vld [tilespmem:s2+$0x11AC0];
	[tilespmem:s5+$0x60] =	vst v6  }
0x688: {  	s18 =	sand.u32 $0x3C80, s3;
	s1 =	sadd.s32 $0x100, s3;
	s4 =	sadd.s32 $0x200, s3;
	v6 =	vld [tilespmem:s2+$0x11AD0];
	[tilespmem:s5+$0xFFFFFC00] =	vst v5  }
0x689: {  	s7 =	simm.s32 $0x780;
	s19 =	sand.u32 $0x3C80, s1;
	s1 =	sand.u32 $0x3C80, s4;
	v5 =	vld [tilespmem:s2+$0x11AE0];
	[tilespmem:s5+$0x0] =	vst v7  }
0x68a: {  	s6 =	simm.s32 $0x13800;
	s5 =	sadd.s32 $0x800, s5;
	v7 =	vld [tilespmem:s2+$0x11AF0];
	[tilespmem:s1+$0x13370] =	vst v2  }
0x68b: {  	[tilespmem:s5+$0xFFFFFC10] =	vst v3;
	v3 =	vld [tilespmem:s2+$0x11B00]  }
0x68c: {  	[tilespmem:s5+$0xFFFFFC20] =	vst v4;
	v4 =	vld [tilespmem:s2+$0x11B10]  }
0x68d: {  	[tilespmem:s5+$0xFFFFFC30] =	vst v6;
	v6 =	vld [tilespmem:s2+$0x11B30]  }
0x68e: {  	[tilespmem:s5+$0xFFFFFC40] =	vst v5;
	v8 =	vld [tilespmem:s2+$0x11B40]  }
.Ltmp53:
0x68f: {  	[tilespmem:s5+$0xFFFFFC50] =	vst v7;
	v2 =	vld [tilespmem:s2+$0x11B50];
	(pc) =	sbr.rel @p0 .LBB2_105-.Ltmp53, $4  }
0x690: {  	[tilespmem:s5+$0xFFFFFC60] =	vst v3;
	v3 =	vld [tilespmem:s2+$0x11B60]  }
0x691: {  	s20 =	sadd.s32 $0x400, s20;
	[tilespmem:s5+$0xFFFFFC70] =	vst v4;
	v4 =	vld [tilespmem:s2+$0x11B70]  }
0x692: {  	s21 =	sadd.s32 $0x400, s21;
	s1 =	sshra.s32 s20, $0x2;
	[tilespmem:s5+$0x10] =	vst v6;
	v6 =	vld [tilespmem:s2+$0x11B80]  }
0x693: {  	s16 =	sadd.s32 $0x400, s16;
	v5 =	vld [tilespmem:s1+$0x3100];
	s1 =	sshra.s32 s21, $0x2;
	[tilespmem:s5+$0x20] =	vst v8  }
0x694: {  	v7 =	vld [tilespmem:s1+$0x3100];
	[tilespmem:s18+$0x13330] =	vst v2  }
0x695: {  	[tilespmem:s5+$0x40] =	vst v3  }
0x696: {  	[tilespmem:s19+$0x13350] =	vst v4  }
0x697: {  	[tilespmem:s5+$0x60] =	vst v6  }
0x698: {  	[tilespmem:s5+$0xFFFFFC00] =	vst v5  }
0x699: {  	[tilespmem:s5+$0x0] =	vst v7  }
0x69a: {  	v2 =	vld [tilespmem:s0+$0x10B70]  }
0x69b: {  	v3 =	vld [tilespmem:s0+$0x10A90]  }
0x69c: {  	v4 =	vld [tilespmem:s0+$0x10AA0]  }
0x69d: {  	v5 =	vld [tilespmem:s0+$0x10AB0]  }
0x69e: {  	s24 =	sand.u32 $0x3D00, s7;
	v6 =	vld [tilespmem:s0+$0x10AC0]  }
0x69f: {  	v7 =	vld [tilespmem:s0+$0x10AD0];
	[tilespmem:s24+$0x13370] =	vst v2  }
0x6a0: {  	[tilespmem:s6+$0xFFFFFC10] =	vst v3;
	v3 =	vld [tilespmem:s0+$0x10AE0]  }
0x6a1: {  	[tilespmem:s6+$0xFFFFFC20] =	vst v4;
	v4 =	vld [tilespmem:s0+$0x10AF0]  }
0x6a2: {  	[tilespmem:s6+$0xFFFFFC30] =	vst v5;
	v5 =	vld [tilespmem:s0+$0x10B10]  }
0x6a3: {  	v8 =	vld [tilespmem:s0+$0x10B20];
	[tilespmem:s6+$0xFFFFFC40] =	vst v6  }
0x6a4: {  	[tilespmem:s6+$0xFFFFFC50] =	vst v7;
	v2 =	vld [tilespmem:s0+$0x10B30]  }
0x6a5: {  	[tilespmem:s6+$0xFFFFFC60] =	vst v3;
	v3 =	vld [tilespmem:s0+$0x10B40]  }
0x6a6: {  	s28 =	simm.s32 $0x700;
	[tilespmem:s6+$0xFFFFFC70] =	vst v4;
	v4 =	vld [tilespmem:s0+$0x10B50]  }
0x6a7: {  	s11 =	simm.s32 $0x0;
	s30 =	sshra.s32 s22, $0x2;
	s3 =	simm.s32 $0x480;
	[tilespmem:s6+$0x10] =	vst v5;
	v5 =	vld [tilespmem:s0+$0x10B60]  }
0x6a8: {  	s1 =	sshra.s32 s8, $0x2;
	s18 =	sadd.s32 $0x400, s31;
	s16 =	sand.u32 $0x3D00, s28;
	v6 =	vld [tilespmem:s30+$0x3100];
	[tilespmem:s6+$0x20] =	vst v8  }
.LBB2_107:
0x6a9: {  	s2 =	sshra.s32 s18, $0x2;
	s11 =	sadd.s32 $0x10, s11;
	v7 =	vld [tilespmem:s1+$0x3100];
	[tilespmem:s6+$0x30] =	vst v2  }
0x6aa: {  	v2 =	vld [tilespmem:s2+$0x10B70];
	p0 =	slt.u32 s11, $0x70;
	[tilespmem:s6+$0x40] =	vst v3  }
0x6ab: {  	v3 =	vld [tilespmem:s2+$0x10A90];
	[tilespmem:s6+$0x50] =	vst v4  }
0x6ac: {  	v4 =	vld [tilespmem:s2+$0x10AA0];
	[tilespmem:s16+$0x13360] =	vst v5  }
0x6ad: {  	s7 =	sadd.s32 $0x800, s7;
	v5 =	vld [tilespmem:s2+$0x10AB0];
	[tilespmem:s6+$0xFFFFFC00] =	vst v6  }
0x6ae: {  	s5 =	simm.s32 $0x13880;
	s1 =	sadd.s32 $0xFFFFFF80, s7;
	s4 =	sand.u32 $0x3D00, s7;
	v6 =	vld [tilespmem:s2+$0x10AC0];
	[tilespmem:s6+$0x0] =	vst v7  }
0x6af: {  	s16 =	sand.u32 $0x3D00, s1;
	s6 =	sadd.s32 $0x800, s6;
	v7 =	vld [tilespmem:s2+$0x10AD0];
	[tilespmem:s4+$0x13370] =	vst v2  }
0x6b0: {  	[tilespmem:s6+$0xFFFFFC10] =	vst v3;
	v3 =	vld [tilespmem:s2+$0x10AE0]  }
0x6b1: {  	[tilespmem:s6+$0xFFFFFC20] =	vst v4;
	v4 =	vld [tilespmem:s2+$0x10AF0]  }
0x6b2: {  	[tilespmem:s6+$0xFFFFFC30] =	vst v5;
	v5 =	vld [tilespmem:s2+$0x10B10]  }
0x6b3: {  	[tilespmem:s6+$0xFFFFFC40] =	vst v6;
	v8 =	vld [tilespmem:s2+$0x10B20]  }
.Ltmp54:
0x6b4: {  	[tilespmem:s6+$0xFFFFFC50] =	vst v7;
	v2 =	vld [tilespmem:s2+$0x10B30];
	(pc) =	sbr.rel @p0 .LBB2_107-.Ltmp54, $4  }
0x6b5: {  	[tilespmem:s6+$0xFFFFFC60] =	vst v3;
	v3 =	vld [tilespmem:s2+$0x10B40]  }
0x6b6: {  	s22 =	sadd.s32 $0x400, s22;
	[tilespmem:s6+$0xFFFFFC70] =	vst v4;
	v4 =	vld [tilespmem:s2+$0x10B50]  }
0x6b7: {  	s8 =	sadd.s32 $0x400, s8;
	s1 =	sshra.s32 s22, $0x2;
	[tilespmem:s6+$0x10] =	vst v5;
	v5 =	vld [tilespmem:s2+$0x10B60]  }
0x6b8: {  	s18 =	sadd.s32 $0x400, s18;
	v6 =	vld [tilespmem:s1+$0x3100];
	s1 =	sshra.s32 s8, $0x2;
	[tilespmem:s6+$0x20] =	vst v8  }
0x6b9: {  	v7 =	vld [tilespmem:s1+$0x3100];
	[tilespmem:s6+$0x30] =	vst v2  }
0x6ba: {  	[tilespmem:s6+$0x40] =	vst v3  }
0x6bb: {  	[tilespmem:s6+$0x50] =	vst v4  }
0x6bc: {  	[tilespmem:s16+$0x13360] =	vst v5  }
0x6bd: {  	[tilespmem:s6+$0xFFFFFC00] =	vst v6  }
0x6be: {  	[tilespmem:s6+$0x0] =	vst v7  }
0x6bf: {  	v2 =	vld [tilespmem:s0+$0xFB50]  }
0x6c0: {  	v3 =	vld [tilespmem:s0+$0xFA70]  }
0x6c1: {  	v4 =	vld [tilespmem:s0+$0xFA80]  }
0x6c2: {  	s24 =	smov.u32 s29;
	s29 =	simm.s32 $0x780;
	v5 =	vld [tilespmem:s0+$0xFA90]  }
0x6c3: {  	s1 =	sand.u32 $0x3D80, s29;
	v6 =	vld [tilespmem:s0+$0xFAA0]  }
0x6c4: {  	v7 =	vld [tilespmem:s0+$0xFAB0];
	[tilespmem:s1+$0x13370] =	vst v2  }
0x6c5: {  	v8 =	vld [tilespmem:s0+$0xFB00];
	[tilespmem:s5+$0xFFFFFC10] =	vst v3  }
0x6c6: {  	v3 =	vld [tilespmem:s0+$0xFAC0];
	[tilespmem:s5+$0xFFFFFC20] =	vst v4  }
0x6c7: {  	v4 =	vld [tilespmem:s0+$0xFAD0];
	[tilespmem:s5+$0xFFFFFC30] =	vst v5  }
0x6c8: {  	s2 =	simm.s32 $0x500;
	v5 =	vld [tilespmem:s0+$0xFAF0];
	[tilespmem:s5+$0xFFFFFC40] =	vst v6  }
0x6c9: {  	s2 =	sor.u32 $0x1A0, s2;
	[tilespmem:s5+$0xFFFFFC50] =	vst v7  }
0x6ca: {  	v2 =	vld [tilespmem:s0+$0xFB10];
	[tilespmem:s2+$0x13300] =	vst v8  }
0x6cb: {  	[tilespmem:s5+$0xFFFFFC60] =	vst v3;
	v3 =	vld [tilespmem:s0+$0xFB20]  }
0x6cc: {  	s30 =	sor.u32 $0x190, s3;
	[tilespmem:s5+$0xFFFFFC70] =	vst v4;
	v4 =	vld [tilespmem:s0+$0xFB30]  }
0x6cd: {  	s14 =	simm.s32 $0x0;
	s4 =	sshra.s32 s10, $0x2;
	s7 =	simm.s32 $0x0;
	v6 =	vld [tilespmem:s0+$0xFB40];
	[tilespmem:s30+$0x13300] =	vst v5  }
0x6ce: {  	s8 =	sadd.s32 $0x400, s31;
	s1 =	sshra.s32 s15, $0x2;
	v5 =	vld [tilespmem:s4+$0x3100];
	s21 =	sld [smem:$0x7BC]  }
.LBB2_109:
0x6cf: {  	s2 =	sshra.s32 s8, $0x2;
	s7 =	sadd.s32 $0x10, s7;
	v7 =	vld [tilespmem:s1+$0x3100];
	[tilespmem:s5+$0x30] =	vst v2  }
0x6d0: {  	v2 =	vld [tilespmem:s2+$0xFB50];
	p0 =	slt.u32 s7, $0x70;
	[tilespmem:s5+$0x40] =	vst v3  }
0x6d1: {  	v3 =	vld [tilespmem:s2+$0xFA70];
	[tilespmem:s5+$0x50] =	vst v4  }
0x6d2: {  	s3 =	sadd.s32 $0x800, s3;
	v4 =	vld [tilespmem:s2+$0xFA80];
	[tilespmem:s5+$0x60] =	vst v6  }
0x6d3: {  	s1 =	sor.u32 $0x190, s3;
	s4 =	sadd.s32 $0x80, s3;
	s6 =	sadd.s32 $0x300, s3;
	v6 =	vld [tilespmem:s2+$0xFA90];
	[tilespmem:s5+$0xFFFFFC00] =	vst v5  }
0x6d4: {  	s4 =	sor.u32 $0x1A0, s4;
	s6 =	sand.u32 $0x3D80, s6;
	v5 =	vld [tilespmem:s2+$0xFAA0];
	[tilespmem:s5+$0x0] =	vst v7  }
0x6d5: {  	s5 =	sadd.s32 $0x800, s5;
	v7 =	vld [tilespmem:s2+$0xFAB0];
	[tilespmem:s6+$0x13370] =	vst v2;
	s6 =	simm.s32 $0x13900  }
0x6d6: {  	[tilespmem:s5+$0xFFFFFC10] =	vst v3;
	v3 =	vld [tilespmem:s2+$0xFAC0]  }
0x6d7: {  	[tilespmem:s5+$0xFFFFFC20] =	vst v4;
	v4 =	vld [tilespmem:s2+$0xFAD0]  }
0x6d8: {  	[tilespmem:s5+$0xFFFFFC30] =	vst v6;
	v6 =	vld [tilespmem:s2+$0xFAF0]  }
0x6d9: {  	[tilespmem:s5+$0xFFFFFC40] =	vst v5;
	v8 =	vld [tilespmem:s2+$0xFB00]  }
.Ltmp55:
0x6da: {  	[tilespmem:s5+$0xFFFFFC50] =	vst v7;
	v2 =	vld [tilespmem:s2+$0xFB10];
	(pc) =	sbr.rel @p0 .LBB2_109-.Ltmp55, $4  }
0x6db: {  	[tilespmem:s5+$0xFFFFFC60] =	vst v3;
	v3 =	vld [tilespmem:s2+$0xFB20]  }
0x6dc: {  	s10 =	sadd.s32 $0x400, s10;
	[tilespmem:s5+$0xFFFFFC70] =	vst v4;
	v4 =	vld [tilespmem:s2+$0xFB30]  }
0x6dd: {  	s15 =	sadd.s32 $0x400, s15;
	s11 =	sshra.s32 s10, $0x2;
	[tilespmem:s1+$0x13300] =	vst v6;
	v6 =	vld [tilespmem:s2+$0xFB40]  }
0x6de: {  	s8 =	sadd.s32 $0x400, s8;
	s1 =	sshra.s32 s15, $0x2;
	v5 =	vld [tilespmem:s11+$0x3100];
	[tilespmem:s4+$0x13300] =	vst v8  }
0x6df: {  	v7 =	vld [tilespmem:s1+$0x3100];
	[tilespmem:s5+$0x30] =	vst v2  }
0x6e0: {  	[tilespmem:s5+$0x40] =	vst v3  }
0x6e1: {  	[tilespmem:s5+$0x50] =	vst v4  }
0x6e2: {  	[tilespmem:s5+$0x60] =	vst v6  }
0x6e3: {  	[tilespmem:s5+$0xFFFFFC00] =	vst v5  }
0x6e4: {  	[tilespmem:s5+$0x0] =	vst v7  }
0x6e5: {  	v4 =	vld [tilespmem:s0+$0xEB30]  }
0x6e6: {  	v5 =	vld [tilespmem:s0+$0xEA50]  }
0x6e7: {  	v6 =	vld [tilespmem:s0+$0xEA60]  }
0x6e8: {  	s2 =	sld [smem:$0x7CA];
	v7 =	vld [tilespmem:s0+$0xEA70]  }
0x6e9: {  	v9 =	vld [tilespmem:s0+$0xEA80]  }
0x6ea: {  	v10 =	vld [tilespmem:s0+$0xEA90];
	[tilespmem:s6+$0x70] =	vst v4  }
0x6eb: {  	v11 =	vld [tilespmem:s0+$0xEAA0];
	s29 =	sshra.s32 s2, $0x2;
	[tilespmem:s6+$0xFFFFFC10] =	vst v5  }
0x6ec: {  	s30 =	sshra.s32 s13, $0x2;
	v3 =	vld [tilespmem:s29+$0x3100];
	[tilespmem:s6+$0xFFFFFC20] =	vst v6  }
0x6ed: {  	v2 =	vld [tilespmem:s30+$0x3100];
	[tilespmem:s6+$0xFFFFFC30] =	vst v7  }
0x6ee: {  	v8 =	vld [tilespmem:s0+$0xEAB0];
	[tilespmem:s6+$0xFFFFFC40] =	vst v9  }
0x6ef: {  	v4 =	vld [tilespmem:s0+$0xEAE0];
	[tilespmem:s6+$0xFFFFFC50] =	vst v10  }
0x6f0: {  	v5 =	vld [tilespmem:s0+$0xEAF0];
	[tilespmem:s6+$0xFFFFFC60] =	vst v11  }
0x6f1: {  	[tilespmem:s6+$0xFFFFFC00] =	vst v3;
	v3 =	vld [tilespmem:s0+$0xEAD0]  }
0x6f2: {  	s3 =	simm.s32 $0x0;
	v6 =	vld [tilespmem:s0+$0xEB00];
	s20 =	sld [smem:$0x7BA]  }
0x6f3: {  	s10 =	smov.u32 s31;
	s8 =	sadd.s32 $0x400, s2;
	v7 =	vld [tilespmem:s0+$0xEB10];
	s19 =	sld [smem:$0x7BD]  }
.LBB2_111:
0x6f4: {  	s1 =	sshra.s32 s8, $0x2;
	[tilespmem:s6+$0xFFFFFC70] =	vst v8;
	v8 =	vld [tilespmem:s0+$0xEB20];
	s13 =	sadd.s32 $0x400, s13  }
0x6f5: {  	s10 =	sadd.s32 $0x400, s10;
	v9 =	vld [tilespmem:s1+$0x3100];
	s1 =	sshra.s32 s13, $0x2;
	[tilespmem:s6+$0x0] =	vst v2  }
0x6f6: {  	s3 =	sadd.s32 $0x10, s3;
	s0 =	sshra.s32 s10, $0x2;
	v2 =	vld [tilespmem:s1+$0x3100];
	[tilespmem:s6+$0x10] =	vst v3  }
0x6f7: {  	p0 =	slt.u32 s3, $0x70;
	v3 =	vld [tilespmem:s0+$0xEB30];
	[tilespmem:s6+$0x20] =	vst v4  }
0x6f8: {  	v4 =	vld [tilespmem:s0+$0xEA50];
	[tilespmem:s6+$0x30] =	vst v5  }
0x6f9: {  	v5 =	vld [tilespmem:s0+$0xEA60];
	[tilespmem:s6+$0x40] =	vst v6  }
0x6fa: {  	v6 =	vld [tilespmem:s0+$0xEA70];
	[tilespmem:s6+$0x50] =	vst v7  }
0x6fb: {  	v7 =	vld [tilespmem:s0+$0xEA80];
	[tilespmem:s6+$0x60] =	vst v8;
	s6 =	sadd.s32 $0x800, s6  }
0x6fc: {  	s7 =	simm.s32 $0x480;
	s5 =	simm.s32 $0x13980;
	v10 =	vld [tilespmem:s0+$0xEA90];
	[tilespmem:s6+$0x70] =	vst v3  }
0x6fd: {  	[tilespmem:s6+$0xFFFFFC00] =	vst v9;
	v9 =	vld [tilespmem:s0+$0xEAA0]  }
0x6fe: {  	[tilespmem:s6+$0xFFFFFC10] =	vst v4;
	v8 =	vld [tilespmem:s0+$0xEAB0]  }
.Ltmp56:
0x6ff: {  	[tilespmem:s6+$0xFFFFFC20] =	vst v5;
	v3 =	vld [tilespmem:s0+$0xEAD0];
	(pc) =	sbr.rel @p0 .LBB2_111-.Ltmp56, $4  }
0x700: {  	[tilespmem:s6+$0xFFFFFC30] =	vst v6;
	v4 =	vld [tilespmem:s0+$0xEAE0]  }
0x701: {  	[tilespmem:s6+$0xFFFFFC40] =	vst v7;
	v5 =	vld [tilespmem:s0+$0xEAF0]  }
0x702: {  	[tilespmem:s6+$0xFFFFFC50] =	vst v10;
	v6 =	vld [tilespmem:s0+$0xEB00]  }
0x703: {  	s8 =	sadd.s32 $0x400, s8;
	[tilespmem:s6+$0xFFFFFC60] =	vst v9;
	v7 =	vld [tilespmem:s0+$0xEB10]  }
0x704: {  	[tilespmem:s6+$0xFFFFFC70] =	vst v8  }
0x705: {  	[tilespmem:s6+$0x0] =	vst v2  }
0x706: {  	v2 =	vld [tilespmem:s0+$0xEB20];
	[tilespmem:s6+$0x10] =	vst v3  }
0x707: {  	[tilespmem:s6+$0x20] =	vst v4  }
0x708: {  	[tilespmem:s6+$0x30] =	vst v5  }
0x709: {  	[tilespmem:s6+$0x40] =	vst v6  }
0x70a: {  	[tilespmem:s6+$0x50] =	vst v7  }
0x70b: {  	s0 =	sshra.s32 s31, $0x2;
	[tilespmem:s6+$0x60] =	vst v2  }
0x70c: {  	v2 =	vld [tilespmem:s0+$0xDB10]  }
0x70d: {  	v3 =	vld [tilespmem:s0+$0xDA30]  }
0x70e: {  	v4 =	vld [tilespmem:s0+$0xDA40]  }
0x70f: {  	s1 =	simm.s32 $0x780;
	v5 =	vld [tilespmem:s0+$0xDA50]  }
0x710: {  	s1 =	sand.u32 $0x3E80, s1;
	v6 =	vld [tilespmem:s0+$0xDA60]  }
0x711: {  	v7 =	vld [tilespmem:s0+$0xDA70];
	[tilespmem:s1+$0x13370] =	vst v2  }
0x712: {  	[tilespmem:s5+$0xFFFFFC10] =	vst v3;
	v3 =	vld [tilespmem:s0+$0xDA80]  }
0x713: {  	[tilespmem:s5+$0xFFFFFC20] =	vst v4;
	v4 =	vld [tilespmem:s0+$0xDA90]  }
0x714: {  	v8 =	vld [tilespmem:s0+$0xDAC0];
	[tilespmem:s5+$0xFFFFFC30] =	vst v5  }
0x715: {  	v5 =	vld [tilespmem:s0+$0xDAB0];
	[tilespmem:s5+$0xFFFFFC40] =	vst v6  }
0x716: {  	[tilespmem:s5+$0xFFFFFC50] =	vst v7;
	v2 =	vld [tilespmem:s0+$0xDAD0]  }
0x717: {  	[tilespmem:s5+$0xFFFFFC60] =	vst v3;
	v3 =	vld [tilespmem:s0+$0xDAE0]  }
0x718: {  	s29 =	sor.u32 $0x290, s7;
	s2 =	simm.s32 $0x600;
	[tilespmem:s5+$0xFFFFFC70] =	vst v4;
	v4 =	vld [tilespmem:s0+$0xDAF0]  }
0x719: {  	s8 =	simm.s32 $0x0;
	s30 =	sshra.s32 s12, $0x2;
	s3 =	simm.s32 $0x500;
	v6 =	vld [tilespmem:s0+$0xDB00];
	[tilespmem:s5+$0x20] =	vst v8  }
0x71a: {  	s10 =	sadd.s32 $0x400, s31;
	s11 =	sor.u32 $0x2C0, s2;
	s1 =	sshra.s32 s26, $0x2;
	[tilespmem:s29+$0x13300] =	vst v5;
	v5 =	vld [tilespmem:s30+$0x3100]  }
.LBB2_113:
0x71b: {  	s2 =	sshra.s32 s10, $0x2;
	s8 =	sadd.s32 $0x10, s8;
	v7 =	vld [tilespmem:s1+$0x3100];
	[tilespmem:s5+$0x30] =	vst v2  }
0x71c: {  	v2 =	vld [tilespmem:s2+$0xDB10];
	p0 =	slt.u32 s8, $0x70;
	[tilespmem:s11+$0x13300] =	vst v3  }
0x71d: {  	v3 =	vld [tilespmem:s2+$0xDA30];
	[tilespmem:s5+$0x50] =	vst v4  }
0x71e: {  	s7 =	sadd.s32 $0x800, s7;
	v4 =	vld [tilespmem:s2+$0xDA40];
	[tilespmem:s5+$0x60] =	vst v6  }
0x71f: {  	s1 =	sor.u32 $0x290, s7;
	s4 =	sadd.s32 $0x180, s7;
	s6 =	sadd.s32 $0x300, s7;
	v6 =	vld [tilespmem:s2+$0xDA50];
	[tilespmem:s5+$0xFFFFFC00] =	vst v5  }
0x720: {  	s11 =	sor.u32 $0x2C0, s4;
	s4 =	sand.u32 $0x3E80, s6;
	s6 =	simm.s32 $0x13A00;
	v5 =	vld [tilespmem:s2+$0xDA60];
	[tilespmem:s5+$0x0] =	vst v7  }
0x721: {  	s5 =	sadd.s32 $0x800, s5;
	v7 =	vld [tilespmem:s2+$0xDA70];
	[tilespmem:s4+$0x13370] =	vst v2  }
0x722: {  	[tilespmem:s5+$0xFFFFFC10] =	vst v3;
	v3 =	vld [tilespmem:s2+$0xDA80]  }
0x723: {  	[tilespmem:s5+$0xFFFFFC20] =	vst v4;
	v4 =	vld [tilespmem:s2+$0xDA90]  }
0x724: {  	[tilespmem:s5+$0xFFFFFC30] =	vst v6;
	v6 =	vld [tilespmem:s2+$0xDAB0]  }
0x725: {  	[tilespmem:s5+$0xFFFFFC40] =	vst v5;
	v8 =	vld [tilespmem:s2+$0xDAC0]  }
.Ltmp57:
0x726: {  	[tilespmem:s5+$0xFFFFFC50] =	vst v7;
	v2 =	vld [tilespmem:s2+$0xDAD0];
	(pc) =	sbr.rel @p0 .LBB2_113-.Ltmp57, $4  }
0x727: {  	[tilespmem:s5+$0xFFFFFC60] =	vst v3;
	v3 =	vld [tilespmem:s2+$0xDAE0]  }
0x728: {  	s12 =	sadd.s32 $0x400, s12;
	[tilespmem:s5+$0xFFFFFC70] =	vst v4;
	v4 =	vld [tilespmem:s2+$0xDAF0]  }
0x729: {  	s26 =	sadd.s32 $0x400, s26;
	s4 =	sshra.s32 s12, $0x2;
	[tilespmem:s1+$0x13300] =	vst v6;
	v6 =	vld [tilespmem:s2+$0xDB00]  }
0x72a: {  	s10 =	sadd.s32 $0x400, s10;
	s1 =	sshra.s32 s26, $0x2;
	v5 =	vld [tilespmem:s4+$0x3100];
	[tilespmem:s5+$0x20] =	vst v8  }
0x72b: {  	v7 =	vld [tilespmem:s1+$0x3100];
	[tilespmem:s5+$0x30] =	vst v2  }
0x72c: {  	[tilespmem:s11+$0x13300] =	vst v3  }
0x72d: {  	[tilespmem:s5+$0x50] =	vst v4  }
0x72e: {  	[tilespmem:s5+$0x60] =	vst v6  }
0x72f: {  	[tilespmem:s5+$0xFFFFFC00] =	vst v5  }
0x730: {  	[tilespmem:s5+$0x0] =	vst v7  }
0x731: {  	v4 =	vld [tilespmem:s0+$0xCAF0]  }
0x732: {  	v5 =	vld [tilespmem:s0+$0xCA10]  }
0x733: {  	v6 =	vld [tilespmem:s0+$0xCA20]  }
0x734: {  	v7 =	vld [tilespmem:s0+$0xCA30]  }
0x735: {  	s10 =	sadd.s32 $0x400, s31;
	s2 =	sld [smem:$0x7C8];
	v8 =	vld [tilespmem:s0+$0xCA40]  }
0x736: {  	s12 =	sshra.s32 s10, $0x2;
	s4 =	sld [smem:$0x7B3];
	v9 =	vld [tilespmem:s0+$0xCA50]  }
0x737: {  	v11 =	vld [tilespmem:s12+$0xCA30]  }
0x738: {  	v12 =	vld [tilespmem:s12+$0xCA50];
	s18 =	sshra.s32 s2, $0x2;
	[tilespmem:s6+$0x70] =	vst v4  }
0x739: {  	s22 =	sshra.s32 s4, $0x2;
	v2 =	vld [tilespmem:s18+$0x3100];
	[tilespmem:s6+$0xFFFFFC10] =	vst v5  }
0x73a: {  	v3 =	vld [tilespmem:s22+$0x3100];
	[tilespmem:s6+$0xFFFFFC20] =	vst v6  }
0x73b: {  	v4 =	vld [tilespmem:s0+$0xCA70];
	[tilespmem:s6+$0xFFFFFC30] =	vst v7  }
0x73c: {  	v5 =	vld [tilespmem:s0+$0xCA90];
	[tilespmem:s6+$0xFFFFFC40] =	vst v8  }
0x73d: {  	s11 =	simm.s32 $0x14200;
	v6 =	vld [tilespmem:s0+$0xCAA0];
	[tilespmem:s6+$0xFFFFFC50] =	vst v9  }
0x73e: {  	v7 =	vld [tilespmem:s0+$0xCAB0];
	[tilespmem:s11+$0xFFFFFC30] =	vst v11  }
0x73f: {  	s26 =	sadd.s32 $0x400, s2;
	v8 =	vld [tilespmem:s0+$0xCAC0];
	[tilespmem:s11+$0xFFFFFC50] =	vst v12  }
0x740: {  	s2 =	sshra.s32 s26, $0x2;
	v9 =	vld [tilespmem:s0+$0xCAD0];
	[tilespmem:s6+$0xFFFFFC00] =	vst v2  }
0x741: {  	v10 =	vld [tilespmem:s2+$0x3100];
	[tilespmem:s6+$0x0] =	vst v3  }
0x742: {  	v2 =	vld [tilespmem:s0+$0xCA60];
	[tilespmem:s6+$0xFFFFFC70] =	vst v4  }
0x743: {  	s29 =	sor.u32 $0x320, s3;
	v3 =	vld [tilespmem:s12+$0xCAF0];
	[tilespmem:s6+$0x10] =	vst v5  }
0x744: {  	s30 =	simm.s32 $0x600;
	v4 =	vld [tilespmem:s0+$0xCAE0];
	[tilespmem:s29+$0x13300] =	vst v6  }
0x745: {  	s2 =	sor.u32 $0x340, s30;
	v5 =	vld [tilespmem:s12+$0xCA10];
	[tilespmem:s6+$0x30] =	vst v7  }
0x746: {  	v6 =	vld [tilespmem:s12+$0xCA20];
	[tilespmem:s2+$0x13300] =	vst v8  }
0x747: {  	[tilespmem:s6+$0x50] =	vst v9;
	v9 =	vld [tilespmem:s12+$0xCA40]  }
0x748: {  	[tilespmem:s11+$0xFFFFFC00] =	vst v10;
	v10 =	vld [tilespmem:s12+$0xCA60]  }
0x749: {  	s8 =	sadd.s32 $0x400, s4;
	v8 =	vld [tilespmem:s12+$0xCA70];
	[tilespmem:s6+$0xFFFFFC60] =	vst v2  }
0x74a: {  	s28 =	sshra.s32 s8, $0x2;
	v7 =	vld [tilespmem:s12+$0xCA90];
	[tilespmem:s11+$0x70] =	vst v3  }
0x74b: {  	v2 =	vld [tilespmem:s28+$0x3100];
	[tilespmem:s6+$0x60] =	vst v4  }
0x74c: {  	v3 =	vld [tilespmem:s12+$0xCAC0];
	[tilespmem:s11+$0xFFFFFC10] =	vst v5  }
0x74d: {  	[tilespmem:s11+$0xFFFFFC20] =	vst v6;
	v5 =	vld [tilespmem:s12+$0xCAA0]  }
0x74e: {  	[tilespmem:s11+$0xFFFFFC40] =	vst v9;
	v4 =	vld [tilespmem:s12+$0xCAB0]  }
0x74f: {  	s13 =	simm.s32 $0x10;
	s5 =	simm.s32 $0x0;
	s15 =	sadd.s32 $0x400, s26;
	[tilespmem:s11+$0xFFFFFC60] =	vst v10;
	v6 =	vld [tilespmem:s12+$0xCAD0]  }
.LBB2_115:
0x750: {  	s1 =	sshra.s32 s15, $0x2;
	[tilespmem:s11+$0xFFFFFC70] =	vst v8;
	v8 =	vld [tilespmem:s12+$0xCAE0];
	s8 =	sadd.s32 $0x400, s8  }
0x751: {  	s10 =	sadd.s32 $0x400, s10;
	s3 =	sadd.s32 $0x800, s3;
	v9 =	vld [tilespmem:s1+$0x3100];
	s1 =	sshra.s32 s8, $0x2;
	[tilespmem:s11+$0x0] =	vst v2  }
0x752: {  	s13 =	sadd.s32 $0x10, s13;
	s12 =	sshra.s32 s10, $0x2;
	v2 =	vld [tilespmem:s1+$0x3100];
	[tilespmem:s11+$0x10] =	vst v7;
	s1 =	sor.u32 $0x320, s3  }
0x753: {  	p0 =	slt.u32 s13, $0x70;
	v7 =	vld [tilespmem:s12+$0xCAF0];
	[tilespmem:s1+$0x13300] =	vst v5;
	s1 =	sadd.s32 $0x100, s3  }
0x754: {  	v5 =	vld [tilespmem:s12+$0xCA10];
	[tilespmem:s11+$0x30] =	vst v4;
	s1 =	sor.u32 $0x340, s1  }
0x755: {  	v4 =	vld [tilespmem:s12+$0xCA20];
	[tilespmem:s1+$0x13300] =	vst v3  }
0x756: {  	v3 =	vld [tilespmem:s12+$0xCA30];
	[tilespmem:s11+$0x50] =	vst v6  }
0x757: {  	v6 =	vld [tilespmem:s12+$0xCA40];
	[tilespmem:s11+$0x60] =	vst v8;
	s11 =	sadd.s32 $0x800, s11  }
0x758: {  	s6 =	simm.s32 $0x480;
	s7 =	simm.s32 $0x13A80;
	v10 =	vld [tilespmem:s12+$0xCA50];
	[tilespmem:s11+$0x70] =	vst v7  }
0x759: {  	[tilespmem:s11+$0xFFFFFC00] =	vst v9;
	v9 =	vld [tilespmem:s12+$0xCA60]  }
0x75a: {  	[tilespmem:s11+$0xFFFFFC10] =	vst v5;
	v8 =	vld [tilespmem:s12+$0xCA70]  }
.Ltmp58:
0x75b: {  	[tilespmem:s11+$0xFFFFFC20] =	vst v4;
	v7 =	vld [tilespmem:s12+$0xCA90];
	(pc) =	sbr.rel @p0 .LBB2_115-.Ltmp58, $4  }
0x75c: {  	[tilespmem:s11+$0xFFFFFC30] =	vst v3;
	v5 =	vld [tilespmem:s12+$0xCAA0]  }
0x75d: {  	[tilespmem:s11+$0xFFFFFC40] =	vst v6;
	v4 =	vld [tilespmem:s12+$0xCAB0]  }
0x75e: {  	[tilespmem:s11+$0xFFFFFC50] =	vst v10;
	v3 =	vld [tilespmem:s12+$0xCAC0]  }
0x75f: {  	s15 =	sadd.s32 $0x400, s15;
	[tilespmem:s11+$0xFFFFFC60] =	vst v9;
	v6 =	vld [tilespmem:s12+$0xCAD0]  }
0x760: {  	[tilespmem:s11+$0xFFFFFC70] =	vst v8  }
0x761: {  	[tilespmem:s11+$0x0] =	vst v2;
	s1 =	sadd.s32 $0x800, s3  }
0x762: {  	v2 =	vld [tilespmem:s12+$0xCAE0];
	[tilespmem:s11+$0x10] =	vst v7;
	s2 =	sor.u32 $0x320, s1  }
0x763: {  	s1 =	sadd.s32 $0x100, s1;
	[tilespmem:s2+$0x13300] =	vst v5  }
0x764: {  	[tilespmem:s11+$0x30] =	vst v4;
	s1 =	sor.u32 $0x340, s1  }
0x765: {  	[tilespmem:s1+$0x13300] =	vst v3  }
0x766: {  	[tilespmem:s11+$0x50] =	vst v6  }
0x767: {  	[tilespmem:s11+$0x60] =	vst v2  }
0x768: {  	s28 =	sld [smem:$0x7C6];
	v4 =	vld [tilespmem:s0+$0xBAD0]  }
0x769: {  	v5 =	vld [tilespmem:s0+$0xB9F0]  }
0x76a: {  	v6 =	vld [tilespmem:s0+$0xBA00]  }
0x76b: {  	v9 =	vld [tilespmem:s0+$0xBA10];
	s29 =	sshra.s32 s28, $0x2  }
0x76c: {  	v3 =	vld [tilespmem:s29+$0x3100]  }
0x76d: {  	v10 =	vld [tilespmem:s0+$0xBA20]  }
0x76e: {  	s2 =	sld [smem:$0x7AF];
	v11 =	vld [tilespmem:s0+$0xBA30]  }
0x76f: {  	v8 =	vld [tilespmem:s0+$0xBA50];
	[tilespmem:s7+$0x70] =	vst v4  }
0x770: {  	v7 =	vld [tilespmem:s0+$0xBA70];
	[tilespmem:s7+$0xFFFFFC10] =	vst v5  }
0x771: {  	s30 =	sshra.s32 s2, $0x2;
	[tilespmem:s7+$0xFFFFFC00] =	vst v3;
	v3 =	vld [tilespmem:s0+$0xBA40]  }
0x772: {  	v2 =	vld [tilespmem:s30+$0x3100];
	[tilespmem:s7+$0xFFFFFC20] =	vst v6  }
0x773: {  	[tilespmem:s7+$0xFFFFFC30] =	vst v9;
	v6 =	vld [tilespmem:s0+$0xBA80]  }
0x774: {  	[tilespmem:s7+$0xFFFFFC40] =	vst v10;
	v5 =	vld [tilespmem:s0+$0xBA90]  }
0x775: {  	[tilespmem:s7+$0xFFFFFC50] =	vst v11;
	v4 =	vld [tilespmem:s0+$0xBAA0]  }
0x776: {  	s10 =	smov.u32 s31;
	s3 =	sadd.s32 $0x400, s28;
	s8 =	sadd.s32 $0x400, s2;
	[tilespmem:s7+$0xFFFFFC60] =	vst v3;
	v3 =	vld [tilespmem:s0+$0xBAB0]  }
.LBB2_117:
0x777: {  	s1 =	sshra.s32 s3, $0x2;
	[tilespmem:s7+$0xFFFFFC70] =	vst v8;
	s2 =	sor.u32 $0x390, s6;
	s4 =	sadd.s32 $0x80, s6;
	v8 =	vld [tilespmem:s0+$0xBAC0]  }
0x778: {  	s11 =	sadd.s32 $0x100, s6;
	s10 =	sadd.s32 $0x400, s10;
	v9 =	vld [tilespmem:s1+$0x3100];
	s1 =	sshra.s32 s8, $0x2;
	[tilespmem:s7+$0x0] =	vst v2  }
0x779: {  	s5 =	sadd.s32 $0x10, s5;
	s0 =	sshra.s32 s10, $0x2;
	v2 =	vld [tilespmem:s1+$0x3100];
	[tilespmem:s2+$0x13300] =	vst v7;
	s1 =	sor.u32 $0x3A0, s4  }
0x77a: {  	p0 =	slt.u32 s5, $0x70;
	s2 =	sadd.s32 $0x180, s6;
	v7 =	vld [tilespmem:s0+$0xBAD0];
	[tilespmem:s1+$0x13300] =	vst v6;
	s1 =	sor.u32 $0x3B0, s11  }
0x77b: {  	v6 =	vld [tilespmem:s0+$0xB9F0];
	[tilespmem:s1+$0x13300] =	vst v5;
	s1 =	sor.u32 $0x3C0, s2;
	s2 =	sadd.s32 $0x200, s6  }
0x77c: {  	v5 =	vld [tilespmem:s0+$0xBA00];
	[tilespmem:s1+$0x13300] =	vst v4;
	s1 =	sor.u32 $0x3D0, s2;
	s2 =	sadd.s32 $0x280, s6  }
0x77d: {  	v4 =	vld [tilespmem:s0+$0xBA10];
	[tilespmem:s1+$0x13300] =	vst v3;
	s1 =	sor.u32 $0x3E0, s2  }
0x77e: {  	s7 =	sadd.s32 $0x800, s7;
	v3 =	vld [tilespmem:s0+$0xBA20];
	[tilespmem:s1+$0x13300] =	vst v8  }
0x77f: {  	v10 =	vld [tilespmem:s0+$0xBA30];
	[tilespmem:s7+$0x70] =	vst v7  }
0x780: {  	[tilespmem:s7+$0xFFFFFC00] =	vst v9;
	v9 =	vld [tilespmem:s0+$0xBA40]  }
0x781: {  	[tilespmem:s7+$0xFFFFFC10] =	vst v6;
	v8 =	vld [tilespmem:s0+$0xBA50]  }
.Ltmp59:
0x782: {  	[tilespmem:s7+$0xFFFFFC20] =	vst v5;
	v7 =	vld [tilespmem:s0+$0xBA70];
	(pc) =	sbr.rel @p0 .LBB2_117-.Ltmp59, $4  }
0x783: {  	[tilespmem:s7+$0xFFFFFC30] =	vst v4;
	v6 =	vld [tilespmem:s0+$0xBA80]  }
0x784: {  	[tilespmem:s7+$0xFFFFFC40] =	vst v3;
	v5 =	vld [tilespmem:s0+$0xBA90]  }
0x785: {  	[tilespmem:s7+$0xFFFFFC50] =	vst v10;
	v4 =	vld [tilespmem:s0+$0xBAA0]  }
0x786: {  	s3 =	sadd.s32 $0x400, s3;
	s8 =	sadd.s32 $0x400, s8;
	s6 =	sadd.s32 $0x800, s6;
	[tilespmem:s7+$0xFFFFFC60] =	vst v9;
	v3 =	vld [tilespmem:s0+$0xBAB0]  }
0x787: {  	[tilespmem:s7+$0xFFFFFC70] =	vst v8  }
0x788: {  	s1 =	sor.u32 $0x390, s6;
	s2 =	sadd.s32 $0x80, s6;
	[tilespmem:s7+$0x0] =	vst v2  }
0x789: {  	v2 =	vld [tilespmem:s0+$0xBAC0];
	s12 =	sadd.s32 $0x100, s6;
	[tilespmem:s1+$0x13300] =	vst v7;
	s13 =	sor.u32 $0x3A0, s2  }
0x78a: {  	s15 =	sadd.s32 $0x180, s6;
	s0 =	sor.u32 $0x3B0, s12;
	[tilespmem:s13+$0x13300] =	vst v6  }
0x78b: {  	s18 =	sadd.s32 $0x200, s6;
	s16 =	sor.u32 $0x3C0, s15;
	[tilespmem:s0+$0x13300] =	vst v5  }
0x78c: {  	s26 =	sadd.s32 $0x280, s6;
	s22 =	sor.u32 $0x3D0, s18;
	[tilespmem:s16+$0x13300] =	vst v4  }
0x78d: {  	s28 =	sor.u32 $0x3E0, s26;
	[tilespmem:s22+$0x13300] =	vst v3  }
0x78e: {  	s29 =	sld [smem:$0x7D9];
	[tilespmem:s28+$0x13300] =	vst v2  }
0x78f: {  	s8 =	sld [smem:$0x7DE]  }
0x790: {  	s30 =	sld [smem:$0x7C0]  }
0x791: {  	s2 =	sld [smem:$0x7E0]  }
0x792: {  	s10 =	sld [smem:$0x7E1]  }
0x793: {  	s22 =	sld [smem:$0x7C1]  }
0x794: {  	s3 =	sld [smem:$0x7E2];
	p0 =	seq.s32 s29, $0x3F  }
.Ltmp60:
0x795: {  	s31 =	sld [smem:$0x7C4];
	(pc) =	sbr.rel @p0 .LBB2_120-.Ltmp60, $4  }
0x796: {  	s5 =	sld [smem:$0x7E3]  }
0x797: {  	s6 =	sld [smem:$0x7E4]  }
0x798: {  	s18 =	sld [smem:$0x7C3]  }
0x799: {  	s7 =	sld [smem:$0x7C2]  }
0x79a: {  	s1 =	rddreg [dreg:$0x4]  }
0x79b: {  	s12 =	rddreg [dreg:$0x1]  }
0x79c: {  	s15 =	sld [smem:$0x7E5]  }
0x79d: {  	s16 =	sld [smem:$0x7DF]  }
0x79e: {  	s26 =	sld [smem:$0x7DD]  }
0x79f: {  	s28 =	sld [smem:$0x7DC]  }
0x7a0: {  	s29 =	sld [smem:$0x7CB]  }
0x7a1: {  	s11 =	sld [smem:$0x7B7]  }
0x7a2: {  	s6 =	sadd.s32 $0xFFFFFFF0, s6;
	s4 =	sld [smem:$0x7B5]  }
0x7a3: {  	s5 =	sadd.s32 $0xFFFFFFF0, s5;
	[smem:$0x7E4] =	sst s6  }
0x7a4: {  	s3 =	sadd.s32 $0xFFFFFFF0, s3;
	[smem:$0x7E3] =	sst s5  }
0x7a5: {  	s10 =	sadd.s32 $0xFFFFFFF0, s10;
	[smem:$0x7E2] =	sst s3  }
0x7a6: {  	s2 =	sadd.s32 $0xFFFFFFF0, s2;
	[smem:$0x7E1] =	sst s10  }
0x7a7: {  	s8 =	sadd.s32 $0xFFFFFFF0, s8;
	[smem:$0x7E0] =	sst s2  }
0x7a8: {  	s17 =	sadd.s32 $0xFFFFFFF0, s17;
	[smem:$0x7DE] =	sst s8  }
0x7a9: {  	s23 =	sadd.s32 $0xFFFFFFF0, s23;
	[smem:$0x7DB] =	sst s17  }
0x7aa: {  	s0 =	sshll.u32 s9, $0xB;
	[smem:$0x7DA] =	sst s23  }
0x7ab: {  	s0 =	sadd.s32 s1, s0;
	s1 =	sld [smem:$0x7BB]  }
0x7ac: {  	s2 =	sld [smem:$0x7B9]  }
0x7ad: {  	s3 =	sld [smem:$0x7B4]  }
0x7ae: {  	s5 =	sld [smem:$0x7B1];
	s0 =	sshrl.u32 s0, $0x3  }
0x7af: {  	s13 =	simm.s32 $0x13300;
	s23 =	sld [smem:$0x7B0];
	s0 =	sadd.s32 s12, s0  }
0x7b0: {  	[hbm4b:s0+s14] =	stream.linear.scatter [tilespmem:s13], [sflag:$0x1], $0x4000, $0x38;
	[tilespmem:$0x1B300] =	vst v63  }
0x7b1: {  	s14 =	sld [smem:$0x7D9]  }
0x7b2: {  	s12 =	sld [smem:$0x7B6]  }
0x7b3: {  	s8 =	sadd.s32 $0xFFFFFFF0, s4;
	s4 =	sld [smem:$0x7AE]  }
0x7b4: {  	s31 =	sadd.s32 $0xFFFFFFF0, s31;
	s13 =	sld [smem:$0x7B2];
	s0 =	sadd.s32 $0x1, s14  }
0x7b5: {  	s22 =	sadd.s32 $0xFFFFFFF0, s22;
	s30 =	sadd.s32 $0xFFFFFFF0, s30;
	[smem:$0x7D9] =	sst s0  }
0x7b6: {  	s24 =	sadd.s32 $0xFFFFFFF0, s24;
	s0 =	sadd.s32 $0xFFFFFFC0, s15;
	s15 =	sld [smem:$0x7B8]  }
0x7b7: {  	s21 =	sadd.s32 $0xFFFFFFF0, s21;
	s19 =	sadd.s32 $0xFFFFFFF0, s19;
	[smem:$0x7E5] =	sst s0  }
0x7b8: {  	s20 =	sadd.s32 $0xFFFFFFF0, s20;
	s0 =	sadd.s32 $0xFFFFFFF0, s16;
	s16 =	sld [smem:$0x7BE]  }
0x7b9: {  	s18 =	sadd.s32 $0xFFFFFFF0, s18;
	s7 =	sadd.s32 $0xFFFFFFF0, s7;
	[smem:$0x7DF] =	sst s0  }
0x7ba: {  	s29 =	sadd.s32 $0xFFFFFFF0, s29;
	s0 =	sadd.s32 $0xFFFFFFF0, s26;
	s26 =	sld [smem:$0x7AC]  }
0x7bb: {  	s6 =	smov.u32 s7;
	s11 =	sadd.s32 $0xFFFFFFF0, s11;
	[smem:$0x7DD] =	sst s0  }
0x7bc: {  	s17 =	sadd.s32 $0xFFFFFFF0, s1;
	s0 =	sadd.s32 $0xFFFFFFF0, s28;
	s28 =	sld [smem:$0x7AD]  }
.Ltmp61:
0x7bd: {  	s9 =	sadd.s32 $0xFFFFFFF0, s3;
	[smem:$0x7DC] =	sst s0;
	(pc) =	sbr.rel .LBB2_86-.Ltmp61, $4  }
0x7be: {  	s7 =	sadd.s32 $0xFFFFFFF0, s5;
	s12 =	sadd.s32 $0xFFFFFFF0, s12;
	s0 =	sld [smem:$0x7BF]  }
0x7bf: {  	s4 =	sadd.s32 $0xFFFFFFF0, s4;
	s14 =	sadd.s32 $0xFFFFFFF0, s2;
	s5 =	sadd.s32 $0xFFFFFFF0, s13  }
0x7c0: {  	s2 =	sadd.s32 $0xFFFFFFF0, s23;
	s15 =	sadd.s32 $0xFFFFFFF0, s15;
	s16 =	sadd.s32 $0xFFFFFFF0, s16  }
0x7c1: {  	s1 =	sadd.s32 $0xFFFFFFF0, s26;
	s10 =	sadd.s32 $0xFFFFFFF0, s0;
	s0 =	sadd.s32 $0xFFFFFFF0, s28  }
.LBB2_121:
0x7c2: {  	_ =	sfence.sel $0x180000  }
0x7c3: {  	[bflag:$0x0] =	sbarrier.arrive $0xFFFF  }
0x7c4: {  	_ =	strace $0x90000047  }
0x7c5: {  	s0 =	stileid.u32;
	[bflag:$0x2] =	sbarrier.arrive $0xFFFF  }
0x7c6: {  	p0 =	sne.s32 s0, $0x0;
	s0 =	rddreg [dreg:$0x2]  }
0x7c7: {  	s0 =	sadd.s32 @!p0 $0x100000, s0  }
0x7c8: {  	[sflag:s0] =	ssyncadd.tile.s32 @!p0 $0x1;
	_ =	shalt  }
.Lfunc_end2:
_tile_overlayer_lowered:
.L_overlay_start_2:
0x7c9: {  	(tag) =	ssettag $0x2  }
0x7ca: {  	s0 =	rddreg [dreg:$0x0];
	s2 =	stileid.u32  }
0x7cb: {  	s1 =	rddreg [dreg:$0x1];
	p0 =	sne.s32 s2, $0x0  }
0x7cc: {  	s3 =	rddreg [dreg:$0x2];
	[bflag:$0x3] =	sbarrier.arrive $0xFFFF;
	s2 =	simm.s32 @!p0 $0x1C03  }
0x7cd: {  	[timem:s3], [sflag:s2] =	dma.local @!p0 [hbm:s0], s1  }
0x7ce: {  	s0 =	simm.s32 @!p0 $0x3  }
0x7cf: {  	_ =	swait.ge @!p0 [sflag:s0], s1  }
0x7d0: {  	s1 =	ssub.s32 @!p0 $0x0, s1;
	[sflag:s0] =	ssyncset.done @!p0 $0x0  }
0x7d1: {  	[sflag:s0] =	ssyncadd.s32 @!p0 s1  }
0x7d2: {  	[bflag:$0x3] =	sbarrier.arrive $0xFFFF  }
0x7d3: {  	_ =	shalt  }

</sc_bundles>
